<compile_context>
chip_gen: v7x
topology: tpu7x:2x2x1
jax: 0.10.2.dev20260603
libtpu: 0.0.44.dev20260713+nightly
codegen_flags: <defaults>
</compile_context>

<pallas_src>
import functools

import jax
import jax.numpy as jnp
from jax import lax
from jax.experimental import pallas as pl
from jax.experimental.pallas import tpu as pltpu
from jax.experimental.pallas import tpu_sc as plsc

FIELD_NUM = 26
LATENT_DIM = 16
EPSILON = 1e-3

NUM_CORES = 2
NUM_SUBCORES = 16
NUM_WORKERS = NUM_CORES * NUM_SUBCORES

BLK = 128
CH_BLOCKS = 4
CH = BLK * CH_BLOCKS

KT = 8


def _mesh():
    return plsc.VectorSubcoreMesh(core_axis_name="c", subcore_axis_name="s")


def _params():
    return pltpu.CompilerParams(
        use_tc_tiling_on_sc=False, needs_layout_passes=False
    )


@functools.lru_cache(maxsize=None)
def _build_relayout(feature):
    n_tiles = feature // 128
    n_chunks = -(-n_tiles // KT)
    per_w = -(-n_chunks // NUM_WORKERS)
    per_w += per_w % 2
    chunk_words = KT * 1024
    mesh = _mesh()

    @functools.partial(
        pl.kernel,
        mesh=mesh,
        out_type=jax.ShapeDtypeStruct((feature * LATENT_DIM,), jnp.float32),
        compiler_params=_params(),
        scratch_types=[
            pltpu.VMEM((2, 2, KT * 8, 129), jnp.float32),
            pltpu.VMEM((2, 2 * chunk_words), jnp.float32),
            pltpu.SemaphoreType.DMA,
            pltpu.SemaphoreType.DMA,
            pltpu.SemaphoreType.DMA,
            pltpu.SemaphoreType.DMA,
        ],
    )
    def k(t4_hbm, out_hbm, ibuf, obuf, isem0, isem1, osem0, osem1):
        isems = (isem0, isem1)
        osems = (osem0, osem1)
        wid = lax.axis_index("s") * NUM_CORES + lax.axis_index("c")
        iota = lax.iota(jnp.int32, 16)
        dt_vec = lax.shift_right_logical(iota, 3)
        s_vec = iota & 7

        def rt0_of(cc):
            g = wid + cc * NUM_WORKERS
            return lax.min(g * KT, n_tiles - KT)

        def in_copies(cc, b):
            rt0 = rt0_of(cc)
            return [
                pltpu.make_async_copy(
                    t4_hbm.at[dt, pl.ds(rt0 * 8, KT * 8)],
                    ibuf.at[b, dt, pl.ds(0, KT * 8), pl.ds(0, 128)],
                    isems[b],
                )
                for dt in range(2)
            ]

        def out_copy(cc, b):
            rt0 = rt0_of(cc)
            return pltpu.make_async_copy(
                obuf.at[b],
                out_hbm.at[pl.ds(rt0 * 2048, 2 * chunk_words)],
                osems[b],
            )

        for cp in in_copies(0, 0):
            cp.start()
        for cp in in_copies(1, 1):
            cp.start()

        def body(i, carry):
            for b in range(2):
                cc = 2 * i + b
                for cp in in_copies(cc, b):
                    cp.wait()

                @pl.when(cc >= 2)
                def _():
                    out_copy(cc - 2, b).wait()

                @plsc.parallel_loop(0, KT * 128, unroll=16)
                def _(r):
                    kk = lax.shift_right_logical(r, 7)
                    c = r & 127
                    vals = plsc.load_gather(
                        ibuf.at[b],
                        [dt_vec, s_vec + kk * 8, jnp.full((16,), c, jnp.int32)],
                    )
                    obuf[b, pl.ds(r * 16, 16)] = vals
                @pl.when(cc + 2 < per_w)
                def _():
                    for cp in in_copies(cc + 2, b):
                        cp.start()

                out_copy(cc, b).start()
            return carry

        lax.fori_loop(0, per_w // 2, body, 0)
        out_copy(per_w - 2, 0).wait()
        out_copy(per_w - 1, 1).wait()

    return k


@functools.lru_cache(maxsize=None)
def _build_gather(batch, feature):
    n_rows = batch * FIELD_NUM
    per_w = n_rows // NUM_WORKERS
    n_chunks = per_w // CH
    assert per_w % CH == 0 and batch % BLK == 0 and n_chunks % 2 == 0
    out_rows = n_rows * LATENT_DIM // 128
    bt_per_f = batch // BLK
    assert batch & (batch - 1) == 0
    bshift = batch.bit_length() - 1
    mesh = _mesh()

    @functools.partial(
        pl.kernel,
        mesh=mesh,
        out_type=jax.ShapeDtypeStruct((out_rows, 128), jnp.float32),
        compiler_params=_params(),
        scratch_types=[
            pltpu.VMEM((2, CH), jnp.int32),
            pltpu.VMEM((2, CH, LATENT_DIM), jnp.float32),
            pltpu.VMEM((CH, LATENT_DIM + 1), jnp.float32),
            pltpu.VMEM((2, 2, CH_BLOCKS * 8, 128), jnp.float32),
            pltpu.VMEM((FIELD_NUM * LATENT_DIM,), jnp.float32),
            pltpu.SemaphoreType.DMA,
            pltpu.SemaphoreType.DMA,
            pltpu.SemaphoreType.DMA,
            pltpu.SemaphoreType.DMA,
        ],
    )
    def k(idxf_hbm, arch_hbm, table_hbm, out_hbm,
          idx_v, rows_v, pbuf, obuf, arch_v, gsem0, gsem1, osem0, osem1):
        gsems = (gsem0, gsem1)
        osems = (osem0, osem1)
        wid = lax.axis_index("s") * NUM_CORES + lax.axis_index("c")
        p0w = wid * per_w
        pltpu.sync_copy(arch_hbm, arch_v)
        iota = lax.iota(jnp.int32, 16)
        dvecs = [jnp.full((16,), d, dtype=jnp.int32) for d in range(16)]

        def gather_copies(b):
            return [
                pltpu.make_async_copy(
                    table_hbm.at[idx_v.at[b, pl.ds(j * BLK, BLK)]],
                    rows_v.at[b, pl.ds(j * BLK, BLK)],
                    gsems[b],
                )
                for j in range(CH_BLOCKS)
            ]

        def fire_chunk(cc, b):
            p0 = p0w + cc * CH
            pltpu.sync_copy(idxf_hbm.at[pl.ds(p0, CH)], idx_v.at[b])
            for cp in gather_copies(b):
                cp.start()

        def out_copies(cc, b):
            p0 = p0w + cc * CH
            f = lax.shift_right_logical(p0, bshift)
            bt0 = lax.shift_right_logical(p0 & (batch - 1), 7)
            row0 = (f * 2) * (bt_per_f * 8) + bt0 * 8
            return [
                pltpu.make_async_copy(
                    obuf.at[b, dt],
                    out_hbm.at[
                        pl.ds(row0 + dt * bt_per_f * 8, CH_BLOCKS * 8)
                    ],
                    osems[b],
                )
                for dt in range(2)
            ]

        fire_chunk(0, 0)

        def body(i, carry):
            for b in range(2):
                cc = 2 * i + b

                @pl.when(cc + 1 < n_chunks)
                def _():
                    fire_chunk(cc + 1, 1 - b)

                for cp in gather_copies(b):
                    cp.wait()

                @pl.when(cc >= 2)
                def _():
                    for cp in out_copies(cc - 2, b):
                        cp.wait()

                p0 = p0w + cc * CH
                f = lax.shift_right_logical(p0, bshift)
                a = arch_v[pl.ds(f * LATENT_DIM, LATENT_DIM)]
                a2 = a * a
                g = a2 / (a2 + EPSILON)

                @plsc.parallel_loop(0, CH, unroll=16)
                def _(r):
                    pbuf[r, pl.ds(0, LATENT_DIM)] = rows_v[b, r]

                @plsc.parallel_loop(0, CH_BLOCKS * 8, unroll=8)
                def _(it):
                    kb = lax.shift_right_logical(it, 3)
                    cg = it & 7
                    rvec = kb * BLK + cg * 16 + iota
                    for dt in range(2):
                        for s in range(8):
                            d = dt * 8 + s
                            vals = plsc.load_gather(pbuf, [rvec, dvecs[d]])
                            obuf[b, dt, kb * 8 + s,
                                 pl.ds(cg * 16, 16)] = vals * g
                for cp in out_copies(cc, b):
                    cp.start()
            return carry

        lax.fori_loop(0, n_chunks // 2, body, 0)
        for cp in out_copies(n_chunks - 2, 0):
            cp.wait()
        for cp in out_copies(n_chunks - 1, 1):
            cp.wait()

    return k


def kernel(x, arch, embedding):
    batch, fields = x.shape
    feature = embedding.shape[0]
    idx_f = x.T.reshape(-1)
    arch16 = jnp.repeat(arch, LATENT_DIM)
    t4 = (
        embedding.T.reshape(2, 8, feature // 128, 128)
        .transpose(0, 2, 1, 3)
        .reshape(2, feature // 16, 128)
    )
    table_rm = _build_relayout(feature)(t4).reshape(feature, LATENT_DIM)
    out_k = _build_gather(batch, feature)(idx_f, arch16, table_rm)
    return (
        out_k.reshape(fields, 2, batch // 128, 8, 128)
        .transpose(2, 4, 0, 1, 3)
        .reshape(batch, fields, LATENT_DIM)
    )

# --- scband reference (transcript-rebuilt; emitter-appended) ---
"""Pipeline reference for scband-basic-model-67104569033423 (READ-ONLY COPY).

The authoritative reference and input builder live on the scoring server;
editing this copy changes nothing except your own understanding.
"""

import jax, jax.numpy as jnp
import numpy as np

FIELD_NUM = 26
FEATURE_NUM = 1040000
LATENT_DIM = 16
EPSILON = 1e-3
BATCH = 16384


def lpfs(x, epsilon):
    return x * x / (x * x + epsilon)


def setup_inputs(seed: int = 0) -> dict:
    key = jax.random.key(seed)
    k1, k2, k3 = jax.random.split(key, 3)
    x = jax.random.randint(k1, (BATCH, FIELD_NUM), 0, FEATURE_NUM, dtype=jnp.int32)
    arch = jax.random.uniform(k2, (FIELD_NUM,), dtype=jnp.float32)
    # xavier_uniform init for the embedding table
    bound = float(np.sqrt(6.0 / (FEATURE_NUM + LATENT_DIM)))
    embedding = jax.random.uniform(k3, (FEATURE_NUM, LATENT_DIM), minval=-bound, maxval=bound, dtype=jnp.float32)
    return {"x": x, "arch": arch, "embedding": embedding}


def reference(x, arch, embedding):
    # F.embedding(x, self.embedding)
    xv = jnp.take(embedding, x, axis=0)  # [B, F, D]
    # gate = selector(arch, epsilon).unsqueeze(0).unsqueeze(2)
    gate = lpfs(arch, EPSILON)[None, :, None]  # [1, F, 1]
    xe = xv * gate
    return xe

if __name__ == "__main__":
    import jax
    _d = setup_inputs()
    print(jax.jit(kernel)(*tuple(_d.values())))

</pallas_src>

<mosaic_0001>
#map = affine_map<(d0, d1) -> (0, 0, 0)>
#map1 = affine_map<(d0, d1) -> (0)>
module attributes {stable_mosaic.version = 14 : i64} {
  func.func @k(%arg0: i32, %arg1: i32, %arg2: memref<2x65000x128xf32, #tpu.memory_space<hbm>>, %arg3: memref<16640000xf32, #tpu.memory_space<hbm>>, %arg4: memref<2x2x64x129xf32, #tpu.memory_space<vmem>>, %arg5: memref<2x16384xf32, #tpu.memory_space<vmem>>, %arg6: memref<!tpu.dma_semaphore, #tpu.memory_space<semaphore_mem>>, %arg7: memref<!tpu.dma_semaphore, #tpu.memory_space<semaphore_mem>>, %arg8: memref<!tpu.dma_semaphore, #tpu.memory_space<semaphore_mem>>, %arg9: memref<!tpu.dma_semaphore, #tpu.memory_space<semaphore_mem>>) attributes {dimension_semantics = [#tpu.dimension_semantics<core_parallel>, #tpu.dimension_semantics<subcore_parallel>], iteration_bounds = array<i64: 2, 16>, scalar_prefetch = 0 : i64, scratch_operands = 6 : i64, tpu.core_type = #tpu.core_type<sc_vector_subcore>, window_params = [{transform_indices = #map}, {transform_indices = #map1}]} {
    %mul3A = arith.constant 2 : i32
    %mul3A_0 = arith.muli %arg1, %mul3A : i32
    %add3A = arith.addi %mul3A_0, %arg0 : i32
    %iota3A = tpu.iota {dimensions = array<i32: 0>} : vector<16xi32>
    %shift_right_logical3A = arith.constant 3 : i32
    %shift_right_logical3A_1 = vector.broadcast %shift_right_logical3A : i32 to vector<16xi32>
    %shift_right_logical3A_2 = arith.shrui %iota3A, %shift_right_logical3A_1 : vector<16xi32>
    %and3A = arith.constant 7 : i32
    %and3A_3 = vector.broadcast %and3A : i32 to vector<16xi32>
    %and3A_4 = arith.andi %iota3A, %and3A_3 : vector<16xi32>
    %add3A_5 = arith.constant 0 : i32
    %add3A_6 = arith.addi %add3A, %add3A_5 : i32
    %mul3A_7 = arith.constant 8 : i32
    %mul3A_8 = arith.muli %add3A_6, %mul3A_7 : i32
    %min3A = arith.constant 8117 : i32
    %min3A_9 = arith.minsi %mul3A_8, %min3A : i32
    %mul3A_10 = arith.constant 8 : i32
    %mul3A_11 = arith.muli %min3A_9, %mul3A_10 : i32
    %mul3A_12 = arith.constant 8 : i32
    %mul3A_13 = arith.muli %min3A_9, %mul3A_12 : i32
    %dma_start3A = arith.constant 0 : i32
    %dma_start3A_14 = arith.constant 0 : i32
    %dma_start3A_15 = arith.constant 0 : i32
    %dma_start3A_16 = arith.constant 0 : i32
    %dma_start3A_17 = arith.constant 0 : i32
    %dma_start3A_18 = tpu.memref_slice %arg4[%dma_start3A_14, %dma_start3A_15, %dma_start3A_16, %dma_start3A_17] : memref<2x2x64x129xf32, #tpu.memory_space<vmem>> -> memref<1x1x64x128xf32, #tpu.memory_space<vmem>>
    %dma_start3A_19 = tpu.memref_squeeze %dma_start3A_18 : memref<1x1x64x128xf32, #tpu.memory_space<vmem>> -> memref<64x128xf32, #tpu.memory_space<vmem>>
    %dma_start3A_20 = arith.constant 0 : i32
    %dma_start3A_21 = tpu.memref_slice %arg2[%dma_start3A, %mul3A_11, %dma_start3A_20] : memref<2x65000x128xf32, #tpu.memory_space<hbm>> -> memref<1x64x128xf32, #tpu.memory_space<hbm>>
    %dma_start3A_22 = tpu.memref_squeeze %dma_start3A_21 : memref<1x64x128xf32, #tpu.memory_space<hbm>> -> memref<64x128xf32, #tpu.memory_space<hbm>>
    %dma_start3A_23 = arith.constant 0 : i32
    %dma_start3A_24 = arith.constant 0 : i32
    %dma_start3A_25 = tpu.memref_slice %arg4[%dma_start3A_14, %dma_start3A_15, %dma_start3A_23, %dma_start3A_24] : memref<2x2x64x129xf32, #tpu.memory_space<vmem>> -> memref<1x1x64x128xf32, #tpu.memory_space<vmem>>
    %dma_start3A_26 = tpu.memref_squeeze %dma_start3A_25 : memref<1x1x64x128xf32, #tpu.memory_space<vmem>> -> memref<64x128xf32, #tpu.memory_space<vmem>>
    %dma_start3A_27 = arith.constant 0 : i32
    %dma_start3A_28 = tpu.memref_slice %arg2[%dma_start3A, %mul3A_11, %dma_start3A_27] : memref<2x65000x128xf32, #tpu.memory_space<hbm>> -> memref<1x64x128xf32, #tpu.memory_space<hbm>>
    %dma_start3A_29 = tpu.memref_squeeze %dma_start3A_28 : memref<1x64x128xf32, #tpu.memory_space<hbm>> -> memref<64x128xf32, #tpu.memory_space<hbm>>
    tpu.enqueue_dma source(%dma_start3A_29 : memref<64x128xf32, #tpu.memory_space<hbm>>) target(%dma_start3A_26 : memref<64x128xf32, #tpu.memory_space<vmem>>) target_semaphore(%arg6 : memref<!tpu.dma_semaphore, #tpu.memory_space<semaphore_mem>>)
    %dma_start3A_30 = arith.constant 1 : i32
    %dma_start3A_31 = arith.constant 0 : i32
    %dma_start3A_32 = arith.constant 1 : i32
    %dma_start3A_33 = arith.constant 0 : i32
    %dma_start3A_34 = arith.constant 0 : i32
    %dma_start3A_35 = tpu.memref_slice %arg4[%dma_start3A_31, %dma_start3A_32, %dma_start3A_33, %dma_start3A_34] : memref<2x2x64x129xf32, #tpu.memory_space<vmem>> -> memref<1x1x64x128xf32, #tpu.memory_space<vmem>>
    %dma_start3A_36 = tpu.memref_squeeze %dma_start3A_35 : memref<1x1x64x128xf32, #tpu.memory_space<vmem>> -> memref<64x128xf32, #tpu.memory_space<vmem>>
    %dma_start3A_37 = arith.constant 0 : i32
    %dma_start3A_38 = tpu.memref_slice %arg2[%dma_start3A_30, %mul3A_13, %dma_start3A_37] : memref<2x65000x128xf32, #tpu.memory_space<hbm>> -> memref<1x64x128xf32, #tpu.memory_space<hbm>>
    %dma_start3A_39 = tpu.memref_squeeze %dma_start3A_38 : memref<1x64x128xf32, #tpu.memory_space<hbm>> -> memref<64x128xf32, #tpu.memory_space<hbm>>
    %dma_start3A_40 = arith.constant 0 : i32
    %dma_start3A_41 = arith.constant 0 : i32
    %dma_start3A_42 = tpu.memref_slice %arg4[%dma_start3A_31, %dma_start3A_32, %dma_start3A_40, %dma_start3A_41] : memref<2x2x64x129xf32, #tpu.memory_space<vmem>> -> memref<1x1x64x128xf32, #tpu.memory_space<vmem>>
    %dma_start3A_43 = tpu.memref_squeeze %dma_start3A_42 : memref<1x1x64x128xf32, #tpu.memory_space<vmem>> -> memref<64x128xf32, #tpu.memory_space<vmem>>
    %dma_start3A_44 = arith.constant 0 : i32
    %dma_start3A_45 = tpu.memref_slice %arg2[%dma_start3A_30, %mul3A_13, %dma_start3A_44] : memref<2x65000x128xf32, #tpu.memory_space<hbm>> -> memref<1x64x128xf32, #tpu.memory_space<hbm>>
    %dma_start3A_46 = tpu.memref_squeeze %dma_start3A_45 : memref<1x64x128xf32, #tpu.memory_space<hbm>> -> memref<64x128xf32, #tpu.memory_space<hbm>>
    tpu.enqueue_dma source(%dma_start3A_46 : memref<64x128xf32, #tpu.memory_space<hbm>>) target(%dma_start3A_43 : memref<64x128xf32, #tpu.memory_space<vmem>>) target_semaphore(%arg6 : memref<!tpu.dma_semaphore, #tpu.memory_space<semaphore_mem>>)
    %add3A_47 = arith.constant 32 : i32
    %add3A_48 = arith.addi %add3A, %add3A_47 : i32
    %mul3A_49 = arith.constant 8 : i32
    %mul3A_50 = arith.muli %add3A_48, %mul3A_49 : i32
    %min3A_51 = arith.constant 8117 : i32
    %min3A_52 = arith.minsi %mul3A_50, %min3A_51 : i32
    %mul3A_53 = arith.constant 8 : i32
    %mul3A_54 = arith.muli %min3A_52, %mul3A_53 : i32
    %mul3A_55 = arith.constant 8 : i32
    %mul3A_56 = arith.muli %min3A_52, %mul3A_55 : i32
    %dma_start3A_57 = arith.constant 0 : i32
    %dma_start3A_58 = arith.constant 1 : i32
    %dma_start3A_59 = arith.constant 0 : i32
    %dma_start3A_60 = arith.constant 0 : i32
    %dma_start3A_61 = arith.constant 0 : i32
    %dma_start3A_62 = tpu.memref_slice %arg4[%dma_start3A_58, %dma_start3A_59, %dma_start3A_60, %dma_start3A_61] : memref<2x2x64x129xf32, #tpu.memory_space<vmem>> -> memref<1x1x64x128xf32, #tpu.memory_space<vmem>>
    %dma_start3A_63 = tpu.memref_squeeze %dma_start3A_62 : memref<1x1x64x128xf32, #tpu.memory_space<vmem>> -> memref<64x128xf32, #tpu.memory_space<vmem>>
    %dma_start3A_64 = arith.constant 0 : i32
    %dma_start3A_65 = tpu.memref_slice %arg2[%dma_start3A_57, %mul3A_54, %dma_start3A_64] : memref<2x65000x128xf32, #tpu.memory_space<hbm>> -> memref<1x64x128xf32, #tpu.memory_space<hbm>>
    %dma_start3A_66 = tpu.memref_squeeze %dma_start3A_65 : memref<1x64x128xf32, #tpu.memory_space<hbm>> -> memref<64x128xf32, #tpu.memory_space<hbm>>
    %dma_start3A_67 = arith.constant 0 : i32
    %dma_start3A_68 = arith.constant 0 : i32
    %dma_start3A_69 = tpu.memref_slice %arg4[%dma_start3A_58, %dma_start3A_59, %dma_start3A_67, %dma_start3A_68] : memref<2x2x64x129xf32, #tpu.memory_space<vmem>> -> memref<1x1x64x128xf32, #tpu.memory_space<vmem>>
    %dma_start3A_70 = tpu.memref_squeeze %dma_start3A_69 : memref<1x1x64x128xf32, #tpu.memory_space<vmem>> -> memref<64x128xf32, #tpu.memory_space<vmem>>
    %dma_start3A_71 = arith.constant 0 : i32
    %dma_start3A_72 = tpu.memref_slice %arg2[%dma_start3A_57, %mul3A_54, %dma_start3A_71] : memref<2x65000x128xf32, #tpu.memory_space<hbm>> -> memref<1x64x128xf32, #tpu.memory_space<hbm>>
    %dma_start3A_73 = tpu.memref_squeeze %dma_start3A_72 : memref<1x64x128xf32, #tpu.memory_space<hbm>> -> memref<64x128xf32, #tpu.memory_space<hbm>>
    tpu.enqueue_dma source(%dma_start3A_73 : memref<64x128xf32, #tpu.memory_space<hbm>>) target(%dma_start3A_70 : memref<64x128xf32, #tpu.memory_space<vmem>>) target_semaphore(%arg7 : memref<!tpu.dma_semaphore, #tpu.memory_space<semaphore_mem>>)
    %dma_start3A_74 = arith.constant 1 : i32
    %dma_start3A_75 = arith.constant 1 : i32
    %dma_start3A_76 = arith.constant 1 : i32
    %dma_start3A_77 = arith.constant 0 : i32
    %dma_start3A_78 = arith.constant 0 : i32
    %dma_start3A_79 = tpu.memref_slice %arg4[%dma_start3A_75, %dma_start3A_76, %dma_start3A_77, %dma_start3A_78] : memref<2x2x64x129xf32, #tpu.memory_space<vmem>> -> memref<1x1x64x128xf32, #tpu.memory_space<vmem>>
    %dma_start3A_80 = tpu.memref_squeeze %dma_start3A_79 : memref<1x1x64x128xf32, #tpu.memory_space<vmem>> -> memref<64x128xf32, #tpu.memory_space<vmem>>
    %dma_start3A_81 = arith.constant 0 : i32
    %dma_start3A_82 = tpu.memref_slice %arg2[%dma_start3A_74, %mul3A_56, %dma_start3A_81] : memref<2x65000x128xf32, #tpu.memory_space<hbm>> -> memref<1x64x128xf32, #tpu.memory_space<hbm>>
    %dma_start3A_83 = tpu.memref_squeeze %dma_start3A_82 : memref<1x64x128xf32, #tpu.memory_space<hbm>> -> memref<64x128xf32, #tpu.memory_space<hbm>>
    %dma_start3A_84 = arith.constant 0 : i32
    %dma_start3A_85 = arith.constant 0 : i32
    %dma_start3A_86 = tpu.memref_slice %arg4[%dma_start3A_75, %dma_start3A_76, %dma_start3A_84, %dma_start3A_85] : memref<2x2x64x129xf32, #tpu.memory_space<vmem>> -> memref<1x1x64x128xf32, #tpu.memory_space<vmem>>
    %dma_start3A_87 = tpu.memref_squeeze %dma_start3A_86 : memref<1x1x64x128xf32, #tpu.memory_space<vmem>> -> memref<64x128xf32, #tpu.memory_space<vmem>>
    %dma_start3A_88 = arith.constant 0 : i32
    %dma_start3A_89 = tpu.memref_slice %arg2[%dma_start3A_74, %mul3A_56, %dma_start3A_88] : memref<2x65000x128xf32, #tpu.memory_space<hbm>> -> memref<1x64x128xf32, #tpu.memory_space<hbm>>
    %dma_start3A_90 = tpu.memref_squeeze %dma_start3A_89 : memref<1x64x128xf32, #tpu.memory_space<hbm>> -> memref<64x128xf32, #tpu.memory_space<hbm>>
    tpu.enqueue_dma source(%dma_start3A_90 : memref<64x128xf32, #tpu.memory_space<hbm>>) target(%dma_start3A_87 : memref<64x128xf32, #tpu.memory_space<vmem>>) target_semaphore(%arg7 : memref<!tpu.dma_semaphore, #tpu.memory_space<semaphore_mem>>)
    %scan3A = arith.constant 0 : i32
    %scan3A_91 = arith.constant 0 : i32
    %scan3A_92 = arith.constant 16 : i32
    %scan3A_93 = arith.addi %scan3A_91, %scan3A_92 : i32
    %scan3A_94 = arith.constant 1 : i32
    scf.for %scan3A_129 = %scan3A_91 to %scan3A_93 step %scan3A_94  : i32 {
      %mul3A_130 = arith.constant 2 : i32
      %mul3A_131 = arith.muli %mul3A_130, %scan3A_129 : i32
      %add3A_132 = arith.constant 0 : i32
      %add3A_133 = arith.addi %mul3A_131, %add3A_132 : i32
      %mul3A_134 = arith.constant 32 : i32
      %mul3A_135 = arith.muli %add3A_133, %mul3A_134 : i32
      %add3A_136 = arith.addi %add3A, %mul3A_135 : i32
      %mul3A_137 = arith.constant 8 : i32
      %mul3A_138 = arith.muli %add3A_136, %mul3A_137 : i32
      %min3A_139 = arith.constant 8117 : i32
      %min3A_140 = arith.minsi %mul3A_138, %min3A_139 : i32
      %mul3A_141 = arith.constant 8 : i32
      %mul3A_142 = arith.muli %min3A_140, %mul3A_141 : i32
      %mul3A_143 = arith.constant 8 : i32
      %mul3A_144 = arith.muli %min3A_140, %mul3A_143 : i32
      %dma_wait3A_145 = arith.constant 0 : i32
      %dma_wait3A_146 = arith.constant 0 : i32
      %dma_wait3A_147 = arith.constant 0 : i32
      %dma_wait3A_148 = arith.constant 0 : i32
      %dma_wait3A_149 = arith.constant 0 : i32
      %dma_wait3A_150 = tpu.memref_slice %arg4[%dma_wait3A_146, %dma_wait3A_147, %dma_wait3A_148, %dma_wait3A_149] : memref<2x2x64x129xf32, #tpu.memory_space<vmem>> -> memref<1x1x64x128xf32, #tpu.memory_space<vmem>>
      %dma_wait3A_151 = tpu.memref_squeeze %dma_wait3A_150 : memref<1x1x64x128xf32, #tpu.memory_space<vmem>> -> memref<64x128xf32, #tpu.memory_space<vmem>>
      %dma_wait3A_152 = arith.constant 0 : i32
      %dma_wait3A_153 = tpu.memref_slice %arg2[%dma_wait3A_145, %mul3A_142, %dma_wait3A_152] : memref<2x65000x128xf32, #tpu.memory_space<hbm>> -> memref<1x64x128xf32, #tpu.memory_space<hbm>>
      %dma_wait3A_154 = tpu.memref_squeeze %dma_wait3A_153 : memref<1x64x128xf32, #tpu.memory_space<hbm>> -> memref<64x128xf32, #tpu.memory_space<hbm>>
      %dma_wait3A_155 = arith.constant 0 : i32
      %dma_wait3A_156 = arith.constant 0 : i32
      %dma_wait3A_157 = tpu.memref_slice %arg4[%dma_wait3A_146, %dma_wait3A_147, %dma_wait3A_155, %dma_wait3A_156] : memref<2x2x64x129xf32, #tpu.memory_space<vmem>> -> memref<1x1x64x128xf32, #tpu.memory_space<vmem>>
      %dma_wait3A_158 = tpu.memref_squeeze %dma_wait3A_157 : memref<1x1x64x128xf32, #tpu.memory_space<vmem>> -> memref<64x128xf32, #tpu.memory_space<vmem>>
      %dma_wait3A_159 = arith.constant 0 : i32
      %dma_wait3A_160 = tpu.memref_slice %arg2[%dma_wait3A_145, %mul3A_142, %dma_wait3A_159] : memref<2x65000x128xf32, #tpu.memory_space<hbm>> -> memref<1x64x128xf32, #tpu.memory_space<hbm>>
      %dma_wait3A_161 = tpu.memref_squeeze %dma_wait3A_160 : memref<1x64x128xf32, #tpu.memory_space<hbm>> -> memref<64x128xf32, #tpu.memory_space<hbm>>
      tpu.wait_dma2 semaphore(%arg6 : memref<!tpu.dma_semaphore, #tpu.memory_space<semaphore_mem>>) src(%dma_wait3A_161 : memref<64x128xf32, #tpu.memory_space<hbm>>) dst(%dma_wait3A_158 : memref<64x128xf32, #tpu.memory_space<vmem>>)
      %dma_wait3A_162 = arith.constant 1 : i32
      %dma_wait3A_163 = arith.constant 0 : i32
      %dma_wait3A_164 = arith.constant 1 : i32
      %dma_wait3A_165 = arith.constant 0 : i32
      %dma_wait3A_166 = arith.constant 0 : i32
      %dma_wait3A_167 = tpu.memref_slice %arg4[%dma_wait3A_163, %dma_wait3A_164, %dma_wait3A_165, %dma_wait3A_166] : memref<2x2x64x129xf32, #tpu.memory_space<vmem>> -> memref<1x1x64x128xf32, #tpu.memory_space<vmem>>
      %dma_wait3A_168 = tpu.memref_squeeze %dma_wait3A_167 : memref<1x1x64x128xf32, #tpu.memory_space<vmem>> -> memref<64x128xf32, #tpu.memory_space<vmem>>
      %dma_wait3A_169 = arith.constant 0 : i32
      %dma_wait3A_170 = tpu.memref_slice %arg2[%dma_wait3A_162, %mul3A_144, %dma_wait3A_169] : memref<2x65000x128xf32, #tpu.memory_space<hbm>> -> memref<1x64x128xf32, #tpu.memory_space<hbm>>
      %dma_wait3A_171 = tpu.memref_squeeze %dma_wait3A_170 : memref<1x64x128xf32, #tpu.memory_space<hbm>> -> memref<64x128xf32, #tpu.memory_space<hbm>>
      %dma_wait3A_172 = arith.constant 0 : i32
      %dma_wait3A_173 = arith.constant 0 : i32
      %dma_wait3A_174 = tpu.memref_slice %arg4[%dma_wait3A_163, %dma_wait3A_164, %dma_wait3A_172, %dma_wait3A_173] : memref<2x2x64x129xf32, #tpu.memory_space<vmem>> -> memref<1x1x64x128xf32, #tpu.memory_space<vmem>>
      %dma_wait3A_175 = tpu.memref_squeeze %dma_wait3A_174 : memref<1x1x64x128xf32, #tpu.memory_space<vmem>> -> memref<64x128xf32, #tpu.memory_space<vmem>>
      %dma_wait3A_176 = arith.constant 0 : i32
      %dma_wait3A_177 = tpu.memref_slice %arg2[%dma_wait3A_162, %mul3A_144, %dma_wait3A_176] : memref<2x65000x128xf32, #tpu.memory_space<hbm>> -> memref<1x64x128xf32, #tpu.memory_space<hbm>>
      %dma_wait3A_178 = tpu.memref_squeeze %dma_wait3A_177 : memref<1x64x128xf32, #tpu.memory_space<hbm>> -> memref<64x128xf32, #tpu.memory_space<hbm>>
      tpu.wait_dma2 semaphore(%arg6 : memref<!tpu.dma_semaphore, #tpu.memory_space<semaphore_mem>>) src(%dma_wait3A_178 : memref<64x128xf32, #tpu.memory_space<hbm>>) dst(%dma_wait3A_175 : memref<64x128xf32, #tpu.memory_space<vmem>>)
      %ge3A = arith.constant 2 : i32
      %ge3A_179 = arith.cmpi sge, %add3A_133, %ge3A : i32
      %convert_element_type3A = arith.extui %ge3A_179 : i1 to i32
      %cond3A = arith.constant 0 : i32
      %cond3A_180 = arith.cmpi ne, %convert_element_type3A, %cond3A : i32
      scf.if %cond3A_180 {
        %sub3A = arith.constant 2 : i32
        %sub3A_289 = arith.subi %add3A_133, %sub3A : i32
        %mul3A_290 = arith.constant 32 : i32
        %mul3A_291 = arith.muli %sub3A_289, %mul3A_290 : i32
        %add3A_292 = arith.addi %add3A, %mul3A_291 : i32
        %mul3A_293 = arith.constant 8 : i32
        %mul3A_294 = arith.muli %add3A_292, %mul3A_293 : i32
        %min3A_295 = arith.constant 8117 : i32
        %min3A_296 = arith.minsi %mul3A_294, %min3A_295 : i32
        %mul3A_297 = arith.constant 2048 : i32
        %mul3A_298 = arith.muli %min3A_296, %mul3A_297 : i32
        %dma_wait3A_299 = arith.constant 0 : i32
        %dma_wait3A_300 = arith.constant 0 : i32
        %dma_wait3A_301 = tpu.memref_slice %arg5[%dma_wait3A_299, %dma_wait3A_300] : memref<2x16384xf32, #tpu.memory_space<vmem>> -> memref<1x16384xf32, #tpu.memory_space<vmem>>
        %dma_wait3A_302 = tpu.memref_squeeze %dma_wait3A_301 : memref<1x16384xf32, #tpu.memory_space<vmem>> -> memref<16384xf32, #tpu.memory_space<vmem>>
        %dma_wait3A_303 = tpu.memref_slice %arg3[%mul3A_298] : memref<16640000xf32, #tpu.memory_space<hbm>> -> memref<16384xf32, #tpu.memory_space<hbm>>
        %dma_wait3A_304 = tpu.memref_slice %arg3[%mul3A_298] : memref<16640000xf32, #tpu.memory_space<hbm>> -> memref<16384xf32, #tpu.memory_space<hbm>>
        %dma_wait3A_305 = arith.constant 0 : i32
        %dma_wait3A_306 = tpu.memref_slice %arg5[%dma_wait3A_299, %dma_wait3A_305] : memref<2x16384xf32, #tpu.memory_space<vmem>> -> memref<1x16384xf32, #tpu.memory_space<vmem>>
        %dma_wait3A_307 = tpu.memref_squeeze %dma_wait3A_306 : memref<1x16384xf32, #tpu.memory_space<vmem>> -> memref<16384xf32, #tpu.memory_space<vmem>>
        tpu.wait_dma2 semaphore(%arg8 : memref<!tpu.dma_semaphore, #tpu.memory_space<semaphore_mem>>) src(%dma_wait3A_307 : memref<16384xf32, #tpu.memory_space<vmem>>) dst(%dma_wait3A_304 : memref<16384xf32, #tpu.memory_space<hbm>>)
      } else {
      }
      %parallel_loop3A = arith.constant 0 : i32
      %parallel_loop3A_181 = arith.constant 1024 : i32
      %parallel_loop3A_182 = arith.constant 1 : i32
      scf.for %parallel_loop3A_289 = %parallel_loop3A to %parallel_loop3A_181 step %parallel_loop3A_182  : i32 {
        %parallel_loop3A_290 = arith.constant 7 : i32
        %parallel_loop3A_291 = arith.shrui %parallel_loop3A_289, %parallel_loop3A_290 : i32
        %parallel_loop3A_292 = arith.constant 127 : i32
        %parallel_loop3A_293 = arith.andi %parallel_loop3A_289, %parallel_loop3A_292 : i32
        %parallel_loop3A_294 = arith.constant 8 : i32
        %parallel_loop3A_295 = arith.muli %parallel_loop3A_291, %parallel_loop3A_294 : i32
        %parallel_loop3A_296 = vector.broadcast %parallel_loop3A_295 : i32 to vector<16xi32>
        %parallel_loop3A_297 = arith.addi %and3A_4, %parallel_loop3A_296 : vector<16xi32>
        %parallel_loop3A_298 = vector.broadcast %parallel_loop3A_293 : i32 to vector<16xi32>
        %parallel_loop3A_299 = arith.constant 0 : i32
        %parallel_loop3A_300 = arith.constant 0 : i32
        %parallel_loop3A_301 = arith.constant 0 : i32
        %parallel_loop3A_302 = arith.constant 0 : i32
        %parallel_loop3A_303 = tpu.memref_slice %arg4[%parallel_loop3A_299, %parallel_loop3A_300, %parallel_loop3A_301, %parallel_loop3A_302] : memref<2x2x64x129xf32, #tpu.memory_space<vmem>> -> memref<1x2x64x129xf32, #tpu.memory_space<vmem>>
        %parallel_loop3A_304 = tpu.memref_squeeze %parallel_loop3A_303 : memref<1x2x64x129xf32, #tpu.memory_space<vmem>> -> memref<2x64x129xf32, #tpu.memory_space<vmem>>
        %parallel_loop3A_305 = tpu.vector_load_idx %parallel_loop3A_304[%shift_right_logical3A_2, %parallel_loop3A_297, %parallel_loop3A_298] : memref<2x64x129xf32, #tpu.memory_space<vmem>>[vector<16xi32>, vector<16xi32>, vector<16xi32>], vector<16xf32>,
        %parallel_loop3A_306 = arith.constant 16 : i32
        %parallel_loop3A_307 = arith.muli %parallel_loop3A_289, %parallel_loop3A_306 : i32
        %parallel_loop3A_308 = arith.constant 0 : i32
        %parallel_loop3A_309 = arith.index_cast %parallel_loop3A_308 : i32 to index
        %parallel_loop3A_310 = arith.index_cast %parallel_loop3A_307 : i32 to index
        %parallel_loop3A_311 = tpu.vector_load %arg5[%parallel_loop3A_309, %parallel_loop3A_310] {strides = array<i32>} : memref<2x16384xf32, #tpu.memory_space<vmem>>, vector<16xf32>,
        tpu.vector_store %arg5[%parallel_loop3A_309, %parallel_loop3A_310], %parallel_loop3A_305 {strides = array<i32>} : memref<2x16384xf32, #tpu.memory_space<vmem>>, vector<16xf32>,
      } {sc.loop_unroll_factor = 16 : i64, sc.parallel_access}
      %add3A_183 = arith.constant 2 : i32
      %add3A_184 = arith.addi %add3A_133, %add3A_183 : i32
      %lt3A = arith.constant 32 : i32
      %lt3A_185 = arith.cmpi slt, %add3A_184, %lt3A : i32
      %convert_element_type3A_186 = arith.extui %lt3A_185 : i1 to i32
      %cond3A_187 = arith.constant 0 : i32
      %cond3A_188 = arith.cmpi ne, %convert_element_type3A_186, %cond3A_187 : i32
      scf.if %cond3A_188 {
        %add3A_289 = arith.constant 2 : i32
        %add3A_290 = arith.addi %add3A_133, %add3A_289 : i32
        %mul3A_291 = arith.constant 32 : i32
        %mul3A_292 = arith.muli %add3A_290, %mul3A_291 : i32
        %add3A_293 = arith.addi %add3A, %mul3A_292 : i32
        %mul3A_294 = arith.constant 8 : i32
        %mul3A_295 = arith.muli %add3A_293, %mul3A_294 : i32
        %min3A_296 = arith.constant 8117 : i32
        %min3A_297 = arith.minsi %mul3A_295, %min3A_296 : i32
        %mul3A_298 = arith.constant 8 : i32
        %mul3A_299 = arith.muli %min3A_297, %mul3A_298 : i32
        %mul3A_300 = arith.constant 8 : i32
        %mul3A_301 = arith.muli %min3A_297, %mul3A_300 : i32
        %dma_start3A_302 = arith.constant 0 : i32
        %dma_start3A_303 = arith.constant 0 : i32
        %dma_start3A_304 = arith.constant 0 : i32
        %dma_start3A_305 = arith.constant 0 : i32
        %dma_start3A_306 = arith.constant 0 : i32
        %dma_start3A_307 = tpu.memref_slice %arg4[%dma_start3A_303, %dma_start3A_304, %dma_start3A_305, %dma_start3A_306] : memref<2x2x64x129xf32, #tpu.memory_space<vmem>> -> memref<1x1x64x128xf32, #tpu.memory_space<vmem>>
        %dma_start3A_308 = tpu.memref_squeeze %dma_start3A_307 : memref<1x1x64x128xf32, #tpu.memory_space<vmem>> -> memref<64x128xf32, #tpu.memory_space<vmem>>
        %dma_start3A_309 = arith.constant 0 : i32
        %dma_start3A_310 = tpu.memref_slice %arg2[%dma_start3A_302, %mul3A_299, %dma_start3A_309] : memref<2x65000x128xf32, #tpu.memory_space<hbm>> -> memref<1x64x128xf32, #tpu.memory_space<hbm>>
        %dma_start3A_311 = tpu.memref_squeeze %dma_start3A_310 : memref<1x64x128xf32, #tpu.memory_space<hbm>> -> memref<64x128xf32, #tpu.memory_space<hbm>>
        %dma_start3A_312 = arith.constant 0 : i32
        %dma_start3A_313 = arith.constant 0 : i32
        %dma_start3A_314 = tpu.memref_slice %arg4[%dma_start3A_303, %dma_start3A_304, %dma_start3A_312, %dma_start3A_313] : memref<2x2x64x129xf32, #tpu.memory_space<vmem>> -> memref<1x1x64x128xf32, #tpu.memory_space<vmem>>
        %dma_start3A_315 = tpu.memref_squeeze %dma_start3A_314 : memref<1x1x64x128xf32, #tpu.memory_space<vmem>> -> memref<64x128xf32, #tpu.memory_space<vmem>>
        %dma_start3A_316 = arith.constant 0 : i32
        %dma_start3A_317 = tpu.memref_slice %arg2[%dma_start3A_302, %mul3A_299, %dma_start3A_316] : memref<2x65000x128xf32, #tpu.memory_space<hbm>> -> memref<1x64x128xf32, #tpu.memory_space<hbm>>
        %dma_start3A_318 = tpu.memref_squeeze %dma_start3A_317 : memref<1x64x128xf32, #tpu.memory_space<hbm>> -> memref<64x128xf32, #tpu.memory_space<hbm>>
        tpu.enqueue_dma source(%dma_start3A_318 : memref<64x128xf32, #tpu.memory_space<hbm>>) target(%dma_start3A_315 : memref<64x128xf32, #tpu.memory_space<vmem>>) target_semaphore(%arg6 : memref<!tpu.dma_semaphore, #tpu.memory_space<semaphore_mem>>)
        %dma_start3A_319 = arith.constant 1 : i32
        %dma_start3A_320 = arith.constant 0 : i32
        %dma_start3A_321 = arith.constant 1 : i32
        %dma_start3A_322 = arith.constant 0 : i32
        %dma_start3A_323 = arith.constant 0 : i32
        %dma_start3A_324 = tpu.memref_slice %arg4[%dma_start3A_320, %dma_start3A_321, %dma_start3A_322, %dma_start3A_323] : memref<2x2x64x129xf32, #tpu.memory_space<vmem>> -> memref<1x1x64x128xf32, #tpu.memory_space<vmem>>
        %dma_start3A_325 = tpu.memref_squeeze %dma_start3A_324 : memref<1x1x64x128xf32, #tpu.memory_space<vmem>> -> memref<64x128xf32, #tpu.memory_space<vmem>>
        %dma_start3A_326 = arith.constant 0 : i32
        %dma_start3A_327 = tpu.memref_slice %arg2[%dma_start3A_319, %mul3A_301, %dma_start3A_326] : memref<2x65000x128xf32, #tpu.memory_space<hbm>> -> memref<1x64x128xf32, #tpu.memory_space<hbm>>
        %dma_start3A_328 = tpu.memref_squeeze %dma_start3A_327 : memref<1x64x128xf32, #tpu.memory_space<hbm>> -> memref<64x128xf32, #tpu.memory_space<hbm>>
        %dma_start3A_329 = arith.constant 0 : i32
        %dma_start3A_330 = arith.constant 0 : i32
        %dma_start3A_331 = tpu.memref_slice %arg4[%dma_start3A_320, %dma_start3A_321, %dma_start3A_329, %dma_start3A_330] : memref<2x2x64x129xf32, #tpu.memory_space<vmem>> -> memref<1x1x64x128xf32, #tpu.memory_space<vmem>>
        %dma_start3A_332 = tpu.memref_squeeze %dma_start3A_331 : memref<1x1x64x128xf32, #tpu.memory_space<vmem>> -> memref<64x128xf32, #tpu.memory_space<vmem>>
        %dma_start3A_333 = arith.constant 0 : i32
        %dma_start3A_334 = tpu.memref_slice %arg2[%dma_start3A_319, %mul3A_301, %dma_start3A_333] : memref<2x65000x128xf32, #tpu.memory_space<hbm>> -> memref<1x64x128xf32, #tpu.memory_space<hbm>>
        %dma_start3A_335 = tpu.memref_squeeze %dma_start3A_334 : memref<1x64x128xf32, #tpu.memory_space<hbm>> -> memref<64x128xf32, #tpu.memory_space<hbm>>
        tpu.enqueue_dma source(%dma_start3A_335 : memref<64x128xf32, #tpu.memory_space<hbm>>) target(%dma_start3A_332 : memref<64x128xf32, #tpu.memory_space<vmem>>) target_semaphore(%arg6 : memref<!tpu.dma_semaphore, #tpu.memory_space<semaphore_mem>>)
      } else {
      }
      %mul3A_189 = arith.constant 32 : i32
      %mul3A_190 = arith.muli %add3A_133, %mul3A_189 : i32
      %add3A_191 = arith.addi %add3A, %mul3A_190 : i32
      %mul3A_192 = arith.constant 8 : i32
      %mul3A_193 = arith.muli %add3A_191, %mul3A_192 : i32
      %min3A_194 = arith.constant 8117 : i32
      %min3A_195 = arith.minsi %mul3A_193, %min3A_194 : i32
      %mul3A_196 = arith.constant 2048 : i32
      %mul3A_197 = arith.muli %min3A_195, %mul3A_196 : i32
      %dma_start3A_198 = arith.constant 0 : i32
      %dma_start3A_199 = arith.constant 0 : i32
      %dma_start3A_200 = tpu.memref_slice %arg5[%dma_start3A_198, %dma_start3A_199] : memref<2x16384xf32, #tpu.memory_space<vmem>> -> memref<1x16384xf32, #tpu.memory_space<vmem>>
      %dma_start3A_201 = tpu.memref_squeeze %dma_start3A_200 : memref<1x16384xf32, #tpu.memory_space<vmem>> -> memref<16384xf32, #tpu.memory_space<vmem>>
      %dma_start3A_202 = tpu.memref_slice %arg3[%mul3A_197] : memref<16640000xf32, #tpu.memory_space<hbm>> -> memref<16384xf32, #tpu.memory_space<hbm>>
      %dma_start3A_203 = tpu.memref_slice %arg3[%mul3A_197] : memref<16640000xf32, #tpu.memory_space<hbm>> -> memref<16384xf32, #tpu.memory_space<hbm>>
      %dma_start3A_204 = arith.constant 0 : i32
      %dma_start3A_205 = tpu.memref_slice %arg5[%dma_start3A_198, %dma_start3A_204] : memref<2x16384xf32, #tpu.memory_space<vmem>> -> memref<1x16384xf32, #tpu.memory_space<vmem>>
      %dma_start3A_206 = tpu.memref_squeeze %dma_start3A_205 : memref<1x16384xf32, #tpu.memory_space<vmem>> -> memref<16384xf32, #tpu.memory_space<vmem>>
      tpu.enqueue_dma source(%dma_start3A_206 : memref<16384xf32, #tpu.memory_space<vmem>>) target(%dma_start3A_203 : memref<16384xf32, #tpu.memory_space<hbm>>) target_semaphore(%arg8 : memref<!tpu.dma_semaphore, #tpu.memory_space<semaphore_mem>>)
      %mul3A_207 = arith.constant 2 : i32
      %mul3A_208 = arith.muli %mul3A_207, %scan3A_129 : i32
      %add3A_209 = arith.constant 1 : i32
      %add3A_210 = arith.addi %mul3A_208, %add3A_209 : i32
      %mul3A_211 = arith.constant 32 : i32
      %mul3A_212 = arith.muli %add3A_210, %mul3A_211 : i32
      %add3A_213 = arith.addi %add3A, %mul3A_212 : i32
      %mul3A_214 = arith.constant 8 : i32
      %mul3A_215 = arith.muli %add3A_213, %mul3A_214 : i32
      %min3A_216 = arith.constant 8117 : i32
      %min3A_217 = arith.minsi %mul3A_215, %min3A_216 : i32
      %mul3A_218 = arith.constant 8 : i32
      %mul3A_219 = arith.muli %min3A_217, %mul3A_218 : i32
      %mul3A_220 = arith.constant 8 : i32
      %mul3A_221 = arith.muli %min3A_217, %mul3A_220 : i32
      %dma_wait3A_222 = arith.constant 0 : i32
      %dma_wait3A_223 = arith.constant 1 : i32
      %dma_wait3A_224 = arith.constant 0 : i32
      %dma_wait3A_225 = arith.constant 0 : i32
      %dma_wait3A_226 = arith.constant 0 : i32
      %dma_wait3A_227 = tpu.memref_slice %arg4[%dma_wait3A_223, %dma_wait3A_224, %dma_wait3A_225, %dma_wait3A_226] : memref<2x2x64x129xf32, #tpu.memory_space<vmem>> -> memref<1x1x64x128xf32, #tpu.memory_space<vmem>>
      %dma_wait3A_228 = tpu.memref_squeeze %dma_wait3A_227 : memref<1x1x64x128xf32, #tpu.memory_space<vmem>> -> memref<64x128xf32, #tpu.memory_space<vmem>>
      %dma_wait3A_229 = arith.constant 0 : i32
      %dma_wait3A_230 = tpu.memref_slice %arg2[%dma_wait3A_222, %mul3A_219, %dma_wait3A_229] : memref<2x65000x128xf32, #tpu.memory_space<hbm>> -> memref<1x64x128xf32, #tpu.memory_space<hbm>>
      %dma_wait3A_231 = tpu.memref_squeeze %dma_wait3A_230 : memref<1x64x128xf32, #tpu.memory_space<hbm>> -> memref<64x128xf32, #tpu.memory_space<hbm>>
      %dma_wait3A_232 = arith.constant 0 : i32
      %dma_wait3A_233 = arith.constant 0 : i32
      %dma_wait3A_234 = tpu.memref_slice %arg4[%dma_wait3A_223, %dma_wait3A_224, %dma_wait3A_232, %dma_wait3A_233] : memref<2x2x64x129xf32, #tpu.memory_space<vmem>> -> memref<1x1x64x128xf32, #tpu.memory_space<vmem>>
      %dma_wait3A_235 = tpu.memref_squeeze %dma_wait3A_234 : memref<1x1x64x128xf32, #tpu.memory_space<vmem>> -> memref<64x128xf32, #tpu.memory_space<vmem>>
      %dma_wait3A_236 = arith.constant 0 : i32
      %dma_wait3A_237 = tpu.memref_slice %arg2[%dma_wait3A_222, %mul3A_219, %dma_wait3A_236] : memref<2x65000x128xf32, #tpu.memory_space<hbm>> -> memref<1x64x128xf32, #tpu.memory_space<hbm>>
      %dma_wait3A_238 = tpu.memref_squeeze %dma_wait3A_237 : memref<1x64x128xf32, #tpu.memory_space<hbm>> -> memref<64x128xf32, #tpu.memory_space<hbm>>
      tpu.wait_dma2 semaphore(%arg7 : memref<!tpu.dma_semaphore, #tpu.memory_space<semaphore_mem>>) src(%dma_wait3A_238 : memref<64x128xf32, #tpu.memory_space<hbm>>) dst(%dma_wait3A_235 : memref<64x128xf32, #tpu.memory_space<vmem>>)
      %dma_wait3A_239 = arith.constant 1 : i32
      %dma_wait3A_240 = arith.constant 1 : i32
      %dma_wait3A_241 = arith.constant 1 : i32
      %dma_wait3A_242 = arith.constant 0 : i32
      %dma_wait3A_243 = arith.constant 0 : i32
      %dma_wait3A_244 = tpu.memref_slice %arg4[%dma_wait3A_240, %dma_wait3A_241, %dma_wait3A_242, %dma_wait3A_243] : memref<2x2x64x129xf32, #tpu.memory_space<vmem>> -> memref<1x1x64x128xf32, #tpu.memory_space<vmem>>
      %dma_wait3A_245 = tpu.memref_squeeze %dma_wait3A_244 : memref<1x1x64x128xf32, #tpu.memory_space<vmem>> -> memref<64x128xf32, #tpu.memory_space<vmem>>
      %dma_wait3A_246 = arith.constant 0 : i32
      %dma_wait3A_247 = tpu.memref_slice %arg2[%dma_wait3A_239, %mul3A_221, %dma_wait3A_246] : memref<2x65000x128xf32, #tpu.memory_space<hbm>> -> memref<1x64x128xf32, #tpu.memory_space<hbm>>
      %dma_wait3A_248 = tpu.memref_squeeze %dma_wait3A_247 : memref<1x64x128xf32, #tpu.memory_space<hbm>> -> memref<64x128xf32, #tpu.memory_space<hbm>>
      %dma_wait3A_249 = arith.constant 0 : i32
      %dma_wait3A_250 = arith.constant 0 : i32
      %dma_wait3A_251 = tpu.memref_slice %arg4[%dma_wait3A_240, %dma_wait3A_241, %dma_wait3A_249, %dma_wait3A_250] : memref<2x2x64x129xf32, #tpu.memory_space<vmem>> -> memref<1x1x64x128xf32, #tpu.memory_space<vmem>>
      %dma_wait3A_252 = tpu.memref_squeeze %dma_wait3A_251 : memref<1x1x64x128xf32, #tpu.memory_space<vmem>> -> memref<64x128xf32, #tpu.memory_space<vmem>>
      %dma_wait3A_253 = arith.constant 0 : i32
      %dma_wait3A_254 = tpu.memref_slice %arg2[%dma_wait3A_239, %mul3A_221, %dma_wait3A_253] : memref<2x65000x128xf32, #tpu.memory_space<hbm>> -> memref<1x64x128xf32, #tpu.memory_space<hbm>>
      %dma_wait3A_255 = tpu.memref_squeeze %dma_wait3A_254 : memref<1x64x128xf32, #tpu.memory_space<hbm>> -> memref<64x128xf32, #tpu.memory_space<hbm>>
      tpu.wait_dma2 semaphore(%arg7 : memref<!tpu.dma_semaphore, #tpu.memory_space<semaphore_mem>>) src(%dma_wait3A_255 : memref<64x128xf32, #tpu.memory_space<hbm>>) dst(%dma_wait3A_252 : memref<64x128xf32, #tpu.memory_space<vmem>>)
      %ge3A_256 = arith.constant 2 : i32
      %ge3A_257 = arith.cmpi sge, %add3A_210, %ge3A_256 : i32
      %convert_element_type3A_258 = arith.extui %ge3A_257 : i1 to i32
      %cond3A_259 = arith.constant 0 : i32
      %cond3A_260 = arith.cmpi ne, %convert_element_type3A_258, %cond3A_259 : i32
      scf.if %cond3A_260 {
        %sub3A = arith.constant 2 : i32
        %sub3A_289 = arith.subi %add3A_210, %sub3A : i32
        %mul3A_290 = arith.constant 32 : i32
        %mul3A_291 = arith.muli %sub3A_289, %mul3A_290 : i32
        %add3A_292 = arith.addi %add3A, %mul3A_291 : i32
        %mul3A_293 = arith.constant 8 : i32
        %mul3A_294 = arith.muli %add3A_292, %mul3A_293 : i32
        %min3A_295 = arith.constant 8117 : i32
        %min3A_296 = arith.minsi %mul3A_294, %min3A_295 : i32
        %mul3A_297 = arith.constant 2048 : i32
        %mul3A_298 = arith.muli %min3A_296, %mul3A_297 : i32
        %dma_wait3A_299 = arith.constant 1 : i32
        %dma_wait3A_300 = arith.constant 0 : i32
        %dma_wait3A_301 = tpu.memref_slice %arg5[%dma_wait3A_299, %dma_wait3A_300] : memref<2x16384xf32, #tpu.memory_space<vmem>> -> memref<1x16384xf32, #tpu.memory_space<vmem>>
        %dma_wait3A_302 = tpu.memref_squeeze %dma_wait3A_301 : memref<1x16384xf32, #tpu.memory_space<vmem>> -> memref<16384xf32, #tpu.memory_space<vmem>>
        %dma_wait3A_303 = tpu.memref_slice %arg3[%mul3A_298] : memref<16640000xf32, #tpu.memory_space<hbm>> -> memref<16384xf32, #tpu.memory_space<hbm>>
        %dma_wait3A_304 = tpu.memref_slice %arg3[%mul3A_298] : memref<16640000xf32, #tpu.memory_space<hbm>> -> memref<16384xf32, #tpu.memory_space<hbm>>
        %dma_wait3A_305 = arith.constant 0 : i32
        %dma_wait3A_306 = tpu.memref_slice %arg5[%dma_wait3A_299, %dma_wait3A_305] : memref<2x16384xf32, #tpu.memory_space<vmem>> -> memref<1x16384xf32, #tpu.memory_space<vmem>>
        %dma_wait3A_307 = tpu.memref_squeeze %dma_wait3A_306 : memref<1x16384xf32, #tpu.memory_space<vmem>> -> memref<16384xf32, #tpu.memory_space<vmem>>
        tpu.wait_dma2 semaphore(%arg9 : memref<!tpu.dma_semaphore, #tpu.memory_space<semaphore_mem>>) src(%dma_wait3A_307 : memref<16384xf32, #tpu.memory_space<vmem>>) dst(%dma_wait3A_304 : memref<16384xf32, #tpu.memory_space<hbm>>)
      } else {
      }
      %parallel_loop3A_261 = arith.constant 0 : i32
      %parallel_loop3A_262 = arith.constant 1024 : i32
      %parallel_loop3A_263 = arith.constant 1 : i32
      scf.for %parallel_loop3A_289 = %parallel_loop3A_261 to %parallel_loop3A_262 step %parallel_loop3A_263  : i32 {
        %parallel_loop3A_290 = arith.constant 7 : i32
        %parallel_loop3A_291 = arith.shrui %parallel_loop3A_289, %parallel_loop3A_290 : i32
        %parallel_loop3A_292 = arith.constant 127 : i32
        %parallel_loop3A_293 = arith.andi %parallel_loop3A_289, %parallel_loop3A_292 : i32
        %parallel_loop3A_294 = arith.constant 8 : i32
        %parallel_loop3A_295 = arith.muli %parallel_loop3A_291, %parallel_loop3A_294 : i32
        %parallel_loop3A_296 = vector.broadcast %parallel_loop3A_295 : i32 to vector<16xi32>
        %parallel_loop3A_297 = arith.addi %and3A_4, %parallel_loop3A_296 : vector<16xi32>
        %parallel_loop3A_298 = vector.broadcast %parallel_loop3A_293 : i32 to vector<16xi32>
        %parallel_loop3A_299 = arith.constant 1 : i32
        %parallel_loop3A_300 = arith.constant 0 : i32
        %parallel_loop3A_301 = arith.constant 0 : i32
        %parallel_loop3A_302 = arith.constant 0 : i32
        %parallel_loop3A_303 = tpu.memref_slice %arg4[%parallel_loop3A_299, %parallel_loop3A_300, %parallel_loop3A_301, %parallel_loop3A_302] : memref<2x2x64x129xf32, #tpu.memory_space<vmem>> -> memref<1x2x64x129xf32, #tpu.memory_space<vmem>>
        %parallel_loop3A_304 = tpu.memref_squeeze %parallel_loop3A_303 : memref<1x2x64x129xf32, #tpu.memory_space<vmem>> -> memref<2x64x129xf32, #tpu.memory_space<vmem>>
        %parallel_loop3A_305 = tpu.vector_load_idx %parallel_loop3A_304[%shift_right_logical3A_2, %parallel_loop3A_297, %parallel_loop3A_298] : memref<2x64x129xf32, #tpu.memory_space<vmem>>[vector<16xi32>, vector<16xi32>, vector<16xi32>], vector<16xf32>,
        %parallel_loop3A_306 = arith.constant 16 : i32
        %parallel_loop3A_307 = arith.muli %parallel_loop3A_289, %parallel_loop3A_306 : i32
        %parallel_loop3A_308 = arith.constant 1 : i32
        %parallel_loop3A_309 = arith.index_cast %parallel_loop3A_308 : i32 to index
        %parallel_loop3A_310 = arith.index_cast %parallel_loop3A_307 : i32 to index
        %parallel_loop3A_311 = tpu.vector_load %arg5[%parallel_loop3A_309, %parallel_loop3A_310] {strides = array<i32>} : memref<2x16384xf32, #tpu.memory_space<vmem>>, vector<16xf32>,
        tpu.vector_store %arg5[%parallel_loop3A_309, %parallel_loop3A_310], %parallel_loop3A_305 {strides = array<i32>} : memref<2x16384xf32, #tpu.memory_space<vmem>>, vector<16xf32>,
      } {sc.loop_unroll_factor = 16 : i64, sc.parallel_access}
      %add3A_264 = arith.constant 2 : i32
      %add3A_265 = arith.addi %add3A_210, %add3A_264 : i32
      %lt3A_266 = arith.constant 32 : i32
      %lt3A_267 = arith.cmpi slt, %add3A_265, %lt3A_266 : i32
      %convert_element_type3A_268 = arith.extui %lt3A_267 : i1 to i32
      %cond3A_269 = arith.constant 0 : i32
      %cond3A_270 = arith.cmpi ne, %convert_element_type3A_268, %cond3A_269 : i32
      scf.if %cond3A_270 {
        %add3A_289 = arith.constant 2 : i32
        %add3A_290 = arith.addi %add3A_210, %add3A_289 : i32
        %mul3A_291 = arith.constant 32 : i32
        %mul3A_292 = arith.muli %add3A_290, %mul3A_291 : i32
        %add3A_293 = arith.addi %add3A, %mul3A_292 : i32
        %mul3A_294 = arith.constant 8 : i32
        %mul3A_295 = arith.muli %add3A_293, %mul3A_294 : i32
        %min3A_296 = arith.constant 8117 : i32
        %min3A_297 = arith.minsi %mul3A_295, %min3A_296 : i32
        %mul3A_298 = arith.constant 8 : i32
        %mul3A_299 = arith.muli %min3A_297, %mul3A_298 : i32
        %mul3A_300 = arith.constant 8 : i32
        %mul3A_301 = arith.muli %min3A_297, %mul3A_300 : i32
        %dma_start3A_302 = arith.constant 0 : i32
        %dma_start3A_303 = arith.constant 1 : i32
        %dma_start3A_304 = arith.constant 0 : i32
        %dma_start3A_305 = arith.constant 0 : i32
        %dma_start3A_306 = arith.constant 0 : i32
        %dma_start3A_307 = tpu.memref_slice %arg4[%dma_start3A_303, %dma_start3A_304, %dma_start3A_305, %dma_start3A_306] : memref<2x2x64x129xf32, #tpu.memory_space<vmem>> -> memref<1x1x64x128xf32, #tpu.memory_space<vmem>>
        %dma_start3A_308 = tpu.memref_squeeze %dma_start3A_307 : memref<1x1x64x128xf32, #tpu.memory_space<vmem>> -> memref<64x128xf32, #tpu.memory_space<vmem>>
        %dma_start3A_309 = arith.constant 0 : i32
        %dma_start3A_310 = tpu.memref_slice %arg2[%dma_start3A_302, %mul3A_299, %dma_start3A_309] : memref<2x65000x128xf32, #tpu.memory_space<hbm>> -> memref<1x64x128xf32, #tpu.memory_space<hbm>>
        %dma_start3A_311 = tpu.memref_squeeze %dma_start3A_310 : memref<1x64x128xf32, #tpu.memory_space<hbm>> -> memref<64x128xf32, #tpu.memory_space<hbm>>
        %dma_start3A_312 = arith.constant 0 : i32
        %dma_start3A_313 = arith.constant 0 : i32
        %dma_start3A_314 = tpu.memref_slice %arg4[%dma_start3A_303, %dma_start3A_304, %dma_start3A_312, %dma_start3A_313] : memref<2x2x64x129xf32, #tpu.memory_space<vmem>> -> memref<1x1x64x128xf32, #tpu.memory_space<vmem>>
        %dma_start3A_315 = tpu.memref_squeeze %dma_start3A_314 : memref<1x1x64x128xf32, #tpu.memory_space<vmem>> -> memref<64x128xf32, #tpu.memory_space<vmem>>
        %dma_start3A_316 = arith.constant 0 : i32
        %dma_start3A_317 = tpu.memref_slice %arg2[%dma_start3A_302, %mul3A_299, %dma_start3A_316] : memref<2x65000x128xf32, #tpu.memory_space<hbm>> -> memref<1x64x128xf32, #tpu.memory_space<hbm>>
        %dma_start3A_318 = tpu.memref_squeeze %dma_start3A_317 : memref<1x64x128xf32, #tpu.memory_space<hbm>> -> memref<64x128xf32, #tpu.memory_space<hbm>>
        tpu.enqueue_dma source(%dma_start3A_318 : memref<64x128xf32, #tpu.memory_space<hbm>>) target(%dma_start3A_315 : memref<64x128xf32, #tpu.memory_space<vmem>>) target_semaphore(%arg7 : memref<!tpu.dma_semaphore, #tpu.memory_space<semaphore_mem>>)
        %dma_start3A_319 = arith.constant 1 : i32
        %dma_start3A_320 = arith.constant 1 : i32
        %dma_start3A_321 = arith.constant 1 : i32
        %dma_start3A_322 = arith.constant 0 : i32
        %dma_start3A_323 = arith.constant 0 : i32
        %dma_start3A_324 = tpu.memref_slice %arg4[%dma_start3A_320, %dma_start3A_321, %dma_start3A_322, %dma_start3A_323] : memref<2x2x64x129xf32, #tpu.memory_space<vmem>> -> memref<1x1x64x128xf32, #tpu.memory_space<vmem>>
        %dma_start3A_325 = tpu.memref_squeeze %dma_start3A_324 : memref<1x1x64x128xf32, #tpu.memory_space<vmem>> -> memref<64x128xf32, #tpu.memory_space<vmem>>
        %dma_start3A_326 = arith.constant 0 : i32
        %dma_start3A_327 = tpu.memref_slice %arg2[%dma_start3A_319, %mul3A_301, %dma_start3A_326] : memref<2x65000x128xf32, #tpu.memory_space<hbm>> -> memref<1x64x128xf32, #tpu.memory_space<hbm>>
        %dma_start3A_328 = tpu.memref_squeeze %dma_start3A_327 : memref<1x64x128xf32, #tpu.memory_space<hbm>> -> memref<64x128xf32, #tpu.memory_space<hbm>>
        %dma_start3A_329 = arith.constant 0 : i32
        %dma_start3A_330 = arith.constant 0 : i32
        %dma_start3A_331 = tpu.memref_slice %arg4[%dma_start3A_320, %dma_start3A_321, %dma_start3A_329, %dma_start3A_330] : memref<2x2x64x129xf32, #tpu.memory_space<vmem>> -> memref<1x1x64x128xf32, #tpu.memory_space<vmem>>
        %dma_start3A_332 = tpu.memref_squeeze %dma_start3A_331 : memref<1x1x64x128xf32, #tpu.memory_space<vmem>> -> memref<64x128xf32, #tpu.memory_space<vmem>>
        %dma_start3A_333 = arith.constant 0 : i32
        %dma_start3A_334 = tpu.memref_slice %arg2[%dma_start3A_319, %mul3A_301, %dma_start3A_333] : memref<2x65000x128xf32, #tpu.memory_space<hbm>> -> memref<1x64x128xf32, #tpu.memory_space<hbm>>
        %dma_start3A_335 = tpu.memref_squeeze %dma_start3A_334 : memref<1x64x128xf32, #tpu.memory_space<hbm>> -> memref<64x128xf32, #tpu.memory_space<hbm>>
        tpu.enqueue_dma source(%dma_start3A_335 : memref<64x128xf32, #tpu.memory_space<hbm>>) target(%dma_start3A_332 : memref<64x128xf32, #tpu.memory_space<vmem>>) target_semaphore(%arg7 : memref<!tpu.dma_semaphore, #tpu.memory_space<semaphore_mem>>)
      } else {
      }
      %mul3A_271 = arith.constant 32 : i32
      %mul3A_272 = arith.muli %add3A_210, %mul3A_271 : i32
      %add3A_273 = arith.addi %add3A, %mul3A_272 : i32
      %mul3A_274 = arith.constant 8 : i32
      %mul3A_275 = arith.muli %add3A_273, %mul3A_274 : i32
      %min3A_276 = arith.constant 8117 : i32
      %min3A_277 = arith.minsi %mul3A_275, %min3A_276 : i32
      %mul3A_278 = arith.constant 2048 : i32
      %mul3A_279 = arith.muli %min3A_277, %mul3A_278 : i32
      %dma_start3A_280 = arith.constant 1 : i32
      %dma_start3A_281 = arith.constant 0 : i32
      %dma_start3A_282 = tpu.memref_slice %arg5[%dma_start3A_280, %dma_start3A_281] : memref<2x16384xf32, #tpu.memory_space<vmem>> -> memref<1x16384xf32, #tpu.memory_space<vmem>>
      %dma_start3A_283 = tpu.memref_squeeze %dma_start3A_282 : memref<1x16384xf32, #tpu.memory_space<vmem>> -> memref<16384xf32, #tpu.memory_space<vmem>>
      %dma_start3A_284 = tpu.memref_slice %arg3[%mul3A_279] : memref<16640000xf32, #tpu.memory_space<hbm>> -> memref<16384xf32, #tpu.memory_space<hbm>>
      %dma_start3A_285 = tpu.memref_slice %arg3[%mul3A_279] : memref<16640000xf32, #tpu.memory_space<hbm>> -> memref<16384xf32, #tpu.memory_space<hbm>>
      %dma_start3A_286 = arith.constant 0 : i32
      %dma_start3A_287 = tpu.memref_slice %arg5[%dma_start3A_280, %dma_start3A_286] : memref<2x16384xf32, #tpu.memory_space<vmem>> -> memref<1x16384xf32, #tpu.memory_space<vmem>>
      %dma_start3A_288 = tpu.memref_squeeze %dma_start3A_287 : memref<1x16384xf32, #tpu.memory_space<vmem>> -> memref<16384xf32, #tpu.memory_space<vmem>>
      tpu.enqueue_dma source(%dma_start3A_288 : memref<16384xf32, #tpu.memory_space<vmem>>) target(%dma_start3A_285 : memref<16384xf32, #tpu.memory_space<hbm>>) target_semaphore(%arg9 : memref<!tpu.dma_semaphore, #tpu.memory_space<semaphore_mem>>)
    }
    %scan3A_95 = arith.constant 16 : i32
    %add3A_96 = arith.constant 960 : i32
    %add3A_97 = arith.addi %add3A, %add3A_96 : i32
    %mul3A_98 = arith.constant 8 : i32
    %mul3A_99 = arith.muli %add3A_97, %mul3A_98 : i32
    %min3A_100 = arith.constant 8117 : i32
    %min3A_101 = arith.minsi %mul3A_99, %min3A_100 : i32
    %mul3A_102 = arith.constant 2048 : i32
    %mul3A_103 = arith.muli %min3A_101, %mul3A_102 : i32
    %dma_wait3A = arith.constant 0 : i32
    %dma_wait3A_104 = arith.constant 0 : i32
    %dma_wait3A_105 = tpu.memref_slice %arg5[%dma_wait3A, %dma_wait3A_104] : memref<2x16384xf32, #tpu.memory_space<vmem>> -> memref<1x16384xf32, #tpu.memory_space<vmem>>
    %dma_wait3A_106 = tpu.memref_squeeze %dma_wait3A_105 : memref<1x16384xf32, #tpu.memory_space<vmem>> -> memref<16384xf32, #tpu.memory_space<vmem>>
    %dma_wait3A_107 = tpu.memref_slice %arg3[%mul3A_103] : memref<16640000xf32, #tpu.memory_space<hbm>> -> memref<16384xf32, #tpu.memory_space<hbm>>
    %dma_wait3A_108 = tpu.memref_slice %arg3[%mul3A_103] : memref<16640000xf32, #tpu.memory_space<hbm>> -> memref<16384xf32, #tpu.memory_space<hbm>>
    %dma_wait3A_109 = arith.constant 0 : i32
    %dma_wait3A_110 = tpu.memref_slice %arg5[%dma_wait3A, %dma_wait3A_109] : memref<2x16384xf32, #tpu.memory_space<vmem>> -> memref<1x16384xf32, #tpu.memory_space<vmem>>
    %dma_wait3A_111 = tpu.memref_squeeze %dma_wait3A_110 : memref<1x16384xf32, #tpu.memory_space<vmem>> -> memref<16384xf32, #tpu.memory_space<vmem>>
    tpu.wait_dma2 semaphore(%arg8 : memref<!tpu.dma_semaphore, #tpu.memory_space<semaphore_mem>>) src(%dma_wait3A_111 : memref<16384xf32, #tpu.memory_space<vmem>>) dst(%dma_wait3A_108 : memref<16384xf32, #tpu.memory_space<hbm>>)
    %add3A_112 = arith.constant 992 : i32
    %add3A_113 = arith.addi %add3A, %add3A_112 : i32
    %mul3A_114 = arith.constant 8 : i32
    %mul3A_115 = arith.muli %add3A_113, %mul3A_114 : i32
    %min3A_116 = arith.constant 8117 : i32
    %min3A_117 = arith.minsi %mul3A_115, %min3A_116 : i32
    %mul3A_118 = arith.constant 2048 : i32
    %mul3A_119 = arith.muli %min3A_117, %mul3A_118 : i32
    %dma_wait3A_120 = arith.constant 1 : i32
    %dma_wait3A_121 = arith.constant 0 : i32
    %dma_wait3A_122 = tpu.memref_slice %arg5[%dma_wait3A_120, %dma_wait3A_121] : memref<2x16384xf32, #tpu.memory_space<vmem>> -> memref<1x16384xf32, #tpu.memory_space<vmem>>
    %dma_wait3A_123 = tpu.memref_squeeze %dma_wait3A_122 : memref<1x16384xf32, #tpu.memory_space<vmem>> -> memref<16384xf32, #tpu.memory_space<vmem>>
    %dma_wait3A_124 = tpu.memref_slice %arg3[%mul3A_119] : memref<16640000xf32, #tpu.memory_space<hbm>> -> memref<16384xf32, #tpu.memory_space<hbm>>
    %dma_wait3A_125 = tpu.memref_slice %arg3[%mul3A_119] : memref<16640000xf32, #tpu.memory_space<hbm>> -> memref<16384xf32, #tpu.memory_space<hbm>>
    %dma_wait3A_126 = arith.constant 0 : i32
    %dma_wait3A_127 = tpu.memref_slice %arg5[%dma_wait3A_120, %dma_wait3A_126] : memref<2x16384xf32, #tpu.memory_space<vmem>> -> memref<1x16384xf32, #tpu.memory_space<vmem>>
    %dma_wait3A_128 = tpu.memref_squeeze %dma_wait3A_127 : memref<1x16384xf32, #tpu.memory_space<vmem>> -> memref<16384xf32, #tpu.memory_space<vmem>>
    tpu.wait_dma2 semaphore(%arg9 : memref<!tpu.dma_semaphore, #tpu.memory_space<semaphore_mem>>) src(%dma_wait3A_128 : memref<16384xf32, #tpu.memory_space<vmem>>) dst(%dma_wait3A_125 : memref<16384xf32, #tpu.memory_space<hbm>>)
    return
  }
}

#map = affine_map<(d0, d1) -> (0)>
#map1 = affine_map<(d0, d1) -> (0, 0)>
module attributes {stable_mosaic.version = 14 : i64} {
  func.func @k(%arg0: i32, %arg1: i32, %arg2: memref<425984xi32, #tpu.memory_space<hbm>>, %arg3: memref<416xf32, #tpu.memory_space<hbm>>, %arg4: memref<1040000x16xf32, #tpu.memory_space<hbm>>, %arg5: memref<53248x128xf32, #tpu.memory_space<hbm>>, %arg6: memref<2x512xi32, #tpu.memory_space<vmem>>, %arg7: memref<2x512x16xf32, #tpu.memory_space<vmem>>, %arg8: memref<512x17xf32, #tpu.memory_space<vmem>>, %arg9: memref<2x2x32x128xf32, #tpu.memory_space<vmem>>, %arg10: memref<416xf32, #tpu.memory_space<vmem>>, %arg11: memref<!tpu.dma_semaphore, #tpu.memory_space<semaphore_mem>>, %arg12: memref<!tpu.dma_semaphore, #tpu.memory_space<semaphore_mem>>, %arg13: memref<!tpu.dma_semaphore, #tpu.memory_space<semaphore_mem>>, %arg14: memref<!tpu.dma_semaphore, #tpu.memory_space<semaphore_mem>>) attributes {dimension_semantics = [#tpu.dimension_semantics<core_parallel>, #tpu.dimension_semantics<subcore_parallel>], iteration_bounds = array<i64: 2, 16>, scalar_prefetch = 0 : i64, scratch_operands = 9 : i64, tpu.core_type = #tpu.core_type<sc_vector_subcore>, window_params = [{transform_indices = #map}, {transform_indices = #map}, {transform_indices = #map1}, {transform_indices = #map1}]} {
    %mul3A = arith.constant 2 : i32
    %mul3A_0 = arith.muli %arg1, %mul3A : i32
    %add3A = arith.addi %mul3A_0, %arg0 : i32
    %mul3A_1 = arith.constant 13312 : i32
    %mul3A_2 = arith.muli %add3A, %mul3A_1 : i32
    "tpu.region"() ({
      %run_scoped3A_179 = tpu.sem_alloc : memref<!tpu.dma_semaphore, #tpu.memory_space<semaphore_mem>>
      tpu.enqueue_dma source(%arg3 : memref<416xf32, #tpu.memory_space<hbm>>) target(%arg10 : memref<416xf32, #tpu.memory_space<vmem>>) target_semaphore(%run_scoped3A_179 : memref<!tpu.dma_semaphore, #tpu.memory_space<semaphore_mem>>)
      tpu.wait_dma2 semaphore(%run_scoped3A_179 : memref<!tpu.dma_semaphore, #tpu.memory_space<semaphore_mem>>) src(%arg3 : memref<416xf32, #tpu.memory_space<hbm>>) dst(%arg10 : memref<416xf32, #tpu.memory_space<vmem>>)
      tpu.yield
    }) : () -> ()
    %iota3A = tpu.iota {dimensions = array<i32: 0>} : vector<16xi32>
    %broadcast_in_dim3A = arith.constant 0 : i32
    %broadcast_in_dim3A_3 = vector.broadcast %broadcast_in_dim3A : i32 to vector<16xi32>
    %broadcast_in_dim3A_4 = arith.constant 1 : i32
    %broadcast_in_dim3A_5 = vector.broadcast %broadcast_in_dim3A_4 : i32 to vector<16xi32>
    %broadcast_in_dim3A_6 = arith.constant 2 : i32
    %broadcast_in_dim3A_7 = vector.broadcast %broadcast_in_dim3A_6 : i32 to vector<16xi32>
    %broadcast_in_dim3A_8 = arith.constant 3 : i32
    %broadcast_in_dim3A_9 = vector.broadcast %broadcast_in_dim3A_8 : i32 to vector<16xi32>
    %broadcast_in_dim3A_10 = arith.constant 4 : i32
    %broadcast_in_dim3A_11 = vector.broadcast %broadcast_in_dim3A_10 : i32 to vector<16xi32>
    %broadcast_in_dim3A_12 = arith.constant 5 : i32
    %broadcast_in_dim3A_13 = vector.broadcast %broadcast_in_dim3A_12 : i32 to vector<16xi32>
    %broadcast_in_dim3A_14 = arith.constant 6 : i32
    %broadcast_in_dim3A_15 = vector.broadcast %broadcast_in_dim3A_14 : i32 to vector<16xi32>
    %broadcast_in_dim3A_16 = arith.constant 7 : i32
    %broadcast_in_dim3A_17 = vector.broadcast %broadcast_in_dim3A_16 : i32 to vector<16xi32>
    %broadcast_in_dim3A_18 = arith.constant 8 : i32
    %broadcast_in_dim3A_19 = vector.broadcast %broadcast_in_dim3A_18 : i32 to vector<16xi32>
    %broadcast_in_dim3A_20 = arith.constant 9 : i32
    %broadcast_in_dim3A_21 = vector.broadcast %broadcast_in_dim3A_20 : i32 to vector<16xi32>
    %broadcast_in_dim3A_22 = arith.constant 10 : i32
    %broadcast_in_dim3A_23 = vector.broadcast %broadcast_in_dim3A_22 : i32 to vector<16xi32>
    %broadcast_in_dim3A_24 = arith.constant 11 : i32
    %broadcast_in_dim3A_25 = vector.broadcast %broadcast_in_dim3A_24 : i32 to vector<16xi32>
    %broadcast_in_dim3A_26 = arith.constant 12 : i32
    %broadcast_in_dim3A_27 = vector.broadcast %broadcast_in_dim3A_26 : i32 to vector<16xi32>
    %broadcast_in_dim3A_28 = arith.constant 13 : i32
    %broadcast_in_dim3A_29 = vector.broadcast %broadcast_in_dim3A_28 : i32 to vector<16xi32>
    %broadcast_in_dim3A_30 = arith.constant 14 : i32
    %broadcast_in_dim3A_31 = vector.broadcast %broadcast_in_dim3A_30 : i32 to vector<16xi32>
    %broadcast_in_dim3A_32 = arith.constant 15 : i32
    %broadcast_in_dim3A_33 = vector.broadcast %broadcast_in_dim3A_32 : i32 to vector<16xi32>
    %add3A_34 = arith.constant 0 : i32
    %add3A_35 = arith.addi %mul3A_2, %add3A_34 : i32
    %run_scoped3A = arith.constant 0 : i32
    "tpu.region"() ({
      %run_scoped3A_179 = tpu.sem_alloc : memref<!tpu.dma_semaphore, #tpu.memory_space<semaphore_mem>>
      %dma_start3A_180 = arith.constant 0 : i32
      %dma_start3A_181 = tpu.memref_slice %arg6[%run_scoped3A, %dma_start3A_180] : memref<2x512xi32, #tpu.memory_space<vmem>> -> memref<1x512xi32, #tpu.memory_space<vmem>>
      %dma_start3A_182 = tpu.memref_squeeze %dma_start3A_181 : memref<1x512xi32, #tpu.memory_space<vmem>> -> memref<512xi32, #tpu.memory_space<vmem>>
      %dma_start3A_183 = tpu.memref_slice %arg2[%add3A_35] : memref<425984xi32, #tpu.memory_space<hbm>> -> memref<512xi32, #tpu.memory_space<hbm>>
      %dma_start3A_184 = arith.constant 0 : i32
      %dma_start3A_185 = tpu.memref_slice %arg6[%run_scoped3A, %dma_start3A_184] : memref<2x512xi32, #tpu.memory_space<vmem>> -> memref<1x512xi32, #tpu.memory_space<vmem>>
      %dma_start3A_186 = tpu.memref_squeeze %dma_start3A_185 : memref<1x512xi32, #tpu.memory_space<vmem>> -> memref<512xi32, #tpu.memory_space<vmem>>
      %dma_start3A_187 = tpu.memref_slice %arg2[%add3A_35] : memref<425984xi32, #tpu.memory_space<hbm>> -> memref<512xi32, #tpu.memory_space<hbm>>
      tpu.enqueue_dma source(%dma_start3A_187 : memref<512xi32, #tpu.memory_space<hbm>>) target(%dma_start3A_186 : memref<512xi32, #tpu.memory_space<vmem>>) target_semaphore(%run_scoped3A_179 : memref<!tpu.dma_semaphore, #tpu.memory_space<semaphore_mem>>)
      %dma_wait3A_188 = arith.constant 0 : i32
      %dma_wait3A_189 = tpu.memref_slice %arg6[%run_scoped3A, %dma_wait3A_188] : memref<2x512xi32, #tpu.memory_space<vmem>> -> memref<1x512xi32, #tpu.memory_space<vmem>>
      %dma_wait3A_190 = tpu.memref_squeeze %dma_wait3A_189 : memref<1x512xi32, #tpu.memory_space<vmem>> -> memref<512xi32, #tpu.memory_space<vmem>>
      %dma_wait3A_191 = tpu.memref_slice %arg2[%add3A_35] : memref<425984xi32, #tpu.memory_space<hbm>> -> memref<512xi32, #tpu.memory_space<hbm>>
      %dma_wait3A_192 = arith.constant 0 : i32
      %dma_wait3A_193 = tpu.memref_slice %arg6[%run_scoped3A, %dma_wait3A_192] : memref<2x512xi32, #tpu.memory_space<vmem>> -> memref<1x512xi32, #tpu.memory_space<vmem>>
      %dma_wait3A_194 = tpu.memref_squeeze %dma_wait3A_193 : memref<1x512xi32, #tpu.memory_space<vmem>> -> memref<512xi32, #tpu.memory_space<vmem>>
      %dma_wait3A_195 = tpu.memref_slice %arg2[%add3A_35] : memref<425984xi32, #tpu.memory_space<hbm>> -> memref<512xi32, #tpu.memory_space<hbm>>
      tpu.wait_dma2 semaphore(%run_scoped3A_179 : memref<!tpu.dma_semaphore, #tpu.memory_space<semaphore_mem>>) src(%dma_wait3A_195 : memref<512xi32, #tpu.memory_space<hbm>>) dst(%dma_wait3A_194 : memref<512xi32, #tpu.memory_space<vmem>>)
      tpu.yield
    }) : () -> ()
    %dma_start3A = arith.constant 0 : i32
    %dma_start3A_36 = arith.constant 0 : i32
    %dma_start3A_37 = arith.constant 0 : i32
    %dma_start3A_38 = arith.constant 0 : i32
    %dma_start3A_39 = tpu.memref_slice %arg7[%dma_start3A_36, %dma_start3A_37, %dma_start3A_38] : memref<2x512x16xf32, #tpu.memory_space<vmem>> -> memref<1x128x16xf32, #tpu.memory_space<vmem>>
    %dma_start3A_40 = tpu.memref_squeeze %dma_start3A_39 : memref<1x128x16xf32, #tpu.memory_space<vmem>> -> memref<128x16xf32, #tpu.memory_space<vmem>>
    %dma_start3A_41 = arith.constant 0 : i32
    %dma_start3A_42 = tpu.memref_slice %arg6[%dma_start3A, %dma_start3A_41] : memref<2x512xi32, #tpu.memory_space<vmem>> -> memref<1x128xi32, #tpu.memory_space<vmem>>
    %dma_start3A_43 = tpu.memref_squeeze %dma_start3A_42 : memref<1x128xi32, #tpu.memory_space<vmem>> -> memref<128xi32, #tpu.memory_space<vmem>>
    %dma_start3A_44 = arith.constant 0 : i32
    %dma_start3A_45 = arith.constant 0 : i32
    %dma_start3A_46 = tpu.memref_slice %arg4[%dma_start3A_44, %dma_start3A_45] : memref<1040000x16xf32, #tpu.memory_space<hbm>> -> memref<1040000x16xf32, #tpu.memory_space<hbm>>
    tpu.enqueue_indirect_dma source(%dma_start3A_46 : memref<1040000x16xf32, #tpu.memory_space<hbm>>) target(%dma_start3A_40 : memref<128x16xf32, #tpu.memory_space<vmem>>) offsets(%dma_start3A_43 : memref<128xi32, #tpu.memory_space<vmem>>) semaphore(%arg11 : memref<!tpu.dma_semaphore, #tpu.memory_space<semaphore_mem>>)
    %dma_start3A_47 = arith.constant 0 : i32
    %dma_start3A_48 = arith.constant 0 : i32
    %dma_start3A_49 = arith.constant 128 : i32
    %dma_start3A_50 = arith.constant 0 : i32
    %dma_start3A_51 = tpu.memref_slice %arg7[%dma_start3A_48, %dma_start3A_49, %dma_start3A_50] : memref<2x512x16xf32, #tpu.memory_space<vmem>> -> memref<1x128x16xf32, #tpu.memory_space<vmem>>
    %dma_start3A_52 = tpu.memref_squeeze %dma_start3A_51 : memref<1x128x16xf32, #tpu.memory_space<vmem>> -> memref<128x16xf32, #tpu.memory_space<vmem>>
    %dma_start3A_53 = arith.constant 128 : i32
    %dma_start3A_54 = tpu.memref_slice %arg6[%dma_start3A_47, %dma_start3A_53] : memref<2x512xi32, #tpu.memory_space<vmem>> -> memref<1x128xi32, #tpu.memory_space<vmem>>
    %dma_start3A_55 = tpu.memref_squeeze %dma_start3A_54 : memref<1x128xi32, #tpu.memory_space<vmem>> -> memref<128xi32, #tpu.memory_space<vmem>>
    %dma_start3A_56 = arith.constant 0 : i32
    %dma_start3A_57 = arith.constant 0 : i32
    %dma_start3A_58 = tpu.memref_slice %arg4[%dma_start3A_56, %dma_start3A_57] : memref<1040000x16xf32, #tpu.memory_space<hbm>> -> memref<1040000x16xf32, #tpu.memory_space<hbm>>
    tpu.enqueue_indirect_dma source(%dma_start3A_58 : memref<1040000x16xf32, #tpu.memory_space<hbm>>) target(%dma_start3A_52 : memref<128x16xf32, #tpu.memory_space<vmem>>) offsets(%dma_start3A_55 : memref<128xi32, #tpu.memory_space<vmem>>) semaphore(%arg11 : memref<!tpu.dma_semaphore, #tpu.memory_space<semaphore_mem>>)
    %dma_start3A_59 = arith.constant 0 : i32
    %dma_start3A_60 = arith.constant 0 : i32
    %dma_start3A_61 = arith.constant 256 : i32
    %dma_start3A_62 = arith.constant 0 : i32
    %dma_start3A_63 = tpu.memref_slice %arg7[%dma_start3A_60, %dma_start3A_61, %dma_start3A_62] : memref<2x512x16xf32, #tpu.memory_space<vmem>> -> memref<1x128x16xf32, #tpu.memory_space<vmem>>
    %dma_start3A_64 = tpu.memref_squeeze %dma_start3A_63 : memref<1x128x16xf32, #tpu.memory_space<vmem>> -> memref<128x16xf32, #tpu.memory_space<vmem>>
    %dma_start3A_65 = arith.constant 256 : i32
    %dma_start3A_66 = tpu.memref_slice %arg6[%dma_start3A_59, %dma_start3A_65] : memref<2x512xi32, #tpu.memory_space<vmem>> -> memref<1x128xi32, #tpu.memory_space<vmem>>
    %dma_start3A_67 = tpu.memref_squeeze %dma_start3A_66 : memref<1x128xi32, #tpu.memory_space<vmem>> -> memref<128xi32, #tpu.memory_space<vmem>>
    %dma_start3A_68 = arith.constant 0 : i32
    %dma_start3A_69 = arith.constant 0 : i32
    %dma_start3A_70 = tpu.memref_slice %arg4[%dma_start3A_68, %dma_start3A_69] : memref<1040000x16xf32, #tpu.memory_space<hbm>> -> memref<1040000x16xf32, #tpu.memory_space<hbm>>
    tpu.enqueue_indirect_dma source(%dma_start3A_70 : memref<1040000x16xf32, #tpu.memory_space<hbm>>) target(%dma_start3A_64 : memref<128x16xf32, #tpu.memory_space<vmem>>) offsets(%dma_start3A_67 : memref<128xi32, #tpu.memory_space<vmem>>) semaphore(%arg11 : memref<!tpu.dma_semaphore, #tpu.memory_space<semaphore_mem>>)
    %dma_start3A_71 = arith.constant 0 : i32
    %dma_start3A_72 = arith.constant 0 : i32
    %dma_start3A_73 = arith.constant 384 : i32
    %dma_start3A_74 = arith.constant 0 : i32
    %dma_start3A_75 = tpu.memref_slice %arg7[%dma_start3A_72, %dma_start3A_73, %dma_start3A_74] : memref<2x512x16xf32, #tpu.memory_space<vmem>> -> memref<1x128x16xf32, #tpu.memory_space<vmem>>
    %dma_start3A_76 = tpu.memref_squeeze %dma_start3A_75 : memref<1x128x16xf32, #tpu.memory_space<vmem>> -> memref<128x16xf32, #tpu.memory_space<vmem>>
    %dma_start3A_77 = arith.constant 384 : i32
    %dma_start3A_78 = tpu.memref_slice %arg6[%dma_start3A_71, %dma_start3A_77] : memref<2x512xi32, #tpu.memory_space<vmem>> -> memref<1x128xi32, #tpu.memory_space<vmem>>
    %dma_start3A_79 = tpu.memref_squeeze %dma_start3A_78 : memref<1x128xi32, #tpu.memory_space<vmem>> -> memref<128xi32, #tpu.memory_space<vmem>>
    %dma_start3A_80 = arith.constant 0 : i32
    %dma_start3A_81 = arith.constant 0 : i32
    %dma_start3A_82 = tpu.memref_slice %arg4[%dma_start3A_80, %dma_start3A_81] : memref<1040000x16xf32, #tpu.memory_space<hbm>> -> memref<1040000x16xf32, #tpu.memory_space<hbm>>
    tpu.enqueue_indirect_dma source(%dma_start3A_82 : memref<1040000x16xf32, #tpu.memory_space<hbm>>) target(%dma_start3A_76 : memref<128x16xf32, #tpu.memory_space<vmem>>) offsets(%dma_start3A_79 : memref<128xi32, #tpu.memory_space<vmem>>) semaphore(%arg11 : memref<!tpu.dma_semaphore, #tpu.memory_space<semaphore_mem>>)
    %scan3A = arith.constant 0 : i32
    %scan3A_83 = arith.constant 0 : i32
    %scan3A_84 = arith.constant 13 : i32
    %scan3A_85 = arith.addi %scan3A_83, %scan3A_84 : i32
    %scan3A_86 = arith.constant 1 : i32
    scf.for %scan3A_179 = %scan3A_83 to %scan3A_85 step %scan3A_86  : i32 {
      %mul3A_180 = arith.constant 2 : i32
      %mul3A_181 = arith.muli %mul3A_180, %scan3A_179 : i32
      %add3A_182 = arith.constant 0 : i32
      %add3A_183 = arith.addi %mul3A_181, %add3A_182 : i32
      %add3A_184 = arith.constant 1 : i32
      %add3A_185 = arith.addi %add3A_183, %add3A_184 : i32
      %lt3A = arith.constant 26 : i32
      %lt3A_186 = arith.cmpi slt, %add3A_185, %lt3A : i32
      %convert_element_type3A = arith.extui %lt3A_186 : i1 to i32
      %cond3A = arith.constant 0 : i32
      %cond3A_187 = arith.cmpi ne, %convert_element_type3A, %cond3A : i32
      scf.if %cond3A_187 {
        %add3A_437 = arith.constant 1 : i32
        %add3A_438 = arith.addi %add3A_183, %add3A_437 : i32
        %mul3A_439 = arith.constant 512 : i32
        %mul3A_440 = arith.muli %add3A_438, %mul3A_439 : i32
        %add3A_441 = arith.addi %mul3A_2, %mul3A_440 : i32
        %run_scoped3A_442 = arith.constant 1 : i32
        "tpu.region"() ({
          %run_scoped3A_491 = tpu.sem_alloc : memref<!tpu.dma_semaphore, #tpu.memory_space<semaphore_mem>>
          %dma_start3A_492 = arith.constant 0 : i32
          %dma_start3A_493 = tpu.memref_slice %arg6[%run_scoped3A_442, %dma_start3A_492] : memref<2x512xi32, #tpu.memory_space<vmem>> -> memref<1x512xi32, #tpu.memory_space<vmem>>
          %dma_start3A_494 = tpu.memref_squeeze %dma_start3A_493 : memref<1x512xi32, #tpu.memory_space<vmem>> -> memref<512xi32, #tpu.memory_space<vmem>>
          %dma_start3A_495 = tpu.memref_slice %arg2[%add3A_441] : memref<425984xi32, #tpu.memory_space<hbm>> -> memref<512xi32, #tpu.memory_space<hbm>>
          %dma_start3A_496 = arith.constant 0 : i32
          %dma_start3A_497 = tpu.memref_slice %arg6[%run_scoped3A_442, %dma_start3A_496] : memref<2x512xi32, #tpu.memory_space<vmem>> -> memref<1x512xi32, #tpu.memory_space<vmem>>
          %dma_start3A_498 = tpu.memref_squeeze %dma_start3A_497 : memref<1x512xi32, #tpu.memory_space<vmem>> -> memref<512xi32, #tpu.memory_space<vmem>>
          %dma_start3A_499 = tpu.memref_slice %arg2[%add3A_441] : memref<425984xi32, #tpu.memory_space<hbm>> -> memref<512xi32, #tpu.memory_space<hbm>>
          tpu.enqueue_dma source(%dma_start3A_499 : memref<512xi32, #tpu.memory_space<hbm>>) target(%dma_start3A_498 : memref<512xi32, #tpu.memory_space<vmem>>) target_semaphore(%run_scoped3A_491 : memref<!tpu.dma_semaphore, #tpu.memory_space<semaphore_mem>>)
          %dma_wait3A_500 = arith.constant 0 : i32
          %dma_wait3A_501 = tpu.memref_slice %arg6[%run_scoped3A_442, %dma_wait3A_500] : memref<2x512xi32, #tpu.memory_space<vmem>> -> memref<1x512xi32, #tpu.memory_space<vmem>>
          %dma_wait3A_502 = tpu.memref_squeeze %dma_wait3A_501 : memref<1x512xi32, #tpu.memory_space<vmem>> -> memref<512xi32, #tpu.memory_space<vmem>>
          %dma_wait3A_503 = tpu.memref_slice %arg2[%add3A_441] : memref<425984xi32, #tpu.memory_space<hbm>> -> memref<512xi32, #tpu.memory_space<hbm>>
          %dma_wait3A_504 = arith.constant 0 : i32
          %dma_wait3A_505 = tpu.memref_slice %arg6[%run_scoped3A_442, %dma_wait3A_504] : memref<2x512xi32, #tpu.memory_space<vmem>> -> memref<1x512xi32, #tpu.memory_space<vmem>>
          %dma_wait3A_506 = tpu.memref_squeeze %dma_wait3A_505 : memref<1x512xi32, #tpu.memory_space<vmem>> -> memref<512xi32, #tpu.memory_space<vmem>>
          %dma_wait3A_507 = tpu.memref_slice %arg2[%add3A_441] : memref<425984xi32, #tpu.memory_space<hbm>> -> memref<512xi32, #tpu.memory_space<hbm>>
          tpu.wait_dma2 semaphore(%run_scoped3A_491 : memref<!tpu.dma_semaphore, #tpu.memory_space<semaphore_mem>>) src(%dma_wait3A_507 : memref<512xi32, #tpu.memory_space<hbm>>) dst(%dma_wait3A_506 : memref<512xi32, #tpu.memory_space<vmem>>)
          tpu.yield
        }) : () -> ()
        %dma_start3A_443 = arith.constant 1 : i32
        %dma_start3A_444 = arith.constant 1 : i32
        %dma_start3A_445 = arith.constant 0 : i32
        %dma_start3A_446 = arith.constant 0 : i32
        %dma_start3A_447 = tpu.memref_slice %arg7[%dma_start3A_444, %dma_start3A_445, %dma_start3A_446] : memref<2x512x16xf32, #tpu.memory_space<vmem>> -> memref<1x128x16xf32, #tpu.memory_space<vmem>>
        %dma_start3A_448 = tpu.memref_squeeze %dma_start3A_447 : memref<1x128x16xf32, #tpu.memory_space<vmem>> -> memref<128x16xf32, #tpu.memory_space<vmem>>
        %dma_start3A_449 = arith.constant 0 : i32
        %dma_start3A_450 = tpu.memref_slice %arg6[%dma_start3A_443, %dma_start3A_449] : memref<2x512xi32, #tpu.memory_space<vmem>> -> memref<1x128xi32, #tpu.memory_space<vmem>>
        %dma_start3A_451 = tpu.memref_squeeze %dma_start3A_450 : memref<1x128xi32, #tpu.memory_space<vmem>> -> memref<128xi32, #tpu.memory_space<vmem>>
        %dma_start3A_452 = arith.constant 0 : i32
        %dma_start3A_453 = arith.constant 0 : i32
        %dma_start3A_454 = tpu.memref_slice %arg4[%dma_start3A_452, %dma_start3A_453] : memref<1040000x16xf32, #tpu.memory_space<hbm>> -> memref<1040000x16xf32, #tpu.memory_space<hbm>>
        tpu.enqueue_indirect_dma source(%dma_start3A_454 : memref<1040000x16xf32, #tpu.memory_space<hbm>>) target(%dma_start3A_448 : memref<128x16xf32, #tpu.memory_space<vmem>>) offsets(%dma_start3A_451 : memref<128xi32, #tpu.memory_space<vmem>>) semaphore(%arg12 : memref<!tpu.dma_semaphore, #tpu.memory_space<semaphore_mem>>)
        %dma_start3A_455 = arith.constant 1 : i32
        %dma_start3A_456 = arith.constant 1 : i32
        %dma_start3A_457 = arith.constant 128 : i32
        %dma_start3A_458 = arith.constant 0 : i32
        %dma_start3A_459 = tpu.memref_slice %arg7[%dma_start3A_456, %dma_start3A_457, %dma_start3A_458] : memref<2x512x16xf32, #tpu.memory_space<vmem>> -> memref<1x128x16xf32, #tpu.memory_space<vmem>>
        %dma_start3A_460 = tpu.memref_squeeze %dma_start3A_459 : memref<1x128x16xf32, #tpu.memory_space<vmem>> -> memref<128x16xf32, #tpu.memory_space<vmem>>
        %dma_start3A_461 = arith.constant 128 : i32
        %dma_start3A_462 = tpu.memref_slice %arg6[%dma_start3A_455, %dma_start3A_461] : memref<2x512xi32, #tpu.memory_space<vmem>> -> memref<1x128xi32, #tpu.memory_space<vmem>>
        %dma_start3A_463 = tpu.memref_squeeze %dma_start3A_462 : memref<1x128xi32, #tpu.memory_space<vmem>> -> memref<128xi32, #tpu.memory_space<vmem>>
        %dma_start3A_464 = arith.constant 0 : i32
        %dma_start3A_465 = arith.constant 0 : i32
        %dma_start3A_466 = tpu.memref_slice %arg4[%dma_start3A_464, %dma_start3A_465] : memref<1040000x16xf32, #tpu.memory_space<hbm>> -> memref<1040000x16xf32, #tpu.memory_space<hbm>>
        tpu.enqueue_indirect_dma source(%dma_start3A_466 : memref<1040000x16xf32, #tpu.memory_space<hbm>>) target(%dma_start3A_460 : memref<128x16xf32, #tpu.memory_space<vmem>>) offsets(%dma_start3A_463 : memref<128xi32, #tpu.memory_space<vmem>>) semaphore(%arg12 : memref<!tpu.dma_semaphore, #tpu.memory_space<semaphore_mem>>)
        %dma_start3A_467 = arith.constant 1 : i32
        %dma_start3A_468 = arith.constant 1 : i32
        %dma_start3A_469 = arith.constant 256 : i32
        %dma_start3A_470 = arith.constant 0 : i32
        %dma_start3A_471 = tpu.memref_slice %arg7[%dma_start3A_468, %dma_start3A_469, %dma_start3A_470] : memref<2x512x16xf32, #tpu.memory_space<vmem>> -> memref<1x128x16xf32, #tpu.memory_space<vmem>>
        %dma_start3A_472 = tpu.memref_squeeze %dma_start3A_471 : memref<1x128x16xf32, #tpu.memory_space<vmem>> -> memref<128x16xf32, #tpu.memory_space<vmem>>
        %dma_start3A_473 = arith.constant 256 : i32
        %dma_start3A_474 = tpu.memref_slice %arg6[%dma_start3A_467, %dma_start3A_473] : memref<2x512xi32, #tpu.memory_space<vmem>> -> memref<1x128xi32, #tpu.memory_space<vmem>>
        %dma_start3A_475 = tpu.memref_squeeze %dma_start3A_474 : memref<1x128xi32, #tpu.memory_space<vmem>> -> memref<128xi32, #tpu.memory_space<vmem>>
        %dma_start3A_476 = arith.constant 0 : i32
        %dma_start3A_477 = arith.constant 0 : i32
        %dma_start3A_478 = tpu.memref_slice %arg4[%dma_start3A_476, %dma_start3A_477] : memref<1040000x16xf32, #tpu.memory_space<hbm>> -> memref<1040000x16xf32, #tpu.memory_space<hbm>>
        tpu.enqueue_indirect_dma source(%dma_start3A_478 : memref<1040000x16xf32, #tpu.memory_space<hbm>>) target(%dma_start3A_472 : memref<128x16xf32, #tpu.memory_space<vmem>>) offsets(%dma_start3A_475 : memref<128xi32, #tpu.memory_space<vmem>>) semaphore(%arg12 : memref<!tpu.dma_semaphore, #tpu.memory_space<semaphore_mem>>)
        %dma_start3A_479 = arith.constant 1 : i32
        %dma_start3A_480 = arith.constant 1 : i32
        %dma_start3A_481 = arith.constant 384 : i32
        %dma_start3A_482 = arith.constant 0 : i32
        %dma_start3A_483 = tpu.memref_slice %arg7[%dma_start3A_480, %dma_start3A_481, %dma_start3A_482] : memref<2x512x16xf32, #tpu.memory_space<vmem>> -> memref<1x128x16xf32, #tpu.memory_space<vmem>>
        %dma_start3A_484 = tpu.memref_squeeze %dma_start3A_483 : memref<1x128x16xf32, #tpu.memory_space<vmem>> -> memref<128x16xf32, #tpu.memory_space<vmem>>
        %dma_start3A_485 = arith.constant 384 : i32
        %dma_start3A_486 = tpu.memref_slice %arg6[%dma_start3A_479, %dma_start3A_485] : memref<2x512xi32, #tpu.memory_space<vmem>> -> memref<1x128xi32, #tpu.memory_space<vmem>>
        %dma_start3A_487 = tpu.memref_squeeze %dma_start3A_486 : memref<1x128xi32, #tpu.memory_space<vmem>> -> memref<128xi32, #tpu.memory_space<vmem>>
        %dma_start3A_488 = arith.constant 0 : i32
        %dma_start3A_489 = arith.constant 0 : i32
        %dma_start3A_490 = tpu.memref_slice %arg4[%dma_start3A_488, %dma_start3A_489] : memref<1040000x16xf32, #tpu.memory_space<hbm>> -> memref<1040000x16xf32, #tpu.memory_space<hbm>>
        tpu.enqueue_indirect_dma source(%dma_start3A_490 : memref<1040000x16xf32, #tpu.memory_space<hbm>>) target(%dma_start3A_484 : memref<128x16xf32, #tpu.memory_space<vmem>>) offsets(%dma_start3A_487 : memref<128xi32, #tpu.memory_space<vmem>>) semaphore(%arg12 : memref<!tpu.dma_semaphore, #tpu.memory_space<semaphore_mem>>)
      } else {
      }
      %dma_wait3A_188 = arith.constant 0 : i32
      %dma_wait3A_189 = arith.constant 0 : i32
      %dma_wait3A_190 = arith.constant 0 : i32
      %dma_wait3A_191 = arith.constant 0 : i32
      %dma_wait3A_192 = tpu.memref_slice %arg7[%dma_wait3A_189, %dma_wait3A_190, %dma_wait3A_191] : memref<2x512x16xf32, #tpu.memory_space<vmem>> -> memref<1x128x16xf32, #tpu.memory_space<vmem>>
      %dma_wait3A_193 = tpu.memref_squeeze %dma_wait3A_192 : memref<1x128x16xf32, #tpu.memory_space<vmem>> -> memref<128x16xf32, #tpu.memory_space<vmem>>
      %dma_wait3A_194 = arith.constant 0 : i32
      %dma_wait3A_195 = tpu.memref_slice %arg6[%dma_wait3A_188, %dma_wait3A_194] : memref<2x512xi32, #tpu.memory_space<vmem>> -> memref<1x128xi32, #tpu.memory_space<vmem>>
      %dma_wait3A_196 = tpu.memref_squeeze %dma_wait3A_195 : memref<1x128xi32, #tpu.memory_space<vmem>> -> memref<128xi32, #tpu.memory_space<vmem>>
      %dma_wait3A_197 = arith.constant 0 : i32
      %dma_wait3A_198 = arith.constant 0 : i32
      %dma_wait3A_199 = tpu.memref_slice %arg4[%dma_wait3A_197, %dma_wait3A_198] : memref<1040000x16xf32, #tpu.memory_space<hbm>> -> memref<1040000x16xf32, #tpu.memory_space<hbm>>
      tpu.wait_indirect_dma semaphore(%arg11 : memref<!tpu.dma_semaphore, #tpu.memory_space<semaphore_mem>>) src(%dma_wait3A_199 : memref<1040000x16xf32, #tpu.memory_space<hbm>>) dst(%dma_wait3A_193 : memref<128x16xf32, #tpu.memory_space<vmem>>)
      %dma_wait3A_200 = arith.constant 0 : i32
      %dma_wait3A_201 = arith.constant 0 : i32
      %dma_wait3A_202 = arith.constant 128 : i32
      %dma_wait3A_203 = arith.constant 0 : i32
      %dma_wait3A_204 = tpu.memref_slice %arg7[%dma_wait3A_201, %dma_wait3A_202, %dma_wait3A_203] : memref<2x512x16xf32, #tpu.memory_space<vmem>> -> memref<1x128x16xf32, #tpu.memory_space<vmem>>
      %dma_wait3A_205 = tpu.memref_squeeze %dma_wait3A_204 : memref<1x128x16xf32, #tpu.memory_space<vmem>> -> memref<128x16xf32, #tpu.memory_space<vmem>>
      %dma_wait3A_206 = arith.constant 128 : i32
      %dma_wait3A_207 = tpu.memref_slice %arg6[%dma_wait3A_200, %dma_wait3A_206] : memref<2x512xi32, #tpu.memory_space<vmem>> -> memref<1x128xi32, #tpu.memory_space<vmem>>
      %dma_wait3A_208 = tpu.memref_squeeze %dma_wait3A_207 : memref<1x128xi32, #tpu.memory_space<vmem>> -> memref<128xi32, #tpu.memory_space<vmem>>
      %dma_wait3A_209 = arith.constant 0 : i32
      %dma_wait3A_210 = arith.constant 0 : i32
      %dma_wait3A_211 = tpu.memref_slice %arg4[%dma_wait3A_209, %dma_wait3A_210] : memref<1040000x16xf32, #tpu.memory_space<hbm>> -> memref<1040000x16xf32, #tpu.memory_space<hbm>>
      tpu.wait_indirect_dma semaphore(%arg11 : memref<!tpu.dma_semaphore, #tpu.memory_space<semaphore_mem>>) src(%dma_wait3A_211 : memref<1040000x16xf32, #tpu.memory_space<hbm>>) dst(%dma_wait3A_205 : memref<128x16xf32, #tpu.memory_space<vmem>>)
      %dma_wait3A_212 = arith.constant 0 : i32
      %dma_wait3A_213 = arith.constant 0 : i32
      %dma_wait3A_214 = arith.constant 256 : i32
      %dma_wait3A_215 = arith.constant 0 : i32
      %dma_wait3A_216 = tpu.memref_slice %arg7[%dma_wait3A_213, %dma_wait3A_214, %dma_wait3A_215] : memref<2x512x16xf32, #tpu.memory_space<vmem>> -> memref<1x128x16xf32, #tpu.memory_space<vmem>>
      %dma_wait3A_217 = tpu.memref_squeeze %dma_wait3A_216 : memref<1x128x16xf32, #tpu.memory_space<vmem>> -> memref<128x16xf32, #tpu.memory_space<vmem>>
      %dma_wait3A_218 = arith.constant 256 : i32
      %dma_wait3A_219 = tpu.memref_slice %arg6[%dma_wait3A_212, %dma_wait3A_218] : memref<2x512xi32, #tpu.memory_space<vmem>> -> memref<1x128xi32, #tpu.memory_space<vmem>>
      %dma_wait3A_220 = tpu.memref_squeeze %dma_wait3A_219 : memref<1x128xi32, #tpu.memory_space<vmem>> -> memref<128xi32, #tpu.memory_space<vmem>>
      %dma_wait3A_221 = arith.constant 0 : i32
      %dma_wait3A_222 = arith.constant 0 : i32
      %dma_wait3A_223 = tpu.memref_slice %arg4[%dma_wait3A_221, %dma_wait3A_222] : memref<1040000x16xf32, #tpu.memory_space<hbm>> -> memref<1040000x16xf32, #tpu.memory_space<hbm>>
      tpu.wait_indirect_dma semaphore(%arg11 : memref<!tpu.dma_semaphore, #tpu.memory_space<semaphore_mem>>) src(%dma_wait3A_223 : memref<1040000x16xf32, #tpu.memory_space<hbm>>) dst(%dma_wait3A_217 : memref<128x16xf32, #tpu.memory_space<vmem>>)
      %dma_wait3A_224 = arith.constant 0 : i32
      %dma_wait3A_225 = arith.constant 0 : i32
      %dma_wait3A_226 = arith.constant 384 : i32
      %dma_wait3A_227 = arith.constant 0 : i32
      %dma_wait3A_228 = tpu.memref_slice %arg7[%dma_wait3A_225, %dma_wait3A_226, %dma_wait3A_227] : memref<2x512x16xf32, #tpu.memory_space<vmem>> -> memref<1x128x16xf32, #tpu.memory_space<vmem>>
      %dma_wait3A_229 = tpu.memref_squeeze %dma_wait3A_228 : memref<1x128x16xf32, #tpu.memory_space<vmem>> -> memref<128x16xf32, #tpu.memory_space<vmem>>
      %dma_wait3A_230 = arith.constant 384 : i32
      %dma_wait3A_231 = tpu.memref_slice %arg6[%dma_wait3A_224, %dma_wait3A_230] : memref<2x512xi32, #tpu.memory_space<vmem>> -> memref<1x128xi32, #tpu.memory_space<vmem>>
      %dma_wait3A_232 = tpu.memref_squeeze %dma_wait3A_231 : memref<1x128xi32, #tpu.memory_space<vmem>> -> memref<128xi32, #tpu.memory_space<vmem>>
      %dma_wait3A_233 = arith.constant 0 : i32
      %dma_wait3A_234 = arith.constant 0 : i32
      %dma_wait3A_235 = tpu.memref_slice %arg4[%dma_wait3A_233, %dma_wait3A_234] : memref<1040000x16xf32, #tpu.memory_space<hbm>> -> memref<1040000x16xf32, #tpu.memory_space<hbm>>
      tpu.wait_indirect_dma semaphore(%arg11 : memref<!tpu.dma_semaphore, #tpu.memory_space<semaphore_mem>>) src(%dma_wait3A_235 : memref<1040000x16xf32, #tpu.memory_space<hbm>>) dst(%dma_wait3A_229 : memref<128x16xf32, #tpu.memory_space<vmem>>)
      %ge3A = arith.constant 2 : i32
      %ge3A_236 = arith.cmpi sge, %add3A_183, %ge3A : i32
      %convert_element_type3A_237 = arith.extui %ge3A_236 : i1 to i32
      %cond3A_238 = arith.constant 0 : i32
      %cond3A_239 = arith.cmpi ne, %convert_element_type3A_237, %cond3A_238 : i32
      scf.if %cond3A_239 {
        %sub3A = arith.constant 2 : i32
        %sub3A_437 = arith.subi %add3A_183, %sub3A : i32
        %mul3A_438 = arith.constant 512 : i32
        %mul3A_439 = arith.muli %sub3A_437, %mul3A_438 : i32
        %add3A_440 = arith.addi %mul3A_2, %mul3A_439 : i32
        %shift_right_logical3A_441 = arith.constant 14 : i32
        %shift_right_logical3A_442 = arith.shrui %add3A_440, %shift_right_logical3A_441 : i32
        %and3A_443 = arith.constant 16383 : i32
        %and3A_444 = arith.andi %add3A_440, %and3A_443 : i32
        %shift_right_logical3A_445 = arith.constant 7 : i32
        %shift_right_logical3A_446 = arith.shrui %and3A_444, %shift_right_logical3A_445 : i32
        %mul3A_447 = arith.constant 2 : i32
        %mul3A_448 = arith.muli %shift_right_logical3A_442, %mul3A_447 : i32
        %mul3A_449 = arith.constant 1024 : i32
        %mul3A_450 = arith.muli %mul3A_448, %mul3A_449 : i32
        %mul3A_451 = arith.constant 8 : i32
        %mul3A_452 = arith.muli %shift_right_logical3A_446, %mul3A_451 : i32
        %add3A_453 = arith.addi %mul3A_450, %mul3A_452 : i32
        %add3A_454 = arith.constant 0 : i32
        %add3A_455 = arith.addi %add3A_453, %add3A_454 : i32
        %add3A_456 = arith.constant 1024 : i32
        %add3A_457 = arith.addi %add3A_453, %add3A_456 : i32
        %dma_wait3A_458 = arith.constant 0 : i32
        %dma_wait3A_459 = arith.constant 0 : i32
        %dma_wait3A_460 = arith.constant 0 : i32
        %dma_wait3A_461 = arith.constant 0 : i32
        %dma_wait3A_462 = tpu.memref_slice %arg9[%dma_wait3A_458, %dma_wait3A_459, %dma_wait3A_460, %dma_wait3A_461] : memref<2x2x32x128xf32, #tpu.memory_space<vmem>> -> memref<1x1x32x128xf32, #tpu.memory_space<vmem>>
        %dma_wait3A_463 = tpu.memref_squeeze %dma_wait3A_462 : memref<1x1x32x128xf32, #tpu.memory_space<vmem>> -> memref<32x128xf32, #tpu.memory_space<vmem>>
        %dma_wait3A_464 = arith.constant 0 : i32
        %dma_wait3A_465 = tpu.memref_slice %arg5[%add3A_455, %dma_wait3A_464] : memref<53248x128xf32, #tpu.memory_space<hbm>> -> memref<32x128xf32, #tpu.memory_space<hbm>>
        %dma_wait3A_466 = arith.constant 0 : i32
        %dma_wait3A_467 = tpu.memref_slice %arg5[%add3A_455, %dma_wait3A_466] : memref<53248x128xf32, #tpu.memory_space<hbm>> -> memref<32x128xf32, #tpu.memory_space<hbm>>
        %dma_wait3A_468 = arith.constant 0 : i32
        %dma_wait3A_469 = arith.constant 0 : i32
        %dma_wait3A_470 = tpu.memref_slice %arg9[%dma_wait3A_458, %dma_wait3A_459, %dma_wait3A_468, %dma_wait3A_469] : memref<2x2x32x128xf32, #tpu.memory_space<vmem>> -> memref<1x1x32x128xf32, #tpu.memory_space<vmem>>
        %dma_wait3A_471 = tpu.memref_squeeze %dma_wait3A_470 : memref<1x1x32x128xf32, #tpu.memory_space<vmem>> -> memref<32x128xf32, #tpu.memory_space<vmem>>
        tpu.wait_dma2 semaphore(%arg13 : memref<!tpu.dma_semaphore, #tpu.memory_space<semaphore_mem>>) src(%dma_wait3A_471 : memref<32x128xf32, #tpu.memory_space<vmem>>) dst(%dma_wait3A_467 : memref<32x128xf32, #tpu.memory_space<hbm>>)
        %dma_wait3A_472 = arith.constant 0 : i32
        %dma_wait3A_473 = arith.constant 1 : i32
        %dma_wait3A_474 = arith.constant 0 : i32
        %dma_wait3A_475 = arith.constant 0 : i32
        %dma_wait3A_476 = tpu.memref_slice %arg9[%dma_wait3A_472, %dma_wait3A_473, %dma_wait3A_474, %dma_wait3A_475] : memref<2x2x32x128xf32, #tpu.memory_space<vmem>> -> memref<1x1x32x128xf32, #tpu.memory_space<vmem>>
        %dma_wait3A_477 = tpu.memref_squeeze %dma_wait3A_476 : memref<1x1x32x128xf32, #tpu.memory_space<vmem>> -> memref<32x128xf32, #tpu.memory_space<vmem>>
        %dma_wait3A_478 = arith.constant 0 : i32
        %dma_wait3A_479 = tpu.memref_slice %arg5[%add3A_457, %dma_wait3A_478] : memref<53248x128xf32, #tpu.memory_space<hbm>> -> memref<32x128xf32, #tpu.memory_space<hbm>>
        %dma_wait3A_480 = arith.constant 0 : i32
        %dma_wait3A_481 = tpu.memref_slice %arg5[%add3A_457, %dma_wait3A_480] : memref<53248x128xf32, #tpu.memory_space<hbm>> -> memref<32x128xf32, #tpu.memory_space<hbm>>
        %dma_wait3A_482 = arith.constant 0 : i32
        %dma_wait3A_483 = arith.constant 0 : i32
        %dma_wait3A_484 = tpu.memref_slice %arg9[%dma_wait3A_472, %dma_wait3A_473, %dma_wait3A_482, %dma_wait3A_483] : memref<2x2x32x128xf32, #tpu.memory_space<vmem>> -> memref<1x1x32x128xf32, #tpu.memory_space<vmem>>
        %dma_wait3A_485 = tpu.memref_squeeze %dma_wait3A_484 : memref<1x1x32x128xf32, #tpu.memory_space<vmem>> -> memref<32x128xf32, #tpu.memory_space<vmem>>
        tpu.wait_dma2 semaphore(%arg13 : memref<!tpu.dma_semaphore, #tpu.memory_space<semaphore_mem>>) src(%dma_wait3A_485 : memref<32x128xf32, #tpu.memory_space<vmem>>) dst(%dma_wait3A_481 : memref<32x128xf32, #tpu.memory_space<hbm>>)
      } else {
      }
      %mul3A_240 = arith.constant 512 : i32
      %mul3A_241 = arith.muli %add3A_183, %mul3A_240 : i32
      %add3A_242 = arith.addi %mul3A_2, %mul3A_241 : i32
      %shift_right_logical3A_243 = arith.constant 14 : i32
      %shift_right_logical3A_244 = arith.shrui %add3A_242, %shift_right_logical3A_243 : i32
      %mul3A_245 = arith.constant 16 : i32
      %mul3A_246 = arith.muli %shift_right_logical3A_244, %mul3A_245 : i32
      %get3A = arith.index_cast %mul3A_246 : i32 to index
      %get3A_247 = tpu.vector_load %arg10[%get3A] {strides = array<i32>} : memref<416xf32, #tpu.memory_space<vmem>>, vector<16xf32>,
      %mul3A_248 = arith.mulf %get3A_247, %get3A_247 : vector<16xf32>
      %add3A_249 = arith.constant 1.000000e-03 : f32
      %add3A_250 = vector.broadcast %add3A_249 : f32 to vector<16xf32>
      %add3A_251 = arith.addf %mul3A_248, %add3A_250 : vector<16xf32>
      %div3A = arith.divf %mul3A_248, %add3A_251 : vector<16xf32>
      %parallel_loop3A = arith.constant 0 : i32
      %parallel_loop3A_252 = arith.constant 512 : i32
      %parallel_loop3A_253 = arith.constant 1 : i32
      scf.for %parallel_loop3A_437 = %parallel_loop3A to %parallel_loop3A_252 step %parallel_loop3A_253  : i32 {
        %parallel_loop3A_438 = arith.constant 0 : i32
        %parallel_loop3A_439 = arith.index_cast %parallel_loop3A_438 : i32 to index
        %parallel_loop3A_440 = arith.index_cast %parallel_loop3A_437 : i32 to index
        %parallel_loop3A_441 = arith.constant 0 : index
        %parallel_loop3A_442 = tpu.vector_load %arg7[%parallel_loop3A_439, %parallel_loop3A_440, %parallel_loop3A_441] {strides = array<i32>} : memref<2x512x16xf32, #tpu.memory_space<vmem>>, vector<16xf32>,
        %parallel_loop3A_443 = arith.index_cast %parallel_loop3A_437 : i32 to index
        %parallel_loop3A_444 = arith.constant 0 : index
        %parallel_loop3A_445 = tpu.vector_load %arg8[%parallel_loop3A_443, %parallel_loop3A_444] {strides = array<i32>} : memref<512x17xf32, #tpu.memory_space<vmem>>, vector<16xf32>,
        tpu.vector_store %arg8[%parallel_loop3A_443, %parallel_loop3A_444], %parallel_loop3A_442 {strides = array<i32>} : memref<512x17xf32, #tpu.memory_space<vmem>>, vector<16xf32>,
      } {sc.loop_unroll_factor = 16 : i64, sc.parallel_access}
      %parallel_loop3A_254 = arith.constant 0 : i32
      %parallel_loop3A_255 = arith.constant 32 : i32
      %parallel_loop3A_256 = arith.constant 1 : i32
      scf.for %parallel_loop3A_437 = %parallel_loop3A_254 to %parallel_loop3A_255 step %parallel_loop3A_256  : i32 {
        %parallel_loop3A_438 = arith.constant 3 : i32
        %parallel_loop3A_439 = arith.shrui %parallel_loop3A_437, %parallel_loop3A_438 : i32
        %parallel_loop3A_440 = arith.constant 7 : i32
        %parallel_loop3A_441 = arith.andi %parallel_loop3A_437, %parallel_loop3A_440 : i32
        %parallel_loop3A_442 = arith.constant 128 : i32
        %parallel_loop3A_443 = arith.muli %parallel_loop3A_439, %parallel_loop3A_442 : i32
        %parallel_loop3A_444 = arith.constant 16 : i32
        %parallel_loop3A_445 = arith.muli %parallel_loop3A_441, %parallel_loop3A_444 : i32
        %parallel_loop3A_446 = arith.addi %parallel_loop3A_443, %parallel_loop3A_445 : i32
        %parallel_loop3A_447 = vector.broadcast %parallel_loop3A_446 : i32 to vector<16xi32>
        %parallel_loop3A_448 = arith.addi %parallel_loop3A_447, %iota3A : vector<16xi32>
        %parallel_loop3A_449 = tpu.vector_load_idx %arg8[%parallel_loop3A_448, %broadcast_in_dim3A_3] : memref<512x17xf32, #tpu.memory_space<vmem>>[vector<16xi32>, vector<16xi32>], vector<16xf32>,
        %parallel_loop3A_450 = arith.mulf %parallel_loop3A_449, %div3A : vector<16xf32>
        %parallel_loop3A_451 = arith.constant 8 : i32
        %parallel_loop3A_452 = arith.muli %parallel_loop3A_439, %parallel_loop3A_451 : i32
        %parallel_loop3A_453 = arith.constant 0 : i32
        %parallel_loop3A_454 = arith.addi %parallel_loop3A_452, %parallel_loop3A_453 : i32
        %parallel_loop3A_455 = arith.constant 16 : i32
        %parallel_loop3A_456 = arith.muli %parallel_loop3A_441, %parallel_loop3A_455 : i32
        %parallel_loop3A_457 = arith.constant 0 : i32
        %parallel_loop3A_458 = arith.constant 0 : i32
        %parallel_loop3A_459 = arith.index_cast %parallel_loop3A_457 : i32 to index
        %parallel_loop3A_460 = arith.index_cast %parallel_loop3A_458 : i32 to index
        %parallel_loop3A_461 = arith.index_cast %parallel_loop3A_454 : i32 to index
        %parallel_loop3A_462 = arith.index_cast %parallel_loop3A_456 : i32 to index
        %parallel_loop3A_463 = tpu.vector_load %arg9[%parallel_loop3A_459, %parallel_loop3A_460, %parallel_loop3A_461, %parallel_loop3A_462] {strides = array<i32>} : memref<2x2x32x128xf32, #tpu.memory_space<vmem>>, vector<16xf32>,
        tpu.vector_store %arg9[%parallel_loop3A_459, %parallel_loop3A_460, %parallel_loop3A_461, %parallel_loop3A_462], %parallel_loop3A_450 {strides = array<i32>} : memref<2x2x32x128xf32, #tpu.memory_space<vmem>>, vector<16xf32>,
        %parallel_loop3A_464 = tpu.vector_load_idx %arg8[%parallel_loop3A_448, %broadcast_in_dim3A_5] : memref<512x17xf32, #tpu.memory_space<vmem>>[vector<16xi32>, vector<16xi32>], vector<16xf32>,
        %parallel_loop3A_465 = arith.mulf %parallel_loop3A_464, %div3A : vector<16xf32>
        %parallel_loop3A_466 = arith.constant 8 : i32
        %parallel_loop3A_467 = arith.muli %parallel_loop3A_439, %parallel_loop3A_466 : i32
        %parallel_loop3A_468 = arith.constant 1 : i32
        %parallel_loop3A_469 = arith.addi %parallel_loop3A_467, %parallel_loop3A_468 : i32
        %parallel_loop3A_470 = arith.constant 16 : i32
        %parallel_loop3A_471 = arith.muli %parallel_loop3A_441, %parallel_loop3A_470 : i32
        %parallel_loop3A_472 = arith.constant 0 : i32
        %parallel_loop3A_473 = arith.constant 0 : i32
        %parallel_loop3A_474 = arith.index_cast %parallel_loop3A_472 : i32 to index
        %parallel_loop3A_475 = arith.index_cast %parallel_loop3A_473 : i32 to index
        %parallel_loop3A_476 = arith.index_cast %parallel_loop3A_469 : i32 to index
        %parallel_loop3A_477 = arith.index_cast %parallel_loop3A_471 : i32 to index
        %parallel_loop3A_478 = tpu.vector_load %arg9[%parallel_loop3A_474, %parallel_loop3A_475, %parallel_loop3A_476, %parallel_loop3A_477] {strides = array<i32>} : memref<2x2x32x128xf32, #tpu.memory_space<vmem>>, vector<16xf32>,
        tpu.vector_store %arg9[%parallel_loop3A_474, %parallel_loop3A_475, %parallel_loop3A_476, %parallel_loop3A_477], %parallel_loop3A_465 {strides = array<i32>} : memref<2x2x32x128xf32, #tpu.memory_space<vmem>>, vector<16xf32>,
        %parallel_loop3A_479 = tpu.vector_load_idx %arg8[%parallel_loop3A_448, %broadcast_in_dim3A_7] : memref<512x17xf32, #tpu.memory_space<vmem>>[vector<16xi32>, vector<16xi32>], vector<16xf32>,
        %parallel_loop3A_480 = arith.mulf %parallel_loop3A_479, %div3A : vector<16xf32>
        %parallel_loop3A_481 = arith.constant 8 : i32
        %parallel_loop3A_482 = arith.muli %parallel_loop3A_439, %parallel_loop3A_481 : i32
        %parallel_loop3A_483 = arith.constant 2 : i32
        %parallel_loop3A_484 = arith.addi %parallel_loop3A_482, %parallel_loop3A_483 : i32
        %parallel_loop3A_485 = arith.constant 16 : i32
        %parallel_loop3A_486 = arith.muli %parallel_loop3A_441, %parallel_loop3A_485 : i32
        %parallel_loop3A_487 = arith.constant 0 : i32
        %parallel_loop3A_488 = arith.constant 0 : i32
        %parallel_loop3A_489 = arith.index_cast %parallel_loop3A_487 : i32 to index
        %parallel_loop3A_490 = arith.index_cast %parallel_loop3A_488 : i32 to index
        %parallel_loop3A_491 = arith.index_cast %parallel_loop3A_484 : i32 to index
        %parallel_loop3A_492 = arith.index_cast %parallel_loop3A_486 : i32 to index
        %parallel_loop3A_493 = tpu.vector_load %arg9[%parallel_loop3A_489, %parallel_loop3A_490, %parallel_loop3A_491, %parallel_loop3A_492] {strides = array<i32>} : memref<2x2x32x128xf32, #tpu.memory_space<vmem>>, vector<16xf32>,
        tpu.vector_store %arg9[%parallel_loop3A_489, %parallel_loop3A_490, %parallel_loop3A_491, %parallel_loop3A_492], %parallel_loop3A_480 {strides = array<i32>} : memref<2x2x32x128xf32, #tpu.memory_space<vmem>>, vector<16xf32>,
        %parallel_loop3A_494 = tpu.vector_load_idx %arg8[%parallel_loop3A_448, %broadcast_in_dim3A_9] : memref<512x17xf32, #tpu.memory_space<vmem>>[vector<16xi32>, vector<16xi32>], vector<16xf32>,
        %parallel_loop3A_495 = arith.mulf %parallel_loop3A_494, %div3A : vector<16xf32>
        %parallel_loop3A_496 = arith.constant 8 : i32
        %parallel_loop3A_497 = arith.muli %parallel_loop3A_439, %parallel_loop3A_496 : i32
        %parallel_loop3A_498 = arith.constant 3 : i32
        %parallel_loop3A_499 = arith.addi %parallel_loop3A_497, %parallel_loop3A_498 : i32
        %parallel_loop3A_500 = arith.constant 16 : i32
        %parallel_loop3A_501 = arith.muli %parallel_loop3A_441, %parallel_loop3A_500 : i32
        %parallel_loop3A_502 = arith.constant 0 : i32
        %parallel_loop3A_503 = arith.constant 0 : i32
        %parallel_loop3A_504 = arith.index_cast %parallel_loop3A_502 : i32 to index
        %parallel_loop3A_505 = arith.index_cast %parallel_loop3A_503 : i32 to index
        %parallel_loop3A_506 = arith.index_cast %parallel_loop3A_499 : i32 to index
        %parallel_loop3A_507 = arith.index_cast %parallel_loop3A_501 : i32 to index
        %parallel_loop3A_508 = tpu.vector_load %arg9[%parallel_loop3A_504, %parallel_loop3A_505, %parallel_loop3A_506, %parallel_loop3A_507] {strides = array<i32>} : memref<2x2x32x128xf32, #tpu.memory_space<vmem>>, vector<16xf32>,
        tpu.vector_store %arg9[%parallel_loop3A_504, %parallel_loop3A_505, %parallel_loop3A_506, %parallel_loop3A_507], %parallel_loop3A_495 {strides = array<i32>} : memref<2x2x32x128xf32, #tpu.memory_space<vmem>>, vector<16xf32>,
        %parallel_loop3A_509 = tpu.vector_load_idx %arg8[%parallel_loop3A_448, %broadcast_in_dim3A_11] : memref<512x17xf32, #tpu.memory_space<vmem>>[vector<16xi32>, vector<16xi32>], vector<16xf32>,
        %parallel_loop3A_510 = arith.mulf %parallel_loop3A_509, %div3A : vector<16xf32>
        %parallel_loop3A_511 = arith.constant 8 : i32
        %parallel_loop3A_512 = arith.muli %parallel_loop3A_439, %parallel_loop3A_511 : i32
        %parallel_loop3A_513 = arith.constant 4 : i32
        %parallel_loop3A_514 = arith.addi %parallel_loop3A_512, %parallel_loop3A_513 : i32
        %parallel_loop3A_515 = arith.constant 16 : i32
        %parallel_loop3A_516 = arith.muli %parallel_loop3A_441, %parallel_loop3A_515 : i32
        %parallel_loop3A_517 = arith.constant 0 : i32
        %parallel_loop3A_518 = arith.constant 0 : i32
        %parallel_loop3A_519 = arith.index_cast %parallel_loop3A_517 : i32 to index
        %parallel_loop3A_520 = arith.index_cast %parallel_loop3A_518 : i32 to index
        %parallel_loop3A_521 = arith.index_cast %parallel_loop3A_514 : i32 to index
        %parallel_loop3A_522 = arith.index_cast %parallel_loop3A_516 : i32 to index
        %parallel_loop3A_523 = tpu.vector_load %arg9[%parallel_loop3A_519, %parallel_loop3A_520, %parallel_loop3A_521, %parallel_loop3A_522] {strides = array<i32>} : memref<2x2x32x128xf32, #tpu.memory_space<vmem>>, vector<16xf32>,
        tpu.vector_store %arg9[%parallel_loop3A_519, %parallel_loop3A_520, %parallel_loop3A_521, %parallel_loop3A_522], %parallel_loop3A_510 {strides = array<i32>} : memref<2x2x32x128xf32, #tpu.memory_space<vmem>>, vector<16xf32>,
        %parallel_loop3A_524 = tpu.vector_load_idx %arg8[%parallel_loop3A_448, %broadcast_in_dim3A_13] : memref<512x17xf32, #tpu.memory_space<vmem>>[vector<16xi32>, vector<16xi32>], vector<16xf32>,
        %parallel_loop3A_525 = arith.mulf %parallel_loop3A_524, %div3A : vector<16xf32>
        %parallel_loop3A_526 = arith.constant 8 : i32
        %parallel_loop3A_527 = arith.muli %parallel_loop3A_439, %parallel_loop3A_526 : i32
        %parallel_loop3A_528 = arith.constant 5 : i32
        %parallel_loop3A_529 = arith.addi %parallel_loop3A_527, %parallel_loop3A_528 : i32
        %parallel_loop3A_530 = arith.constant 16 : i32
        %parallel_loop3A_531 = arith.muli %parallel_loop3A_441, %parallel_loop3A_530 : i32
        %parallel_loop3A_532 = arith.constant 0 : i32
        %parallel_loop3A_533 = arith.constant 0 : i32
        %parallel_loop3A_534 = arith.index_cast %parallel_loop3A_532 : i32 to index
        %parallel_loop3A_535 = arith.index_cast %parallel_loop3A_533 : i32 to index
        %parallel_loop3A_536 = arith.index_cast %parallel_loop3A_529 : i32 to index
        %parallel_loop3A_537 = arith.index_cast %parallel_loop3A_531 : i32 to index
        %parallel_loop3A_538 = tpu.vector_load %arg9[%parallel_loop3A_534, %parallel_loop3A_535, %parallel_loop3A_536, %parallel_loop3A_537] {strides = array<i32>} : memref<2x2x32x128xf32, #tpu.memory_space<vmem>>, vector<16xf32>,
        tpu.vector_store %arg9[%parallel_loop3A_534, %parallel_loop3A_535, %parallel_loop3A_536, %parallel_loop3A_537], %parallel_loop3A_525 {strides = array<i32>} : memref<2x2x32x128xf32, #tpu.memory_space<vmem>>, vector<16xf32>,
        %parallel_loop3A_539 = tpu.vector_load_idx %arg8[%parallel_loop3A_448, %broadcast_in_dim3A_15] : memref<512x17xf32, #tpu.memory_space<vmem>>[vector<16xi32>, vector<16xi32>], vector<16xf32>,
        %parallel_loop3A_540 = arith.mulf %parallel_loop3A_539, %div3A : vector<16xf32>
        %parallel_loop3A_541 = arith.constant 8 : i32
        %parallel_loop3A_542 = arith.muli %parallel_loop3A_439, %parallel_loop3A_541 : i32
        %parallel_loop3A_543 = arith.constant 6 : i32
        %parallel_loop3A_544 = arith.addi %parallel_loop3A_542, %parallel_loop3A_543 : i32
        %parallel_loop3A_545 = arith.constant 16 : i32
        %parallel_loop3A_546 = arith.muli %parallel_loop3A_441, %parallel_loop3A_545 : i32
        %parallel_loop3A_547 = arith.constant 0 : i32
        %parallel_loop3A_548 = arith.constant 0 : i32
        %parallel_loop3A_549 = arith.index_cast %parallel_loop3A_547 : i32 to index
        %parallel_loop3A_550 = arith.index_cast %parallel_loop3A_548 : i32 to index
        %parallel_loop3A_551 = arith.index_cast %parallel_loop3A_544 : i32 to index
        %parallel_loop3A_552 = arith.index_cast %parallel_loop3A_546 : i32 to index
        %parallel_loop3A_553 = tpu.vector_load %arg9[%parallel_loop3A_549, %parallel_loop3A_550, %parallel_loop3A_551, %parallel_loop3A_552] {strides = array<i32>} : memref<2x2x32x128xf32, #tpu.memory_space<vmem>>, vector<16xf32>,
        tpu.vector_store %arg9[%parallel_loop3A_549, %parallel_loop3A_550, %parallel_loop3A_551, %parallel_loop3A_552], %parallel_loop3A_540 {strides = array<i32>} : memref<2x2x32x128xf32, #tpu.memory_space<vmem>>, vector<16xf32>,
        %parallel_loop3A_554 = tpu.vector_load_idx %arg8[%parallel_loop3A_448, %broadcast_in_dim3A_17] : memref<512x17xf32, #tpu.memory_space<vmem>>[vector<16xi32>, vector<16xi32>], vector<16xf32>,
        %parallel_loop3A_555 = arith.mulf %parallel_loop3A_554, %div3A : vector<16xf32>
        %parallel_loop3A_556 = arith.constant 8 : i32
        %parallel_loop3A_557 = arith.muli %parallel_loop3A_439, %parallel_loop3A_556 : i32
        %parallel_loop3A_558 = arith.constant 7 : i32
        %parallel_loop3A_559 = arith.addi %parallel_loop3A_557, %parallel_loop3A_558 : i32
        %parallel_loop3A_560 = arith.constant 16 : i32
        %parallel_loop3A_561 = arith.muli %parallel_loop3A_441, %parallel_loop3A_560 : i32
        %parallel_loop3A_562 = arith.constant 0 : i32
        %parallel_loop3A_563 = arith.constant 0 : i32
        %parallel_loop3A_564 = arith.index_cast %parallel_loop3A_562 : i32 to index
        %parallel_loop3A_565 = arith.index_cast %parallel_loop3A_563 : i32 to index
        %parallel_loop3A_566 = arith.index_cast %parallel_loop3A_559 : i32 to index
        %parallel_loop3A_567 = arith.index_cast %parallel_loop3A_561 : i32 to index
        %parallel_loop3A_568 = tpu.vector_load %arg9[%parallel_loop3A_564, %parallel_loop3A_565, %parallel_loop3A_566, %parallel_loop3A_567] {strides = array<i32>} : memref<2x2x32x128xf32, #tpu.memory_space<vmem>>, vector<16xf32>,
        tpu.vector_store %arg9[%parallel_loop3A_564, %parallel_loop3A_565, %parallel_loop3A_566, %parallel_loop3A_567], %parallel_loop3A_555 {strides = array<i32>} : memref<2x2x32x128xf32, #tpu.memory_space<vmem>>, vector<16xf32>,
        %parallel_loop3A_569 = tpu.vector_load_idx %arg8[%parallel_loop3A_448, %broadcast_in_dim3A_19] : memref<512x17xf32, #tpu.memory_space<vmem>>[vector<16xi32>, vector<16xi32>], vector<16xf32>,
        %parallel_loop3A_570 = arith.mulf %parallel_loop3A_569, %div3A : vector<16xf32>
        %parallel_loop3A_571 = arith.constant 8 : i32
        %parallel_loop3A_572 = arith.muli %parallel_loop3A_439, %parallel_loop3A_571 : i32
        %parallel_loop3A_573 = arith.constant 0 : i32
        %parallel_loop3A_574 = arith.addi %parallel_loop3A_572, %parallel_loop3A_573 : i32
        %parallel_loop3A_575 = arith.constant 16 : i32
        %parallel_loop3A_576 = arith.muli %parallel_loop3A_441, %parallel_loop3A_575 : i32
        %parallel_loop3A_577 = arith.constant 0 : i32
        %parallel_loop3A_578 = arith.constant 1 : i32
        %parallel_loop3A_579 = arith.index_cast %parallel_loop3A_577 : i32 to index
        %parallel_loop3A_580 = arith.index_cast %parallel_loop3A_578 : i32 to index
        %parallel_loop3A_581 = arith.index_cast %parallel_loop3A_574 : i32 to index
        %parallel_loop3A_582 = arith.index_cast %parallel_loop3A_576 : i32 to index
        %parallel_loop3A_583 = tpu.vector_load %arg9[%parallel_loop3A_579, %parallel_loop3A_580, %parallel_loop3A_581, %parallel_loop3A_582] {strides = array<i32>} : memref<2x2x32x128xf32, #tpu.memory_space<vmem>>, vector<16xf32>,
        tpu.vector_store %arg9[%parallel_loop3A_579, %parallel_loop3A_580, %parallel_loop3A_581, %parallel_loop3A_582], %parallel_loop3A_570 {strides = array<i32>} : memref<2x2x32x128xf32, #tpu.memory_space<vmem>>, vector<16xf32>,
        %parallel_loop3A_584 = tpu.vector_load_idx %arg8[%parallel_loop3A_448, %broadcast_in_dim3A_21] : memref<512x17xf32, #tpu.memory_space<vmem>>[vector<16xi32>, vector<16xi32>], vector<16xf32>,
        %parallel_loop3A_585 = arith.mulf %parallel_loop3A_584, %div3A : vector<16xf32>
        %parallel_loop3A_586 = arith.constant 8 : i32
        %parallel_loop3A_587 = arith.muli %parallel_loop3A_439, %parallel_loop3A_586 : i32
        %parallel_loop3A_588 = arith.constant 1 : i32
        %parallel_loop3A_589 = arith.addi %parallel_loop3A_587, %parallel_loop3A_588 : i32
        %parallel_loop3A_590 = arith.constant 16 : i32
        %parallel_loop3A_591 = arith.muli %parallel_loop3A_441, %parallel_loop3A_590 : i32
        %parallel_loop3A_592 = arith.constant 0 : i32
        %parallel_loop3A_593 = arith.constant 1 : i32
        %parallel_loop3A_594 = arith.index_cast %parallel_loop3A_592 : i32 to index
        %parallel_loop3A_595 = arith.index_cast %parallel_loop3A_593 : i32 to index
        %parallel_loop3A_596 = arith.index_cast %parallel_loop3A_589 : i32 to index
        %parallel_loop3A_597 = arith.index_cast %parallel_loop3A_591 : i32 to index
        %parallel_loop3A_598 = tpu.vector_load %arg9[%parallel_loop3A_594, %parallel_loop3A_595, %parallel_loop3A_596, %parallel_loop3A_597] {strides = array<i32>} : memref<2x2x32x128xf32, #tpu.memory_space<vmem>>, vector<16xf32>,
        tpu.vector_store %arg9[%parallel_loop3A_594, %parallel_loop3A_595, %parallel_loop3A_596, %parallel_loop3A_597], %parallel_loop3A_585 {strides = array<i32>} : memref<2x2x32x128xf32, #tpu.memory_space<vmem>>, vector<16xf32>,
        %parallel_loop3A_599 = tpu.vector_load_idx %arg8[%parallel_loop3A_448, %broadcast_in_dim3A_23] : memref<512x17xf32, #tpu.memory_space<vmem>>[vector<16xi32>, vector<16xi32>], vector<16xf32>,
        %parallel_loop3A_600 = arith.mulf %parallel_loop3A_599, %div3A : vector<16xf32>
        %parallel_loop3A_601 = arith.constant 8 : i32
        %parallel_loop3A_602 = arith.muli %parallel_loop3A_439, %parallel_loop3A_601 : i32
        %parallel_loop3A_603 = arith.constant 2 : i32
        %parallel_loop3A_604 = arith.addi %parallel_loop3A_602, %parallel_loop3A_603 : i32
        %parallel_loop3A_605 = arith.constant 16 : i32
        %parallel_loop3A_606 = arith.muli %parallel_loop3A_441, %parallel_loop3A_605 : i32
        %parallel_loop3A_607 = arith.constant 0 : i32
        %parallel_loop3A_608 = arith.constant 1 : i32
        %parallel_loop3A_609 = arith.index_cast %parallel_loop3A_607 : i32 to index
        %parallel_loop3A_610 = arith.index_cast %parallel_loop3A_608 : i32 to index
        %parallel_loop3A_611 = arith.index_cast %parallel_loop3A_604 : i32 to index
        %parallel_loop3A_612 = arith.index_cast %parallel_loop3A_606 : i32 to index
        %parallel_loop3A_613 = tpu.vector_load %arg9[%parallel_loop3A_609, %parallel_loop3A_610, %parallel_loop3A_611, %parallel_loop3A_612] {strides = array<i32>} : memref<2x2x32x128xf32, #tpu.memory_space<vmem>>, vector<16xf32>,
        tpu.vector_store %arg9[%parallel_loop3A_609, %parallel_loop3A_610, %parallel_loop3A_611, %parallel_loop3A_612], %parallel_loop3A_600 {strides = array<i32>} : memref<2x2x32x128xf32, #tpu.memory_space<vmem>>, vector<16xf32>,
        %parallel_loop3A_614 = tpu.vector_load_idx %arg8[%parallel_loop3A_448, %broadcast_in_dim3A_25] : memref<512x17xf32, #tpu.memory_space<vmem>>[vector<16xi32>, vector<16xi32>], vector<16xf32>,
        %parallel_loop3A_615 = arith.mulf %parallel_loop3A_614, %div3A : vector<16xf32>
        %parallel_loop3A_616 = arith.constant 8 : i32
        %parallel_loop3A_617 = arith.muli %parallel_loop3A_439, %parallel_loop3A_616 : i32
        %parallel_loop3A_618 = arith.constant 3 : i32
        %parallel_loop3A_619 = arith.addi %parallel_loop3A_617, %parallel_loop3A_618 : i32
        %parallel_loop3A_620 = arith.constant 16 : i32
        %parallel_loop3A_621 = arith.muli %parallel_loop3A_441, %parallel_loop3A_620 : i32
        %parallel_loop3A_622 = arith.constant 0 : i32
        %parallel_loop3A_623 = arith.constant 1 : i32
        %parallel_loop3A_624 = arith.index_cast %parallel_loop3A_622 : i32 to index
        %parallel_loop3A_625 = arith.index_cast %parallel_loop3A_623 : i32 to index
        %parallel_loop3A_626 = arith.index_cast %parallel_loop3A_619 : i32 to index
        %parallel_loop3A_627 = arith.index_cast %parallel_loop3A_621 : i32 to index
        %parallel_loop3A_628 = tpu.vector_load %arg9[%parallel_loop3A_624, %parallel_loop3A_625, %parallel_loop3A_626, %parallel_loop3A_627] {strides = array<i32>} : memref<2x2x32x128xf32, #tpu.memory_space<vmem>>, vector<16xf32>,
        tpu.vector_store %arg9[%parallel_loop3A_624, %parallel_loop3A_625, %parallel_loop3A_626, %parallel_loop3A_627], %parallel_loop3A_615 {strides = array<i32>} : memref<2x2x32x128xf32, #tpu.memory_space<vmem>>, vector<16xf32>,
        %parallel_loop3A_629 = tpu.vector_load_idx %arg8[%parallel_loop3A_448, %broadcast_in_dim3A_27] : memref<512x17xf32, #tpu.memory_space<vmem>>[vector<16xi32>, vector<16xi32>], vector<16xf32>,
        %parallel_loop3A_630 = arith.mulf %parallel_loop3A_629, %div3A : vector<16xf32>
        %parallel_loop3A_631 = arith.constant 8 : i32
        %parallel_loop3A_632 = arith.muli %parallel_loop3A_439, %parallel_loop3A_631 : i32
        %parallel_loop3A_633 = arith.constant 4 : i32
        %parallel_loop3A_634 = arith.addi %parallel_loop3A_632, %parallel_loop3A_633 : i32
        %parallel_loop3A_635 = arith.constant 16 : i32
        %parallel_loop3A_636 = arith.muli %parallel_loop3A_441, %parallel_loop3A_635 : i32
        %parallel_loop3A_637 = arith.constant 0 : i32
        %parallel_loop3A_638 = arith.constant 1 : i32
        %parallel_loop3A_639 = arith.index_cast %parallel_loop3A_637 : i32 to index
        %parallel_loop3A_640 = arith.index_cast %parallel_loop3A_638 : i32 to index
        %parallel_loop3A_641 = arith.index_cast %parallel_loop3A_634 : i32 to index
        %parallel_loop3A_642 = arith.index_cast %parallel_loop3A_636 : i32 to index
        %parallel_loop3A_643 = tpu.vector_load %arg9[%parallel_loop3A_639, %parallel_loop3A_640, %parallel_loop3A_641, %parallel_loop3A_642] {strides = array<i32>} : memref<2x2x32x128xf32, #tpu.memory_space<vmem>>, vector<16xf32>,
        tpu.vector_store %arg9[%parallel_loop3A_639, %parallel_loop3A_640, %parallel_loop3A_641, %parallel_loop3A_642], %parallel_loop3A_630 {strides = array<i32>} : memref<2x2x32x128xf32, #tpu.memory_space<vmem>>, vector<16xf32>,
        %parallel_loop3A_644 = tpu.vector_load_idx %arg8[%parallel_loop3A_448, %broadcast_in_dim3A_29] : memref<512x17xf32, #tpu.memory_space<vmem>>[vector<16xi32>, vector<16xi32>], vector<16xf32>,
        %parallel_loop3A_645 = arith.mulf %parallel_loop3A_644, %div3A : vector<16xf32>
        %parallel_loop3A_646 = arith.constant 8 : i32
        %parallel_loop3A_647 = arith.muli %parallel_loop3A_439, %parallel_loop3A_646 : i32
        %parallel_loop3A_648 = arith.constant 5 : i32
        %parallel_loop3A_649 = arith.addi %parallel_loop3A_647, %parallel_loop3A_648 : i32
        %parallel_loop3A_650 = arith.constant 16 : i32
        %parallel_loop3A_651 = arith.muli %parallel_loop3A_441, %parallel_loop3A_650 : i32
        %parallel_loop3A_652 = arith.constant 0 : i32
        %parallel_loop3A_653 = arith.constant 1 : i32
        %parallel_loop3A_654 = arith.index_cast %parallel_loop3A_652 : i32 to index
        %parallel_loop3A_655 = arith.index_cast %parallel_loop3A_653 : i32 to index
        %parallel_loop3A_656 = arith.index_cast %parallel_loop3A_649 : i32 to index
        %parallel_loop3A_657 = arith.index_cast %parallel_loop3A_651 : i32 to index
        %parallel_loop3A_658 = tpu.vector_load %arg9[%parallel_loop3A_654, %parallel_loop3A_655, %parallel_loop3A_656, %parallel_loop3A_657] {strides = array<i32>} : memref<2x2x32x128xf32, #tpu.memory_space<vmem>>, vector<16xf32>,
        tpu.vector_store %arg9[%parallel_loop3A_654, %parallel_loop3A_655, %parallel_loop3A_656, %parallel_loop3A_657], %parallel_loop3A_645 {strides = array<i32>} : memref<2x2x32x128xf32, #tpu.memory_space<vmem>>, vector<16xf32>,
        %parallel_loop3A_659 = tpu.vector_load_idx %arg8[%parallel_loop3A_448, %broadcast_in_dim3A_31] : memref<512x17xf32, #tpu.memory_space<vmem>>[vector<16xi32>, vector<16xi32>], vector<16xf32>,
        %parallel_loop3A_660 = arith.mulf %parallel_loop3A_659, %div3A : vector<16xf32>
        %parallel_loop3A_661 = arith.constant 8 : i32
        %parallel_loop3A_662 = arith.muli %parallel_loop3A_439, %parallel_loop3A_661 : i32
        %parallel_loop3A_663 = arith.constant 6 : i32
        %parallel_loop3A_664 = arith.addi %parallel_loop3A_662, %parallel_loop3A_663 : i32
        %parallel_loop3A_665 = arith.constant 16 : i32
        %parallel_loop3A_666 = arith.muli %parallel_loop3A_441, %parallel_loop3A_665 : i32
        %parallel_loop3A_667 = arith.constant 0 : i32
        %parallel_loop3A_668 = arith.constant 1 : i32
        %parallel_loop3A_669 = arith.index_cast %parallel_loop3A_667 : i32 to index
        %parallel_loop3A_670 = arith.index_cast %parallel_loop3A_668 : i32 to index
        %parallel_loop3A_671 = arith.index_cast %parallel_loop3A_664 : i32 to index
        %parallel_loop3A_672 = arith.index_cast %parallel_loop3A_666 : i32 to index
        %parallel_loop3A_673 = tpu.vector_load %arg9[%parallel_loop3A_669, %parallel_loop3A_670, %parallel_loop3A_671, %parallel_loop3A_672] {strides = array<i32>} : memref<2x2x32x128xf32, #tpu.memory_space<vmem>>, vector<16xf32>,
        tpu.vector_store %arg9[%parallel_loop3A_669, %parallel_loop3A_670, %parallel_loop3A_671, %parallel_loop3A_672], %parallel_loop3A_660 {strides = array<i32>} : memref<2x2x32x128xf32, #tpu.memory_space<vmem>>, vector<16xf32>,
        %parallel_loop3A_674 = tpu.vector_load_idx %arg8[%parallel_loop3A_448, %broadcast_in_dim3A_33] : memref<512x17xf32, #tpu.memory_space<vmem>>[vector<16xi32>, vector<16xi32>], vector<16xf32>,
        %parallel_loop3A_675 = arith.mulf %parallel_loop3A_674, %div3A : vector<16xf32>
        %parallel_loop3A_676 = arith.constant 8 : i32
        %parallel_loop3A_677 = arith.muli %parallel_loop3A_439, %parallel_loop3A_676 : i32
        %parallel_loop3A_678 = arith.constant 7 : i32
        %parallel_loop3A_679 = arith.addi %parallel_loop3A_677, %parallel_loop3A_678 : i32
        %parallel_loop3A_680 = arith.constant 16 : i32
        %parallel_loop3A_681 = arith.muli %parallel_loop3A_441, %parallel_loop3A_680 : i32
        %parallel_loop3A_682 = arith.constant 0 : i32
        %parallel_loop3A_683 = arith.constant 1 : i32
        %parallel_loop3A_684 = arith.index_cast %parallel_loop3A_682 : i32 to index
        %parallel_loop3A_685 = arith.index_cast %parallel_loop3A_683 : i32 to index
        %parallel_loop3A_686 = arith.index_cast %parallel_loop3A_679 : i32 to index
        %parallel_loop3A_687 = arith.index_cast %parallel_loop3A_681 : i32 to index
        %parallel_loop3A_688 = tpu.vector_load %arg9[%parallel_loop3A_684, %parallel_loop3A_685, %parallel_loop3A_686, %parallel_loop3A_687] {strides = array<i32>} : memref<2x2x32x128xf32, #tpu.memory_space<vmem>>, vector<16xf32>,
        tpu.vector_store %arg9[%parallel_loop3A_684, %parallel_loop3A_685, %parallel_loop3A_686, %parallel_loop3A_687], %parallel_loop3A_675 {strides = array<i32>} : memref<2x2x32x128xf32, #tpu.memory_space<vmem>>, vector<16xf32>,
      } {sc.loop_unroll_factor = 8 : i64, sc.parallel_access}
      %mul3A_257 = arith.constant 512 : i32
      %mul3A_258 = arith.muli %add3A_183, %mul3A_257 : i32
      %add3A_259 = arith.addi %mul3A_2, %mul3A_258 : i32
      %shift_right_logical3A_260 = arith.constant 14 : i32
      %shift_right_logical3A_261 = arith.shrui %add3A_259, %shift_right_logical3A_260 : i32
      %and3A_262 = arith.constant 16383 : i32
      %and3A_263 = arith.andi %add3A_259, %and3A_262 : i32
      %shift_right_logical3A_264 = arith.constant 7 : i32
      %shift_right_logical3A_265 = arith.shrui %and3A_263, %shift_right_logical3A_264 : i32
      %mul3A_266 = arith.constant 2 : i32
      %mul3A_267 = arith.muli %shift_right_logical3A_261, %mul3A_266 : i32
      %mul3A_268 = arith.constant 1024 : i32
      %mul3A_269 = arith.muli %mul3A_267, %mul3A_268 : i32
      %mul3A_270 = arith.constant 8 : i32
      %mul3A_271 = arith.muli %shift_right_logical3A_265, %mul3A_270 : i32
      %add3A_272 = arith.addi %mul3A_269, %mul3A_271 : i32
      %add3A_273 = arith.constant 0 : i32
      %add3A_274 = arith.addi %add3A_272, %add3A_273 : i32
      %add3A_275 = arith.constant 1024 : i32
      %add3A_276 = arith.addi %add3A_272, %add3A_275 : i32
      %dma_start3A_277 = arith.constant 0 : i32
      %dma_start3A_278 = arith.constant 0 : i32
      %dma_start3A_279 = arith.constant 0 : i32
      %dma_start3A_280 = arith.constant 0 : i32
      %dma_start3A_281 = tpu.memref_slice %arg9[%dma_start3A_277, %dma_start3A_278, %dma_start3A_279, %dma_start3A_280] : memref<2x2x32x128xf32, #tpu.memory_space<vmem>> -> memref<1x1x32x128xf32, #tpu.memory_space<vmem>>
      %dma_start3A_282 = tpu.memref_squeeze %dma_start3A_281 : memref<1x1x32x128xf32, #tpu.memory_space<vmem>> -> memref<32x128xf32, #tpu.memory_space<vmem>>
      %dma_start3A_283 = arith.constant 0 : i32
      %dma_start3A_284 = tpu.memref_slice %arg5[%add3A_274, %dma_start3A_283] : memref<53248x128xf32, #tpu.memory_space<hbm>> -> memref<32x128xf32, #tpu.memory_space<hbm>>
      %dma_start3A_285 = arith.constant 0 : i32
      %dma_start3A_286 = tpu.memref_slice %arg5[%add3A_274, %dma_start3A_285] : memref<53248x128xf32, #tpu.memory_space<hbm>> -> memref<32x128xf32, #tpu.memory_space<hbm>>
      %dma_start3A_287 = arith.constant 0 : i32
      %dma_start3A_288 = arith.constant 0 : i32
      %dma_start3A_289 = tpu.memref_slice %arg9[%dma_start3A_277, %dma_start3A_278, %dma_start3A_287, %dma_start3A_288] : memref<2x2x32x128xf32, #tpu.memory_space<vmem>> -> memref<1x1x32x128xf32, #tpu.memory_space<vmem>>
      %dma_start3A_290 = tpu.memref_squeeze %dma_start3A_289 : memref<1x1x32x128xf32, #tpu.memory_space<vmem>> -> memref<32x128xf32, #tpu.memory_space<vmem>>
      tpu.enqueue_dma source(%dma_start3A_290 : memref<32x128xf32, #tpu.memory_space<vmem>>) target(%dma_start3A_286 : memref<32x128xf32, #tpu.memory_space<hbm>>) target_semaphore(%arg13 : memref<!tpu.dma_semaphore, #tpu.memory_space<semaphore_mem>>)
      %dma_start3A_291 = arith.constant 0 : i32
      %dma_start3A_292 = arith.constant 1 : i32
      %dma_start3A_293 = arith.constant 0 : i32
      %dma_start3A_294 = arith.constant 0 : i32
      %dma_start3A_295 = tpu.memref_slice %arg9[%dma_start3A_291, %dma_start3A_292, %dma_start3A_293, %dma_start3A_294] : memref<2x2x32x128xf32, #tpu.memory_space<vmem>> -> memref<1x1x32x128xf32, #tpu.memory_space<vmem>>
      %dma_start3A_296 = tpu.memref_squeeze %dma_start3A_295 : memref<1x1x32x128xf32, #tpu.memory_space<vmem>> -> memref<32x128xf32, #tpu.memory_space<vmem>>
      %dma_start3A_297 = arith.constant 0 : i32
      %dma_start3A_298 = tpu.memref_slice %arg5[%add3A_276, %dma_start3A_297] : memref<53248x128xf32, #tpu.memory_space<hbm>> -> memref<32x128xf32, #tpu.memory_space<hbm>>
      %dma_start3A_299 = arith.constant 0 : i32
      %dma_start3A_300 = tpu.memref_slice %arg5[%add3A_276, %dma_start3A_299] : memref<53248x128xf32, #tpu.memory_space<hbm>> -> memref<32x128xf32, #tpu.memory_space<hbm>>
      %dma_start3A_301 = arith.constant 0 : i32
      %dma_start3A_302 = arith.constant 0 : i32
      %dma_start3A_303 = tpu.memref_slice %arg9[%dma_start3A_291, %dma_start3A_292, %dma_start3A_301, %dma_start3A_302] : memref<2x2x32x128xf32, #tpu.memory_space<vmem>> -> memref<1x1x32x128xf32, #tpu.memory_space<vmem>>
      %dma_start3A_304 = tpu.memref_squeeze %dma_start3A_303 : memref<1x1x32x128xf32, #tpu.memory_space<vmem>> -> memref<32x128xf32, #tpu.memory_space<vmem>>
      tpu.enqueue_dma source(%dma_start3A_304 : memref<32x128xf32, #tpu.memory_space<vmem>>) target(%dma_start3A_300 : memref<32x128xf32, #tpu.memory_space<hbm>>) target_semaphore(%arg13 : memref<!tpu.dma_semaphore, #tpu.memory_space<semaphore_mem>>)
      %mul3A_305 = arith.constant 2 : i32
      %mul3A_306 = arith.muli %mul3A_305, %scan3A_179 : i32
      %add3A_307 = arith.constant 1 : i32
      %add3A_308 = arith.addi %mul3A_306, %add3A_307 : i32
      %add3A_309 = arith.constant 1 : i32
      %add3A_310 = arith.addi %add3A_308, %add3A_309 : i32
      %lt3A_311 = arith.constant 26 : i32
      %lt3A_312 = arith.cmpi slt, %add3A_310, %lt3A_311 : i32
      %convert_element_type3A_313 = arith.extui %lt3A_312 : i1 to i32
      %cond3A_314 = arith.constant 0 : i32
      %cond3A_315 = arith.cmpi ne, %convert_element_type3A_313, %cond3A_314 : i32
      scf.if %cond3A_315 {
        %add3A_437 = arith.constant 1 : i32
        %add3A_438 = arith.addi %add3A_308, %add3A_437 : i32
        %mul3A_439 = arith.constant 512 : i32
        %mul3A_440 = arith.muli %add3A_438, %mul3A_439 : i32
        %add3A_441 = arith.addi %mul3A_2, %mul3A_440 : i32
        %run_scoped3A_442 = arith.constant 0 : i32
        "tpu.region"() ({
          %run_scoped3A_491 = tpu.sem_alloc : memref<!tpu.dma_semaphore, #tpu.memory_space<semaphore_mem>>
          %dma_start3A_492 = arith.constant 0 : i32
          %dma_start3A_493 = tpu.memref_slice %arg6[%run_scoped3A_442, %dma_start3A_492] : memref<2x512xi32, #tpu.memory_space<vmem>> -> memref<1x512xi32, #tpu.memory_space<vmem>>
          %dma_start3A_494 = tpu.memref_squeeze %dma_start3A_493 : memref<1x512xi32, #tpu.memory_space<vmem>> -> memref<512xi32, #tpu.memory_space<vmem>>
          %dma_start3A_495 = tpu.memref_slice %arg2[%add3A_441] : memref<425984xi32, #tpu.memory_space<hbm>> -> memref<512xi32, #tpu.memory_space<hbm>>
          %dma_start3A_496 = arith.constant 0 : i32
          %dma_start3A_497 = tpu.memref_slice %arg6[%run_scoped3A_442, %dma_start3A_496] : memref<2x512xi32, #tpu.memory_space<vmem>> -> memref<1x512xi32, #tpu.memory_space<vmem>>
          %dma_start3A_498 = tpu.memref_squeeze %dma_start3A_497 : memref<1x512xi32, #tpu.memory_space<vmem>> -> memref<512xi32, #tpu.memory_space<vmem>>
          %dma_start3A_499 = tpu.memref_slice %arg2[%add3A_441] : memref<425984xi32, #tpu.memory_space<hbm>> -> memref<512xi32, #tpu.memory_space<hbm>>
          tpu.enqueue_dma source(%dma_start3A_499 : memref<512xi32, #tpu.memory_space<hbm>>) target(%dma_start3A_498 : memref<512xi32, #tpu.memory_space<vmem>>) target_semaphore(%run_scoped3A_491 : memref<!tpu.dma_semaphore, #tpu.memory_space<semaphore_mem>>)
          %dma_wait3A_500 = arith.constant 0 : i32
          %dma_wait3A_501 = tpu.memref_slice %arg6[%run_scoped3A_442, %dma_wait3A_500] : memref<2x512xi32, #tpu.memory_space<vmem>> -> memref<1x512xi32, #tpu.memory_space<vmem>>
          %dma_wait3A_502 = tpu.memref_squeeze %dma_wait3A_501 : memref<1x512xi32, #tpu.memory_space<vmem>> -> memref<512xi32, #tpu.memory_space<vmem>>
          %dma_wait3A_503 = tpu.memref_slice %arg2[%add3A_441] : memref<425984xi32, #tpu.memory_space<hbm>> -> memref<512xi32, #tpu.memory_space<hbm>>
          %dma_wait3A_504 = arith.constant 0 : i32
          %dma_wait3A_505 = tpu.memref_slice %arg6[%run_scoped3A_442, %dma_wait3A_504] : memref<2x512xi32, #tpu.memory_space<vmem>> -> memref<1x512xi32, #tpu.memory_space<vmem>>
          %dma_wait3A_506 = tpu.memref_squeeze %dma_wait3A_505 : memref<1x512xi32, #tpu.memory_space<vmem>> -> memref<512xi32, #tpu.memory_space<vmem>>
          %dma_wait3A_507 = tpu.memref_slice %arg2[%add3A_441] : memref<425984xi32, #tpu.memory_space<hbm>> -> memref<512xi32, #tpu.memory_space<hbm>>
          tpu.wait_dma2 semaphore(%run_scoped3A_491 : memref<!tpu.dma_semaphore, #tpu.memory_space<semaphore_mem>>) src(%dma_wait3A_507 : memref<512xi32, #tpu.memory_space<hbm>>) dst(%dma_wait3A_506 : memref<512xi32, #tpu.memory_space<vmem>>)
          tpu.yield
        }) : () -> ()
        %dma_start3A_443 = arith.constant 0 : i32
        %dma_start3A_444 = arith.constant 0 : i32
        %dma_start3A_445 = arith.constant 0 : i32
        %dma_start3A_446 = arith.constant 0 : i32
        %dma_start3A_447 = tpu.memref_slice %arg7[%dma_start3A_444, %dma_start3A_445, %dma_start3A_446] : memref<2x512x16xf32, #tpu.memory_space<vmem>> -> memref<1x128x16xf32, #tpu.memory_space<vmem>>
        %dma_start3A_448 = tpu.memref_squeeze %dma_start3A_447 : memref<1x128x16xf32, #tpu.memory_space<vmem>> -> memref<128x16xf32, #tpu.memory_space<vmem>>
        %dma_start3A_449 = arith.constant 0 : i32
        %dma_start3A_450 = tpu.memref_slice %arg6[%dma_start3A_443, %dma_start3A_449] : memref<2x512xi32, #tpu.memory_space<vmem>> -> memref<1x128xi32, #tpu.memory_space<vmem>>
        %dma_start3A_451 = tpu.memref_squeeze %dma_start3A_450 : memref<1x128xi32, #tpu.memory_space<vmem>> -> memref<128xi32, #tpu.memory_space<vmem>>
        %dma_start3A_452 = arith.constant 0 : i32
        %dma_start3A_453 = arith.constant 0 : i32
        %dma_start3A_454 = tpu.memref_slice %arg4[%dma_start3A_452, %dma_start3A_453] : memref<1040000x16xf32, #tpu.memory_space<hbm>> -> memref<1040000x16xf32, #tpu.memory_space<hbm>>
        tpu.enqueue_indirect_dma source(%dma_start3A_454 : memref<1040000x16xf32, #tpu.memory_space<hbm>>) target(%dma_start3A_448 : memref<128x16xf32, #tpu.memory_space<vmem>>) offsets(%dma_start3A_451 : memref<128xi32, #tpu.memory_space<vmem>>) semaphore(%arg11 : memref<!tpu.dma_semaphore, #tpu.memory_space<semaphore_mem>>)
        %dma_start3A_455 = arith.constant 0 : i32
        %dma_start3A_456 = arith.constant 0 : i32
        %dma_start3A_457 = arith.constant 128 : i32
        %dma_start3A_458 = arith.constant 0 : i32
        %dma_start3A_459 = tpu.memref_slice %arg7[%dma_start3A_456, %dma_start3A_457, %dma_start3A_458] : memref<2x512x16xf32, #tpu.memory_space<vmem>> -> memref<1x128x16xf32, #tpu.memory_space<vmem>>
        %dma_start3A_460 = tpu.memref_squeeze %dma_start3A_459 : memref<1x128x16xf32, #tpu.memory_space<vmem>> -> memref<128x16xf32, #tpu.memory_space<vmem>>
        %dma_start3A_461 = arith.constant 128 : i32
        %dma_start3A_462 = tpu.memref_slice %arg6[%dma_start3A_455, %dma_start3A_461] : memref<2x512xi32, #tpu.memory_space<vmem>> -> memref<1x128xi32, #tpu.memory_space<vmem>>
        %dma_start3A_463 = tpu.memref_squeeze %dma_start3A_462 : memref<1x128xi32, #tpu.memory_space<vmem>> -> memref<128xi32, #tpu.memory_space<vmem>>
        %dma_start3A_464 = arith.constant 0 : i32
        %dma_start3A_465 = arith.constant 0 : i32
        %dma_start3A_466 = tpu.memref_slice %arg4[%dma_start3A_464, %dma_start3A_465] : memref<1040000x16xf32, #tpu.memory_space<hbm>> -> memref<1040000x16xf32, #tpu.memory_space<hbm>>
        tpu.enqueue_indirect_dma source(%dma_start3A_466 : memref<1040000x16xf32, #tpu.memory_space<hbm>>) target(%dma_start3A_460 : memref<128x16xf32, #tpu.memory_space<vmem>>) offsets(%dma_start3A_463 : memref<128xi32, #tpu.memory_space<vmem>>) semaphore(%arg11 : memref<!tpu.dma_semaphore, #tpu.memory_space<semaphore_mem>>)
        %dma_start3A_467 = arith.constant 0 : i32
        %dma_start3A_468 = arith.constant 0 : i32
        %dma_start3A_469 = arith.constant 256 : i32
        %dma_start3A_470 = arith.constant 0 : i32
        %dma_start3A_471 = tpu.memref_slice %arg7[%dma_start3A_468, %dma_start3A_469, %dma_start3A_470] : memref<2x512x16xf32, #tpu.memory_space<vmem>> -> memref<1x128x16xf32, #tpu.memory_space<vmem>>
        %dma_start3A_472 = tpu.memref_squeeze %dma_start3A_471 : memref<1x128x16xf32, #tpu.memory_space<vmem>> -> memref<128x16xf32, #tpu.memory_space<vmem>>
        %dma_start3A_473 = arith.constant 256 : i32
        %dma_start3A_474 = tpu.memref_slice %arg6[%dma_start3A_467, %dma_start3A_473] : memref<2x512xi32, #tpu.memory_space<vmem>> -> memref<1x128xi32, #tpu.memory_space<vmem>>
        %dma_start3A_475 = tpu.memref_squeeze %dma_start3A_474 : memref<1x128xi32, #tpu.memory_space<vmem>> -> memref<128xi32, #tpu.memory_space<vmem>>
        %dma_start3A_476 = arith.constant 0 : i32
        %dma_start3A_477 = arith.constant 0 : i32
        %dma_start3A_478 = tpu.memref_slice %arg4[%dma_start3A_476, %dma_start3A_477] : memref<1040000x16xf32, #tpu.memory_space<hbm>> -> memref<1040000x16xf32, #tpu.memory_space<hbm>>
        tpu.enqueue_indirect_dma source(%dma_start3A_478 : memref<1040000x16xf32, #tpu.memory_space<hbm>>) target(%dma_start3A_472 : memref<128x16xf32, #tpu.memory_space<vmem>>) offsets(%dma_start3A_475 : memref<128xi32, #tpu.memory_space<vmem>>) semaphore(%arg11 : memref<!tpu.dma_semaphore, #tpu.memory_space<semaphore_mem>>)
        %dma_start3A_479 = arith.constant 0 : i32
        %dma_start3A_480 = arith.constant 0 : i32
        %dma_start3A_481 = arith.constant 384 : i32
        %dma_start3A_482 = arith.constant 0 : i32
        %dma_start3A_483 = tpu.memref_slice %arg7[%dma_start3A_480, %dma_start3A_481, %dma_start3A_482] : memref<2x512x16xf32, #tpu.memory_space<vmem>> -> memref<1x128x16xf32, #tpu.memory_space<vmem>>
        %dma_start3A_484 = tpu.memref_squeeze %dma_start3A_483 : memref<1x128x16xf32, #tpu.memory_space<vmem>> -> memref<128x16xf32, #tpu.memory_space<vmem>>
        %dma_start3A_485 = arith.constant 384 : i32
        %dma_start3A_486 = tpu.memref_slice %arg6[%dma_start3A_479, %dma_start3A_485] : memref<2x512xi32, #tpu.memory_space<vmem>> -> memref<1x128xi32, #tpu.memory_space<vmem>>
        %dma_start3A_487 = tpu.memref_squeeze %dma_start3A_486 : memref<1x128xi32, #tpu.memory_space<vmem>> -> memref<128xi32, #tpu.memory_space<vmem>>
        %dma_start3A_488 = arith.constant 0 : i32
        %dma_start3A_489 = arith.constant 0 : i32
        %dma_start3A_490 = tpu.memref_slice %arg4[%dma_start3A_488, %dma_start3A_489] : memref<1040000x16xf32, #tpu.memory_space<hbm>> -> memref<1040000x16xf32, #tpu.memory_space<hbm>>
        tpu.enqueue_indirect_dma source(%dma_start3A_490 : memref<1040000x16xf32, #tpu.memory_space<hbm>>) target(%dma_start3A_484 : memref<128x16xf32, #tpu.memory_space<vmem>>) offsets(%dma_start3A_487 : memref<128xi32, #tpu.memory_space<vmem>>) semaphore(%arg11 : memref<!tpu.dma_semaphore, #tpu.memory_space<semaphore_mem>>)
      } else {
      }
      %dma_wait3A_316 = arith.constant 1 : i32
      %dma_wait3A_317 = arith.constant 1 : i32
      %dma_wait3A_318 = arith.constant 0 : i32
      %dma_wait3A_319 = arith.constant 0 : i32
      %dma_wait3A_320 = tpu.memref_slice %arg7[%dma_wait3A_317, %dma_wait3A_318, %dma_wait3A_319] : memref<2x512x16xf32, #tpu.memory_space<vmem>> -> memref<1x128x16xf32, #tpu.memory_space<vmem>>
      %dma_wait3A_321 = tpu.memref_squeeze %dma_wait3A_320 : memref<1x128x16xf32, #tpu.memory_space<vmem>> -> memref<128x16xf32, #tpu.memory_space<vmem>>
      %dma_wait3A_322 = arith.constant 0 : i32
      %dma_wait3A_323 = tpu.memref_slice %arg6[%dma_wait3A_316, %dma_wait3A_322] : memref<2x512xi32, #tpu.memory_space<vmem>> -> memref<1x128xi32, #tpu.memory_space<vmem>>
      %dma_wait3A_324 = tpu.memref_squeeze %dma_wait3A_323 : memref<1x128xi32, #tpu.memory_space<vmem>> -> memref<128xi32, #tpu.memory_space<vmem>>
      %dma_wait3A_325 = arith.constant 0 : i32
      %dma_wait3A_326 = arith.constant 0 : i32
      %dma_wait3A_327 = tpu.memref_slice %arg4[%dma_wait3A_325, %dma_wait3A_326] : memref<1040000x16xf32, #tpu.memory_space<hbm>> -> memref<1040000x16xf32, #tpu.memory_space<hbm>>
      tpu.wait_indirect_dma semaphore(%arg12 : memref<!tpu.dma_semaphore, #tpu.memory_space<semaphore_mem>>) src(%dma_wait3A_327 : memref<1040000x16xf32, #tpu.memory_space<hbm>>) dst(%dma_wait3A_321 : memref<128x16xf32, #tpu.memory_space<vmem>>)
      %dma_wait3A_328 = arith.constant 1 : i32
      %dma_wait3A_329 = arith.constant 1 : i32
      %dma_wait3A_330 = arith.constant 128 : i32
      %dma_wait3A_331 = arith.constant 0 : i32
      %dma_wait3A_332 = tpu.memref_slice %arg7[%dma_wait3A_329, %dma_wait3A_330, %dma_wait3A_331] : memref<2x512x16xf32, #tpu.memory_space<vmem>> -> memref<1x128x16xf32, #tpu.memory_space<vmem>>
      %dma_wait3A_333 = tpu.memref_squeeze %dma_wait3A_332 : memref<1x128x16xf32, #tpu.memory_space<vmem>> -> memref<128x16xf32, #tpu.memory_space<vmem>>
      %dma_wait3A_334 = arith.constant 128 : i32
      %dma_wait3A_335 = tpu.memref_slice %arg6[%dma_wait3A_328, %dma_wait3A_334] : memref<2x512xi32, #tpu.memory_space<vmem>> -> memref<1x128xi32, #tpu.memory_space<vmem>>
      %dma_wait3A_336 = tpu.memref_squeeze %dma_wait3A_335 : memref<1x128xi32, #tpu.memory_space<vmem>> -> memref<128xi32, #tpu.memory_space<vmem>>
      %dma_wait3A_337 = arith.constant 0 : i32
      %dma_wait3A_338 = arith.constant 0 : i32
      %dma_wait3A_339 = tpu.memref_slice %arg4[%dma_wait3A_337, %dma_wait3A_338] : memref<1040000x16xf32, #tpu.memory_space<hbm>> -> memref<1040000x16xf32, #tpu.memory_space<hbm>>
      tpu.wait_indirect_dma semaphore(%arg12 : memref<!tpu.dma_semaphore, #tpu.memory_space<semaphore_mem>>) src(%dma_wait3A_339 : memref<1040000x16xf32, #tpu.memory_space<hbm>>) dst(%dma_wait3A_333 : memref<128x16xf32, #tpu.memory_space<vmem>>)
      %dma_wait3A_340 = arith.constant 1 : i32
      %dma_wait3A_341 = arith.constant 1 : i32
      %dma_wait3A_342 = arith.constant 256 : i32
      %dma_wait3A_343 = arith.constant 0 : i32
      %dma_wait3A_344 = tpu.memref_slice %arg7[%dma_wait3A_341, %dma_wait3A_342, %dma_wait3A_343] : memref<2x512x16xf32, #tpu.memory_space<vmem>> -> memref<1x128x16xf32, #tpu.memory_space<vmem>>
      %dma_wait3A_345 = tpu.memref_squeeze %dma_wait3A_344 : memref<1x128x16xf32, #tpu.memory_space<vmem>> -> memref<128x16xf32, #tpu.memory_space<vmem>>
      %dma_wait3A_346 = arith.constant 256 : i32
      %dma_wait3A_347 = tpu.memref_slice %arg6[%dma_wait3A_340, %dma_wait3A_346] : memref<2x512xi32, #tpu.memory_space<vmem>> -> memref<1x128xi32, #tpu.memory_space<vmem>>
      %dma_wait3A_348 = tpu.memref_squeeze %dma_wait3A_347 : memref<1x128xi32, #tpu.memory_space<vmem>> -> memref<128xi32, #tpu.memory_space<vmem>>
      %dma_wait3A_349 = arith.constant 0 : i32
      %dma_wait3A_350 = arith.constant 0 : i32
      %dma_wait3A_351 = tpu.memref_slice %arg4[%dma_wait3A_349, %dma_wait3A_350] : memref<1040000x16xf32, #tpu.memory_space<hbm>> -> memref<1040000x16xf32, #tpu.memory_space<hbm>>
      tpu.wait_indirect_dma semaphore(%arg12 : memref<!tpu.dma_semaphore, #tpu.memory_space<semaphore_mem>>) src(%dma_wait3A_351 : memref<1040000x16xf32, #tpu.memory_space<hbm>>) dst(%dma_wait3A_345 : memref<128x16xf32, #tpu.memory_space<vmem>>)
      %dma_wait3A_352 = arith.constant 1 : i32
      %dma_wait3A_353 = arith.constant 1 : i32
      %dma_wait3A_354 = arith.constant 384 : i32
      %dma_wait3A_355 = arith.constant 0 : i32
      %dma_wait3A_356 = tpu.memref_slice %arg7[%dma_wait3A_353, %dma_wait3A_354, %dma_wait3A_355] : memref<2x512x16xf32, #tpu.memory_space<vmem>> -> memref<1x128x16xf32, #tpu.memory_space<vmem>>
      %dma_wait3A_357 = tpu.memref_squeeze %dma_wait3A_356 : memref<1x128x16xf32, #tpu.memory_space<vmem>> -> memref<128x16xf32, #tpu.memory_space<vmem>>
      %dma_wait3A_358 = arith.constant 384 : i32
      %dma_wait3A_359 = tpu.memref_slice %arg6[%dma_wait3A_352, %dma_wait3A_358] : memref<2x512xi32, #tpu.memory_space<vmem>> -> memref<1x128xi32, #tpu.memory_space<vmem>>
      %dma_wait3A_360 = tpu.memref_squeeze %dma_wait3A_359 : memref<1x128xi32, #tpu.memory_space<vmem>> -> memref<128xi32, #tpu.memory_space<vmem>>
      %dma_wait3A_361 = arith.constant 0 : i32
      %dma_wait3A_362 = arith.constant 0 : i32
      %dma_wait3A_363 = tpu.memref_slice %arg4[%dma_wait3A_361, %dma_wait3A_362] : memref<1040000x16xf32, #tpu.memory_space<hbm>> -> memref<1040000x16xf32, #tpu.memory_space<hbm>>
      tpu.wait_indirect_dma semaphore(%arg12 : memref<!tpu.dma_semaphore, #tpu.memory_space<semaphore_mem>>) src(%dma_wait3A_363 : memref<1040000x16xf32, #tpu.memory_space<hbm>>) dst(%dma_wait3A_357 : memref<128x16xf32, #tpu.memory_space<vmem>>)
      %ge3A_364 = arith.constant 2 : i32
      %ge3A_365 = arith.cmpi sge, %add3A_308, %ge3A_364 : i32
      %convert_element_type3A_366 = arith.extui %ge3A_365 : i1 to i32
      %cond3A_367 = arith.constant 0 : i32
      %cond3A_368 = arith.cmpi ne, %convert_element_type3A_366, %cond3A_367 : i32
      scf.if %cond3A_368 {
        %sub3A = arith.constant 2 : i32
        %sub3A_437 = arith.subi %add3A_308, %sub3A : i32
        %mul3A_438 = arith.constant 512 : i32
        %mul3A_439 = arith.muli %sub3A_437, %mul3A_438 : i32
        %add3A_440 = arith.addi %mul3A_2, %mul3A_439 : i32
        %shift_right_logical3A_441 = arith.constant 14 : i32
        %shift_right_logical3A_442 = arith.shrui %add3A_440, %shift_right_logical3A_441 : i32
        %and3A_443 = arith.constant 16383 : i32
        %and3A_444 = arith.andi %add3A_440, %and3A_443 : i32
        %shift_right_logical3A_445 = arith.constant 7 : i32
        %shift_right_logical3A_446 = arith.shrui %and3A_444, %shift_right_logical3A_445 : i32
        %mul3A_447 = arith.constant 2 : i32
        %mul3A_448 = arith.muli %shift_right_logical3A_442, %mul3A_447 : i32
        %mul3A_449 = arith.constant 1024 : i32
        %mul3A_450 = arith.muli %mul3A_448, %mul3A_449 : i32
        %mul3A_451 = arith.constant 8 : i32
        %mul3A_452 = arith.muli %shift_right_logical3A_446, %mul3A_451 : i32
        %add3A_453 = arith.addi %mul3A_450, %mul3A_452 : i32
        %add3A_454 = arith.constant 0 : i32
        %add3A_455 = arith.addi %add3A_453, %add3A_454 : i32
        %add3A_456 = arith.constant 1024 : i32
        %add3A_457 = arith.addi %add3A_453, %add3A_456 : i32
        %dma_wait3A_458 = arith.constant 1 : i32
        %dma_wait3A_459 = arith.constant 0 : i32
        %dma_wait3A_460 = arith.constant 0 : i32
        %dma_wait3A_461 = arith.constant 0 : i32
        %dma_wait3A_462 = tpu.memref_slice %arg9[%dma_wait3A_458, %dma_wait3A_459, %dma_wait3A_460, %dma_wait3A_461] : memref<2x2x32x128xf32, #tpu.memory_space<vmem>> -> memref<1x1x32x128xf32, #tpu.memory_space<vmem>>
        %dma_wait3A_463 = tpu.memref_squeeze %dma_wait3A_462 : memref<1x1x32x128xf32, #tpu.memory_space<vmem>> -> memref<32x128xf32, #tpu.memory_space<vmem>>
        %dma_wait3A_464 = arith.constant 0 : i32
        %dma_wait3A_465 = tpu.memref_slice %arg5[%add3A_455, %dma_wait3A_464] : memref<53248x128xf32, #tpu.memory_space<hbm>> -> memref<32x128xf32, #tpu.memory_space<hbm>>
        %dma_wait3A_466 = arith.constant 0 : i32
        %dma_wait3A_467 = tpu.memref_slice %arg5[%add3A_455, %dma_wait3A_466] : memref<53248x128xf32, #tpu.memory_space<hbm>> -> memref<32x128xf32, #tpu.memory_space<hbm>>
        %dma_wait3A_468 = arith.constant 0 : i32
        %dma_wait3A_469 = arith.constant 0 : i32
        %dma_wait3A_470 = tpu.memref_slice %arg9[%dma_wait3A_458, %dma_wait3A_459, %dma_wait3A_468, %dma_wait3A_469] : memref<2x2x32x128xf32, #tpu.memory_space<vmem>> -> memref<1x1x32x128xf32, #tpu.memory_space<vmem>>
        %dma_wait3A_471 = tpu.memref_squeeze %dma_wait3A_470 : memref<1x1x32x128xf32, #tpu.memory_space<vmem>> -> memref<32x128xf32, #tpu.memory_space<vmem>>
        tpu.wait_dma2 semaphore(%arg14 : memref<!tpu.dma_semaphore, #tpu.memory_space<semaphore_mem>>) src(%dma_wait3A_471 : memref<32x128xf32, #tpu.memory_space<vmem>>) dst(%dma_wait3A_467 : memref<32x128xf32, #tpu.memory_space<hbm>>)
        %dma_wait3A_472 = arith.constant 1 : i32
        %dma_wait3A_473 = arith.constant 1 : i32
        %dma_wait3A_474 = arith.constant 0 : i32
        %dma_wait3A_475 = arith.constant 0 : i32
        %dma_wait3A_476 = tpu.memref_slice %arg9[%dma_wait3A_472, %dma_wait3A_473, %dma_wait3A_474, %dma_wait3A_475] : memref<2x2x32x128xf32, #tpu.memory_space<vmem>> -> memref<1x1x32x128xf32, #tpu.memory_space<vmem>>
        %dma_wait3A_477 = tpu.memref_squeeze %dma_wait3A_476 : memref<1x1x32x128xf32, #tpu.memory_space<vmem>> -> memref<32x128xf32, #tpu.memory_space<vmem>>
        %dma_wait3A_478 = arith.constant 0 : i32
        %dma_wait3A_479 = tpu.memref_slice %arg5[%add3A_457, %dma_wait3A_478] : memref<53248x128xf32, #tpu.memory_space<hbm>> -> memref<32x128xf32, #tpu.memory_space<hbm>>
        %dma_wait3A_480 = arith.constant 0 : i32
        %dma_wait3A_481 = tpu.memref_slice %arg5[%add3A_457, %dma_wait3A_480] : memref<53248x128xf32, #tpu.memory_space<hbm>> -> memref<32x128xf32, #tpu.memory_space<hbm>>
        %dma_wait3A_482 = arith.constant 0 : i32
        %dma_wait3A_483 = arith.constant 0 : i32
        %dma_wait3A_484 = tpu.memref_slice %arg9[%dma_wait3A_472, %dma_wait3A_473, %dma_wait3A_482, %dma_wait3A_483] : memref<2x2x32x128xf32, #tpu.memory_space<vmem>> -> memref<1x1x32x128xf32, #tpu.memory_space<vmem>>
        %dma_wait3A_485 = tpu.memref_squeeze %dma_wait3A_484 : memref<1x1x32x128xf32, #tpu.memory_space<vmem>> -> memref<32x128xf32, #tpu.memory_space<vmem>>
        tpu.wait_dma2 semaphore(%arg14 : memref<!tpu.dma_semaphore, #tpu.memory_space<semaphore_mem>>) src(%dma_wait3A_485 : memref<32x128xf32, #tpu.memory_space<vmem>>) dst(%dma_wait3A_481 : memref<32x128xf32, #tpu.memory_space<hbm>>)
      } else {
      }
      %mul3A_369 = arith.constant 512 : i32
      %mul3A_370 = arith.muli %add3A_308, %mul3A_369 : i32
      %add3A_371 = arith.addi %mul3A_2, %mul3A_370 : i32
      %shift_right_logical3A_372 = arith.constant 14 : i32
      %shift_right_logical3A_373 = arith.shrui %add3A_371, %shift_right_logical3A_372 : i32
      %mul3A_374 = arith.constant 16 : i32
      %mul3A_375 = arith.muli %shift_right_logical3A_373, %mul3A_374 : i32
      %get3A_376 = arith.index_cast %mul3A_375 : i32 to index
      %get3A_377 = tpu.vector_load %arg10[%get3A_376] {strides = array<i32>} : memref<416xf32, #tpu.memory_space<vmem>>, vector<16xf32>,
      %mul3A_378 = arith.mulf %get3A_377, %get3A_377 : vector<16xf32>
      %add3A_379 = arith.constant 1.000000e-03 : f32
      %add3A_380 = vector.broadcast %add3A_379 : f32 to vector<16xf32>
      %add3A_381 = arith.addf %mul3A_378, %add3A_380 : vector<16xf32>
      %div3A_382 = arith.divf %mul3A_378, %add3A_381 : vector<16xf32>
      %parallel_loop3A_383 = arith.constant 0 : i32
      %parallel_loop3A_384 = arith.constant 512 : i32
      %parallel_loop3A_385 = arith.constant 1 : i32
      scf.for %parallel_loop3A_437 = %parallel_loop3A_383 to %parallel_loop3A_384 step %parallel_loop3A_385  : i32 {
        %parallel_loop3A_438 = arith.constant 1 : i32
        %parallel_loop3A_439 = arith.index_cast %parallel_loop3A_438 : i32 to index
        %parallel_loop3A_440 = arith.index_cast %parallel_loop3A_437 : i32 to index
        %parallel_loop3A_441 = arith.constant 0 : index
        %parallel_loop3A_442 = tpu.vector_load %arg7[%parallel_loop3A_439, %parallel_loop3A_440, %parallel_loop3A_441] {strides = array<i32>} : memref<2x512x16xf32, #tpu.memory_space<vmem>>, vector<16xf32>,
        %parallel_loop3A_443 = arith.index_cast %parallel_loop3A_437 : i32 to index
        %parallel_loop3A_444 = arith.constant 0 : index
        %parallel_loop3A_445 = tpu.vector_load %arg8[%parallel_loop3A_443, %parallel_loop3A_444] {strides = array<i32>} : memref<512x17xf32, #tpu.memory_space<vmem>>, vector<16xf32>,
        tpu.vector_store %arg8[%parallel_loop3A_443, %parallel_loop3A_444], %parallel_loop3A_442 {strides = array<i32>} : memref<512x17xf32, #tpu.memory_space<vmem>>, vector<16xf32>,
      } {sc.loop_unroll_factor = 16 : i64, sc.parallel_access}
      %parallel_loop3A_386 = arith.constant 0 : i32
      %parallel_loop3A_387 = arith.constant 32 : i32
      %parallel_loop3A_388 = arith.constant 1 : i32
      scf.for %parallel_loop3A_437 = %parallel_loop3A_386 to %parallel_loop3A_387 step %parallel_loop3A_388  : i32 {
        %parallel_loop3A_438 = arith.constant 3 : i32
        %parallel_loop3A_439 = arith.shrui %parallel_loop3A_437, %parallel_loop3A_438 : i32
        %parallel_loop3A_440 = arith.constant 7 : i32
        %parallel_loop3A_441 = arith.andi %parallel_loop3A_437, %parallel_loop3A_440 : i32
        %parallel_loop3A_442 = arith.constant 128 : i32
        %parallel_loop3A_443 = arith.muli %parallel_loop3A_439, %parallel_loop3A_442 : i32
        %parallel_loop3A_444 = arith.constant 16 : i32
        %parallel_loop3A_445 = arith.muli %parallel_loop3A_441, %parallel_loop3A_444 : i32
        %parallel_loop3A_446 = arith.addi %parallel_loop3A_443, %parallel_loop3A_445 : i32
        %parallel_loop3A_447 = vector.broadcast %parallel_loop3A_446 : i32 to vector<16xi32>
        %parallel_loop3A_448 = arith.addi %parallel_loop3A_447, %iota3A : vector<16xi32>
        %parallel_loop3A_449 = tpu.vector_load_idx %arg8[%parallel_loop3A_448, %broadcast_in_dim3A_3] : memref<512x17xf32, #tpu.memory_space<vmem>>[vector<16xi32>, vector<16xi32>], vector<16xf32>,
        %parallel_loop3A_450 = arith.mulf %parallel_loop3A_449, %div3A_382 : vector<16xf32>
        %parallel_loop3A_451 = arith.constant 8 : i32
        %parallel_loop3A_452 = arith.muli %parallel_loop3A_439, %parallel_loop3A_451 : i32
        %parallel_loop3A_453 = arith.constant 0 : i32
        %parallel_loop3A_454 = arith.addi %parallel_loop3A_452, %parallel_loop3A_453 : i32
        %parallel_loop3A_455 = arith.constant 16 : i32
        %parallel_loop3A_456 = arith.muli %parallel_loop3A_441, %parallel_loop3A_455 : i32
        %parallel_loop3A_457 = arith.constant 1 : i32
        %parallel_loop3A_458 = arith.constant 0 : i32
        %parallel_loop3A_459 = arith.index_cast %parallel_loop3A_457 : i32 to index
        %parallel_loop3A_460 = arith.index_cast %parallel_loop3A_458 : i32 to index
        %parallel_loop3A_461 = arith.index_cast %parallel_loop3A_454 : i32 to index
        %parallel_loop3A_462 = arith.index_cast %parallel_loop3A_456 : i32 to index
        %parallel_loop3A_463 = tpu.vector_load %arg9[%parallel_loop3A_459, %parallel_loop3A_460, %parallel_loop3A_461, %parallel_loop3A_462] {strides = array<i32>} : memref<2x2x32x128xf32, #tpu.memory_space<vmem>>, vector<16xf32>,
        tpu.vector_store %arg9[%parallel_loop3A_459, %parallel_loop3A_460, %parallel_loop3A_461, %parallel_loop3A_462], %parallel_loop3A_450 {strides = array<i32>} : memref<2x2x32x128xf32, #tpu.memory_space<vmem>>, vector<16xf32>,
        %parallel_loop3A_464 = tpu.vector_load_idx %arg8[%parallel_loop3A_448, %broadcast_in_dim3A_5] : memref<512x17xf32, #tpu.memory_space<vmem>>[vector<16xi32>, vector<16xi32>], vector<16xf32>,
        %parallel_loop3A_465 = arith.mulf %parallel_loop3A_464, %div3A_382 : vector<16xf32>
        %parallel_loop3A_466 = arith.constant 8 : i32
        %parallel_loop3A_467 = arith.muli %parallel_loop3A_439, %parallel_loop3A_466 : i32
        %parallel_loop3A_468 = arith.constant 1 : i32
        %parallel_loop3A_469 = arith.addi %parallel_loop3A_467, %parallel_loop3A_468 : i32
        %parallel_loop3A_470 = arith.constant 16 : i32
        %parallel_loop3A_471 = arith.muli %parallel_loop3A_441, %parallel_loop3A_470 : i32
        %parallel_loop3A_472 = arith.constant 1 : i32
        %parallel_loop3A_473 = arith.constant 0 : i32
        %parallel_loop3A_474 = arith.index_cast %parallel_loop3A_472 : i32 to index
        %parallel_loop3A_475 = arith.index_cast %parallel_loop3A_473 : i32 to index
        %parallel_loop3A_476 = arith.index_cast %parallel_loop3A_469 : i32 to index
        %parallel_loop3A_477 = arith.index_cast %parallel_loop3A_471 : i32 to index
        %parallel_loop3A_478 = tpu.vector_load %arg9[%parallel_loop3A_474, %parallel_loop3A_475, %parallel_loop3A_476, %parallel_loop3A_477] {strides = array<i32>} : memref<2x2x32x128xf32, #tpu.memory_space<vmem>>, vector<16xf32>,
        tpu.vector_store %arg9[%parallel_loop3A_474, %parallel_loop3A_475, %parallel_loop3A_476, %parallel_loop3A_477], %parallel_loop3A_465 {strides = array<i32>} : memref<2x2x32x128xf32, #tpu.memory_space<vmem>>, vector<16xf32>,
        %parallel_loop3A_479 = tpu.vector_load_idx %arg8[%parallel_loop3A_448, %broadcast_in_dim3A_7] : memref<512x17xf32, #tpu.memory_space<vmem>>[vector<16xi32>, vector<16xi32>], vector<16xf32>,
        %parallel_loop3A_480 = arith.mulf %parallel_loop3A_479, %div3A_382 : vector<16xf32>
        %parallel_loop3A_481 = arith.constant 8 : i32
        %parallel_loop3A_482 = arith.muli %parallel_loop3A_439, %parallel_loop3A_481 : i32
        %parallel_loop3A_483 = arith.constant 2 : i32
        %parallel_loop3A_484 = arith.addi %parallel_loop3A_482, %parallel_loop3A_483 : i32
        %parallel_loop3A_485 = arith.constant 16 : i32
        %parallel_loop3A_486 = arith.muli %parallel_loop3A_441, %parallel_loop3A_485 : i32
        %parallel_loop3A_487 = arith.constant 1 : i32
        %parallel_loop3A_488 = arith.constant 0 : i32
        %parallel_loop3A_489 = arith.index_cast %parallel_loop3A_487 : i32 to index
        %parallel_loop3A_490 = arith.index_cast %parallel_loop3A_488 : i32 to index
        %parallel_loop3A_491 = arith.index_cast %parallel_loop3A_484 : i32 to index
        %parallel_loop3A_492 = arith.index_cast %parallel_loop3A_486 : i32 to index
        %parallel_loop3A_493 = tpu.vector_load %arg9[%parallel_loop3A_489, %parallel_loop3A_490, %parallel_loop3A_491, %parallel_loop3A_492] {strides = array<i32>} : memref<2x2x32x128xf32, #tpu.memory_space<vmem>>, vector<16xf32>,
        tpu.vector_store %arg9[%parallel_loop3A_489, %parallel_loop3A_490, %parallel_loop3A_491, %parallel_loop3A_492], %parallel_loop3A_480 {strides = array<i32>} : memref<2x2x32x128xf32, #tpu.memory_space<vmem>>, vector<16xf32>,
        %parallel_loop3A_494 = tpu.vector_load_idx %arg8[%parallel_loop3A_448, %broadcast_in_dim3A_9] : memref<512x17xf32, #tpu.memory_space<vmem>>[vector<16xi32>, vector<16xi32>], vector<16xf32>,
        %parallel_loop3A_495 = arith.mulf %parallel_loop3A_494, %div3A_382 : vector<16xf32>
        %parallel_loop3A_496 = arith.constant 8 : i32
        %parallel_loop3A_497 = arith.muli %parallel_loop3A_439, %parallel_loop3A_496 : i32
        %parallel_loop3A_498 = arith.constant 3 : i32
        %parallel_loop3A_499 = arith.addi %parallel_loop3A_497, %parallel_loop3A_498 : i32
        %parallel_loop3A_500 = arith.constant 16 : i32
        %parallel_loop3A_501 = arith.muli %parallel_loop3A_441, %parallel_loop3A_500 : i32
        %parallel_loop3A_502 = arith.constant 1 : i32
        %parallel_loop3A_503 = arith.constant 0 : i32
        %parallel_loop3A_504 = arith.index_cast %parallel_loop3A_502 : i32 to index
        %parallel_loop3A_505 = arith.index_cast %parallel_loop3A_503 : i32 to index
        %parallel_loop3A_506 = arith.index_cast %parallel_loop3A_499 : i32 to index
        %parallel_loop3A_507 = arith.index_cast %parallel_loop3A_501 : i32 to index
        %parallel_loop3A_508 = tpu.vector_load %arg9[%parallel_loop3A_504, %parallel_loop3A_505, %parallel_loop3A_506, %parallel_loop3A_507] {strides = array<i32>} : memref<2x2x32x128xf32, #tpu.memory_space<vmem>>, vector<16xf32>,
        tpu.vector_store %arg9[%parallel_loop3A_504, %parallel_loop3A_505, %parallel_loop3A_506, %parallel_loop3A_507], %parallel_loop3A_495 {strides = array<i32>} : memref<2x2x32x128xf32, #tpu.memory_space<vmem>>, vector<16xf32>,
        %parallel_loop3A_509 = tpu.vector_load_idx %arg8[%parallel_loop3A_448, %broadcast_in_dim3A_11] : memref<512x17xf32, #tpu.memory_space<vmem>>[vector<16xi32>, vector<16xi32>], vector<16xf32>,
        %parallel_loop3A_510 = arith.mulf %parallel_loop3A_509, %div3A_382 : vector<16xf32>
        %parallel_loop3A_511 = arith.constant 8 : i32
        %parallel_loop3A_512 = arith.muli %parallel_loop3A_439, %parallel_loop3A_511 : i32
        %parallel_loop3A_513 = arith.constant 4 : i32
        %parallel_loop3A_514 = arith.addi %parallel_loop3A_512, %parallel_loop3A_513 : i32
        %parallel_loop3A_515 = arith.constant 16 : i32
        %parallel_loop3A_516 = arith.muli %parallel_loop3A_441, %parallel_loop3A_515 : i32
        %parallel_loop3A_517 = arith.constant 1 : i32
        %parallel_loop3A_518 = arith.constant 0 : i32
        %parallel_loop3A_519 = arith.index_cast %parallel_loop3A_517 : i32 to index
        %parallel_loop3A_520 = arith.index_cast %parallel_loop3A_518 : i32 to index
        %parallel_loop3A_521 = arith.index_cast %parallel_loop3A_514 : i32 to index
        %parallel_loop3A_522 = arith.index_cast %parallel_loop3A_516 : i32 to index
        %parallel_loop3A_523 = tpu.vector_load %arg9[%parallel_loop3A_519, %parallel_loop3A_520, %parallel_loop3A_521, %parallel_loop3A_522] {strides = array<i32>} : memref<2x2x32x128xf32, #tpu.memory_space<vmem>>, vector<16xf32>,
        tpu.vector_store %arg9[%parallel_loop3A_519, %parallel_loop3A_520, %parallel_loop3A_521, %parallel_loop3A_522], %parallel_loop3A_510 {strides = array<i32>} : memref<2x2x32x128xf32, #tpu.memory_space<vmem>>, vector<16xf32>,
        %parallel_loop3A_524 = tpu.vector_load_idx %arg8[%parallel_loop3A_448, %broadcast_in_dim3A_13] : memref<512x17xf32, #tpu.memory_space<vmem>>[vector<16xi32>, vector<16xi32>], vector<16xf32>,
        %parallel_loop3A_525 = arith.mulf %parallel_loop3A_524, %div3A_382 : vector<16xf32>
        %parallel_loop3A_526 = arith.constant 8 : i32
        %parallel_loop3A_527 = arith.muli %parallel_loop3A_439, %parallel_loop3A_526 : i32
        %parallel_loop3A_528 = arith.constant 5 : i32
        %parallel_loop3A_529 = arith.addi %parallel_loop3A_527, %parallel_loop3A_528 : i32
        %parallel_loop3A_530 = arith.constant 16 : i32
        %parallel_loop3A_531 = arith.muli %parallel_loop3A_441, %parallel_loop3A_530 : i32
        %parallel_loop3A_532 = arith.constant 1 : i32
        %parallel_loop3A_533 = arith.constant 0 : i32
        %parallel_loop3A_534 = arith.index_cast %parallel_loop3A_532 : i32 to index
        %parallel_loop3A_535 = arith.index_cast %parallel_loop3A_533 : i32 to index
        %parallel_loop3A_536 = arith.index_cast %parallel_loop3A_529 : i32 to index
        %parallel_loop3A_537 = arith.index_cast %parallel_loop3A_531 : i32 to index
        %parallel_loop3A_538 = tpu.vector_load %arg9[%parallel_loop3A_534, %parallel_loop3A_535, %parallel_loop3A_536, %parallel_loop3A_537] {strides = array<i32>} : memref<2x2x32x128xf32, #tpu.memory_space<vmem>>, vector<16xf32>,
        tpu.vector_store %arg9[%parallel_loop3A_534, %parallel_loop3A_535, %parallel_loop3A_536, %parallel_loop3A_537], %parallel_loop3A_525 {strides = array<i32>} : memref<2x2x32x128xf32, #tpu.memory_space<vmem>>, vector<16xf32>,
        %parallel_loop3A_539 = tpu.vector_load_idx %arg8[%parallel_loop3A_448, %broadcast_in_dim3A_15] : memref<512x17xf32, #tpu.memory_space<vmem>>[vector<16xi32>, vector<16xi32>], vector<16xf32>,
        %parallel_loop3A_540 = arith.mulf %parallel_loop3A_539, %div3A_382 : vector<16xf32>
        %parallel_loop3A_541 = arith.constant 8 : i32
        %parallel_loop3A_542 = arith.muli %parallel_loop3A_439, %parallel_loop3A_541 : i32
        %parallel_loop3A_543 = arith.constant 6 : i32
        %parallel_loop3A_544 = arith.addi %parallel_loop3A_542, %parallel_loop3A_543 : i32
        %parallel_loop3A_545 = arith.constant 16 : i32
        %parallel_loop3A_546 = arith.muli %parallel_loop3A_441, %parallel_loop3A_545 : i32
        %parallel_loop3A_547 = arith.constant 1 : i32
        %parallel_loop3A_548 = arith.constant 0 : i32
        %parallel_loop3A_549 = arith.index_cast %parallel_loop3A_547 : i32 to index
        %parallel_loop3A_550 = arith.index_cast %parallel_loop3A_548 : i32 to index
        %parallel_loop3A_551 = arith.index_cast %parallel_loop3A_544 : i32 to index
        %parallel_loop3A_552 = arith.index_cast %parallel_loop3A_546 : i32 to index
        %parallel_loop3A_553 = tpu.vector_load %arg9[%parallel_loop3A_549, %parallel_loop3A_550, %parallel_loop3A_551, %parallel_loop3A_552] {strides = array<i32>} : memref<2x2x32x128xf32, #tpu.memory_space<vmem>>, vector<16xf32>,
        tpu.vector_store %arg9[%parallel_loop3A_549, %parallel_loop3A_550, %parallel_loop3A_551, %parallel_loop3A_552], %parallel_loop3A_540 {strides = array<i32>} : memref<2x2x32x128xf32, #tpu.memory_space<vmem>>, vector<16xf32>,
        %parallel_loop3A_554 = tpu.vector_load_idx %arg8[%parallel_loop3A_448, %broadcast_in_dim3A_17] : memref<512x17xf32, #tpu.memory_space<vmem>>[vector<16xi32>, vector<16xi32>], vector<16xf32>,
        %parallel_loop3A_555 = arith.mulf %parallel_loop3A_554, %div3A_382 : vector<16xf32>
        %parallel_loop3A_556 = arith.constant 8 : i32
        %parallel_loop3A_557 = arith.muli %parallel_loop3A_439, %parallel_loop3A_556 : i32
        %parallel_loop3A_558 = arith.constant 7 : i32
        %parallel_loop3A_559 = arith.addi %parallel_loop3A_557, %parallel_loop3A_558 : i32
        %parallel_loop3A_560 = arith.constant 16 : i32
        %parallel_loop3A_561 = arith.muli %parallel_loop3A_441, %parallel_loop3A_560 : i32
        %parallel_loop3A_562 = arith.constant 1 : i32
        %parallel_loop3A_563 = arith.constant 0 : i32
        %parallel_loop3A_564 = arith.index_cast %parallel_loop3A_562 : i32 to index
        %parallel_loop3A_565 = arith.index_cast %parallel_loop3A_563 : i32 to index
        %parallel_loop3A_566 = arith.index_cast %parallel_loop3A_559 : i32 to index
        %parallel_loop3A_567 = arith.index_cast %parallel_loop3A_561 : i32 to index
        %parallel_loop3A_568 = tpu.vector_load %arg9[%parallel_loop3A_564, %parallel_loop3A_565, %parallel_loop3A_566, %parallel_loop3A_567] {strides = array<i32>} : memref<2x2x32x128xf32, #tpu.memory_space<vmem>>, vector<16xf32>,
        tpu.vector_store %arg9[%parallel_loop3A_564, %parallel_loop3A_565, %parallel_loop3A_566, %parallel_loop3A_567], %parallel_loop3A_555 {strides = array<i32>} : memref<2x2x32x128xf32, #tpu.memory_space<vmem>>, vector<16xf32>,
        %parallel_loop3A_569 = tpu.vector_load_idx %arg8[%parallel_loop3A_448, %broadcast_in_dim3A_19] : memref<512x17xf32, #tpu.memory_space<vmem>>[vector<16xi32>, vector<16xi32>], vector<16xf32>,
        %parallel_loop3A_570 = arith.mulf %parallel_loop3A_569, %div3A_382 : vector<16xf32>
        %parallel_loop3A_571 = arith.constant 8 : i32
        %parallel_loop3A_572 = arith.muli %parallel_loop3A_439, %parallel_loop3A_571 : i32
        %parallel_loop3A_573 = arith.constant 0 : i32
        %parallel_loop3A_574 = arith.addi %parallel_loop3A_572, %parallel_loop3A_573 : i32
        %parallel_loop3A_575 = arith.constant 16 : i32
        %parallel_loop3A_576 = arith.muli %parallel_loop3A_441, %parallel_loop3A_575 : i32
        %parallel_loop3A_577 = arith.constant 1 : i32
        %parallel_loop3A_578 = arith.constant 1 : i32
        %parallel_loop3A_579 = arith.index_cast %parallel_loop3A_577 : i32 to index
        %parallel_loop3A_580 = arith.index_cast %parallel_loop3A_578 : i32 to index
        %parallel_loop3A_581 = arith.index_cast %parallel_loop3A_574 : i32 to index
        %parallel_loop3A_582 = arith.index_cast %parallel_loop3A_576 : i32 to index
        %parallel_loop3A_583 = tpu.vector_load %arg9[%parallel_loop3A_579, %parallel_loop3A_580, %parallel_loop3A_581, %parallel_loop3A_582] {strides = array<i32>} : memref<2x2x32x128xf32, #tpu.memory_space<vmem>>, vector<16xf32>,
        tpu.vector_store %arg9[%parallel_loop3A_579, %parallel_loop3A_580, %parallel_loop3A_581, %parallel_loop3A_582], %parallel_loop3A_570 {strides = array<i32>} : memref<2x2x32x128xf32, #tpu.memory_space<vmem>>, vector<16xf32>,
        %parallel_loop3A_584 = tpu.vector_load_idx %arg8[%parallel_loop3A_448, %broadcast_in_dim3A_21] : memref<512x17xf32, #tpu.memory_space<vmem>>[vector<16xi32>, vector<16xi32>], vector<16xf32>,
        %parallel_loop3A_585 = arith.mulf %parallel_loop3A_584, %div3A_382 : vector<16xf32>
        %parallel_loop3A_586 = arith.constant 8 : i32
        %parallel_loop3A_587 = arith.muli %parallel_loop3A_439, %parallel_loop3A_586 : i32
        %parallel_loop3A_588 = arith.constant 1 : i32
        %parallel_loop3A_589 = arith.addi %parallel_loop3A_587, %parallel_loop3A_588 : i32
        %parallel_loop3A_590 = arith.constant 16 : i32
        %parallel_loop3A_591 = arith.muli %parallel_loop3A_441, %parallel_loop3A_590 : i32
        %parallel_loop3A_592 = arith.constant 1 : i32
        %parallel_loop3A_593 = arith.constant 1 : i32
        %parallel_loop3A_594 = arith.index_cast %parallel_loop3A_592 : i32 to index
        %parallel_loop3A_595 = arith.index_cast %parallel_loop3A_593 : i32 to index
        %parallel_loop3A_596 = arith.index_cast %parallel_loop3A_589 : i32 to index
        %parallel_loop3A_597 = arith.index_cast %parallel_loop3A_591 : i32 to index
        %parallel_loop3A_598 = tpu.vector_load %arg9[%parallel_loop3A_594, %parallel_loop3A_595, %parallel_loop3A_596, %parallel_loop3A_597] {strides = array<i32>} : memref<2x2x32x128xf32, #tpu.memory_space<vmem>>, vector<16xf32>,
        tpu.vector_store %arg9[%parallel_loop3A_594, %parallel_loop3A_595, %parallel_loop3A_596, %parallel_loop3A_597], %parallel_loop3A_585 {strides = array<i32>} : memref<2x2x32x128xf32, #tpu.memory_space<vmem>>, vector<16xf32>,
        %parallel_loop3A_599 = tpu.vector_load_idx %arg8[%parallel_loop3A_448, %broadcast_in_dim3A_23] : memref<512x17xf32, #tpu.memory_space<vmem>>[vector<16xi32>, vector<16xi32>], vector<16xf32>,
        %parallel_loop3A_600 = arith.mulf %parallel_loop3A_599, %div3A_382 : vector<16xf32>
        %parallel_loop3A_601 = arith.constant 8 : i32
        %parallel_loop3A_602 = arith.muli %parallel_loop3A_439, %parallel_loop3A_601 : i32
        %parallel_loop3A_603 = arith.constant 2 : i32
        %parallel_loop3A_604 = arith.addi %parallel_loop3A_602, %parallel_loop3A_603 : i32
        %parallel_loop3A_605 = arith.constant 16 : i32
        %parallel_loop3A_606 = arith.muli %parallel_loop3A_441, %parallel_loop3A_605 : i32
        %parallel_loop3A_607 = arith.constant 1 : i32
        %parallel_loop3A_608 = arith.constant 1 : i32
        %parallel_loop3A_609 = arith.index_cast %parallel_loop3A_607 : i32 to index
        %parallel_loop3A_610 = arith.index_cast %parallel_loop3A_608 : i32 to index
        %parallel_loop3A_611 = arith.index_cast %parallel_loop3A_604 : i32 to index
        %parallel_loop3A_612 = arith.index_cast %parallel_loop3A_606 : i32 to index
        %parallel_loop3A_613 = tpu.vector_load %arg9[%parallel_loop3A_609, %parallel_loop3A_610, %parallel_loop3A_611, %parallel_loop3A_612] {strides = array<i32>} : memref<2x2x32x128xf32, #tpu.memory_space<vmem>>, vector<16xf32>,
        tpu.vector_store %arg9[%parallel_loop3A_609, %parallel_loop3A_610, %parallel_loop3A_611, %parallel_loop3A_612], %parallel_loop3A_600 {strides = array<i32>} : memref<2x2x32x128xf32, #tpu.memory_space<vmem>>, vector<16xf32>,
        %parallel_loop3A_614 = tpu.vector_load_idx %arg8[%parallel_loop3A_448, %broadcast_in_dim3A_25] : memref<512x17xf32, #tpu.memory_space<vmem>>[vector<16xi32>, vector<16xi32>], vector<16xf32>,
        %parallel_loop3A_615 = arith.mulf %parallel_loop3A_614, %div3A_382 : vector<16xf32>
        %parallel_loop3A_616 = arith.constant 8 : i32
        %parallel_loop3A_617 = arith.muli %parallel_loop3A_439, %parallel_loop3A_616 : i32
        %parallel_loop3A_618 = arith.constant 3 : i32
        %parallel_loop3A_619 = arith.addi %parallel_loop3A_617, %parallel_loop3A_618 : i32
        %parallel_loop3A_620 = arith.constant 16 : i32
        %parallel_loop3A_621 = arith.muli %parallel_loop3A_441, %parallel_loop3A_620 : i32
        %parallel_loop3A_622 = arith.constant 1 : i32
        %parallel_loop3A_623 = arith.constant 1 : i32
        %parallel_loop3A_624 = arith.index_cast %parallel_loop3A_622 : i32 to index
        %parallel_loop3A_625 = arith.index_cast %parallel_loop3A_623 : i32 to index
        %parallel_loop3A_626 = arith.index_cast %parallel_loop3A_619 : i32 to index
        %parallel_loop3A_627 = arith.index_cast %parallel_loop3A_621 : i32 to index
        %parallel_loop3A_628 = tpu.vector_load %arg9[%parallel_loop3A_624, %parallel_loop3A_625, %parallel_loop3A_626, %parallel_loop3A_627] {strides = array<i32>} : memref<2x2x32x128xf32, #tpu.memory_space<vmem>>, vector<16xf32>,
        tpu.vector_store %arg9[%parallel_loop3A_624, %parallel_loop3A_625, %parallel_loop3A_626, %parallel_loop3A_627], %parallel_loop3A_615 {strides = array<i32>} : memref<2x2x32x128xf32, #tpu.memory_space<vmem>>, vector<16xf32>,
        %parallel_loop3A_629 = tpu.vector_load_idx %arg8[%parallel_loop3A_448, %broadcast_in_dim3A_27] : memref<512x17xf32, #tpu.memory_space<vmem>>[vector<16xi32>, vector<16xi32>], vector<16xf32>,
        %parallel_loop3A_630 = arith.mulf %parallel_loop3A_629, %div3A_382 : vector<16xf32>
        %parallel_loop3A_631 = arith.constant 8 : i32
        %parallel_loop3A_632 = arith.muli %parallel_loop3A_439, %parallel_loop3A_631 : i32
        %parallel_loop3A_633 = arith.constant 4 : i32
        %parallel_loop3A_634 = arith.addi %parallel_loop3A_632, %parallel_loop3A_633 : i32
        %parallel_loop3A_635 = arith.constant 16 : i32
        %parallel_loop3A_636 = arith.muli %parallel_loop3A_441, %parallel_loop3A_635 : i32
        %parallel_loop3A_637 = arith.constant 1 : i32
        %parallel_loop3A_638 = arith.constant 1 : i32
        %parallel_loop3A_639 = arith.index_cast %parallel_loop3A_637 : i32 to index
        %parallel_loop3A_640 = arith.index_cast %parallel_loop3A_638 : i32 to index
        %parallel_loop3A_641 = arith.index_cast %parallel_loop3A_634 : i32 to index
        %parallel_loop3A_642 = arith.index_cast %parallel_loop3A_636 : i32 to index
        %parallel_loop3A_643 = tpu.vector_load %arg9[%parallel_loop3A_639, %parallel_loop3A_640, %parallel_loop3A_641, %parallel_loop3A_642] {strides = array<i32>} : memref<2x2x32x128xf32, #tpu.memory_space<vmem>>, vector<16xf32>,
        tpu.vector_store %arg9[%parallel_loop3A_639, %parallel_loop3A_640, %parallel_loop3A_641, %parallel_loop3A_642], %parallel_loop3A_630 {strides = array<i32>} : memref<2x2x32x128xf32, #tpu.memory_space<vmem>>, vector<16xf32>,
        %parallel_loop3A_644 = tpu.vector_load_idx %arg8[%parallel_loop3A_448, %broadcast_in_dim3A_29] : memref<512x17xf32, #tpu.memory_space<vmem>>[vector<16xi32>, vector<16xi32>], vector<16xf32>,
        %parallel_loop3A_645 = arith.mulf %parallel_loop3A_644, %div3A_382 : vector<16xf32>
        %parallel_loop3A_646 = arith.constant 8 : i32
        %parallel_loop3A_647 = arith.muli %parallel_loop3A_439, %parallel_loop3A_646 : i32
        %parallel_loop3A_648 = arith.constant 5 : i32
        %parallel_loop3A_649 = arith.addi %parallel_loop3A_647, %parallel_loop3A_648 : i32
        %parallel_loop3A_650 = arith.constant 16 : i32
        %parallel_loop3A_651 = arith.muli %parallel_loop3A_441, %parallel_loop3A_650 : i32
        %parallel_loop3A_652 = arith.constant 1 : i32
        %parallel_loop3A_653 = arith.constant 1 : i32
        %parallel_loop3A_654 = arith.index_cast %parallel_loop3A_652 : i32 to index
        %parallel_loop3A_655 = arith.index_cast %parallel_loop3A_653 : i32 to index
        %parallel_loop3A_656 = arith.index_cast %parallel_loop3A_649 : i32 to index
        %parallel_loop3A_657 = arith.index_cast %parallel_loop3A_651 : i32 to index
        %parallel_loop3A_658 = tpu.vector_load %arg9[%parallel_loop3A_654, %parallel_loop3A_655, %parallel_loop3A_656, %parallel_loop3A_657] {strides = array<i32>} : memref<2x2x32x128xf32, #tpu.memory_space<vmem>>, vector<16xf32>,
        tpu.vector_store %arg9[%parallel_loop3A_654, %parallel_loop3A_655, %parallel_loop3A_656, %parallel_loop3A_657], %parallel_loop3A_645 {strides = array<i32>} : memref<2x2x32x128xf32, #tpu.memory_space<vmem>>, vector<16xf32>,
        %parallel_loop3A_659 = tpu.vector_load_idx %arg8[%parallel_loop3A_448, %broadcast_in_dim3A_31] : memref<512x17xf32, #tpu.memory_space<vmem>>[vector<16xi32>, vector<16xi32>], vector<16xf32>,
        %parallel_loop3A_660 = arith.mulf %parallel_loop3A_659, %div3A_382 : vector<16xf32>
        %parallel_loop3A_661 = arith.constant 8 : i32
        %parallel_loop3A_662 = arith.muli %parallel_loop3A_439, %parallel_loop3A_661 : i32
        %parallel_loop3A_663 = arith.constant 6 : i32
        %parallel_loop3A_664 = arith.addi %parallel_loop3A_662, %parallel_loop3A_663 : i32
        %parallel_loop3A_665 = arith.constant 16 : i32
        %parallel_loop3A_666 = arith.muli %parallel_loop3A_441, %parallel_loop3A_665 : i32
        %parallel_loop3A_667 = arith.constant 1 : i32
        %parallel_loop3A_668 = arith.constant 1 : i32
        %parallel_loop3A_669 = arith.index_cast %parallel_loop3A_667 : i32 to index
        %parallel_loop3A_670 = arith.index_cast %parallel_loop3A_668 : i32 to index
        %parallel_loop3A_671 = arith.index_cast %parallel_loop3A_664 : i32 to index
        %parallel_loop3A_672 = arith.index_cast %parallel_loop3A_666 : i32 to index
        %parallel_loop3A_673 = tpu.vector_load %arg9[%parallel_loop3A_669, %parallel_loop3A_670, %parallel_loop3A_671, %parallel_loop3A_672] {strides = array<i32>} : memref<2x2x32x128xf32, #tpu.memory_space<vmem>>, vector<16xf32>,
        tpu.vector_store %arg9[%parallel_loop3A_669, %parallel_loop3A_670, %parallel_loop3A_671, %parallel_loop3A_672], %parallel_loop3A_660 {strides = array<i32>} : memref<2x2x32x128xf32, #tpu.memory_space<vmem>>, vector<16xf32>,
        %parallel_loop3A_674 = tpu.vector_load_idx %arg8[%parallel_loop3A_448, %broadcast_in_dim3A_33] : memref<512x17xf32, #tpu.memory_space<vmem>>[vector<16xi32>, vector<16xi32>], vector<16xf32>,
        %parallel_loop3A_675 = arith.mulf %parallel_loop3A_674, %div3A_382 : vector<16xf32>
        %parallel_loop3A_676 = arith.constant 8 : i32
        %parallel_loop3A_677 = arith.muli %parallel_loop3A_439, %parallel_loop3A_676 : i32
        %parallel_loop3A_678 = arith.constant 7 : i32
        %parallel_loop3A_679 = arith.addi %parallel_loop3A_677, %parallel_loop3A_678 : i32
        %parallel_loop3A_680 = arith.constant 16 : i32
        %parallel_loop3A_681 = arith.muli %parallel_loop3A_441, %parallel_loop3A_680 : i32
        %parallel_loop3A_682 = arith.constant 1 : i32
        %parallel_loop3A_683 = arith.constant 1 : i32
        %parallel_loop3A_684 = arith.index_cast %parallel_loop3A_682 : i32 to index
        %parallel_loop3A_685 = arith.index_cast %parallel_loop3A_683 : i32 to index
        %parallel_loop3A_686 = arith.index_cast %parallel_loop3A_679 : i32 to index
        %parallel_loop3A_687 = arith.index_cast %parallel_loop3A_681 : i32 to index
        %parallel_loop3A_688 = tpu.vector_load %arg9[%parallel_loop3A_684, %parallel_loop3A_685, %parallel_loop3A_686, %parallel_loop3A_687] {strides = array<i32>} : memref<2x2x32x128xf32, #tpu.memory_space<vmem>>, vector<16xf32>,
        tpu.vector_store %arg9[%parallel_loop3A_684, %parallel_loop3A_685, %parallel_loop3A_686, %parallel_loop3A_687], %parallel_loop3A_675 {strides = array<i32>} : memref<2x2x32x128xf32, #tpu.memory_space<vmem>>, vector<16xf32>,
      } {sc.loop_unroll_factor = 8 : i64, sc.parallel_access}
      %mul3A_389 = arith.constant 512 : i32
      %mul3A_390 = arith.muli %add3A_308, %mul3A_389 : i32
      %add3A_391 = arith.addi %mul3A_2, %mul3A_390 : i32
      %shift_right_logical3A_392 = arith.constant 14 : i32
      %shift_right_logical3A_393 = arith.shrui %add3A_391, %shift_right_logical3A_392 : i32
      %and3A_394 = arith.constant 16383 : i32
      %and3A_395 = arith.andi %add3A_391, %and3A_394 : i32
      %shift_right_logical3A_396 = arith.constant 7 : i32
      %shift_right_logical3A_397 = arith.shrui %and3A_395, %shift_right_logical3A_396 : i32
      %mul3A_398 = arith.constant 2 : i32
      %mul3A_399 = arith.muli %shift_right_logical3A_393, %mul3A_398 : i32
      %mul3A_400 = arith.constant 1024 : i32
      %mul3A_401 = arith.muli %mul3A_399, %mul3A_400 : i32
      %mul3A_402 = arith.constant 8 : i32
      %mul3A_403 = arith.muli %shift_right_logical3A_397, %mul3A_402 : i32
      %add3A_404 = arith.addi %mul3A_401, %mul3A_403 : i32
      %add3A_405 = arith.constant 0 : i32
      %add3A_406 = arith.addi %add3A_404, %add3A_405 : i32
      %add3A_407 = arith.constant 1024 : i32
      %add3A_408 = arith.addi %add3A_404, %add3A_407 : i32
      %dma_start3A_409 = arith.constant 1 : i32
      %dma_start3A_410 = arith.constant 0 : i32
      %dma_start3A_411 = arith.constant 0 : i32
      %dma_start3A_412 = arith.constant 0 : i32
      %dma_start3A_413 = tpu.memref_slice %arg9[%dma_start3A_409, %dma_start3A_410, %dma_start3A_411, %dma_start3A_412] : memref<2x2x32x128xf32, #tpu.memory_space<vmem>> -> memref<1x1x32x128xf32, #tpu.memory_space<vmem>>
      %dma_start3A_414 = tpu.memref_squeeze %dma_start3A_413 : memref<1x1x32x128xf32, #tpu.memory_space<vmem>> -> memref<32x128xf32, #tpu.memory_space<vmem>>
      %dma_start3A_415 = arith.constant 0 : i32
      %dma_start3A_416 = tpu.memref_slice %arg5[%add3A_406, %dma_start3A_415] : memref<53248x128xf32, #tpu.memory_space<hbm>> -> memref<32x128xf32, #tpu.memory_space<hbm>>
      %dma_start3A_417 = arith.constant 0 : i32
      %dma_start3A_418 = tpu.memref_slice %arg5[%add3A_406, %dma_start3A_417] : memref<53248x128xf32, #tpu.memory_space<hbm>> -> memref<32x128xf32, #tpu.memory_space<hbm>>
      %dma_start3A_419 = arith.constant 0 : i32
      %dma_start3A_420 = arith.constant 0 : i32
      %dma_start3A_421 = tpu.memref_slice %arg9[%dma_start3A_409, %dma_start3A_410, %dma_start3A_419, %dma_start3A_420] : memref<2x2x32x128xf32, #tpu.memory_space<vmem>> -> memref<1x1x32x128xf32, #tpu.memory_space<vmem>>
      %dma_start3A_422 = tpu.memref_squeeze %dma_start3A_421 : memref<1x1x32x128xf32, #tpu.memory_space<vmem>> -> memref<32x128xf32, #tpu.memory_space<vmem>>
      tpu.enqueue_dma source(%dma_start3A_422 : memref<32x128xf32, #tpu.memory_space<vmem>>) target(%dma_start3A_418 : memref<32x128xf32, #tpu.memory_space<hbm>>) target_semaphore(%arg14 : memref<!tpu.dma_semaphore, #tpu.memory_space<semaphore_mem>>)
      %dma_start3A_423 = arith.constant 1 : i32
      %dma_start3A_424 = arith.constant 1 : i32
      %dma_start3A_425 = arith.constant 0 : i32
      %dma_start3A_426 = arith.constant 0 : i32
      %dma_start3A_427 = tpu.memref_slice %arg9[%dma_start3A_423, %dma_start3A_424, %dma_start3A_425, %dma_start3A_426] : memref<2x2x32x128xf32, #tpu.memory_space<vmem>> -> memref<1x1x32x128xf32, #tpu.memory_space<vmem>>
      %dma_start3A_428 = tpu.memref_squeeze %dma_start3A_427 : memref<1x1x32x128xf32, #tpu.memory_space<vmem>> -> memref<32x128xf32, #tpu.memory_space<vmem>>
      %dma_start3A_429 = arith.constant 0 : i32
      %dma_start3A_430 = tpu.memref_slice %arg5[%add3A_408, %dma_start3A_429] : memref<53248x128xf32, #tpu.memory_space<hbm>> -> memref<32x128xf32, #tpu.memory_space<hbm>>
      %dma_start3A_431 = arith.constant 0 : i32
      %dma_start3A_432 = tpu.memref_slice %arg5[%add3A_408, %dma_start3A_431] : memref<53248x128xf32, #tpu.memory_space<hbm>> -> memref<32x128xf32, #tpu.memory_space<hbm>>
      %dma_start3A_433 = arith.constant 0 : i32
      %dma_start3A_434 = arith.constant 0 : i32
      %dma_start3A_435 = tpu.memref_slice %arg9[%dma_start3A_423, %dma_start3A_424, %dma_start3A_433, %dma_start3A_434] : memref<2x2x32x128xf32, #tpu.memory_space<vmem>> -> memref<1x1x32x128xf32, #tpu.memory_space<vmem>>
      %dma_start3A_436 = tpu.memref_squeeze %dma_start3A_435 : memref<1x1x32x128xf32, #tpu.memory_space<vmem>> -> memref<32x128xf32, #tpu.memory_space<vmem>>
      tpu.enqueue_dma source(%dma_start3A_436 : memref<32x128xf32, #tpu.memory_space<vmem>>) target(%dma_start3A_432 : memref<32x128xf32, #tpu.memory_space<hbm>>) target_semaphore(%arg14 : memref<!tpu.dma_semaphore, #tpu.memory_space<semaphore_mem>>)
    }
    %scan3A_87 = arith.constant 13 : i32
    %add3A_88 = arith.constant 12288 : i32
    %add3A_89 = arith.addi %mul3A_2, %add3A_88 : i32
    %shift_right_logical3A = arith.constant 14 : i32
    %shift_right_logical3A_90 = arith.shrui %add3A_89, %shift_right_logical3A : i32
    %and3A = arith.constant 16383 : i32
    %and3A_91 = arith.andi %add3A_89, %and3A : i32
    %shift_right_logical3A_92 = arith.constant 7 : i32
    %shift_right_logical3A_93 = arith.shrui %and3A_91, %shift_right_logical3A_92 : i32
    %mul3A_94 = arith.constant 2 : i32
    %mul3A_95 = arith.muli %shift_right_logical3A_90, %mul3A_94 : i32
    %mul3A_96 = arith.constant 1024 : i32
    %mul3A_97 = arith.muli %mul3A_95, %mul3A_96 : i32
    %mul3A_98 = arith.constant 8 : i32
    %mul3A_99 = arith.muli %shift_right_logical3A_93, %mul3A_98 : i32
    %add3A_100 = arith.addi %mul3A_97, %mul3A_99 : i32
    %add3A_101 = arith.constant 0 : i32
    %add3A_102 = arith.addi %add3A_100, %add3A_101 : i32
    %add3A_103 = arith.constant 1024 : i32
    %add3A_104 = arith.addi %add3A_100, %add3A_103 : i32
    %dma_wait3A = arith.constant 0 : i32
    %dma_wait3A_105 = arith.constant 0 : i32
    %dma_wait3A_106 = arith.constant 0 : i32
    %dma_wait3A_107 = arith.constant 0 : i32
    %dma_wait3A_108 = tpu.memref_slice %arg9[%dma_wait3A, %dma_wait3A_105, %dma_wait3A_106, %dma_wait3A_107] : memref<2x2x32x128xf32, #tpu.memory_space<vmem>> -> memref<1x1x32x128xf32, #tpu.memory_space<vmem>>
    %dma_wait3A_109 = tpu.memref_squeeze %dma_wait3A_108 : memref<1x1x32x128xf32, #tpu.memory_space<vmem>> -> memref<32x128xf32, #tpu.memory_space<vmem>>
    %dma_wait3A_110 = arith.constant 0 : i32
    %dma_wait3A_111 = tpu.memref_slice %arg5[%add3A_102, %dma_wait3A_110] : memref<53248x128xf32, #tpu.memory_space<hbm>> -> memref<32x128xf32, #tpu.memory_space<hbm>>
    %dma_wait3A_112 = arith.constant 0 : i32
    %dma_wait3A_113 = tpu.memref_slice %arg5[%add3A_102, %dma_wait3A_112] : memref<53248x128xf32, #tpu.memory_space<hbm>> -> memref<32x128xf32, #tpu.memory_space<hbm>>
    %dma_wait3A_114 = arith.constant 0 : i32
    %dma_wait3A_115 = arith.constant 0 : i32
    %dma_wait3A_116 = tpu.memref_slice %arg9[%dma_wait3A, %dma_wait3A_105, %dma_wait3A_114, %dma_wait3A_115] : memref<2x2x32x128xf32, #tpu.memory_space<vmem>> -> memref<1x1x32x128xf32, #tpu.memory_space<vmem>>
    %dma_wait3A_117 = tpu.memref_squeeze %dma_wait3A_116 : memref<1x1x32x128xf32, #tpu.memory_space<vmem>> -> memref<32x128xf32, #tpu.memory_space<vmem>>
    tpu.wait_dma2 semaphore(%arg13 : memref<!tpu.dma_semaphore, #tpu.memory_space<semaphore_mem>>) src(%dma_wait3A_117 : memref<32x128xf32, #tpu.memory_space<vmem>>) dst(%dma_wait3A_113 : memref<32x128xf32, #tpu.memory_space<hbm>>)
    %dma_wait3A_118 = arith.constant 0 : i32
    %dma_wait3A_119 = arith.constant 1 : i32
    %dma_wait3A_120 = arith.constant 0 : i32
    %dma_wait3A_121 = arith.constant 0 : i32
    %dma_wait3A_122 = tpu.memref_slice %arg9[%dma_wait3A_118, %dma_wait3A_119, %dma_wait3A_120, %dma_wait3A_121] : memref<2x2x32x128xf32, #tpu.memory_space<vmem>> -> memref<1x1x32x128xf32, #tpu.memory_space<vmem>>
    %dma_wait3A_123 = tpu.memref_squeeze %dma_wait3A_122 : memref<1x1x32x128xf32, #tpu.memory_space<vmem>> -> memref<32x128xf32, #tpu.memory_space<vmem>>
    %dma_wait3A_124 = arith.constant 0 : i32
    %dma_wait3A_125 = tpu.memref_slice %arg5[%add3A_104, %dma_wait3A_124] : memref<53248x128xf32, #tpu.memory_space<hbm>> -> memref<32x128xf32, #tpu.memory_space<hbm>>
    %dma_wait3A_126 = arith.constant 0 : i32
    %dma_wait3A_127 = tpu.memref_slice %arg5[%add3A_104, %dma_wait3A_126] : memref<53248x128xf32, #tpu.memory_space<hbm>> -> memref<32x128xf32, #tpu.memory_space<hbm>>
    %dma_wait3A_128 = arith.constant 0 : i32
    %dma_wait3A_129 = arith.constant 0 : i32
    %dma_wait3A_130 = tpu.memref_slice %arg9[%dma_wait3A_118, %dma_wait3A_119, %dma_wait3A_128, %dma_wait3A_129] : memref<2x2x32x128xf32, #tpu.memory_space<vmem>> -> memref<1x1x32x128xf32, #tpu.memory_space<vmem>>
    %dma_wait3A_131 = tpu.memref_squeeze %dma_wait3A_130 : memref<1x1x32x128xf32, #tpu.memory_space<vmem>> -> memref<32x128xf32, #tpu.memory_space<vmem>>
    tpu.wait_dma2 semaphore(%arg13 : memref<!tpu.dma_semaphore, #tpu.memory_space<semaphore_mem>>) src(%dma_wait3A_131 : memref<32x128xf32, #tpu.memory_space<vmem>>) dst(%dma_wait3A_127 : memref<32x128xf32, #tpu.memory_space<hbm>>)
    %add3A_132 = arith.constant 12800 : i32
    %add3A_133 = arith.addi %mul3A_2, %add3A_132 : i32
    %shift_right_logical3A_134 = arith.constant 14 : i32
    %shift_right_logical3A_135 = arith.shrui %add3A_133, %shift_right_logical3A_134 : i32
    %and3A_136 = arith.constant 16383 : i32
    %and3A_137 = arith.andi %add3A_133, %and3A_136 : i32
    %shift_right_logical3A_138 = arith.constant 7 : i32
    %shift_right_logical3A_139 = arith.shrui %and3A_137, %shift_right_logical3A_138 : i32
    %mul3A_140 = arith.constant 2 : i32
    %mul3A_141 = arith.muli %shift_right_logical3A_135, %mul3A_140 : i32
    %mul3A_142 = arith.constant 1024 : i32
    %mul3A_143 = arith.muli %mul3A_141, %mul3A_142 : i32
    %mul3A_144 = arith.constant 8 : i32
    %mul3A_145 = arith.muli %shift_right_logical3A_139, %mul3A_144 : i32
    %add3A_146 = arith.addi %mul3A_143, %mul3A_145 : i32
    %add3A_147 = arith.constant 0 : i32
    %add3A_148 = arith.addi %add3A_146, %add3A_147 : i32
    %add3A_149 = arith.constant 1024 : i32
    %add3A_150 = arith.addi %add3A_146, %add3A_149 : i32
    %dma_wait3A_151 = arith.constant 1 : i32
    %dma_wait3A_152 = arith.constant 0 : i32
    %dma_wait3A_153 = arith.constant 0 : i32
    %dma_wait3A_154 = arith.constant 0 : i32
    %dma_wait3A_155 = tpu.memref_slice %arg9[%dma_wait3A_151, %dma_wait3A_152, %dma_wait3A_153, %dma_wait3A_154] : memref<2x2x32x128xf32, #tpu.memory_space<vmem>> -> memref<1x1x32x128xf32, #tpu.memory_space<vmem>>
    %dma_wait3A_156 = tpu.memref_squeeze %dma_wait3A_155 : memref<1x1x32x128xf32, #tpu.memory_space<vmem>> -> memref<32x128xf32, #tpu.memory_space<vmem>>
    %dma_wait3A_157 = arith.constant 0 : i32
    %dma_wait3A_158 = tpu.memref_slice %arg5[%add3A_148, %dma_wait3A_157] : memref<53248x128xf32, #tpu.memory_space<hbm>> -> memref<32x128xf32, #tpu.memory_space<hbm>>
    %dma_wait3A_159 = arith.constant 0 : i32
    %dma_wait3A_160 = tpu.memref_slice %arg5[%add3A_148, %dma_wait3A_159] : memref<53248x128xf32, #tpu.memory_space<hbm>> -> memref<32x128xf32, #tpu.memory_space<hbm>>
    %dma_wait3A_161 = arith.constant 0 : i32
    %dma_wait3A_162 = arith.constant 0 : i32
    %dma_wait3A_163 = tpu.memref_slice %arg9[%dma_wait3A_151, %dma_wait3A_152, %dma_wait3A_161, %dma_wait3A_162] : memref<2x2x32x128xf32, #tpu.memory_space<vmem>> -> memref<1x1x32x128xf32, #tpu.memory_space<vmem>>
    %dma_wait3A_164 = tpu.memref_squeeze %dma_wait3A_163 : memref<1x1x32x128xf32, #tpu.memory_space<vmem>> -> memref<32x128xf32, #tpu.memory_space<vmem>>
    tpu.wait_dma2 semaphore(%arg14 : memref<!tpu.dma_semaphore, #tpu.memory_space<semaphore_mem>>) src(%dma_wait3A_164 : memref<32x128xf32, #tpu.memory_space<vmem>>) dst(%dma_wait3A_160 : memref<32x128xf32, #tpu.memory_space<hbm>>)
    %dma_wait3A_165 = arith.constant 1 : i32
    %dma_wait3A_166 = arith.constant 1 : i32
    %dma_wait3A_167 = arith.constant 0 : i32
    %dma_wait3A_168 = arith.constant 0 : i32
    %dma_wait3A_169 = tpu.memref_slice %arg9[%dma_wait3A_165, %dma_wait3A_166, %dma_wait3A_167, %dma_wait3A_168] : memref<2x2x32x128xf32, #tpu.memory_space<vmem>> -> memref<1x1x32x128xf32, #tpu.memory_space<vmem>>
    %dma_wait3A_170 = tpu.memref_squeeze %dma_wait3A_169 : memref<1x1x32x128xf32, #tpu.memory_space<vmem>> -> memref<32x128xf32, #tpu.memory_space<vmem>>
    %dma_wait3A_171 = arith.constant 0 : i32
    %dma_wait3A_172 = tpu.memref_slice %arg5[%add3A_150, %dma_wait3A_171] : memref<53248x128xf32, #tpu.memory_space<hbm>> -> memref<32x128xf32, #tpu.memory_space<hbm>>
    %dma_wait3A_173 = arith.constant 0 : i32
    %dma_wait3A_174 = tpu.memref_slice %arg5[%add3A_150, %dma_wait3A_173] : memref<53248x128xf32, #tpu.memory_space<hbm>> -> memref<32x128xf32, #tpu.memory_space<hbm>>
    %dma_wait3A_175 = arith.constant 0 : i32
    %dma_wait3A_176 = arith.constant 0 : i32
    %dma_wait3A_177 = tpu.memref_slice %arg9[%dma_wait3A_165, %dma_wait3A_166, %dma_wait3A_175, %dma_wait3A_176] : memref<2x2x32x128xf32, #tpu.memory_space<vmem>> -> memref<1x1x32x128xf32, #tpu.memory_space<vmem>>
    %dma_wait3A_178 = tpu.memref_squeeze %dma_wait3A_177 : memref<1x1x32x128xf32, #tpu.memory_space<vmem>> -> memref<32x128xf32, #tpu.memory_space<vmem>>
    tpu.wait_dma2 semaphore(%arg14 : memref<!tpu.dma_semaphore, #tpu.memory_space<semaphore_mem>>) src(%dma_wait3A_178 : memref<32x128xf32, #tpu.memory_space<vmem>>) dst(%dma_wait3A_174 : memref<32x128xf32, #tpu.memory_space<hbm>>)
    return
  }
}

</mosaic_0001>

<sc_bundles>
// kernel: kernel.4.cloned.1.call-start
scs
__scs_entry_jumppad:
0x0: {  	(pc) =	sbr.rel $0x88, $3  }
0x1: {  	(tag) =	ssettag $0x0;
	lr =	simm.s32 $0x1  }
0x2: {  	[smem:$0x3F9E] =	sst lr;
	_ =	strace $0xD0000000  }
0x3: {  	_ = 	snop  }
0x4: {  	_ = 	snop  }
0x5: {  	_ = 	snop  }
0x6: {  	_ = 	snop  }
0x7: {  	_ = 	snop  }
__scs_overlays_trampoline_lowered:
0x8: {  	[smem:$0x3FAD] =	sst s0  }
0x9: {  	[smem:$0x3FAE] =	sst s1  }
0xa: {  	[smem:$0x3FAF] =	sst s2  }
0xb: {  	[smem:$0x3FB0] =	sst s3  }
0xc: {  	[smem:$0x3FB1] =	sst s4  }
0xd: {  	[smem:$0x3FB2] =	sst s5  }
0xe: {  	[smem:$0x3FB3] =	sst s6  }
0xf: {  	[smem:$0x3FB4] =	sst s7  }
0x10: {  	[smem:$0x3FB5] =	sst s8  }
0x11: {  	[smem:$0x3FB6] =	sst s9;
	s0 =	simm.s32 @!p0 $0x0  }
0x12: {  	s1 =	sld [smem:$0x3F9C];
	s0 =	simm.s32 @p0 $0x1  }
0x13: {  	[smem:$0x3FB7] =	sst s0;
	s0 =	simm.s32 @!p1 $0x0  }
0x14: {  	s2 =	sld [smem:$0x3F9B];
	s0 =	simm.s32 @p1 $0x1  }
0x15: {  	[smem:$0x3FB8] =	sst s0;
	s0 =	simm.s32 @!p2 $0x0  }
0x16: {  	s3 =	sld [smem:$0x3FDB];
	s0 =	simm.s32 @p2 $0x1  }
0x17: {  	s4 =	simm.s32 $0x1BF5;
	[smem:$0x3FBA] =	sst s0  }
0x18: {  	s0 =	sld [smem:$0x3F9D];
	_ =	swait.ge [sflag:s4], $0x0  }
0x19: {  	s7 =	sld [smem:$0x3F9E]  }
0x1a: {  	s8 =	sadd.s32 $0xFFFFE003, lr  }
0x1b: {  	s9 =	sadd.s32 $0xFFFFFEF7, lr;
	s5 =	simm.s32 $0xFFFFFFFF;
	p2 =	slt.u32 s8, $0xFFFFF086  }
0x1c: {  	p1 =	slt.u32 s9, $0xF7A;
	s5 =	simm.s32 @!p2 $0x0  }
0x1d: {  	s5 =	simm.s32 @p1 $0x1;
	p0 =	seq.s32 s7, s2  }
0x1e: {  	s7 =	smul.u32 @!p0 $0xF7A, s2;
	p2 =	seq.s32 @!p0 s5, $0x0  }
0x1f: {  	s9 =	smul.u32 $0xF7A, s1;
	s8 =	simm.s32 @!p0 $0x1BF5;
	p2 =	por !p2, p0  }
0x20: {  	[sflag:s8] =	ssyncset.s32 @!p0 $0xFFFFF086;
	s6 =	sadd.s32 @!p0 s3, s7;
	s7 =	simm.s32 @!p0 $0x108  }
0x21: {  	s3 =	sadd.s32 s3, s9;
	s6 =	sadd.s32 @!p0 $0x88, s6;
	s7 =	simm.s32 @p2 $0x1082  }
0x22: {  	[simem:s7], [sflag:s8] =	dma.local @!p0 [hbm:s6], $0xF7A  }
0x23: {  	s9 =	sor.u32 $0xD0000000, s2;
	s6 =	simm.s32 $0x108;
	_ =	swait.ge @!p0 [sflag:s8], $0x0  }
0x24: {  	s3 =	sadd.s32 $0x88, s3;
	s6 =	simm.s32 @!p1 $0x1082;
	[sflag:s4] =	ssyncset.s32 $0xFFFFF086  }
0x25: {  	[simem:s6], [sflag:s4] =	dma.local [hbm:s3], $0xF7A  }
0x26: {  	[smem:$0x3F9E] =	sst s1;
	(tag) =	ssettag s2;
	_ =	strace s9  }
0x27: {  	s1 =	sld [smem:$0x3FAE]  }
0x28: {  	s2 =	sld [smem:$0x3FAF]  }
0x29: {  	s4 =	sld [smem:$0x3FB1]  }
0x2a: {  	p0 =	seq.s32 s5, $0x0;
	s5 =	sld [smem:$0x3FB2]  }
0x2b: {  	s6 =	sld [smem:$0x3FB3]  }
0x2c: {  	s7 =	sld [smem:$0x3FB4]  }
0x2d: {  	s3 =	simm.s32 $0x108;
	s8 =	sld [smem:$0x3FB5]  }
0x2e: {  	s3 =	simm.s32 @!p0 $0x1082;
	s9 =	sld [smem:$0x3FB6]  }
0x2f: {  	lr =	sadd.s32 s0, s3;
	s0 =	sld [smem:$0x3FAD]  }
0x30: {  	s3 =	sld [smem:$0x3FB0]  }
0x31: {  	[smem:$0x3FB9] =	sst s10  }
0x32: {  	s10 =	sld [smem:$0x3FB7];
	_ =	sdelay $0x3  }
0x33: {  	p0 =	seq.s32 s10, $0x1;
	s10 =	sld [smem:$0x3FB9];
	_ =	sdelay $0x3  }
0x34: {  	[smem:$0x3FB9] =	sst s10  }
0x35: {  	s10 =	sld [smem:$0x3FB8];
	_ =	sdelay $0x3  }
0x36: {  	p1 =	seq.s32 s10, $0x1;
	s10 =	sld [smem:$0x3FB9];
	_ =	sdelay $0x3  }
0x37: {  	[smem:$0x3FB9] =	sst s10  }
0x38: {  	s10 =	sld [smem:$0x3FBA]  }
0x39: {  	_ = 	snop;
	(pc) =	sbr.ind lr, $3  }
0x3a: {  	_ = 	snop  }
0x3b: {  	_ = 	snop  }
0x3c: {  	p2 =	seq.s32 s10, $0x1;
	s10 =	sld [smem:$0x3FB9]  }
0x3d: {  	_ =	shalt  }
0x3e: {  	_ =	shalt  }
0x3f: {  	_ =	shalt  }
0x40: {  	_ =	shalt  }
0x41: {  	_ =	shalt  }
0x42: {  	_ =	shalt  }
0x43: {  	_ =	shalt  }
0x44: {  	_ =	shalt  }
0x45: {  	_ =	shalt  }
0x46: {  	_ =	shalt  }
0x47: {  	_ =	shalt  }
0x48: {  	_ =	shalt  }
0x49: {  	_ =	shalt  }
0x4a: {  	_ =	shalt  }
0x4b: {  	_ =	shalt  }
0x4c: {  	_ =	shalt  }
0x4d: {  	_ =	shalt  }
0x4e: {  	_ =	shalt  }
0x4f: {  	_ =	shalt  }
0x50: {  	_ =	shalt  }
0x51: {  	_ =	shalt  }
0x52: {  	_ =	shalt  }
0x53: {  	_ =	shalt  }
0x54: {  	_ =	shalt  }
0x55: {  	_ =	shalt  }
0x56: {  	_ =	shalt  }
0x57: {  	_ =	shalt  }
0x58: {  	_ =	shalt  }
0x59: {  	_ =	shalt  }
0x5a: {  	_ =	shalt  }
0x5b: {  	_ =	shalt  }
0x5c: {  	_ =	shalt  }
0x5d: {  	_ =	shalt  }
0x5e: {  	_ =	shalt  }
0x5f: {  	_ =	shalt  }
0x60: {  	_ =	shalt  }
0x61: {  	_ =	shalt  }
0x62: {  	_ =	shalt  }
0x63: {  	_ =	shalt  }
0x64: {  	_ =	shalt  }
0x65: {  	_ =	shalt  }
0x66: {  	_ =	shalt  }
0x67: {  	_ =	shalt  }
0x68: {  	_ =	shalt  }
0x69: {  	_ =	shalt  }
0x6a: {  	_ =	shalt  }
0x6b: {  	_ =	shalt  }
0x6c: {  	_ =	shalt  }
0x6d: {  	_ =	shalt  }
0x6e: {  	_ =	shalt  }
0x6f: {  	_ =	shalt  }
0x70: {  	_ =	shalt  }
0x71: {  	_ =	shalt  }
0x72: {  	_ =	shalt  }
0x73: {  	_ =	shalt  }
0x74: {  	_ =	shalt  }
0x75: {  	_ =	shalt  }
0x76: {  	_ =	shalt  }
0x77: {  	_ =	shalt  }
0x78: {  	_ =	shalt  }
0x79: {  	_ =	shalt  }
0x7a: {  	_ =	shalt  }
0x7b: {  	_ =	shalt  }
0x7c: {  	_ =	shalt  }
0x7d: {  	_ =	shalt  }
0x7e: {  	_ =	shalt  }
0x7f: {  	_ =	shalt  }
0x80: {  	_ =	shalt  }
0x81: {  	_ =	shalt  }
0x82: {  	_ =	shalt  }
0x83: {  	_ =	shalt  }
0x84: {  	_ =	shalt  }
0x85: {  	_ =	shalt  }
0x86: {  	_ =	shalt  }
0x87: {  	_ =	shalt  }
.Lfunc_end0:
.L_simem_size_0:
called_computation_lowered:
.L_overlay_start_0:
0x88: {  	s2 =	sld [smem:$0x3FD9]  }
0x89: {  	s3 =	sld [smem:$0x3FFE];
	_ =	sdelay $0x1  }
0x8a: {  	s1 =	srdreg.scid  }
0x8b: {  	s0 =	sand.u32 $0x1, s1  }
0x8c: {  	s17 =	sshll.u32 s0, $0xA;
	s2 =	sadd.s32 s3, s2  }
0x8d: {  	s2 =	sadd.s32 s2, s17  }
0x8e: {  	[smem:$0x3FC5] =	sst s2  }
0x8f: {  	_ = 	snop  }
0x90: {  	s2 =	sld [smem:$0x3FC7];
	(tm) =	ssettm $0x1  }
0x91: {  	s18 =	sld [smem:$0x3FFB];
	_ =	sdelay $0x3  }
0x92: {  	_ =	strace s18  }
0x93: {  	s3 =	sld [smem:$0x3FFC];
	_ =	sdelay $0x3  }
0x94: {  	_ =	strace s3  }
0x95: {  	s3 =	sld [smem:$0x3FFD];
	_ =	sdelay $0x3  }
0x96: {  	_ =	strace s3  }
0x97: {  	_ =	strace $0x8FFFFFFF  }
0x98: {  	s19 =	sld [smem:$0x3FDB];
	_ =	sdelay $0x1  }
0x99: {  	s4 =	simm.s32 $_scs_section_size  }
0x9a: {  	s5 =	simm.s32 $_size__tile_overlayer_lowered;
	s6 =	simm.s32 $_tile_overlayer_lowered  }
0x9b: {  	s22 =	simm.s32 $0x1BFF;
	s21 =	sshll.u32 s6, $0x1;
	s3 =	sadd.s32 s4, s19  }
0x9c: {  	s7 =	simm.s32 $0x0;
	s20 =	sshll.u32 s5, $0x1;
	s5 =	sadd.s32 s21, s3  }
0x9d: {  	[timem:s7], [sflag:s22] =	dma.local [hbm:s5], s20  }
0x9e: {  	_ =	swait.ge [sflag:s22], s20  }
0x9f: {  	s4 =	ssub.s32 $0x0, s20;
	[sflag:s22] =	ssyncset.done $0x0  }
0xa0: {  	[sflag:s22] =	ssyncadd.s32 s4;
	_ =	sdelay $0x1  }
0xa1: {  	s23 =	simm.s32 $0x1B8B  }
0xa2: {  	_ =	swait.ge [sflag:s23], $0x1  }
0xa3: {  	[sflag:s23] =	ssyncset.done $0x0  }
0xa4: {  	s25 =	simm.s32 $0x1B8E;
	s24 =	sld [smem:$0x3FFE];
	[sflag:s23] =	ssyncadd.s32 $0xFFFFFFFF  }
0xa5: {  	s26 =	simm.s32 $execute0_lowered;
	[smem:$0x3FD2] =	sst s25  }
0xa6: {  	s5 =	sshll.u32 s26, $0x1;
	_ =	strace $0x80000046;
	[dreg:$0x1] =	wrdreg $0xFFFFFFFF  }
0xa7: {  	s28 =	simm.s32 $_size_execute0_lowered;
	s3 =	sadd.s32 s3, s5;
	[dreg:$0x0] =	wrdreg $0x0  }
0xa8: {  	s5 =	sshll.u32 s28, $0x1;
	[dreg:$0x2] =	wrdreg s3  }
0xa9: {  	[dreg:$0x3] =	wrdreg s5  }
0xaa: {  	[dreg:$0x4] =	wrdreg $0xC0  }
0xab: {  	_ =	task [dreg:s7], $0x5FFFF  }
0xac: {  	[dreg:$0x1] =	wrdreg $0xFFFFFFFF  }
0xad: {  	[dreg:$0x0] =	wrdreg $0x60  }
0xae: {  	[dreg:$0x2] =	wrdreg s2  }
0xaf: {  	[dreg:$0x3] =	wrdreg s24  }
0xb0: {  	[dreg:$0x4] =	wrdreg $0x9  }
0xb1: {  	_ =	task.clear_ibuf [dreg:s7], $0x5FFFF;
	_ =	strace $0x90000046  }
0xb2: {  	s29 =	simm.s32 $0x9;
	_ =	strace $0x80000048  }
0xb3: {  	_ =	swait.ge [sflag:s29], $0x1  }
0xb4: {  	[sflag:s29] =	ssyncadd.s32 $0xFFFFFFFF  }
0xb5: {  	_ =	strace $0x90000048  }
0xb6: {  	_ =	sfence  }
0xb7: {  	s30 =	sld [smem:$0x0];
	_ =	sdelay $0x2  }
0xb8: {  	s31 =	sshll.u32 s1, $0xD;
	s1 =	sshrl.u32 s1, $0x2  }
0xb9: {  	s3 =	sand.u32 $0x4000, s31;
	s1 =	sadd.s32 s1, s30  }
0xba: {  	s0 =	sor.u32 s3, s0;
	s1 =	sshll.u32 s1, $0x11  }
0xbb: {  	s0 =	sor.u32 s1, s0  }
0xbc: {  	s0 =	sadd.s32 $0x8F2B, s0  }
0xbd: {  	[sflag:s0] =	ssyncadd.remote.s32 $0x1  }
0xbe: {  	_ =	sfence.sel $0xFFFF  }
0xbf: {  	[dreg:$0x0] =	wrdreg $0xFFFFFFFF;
	(pc) =	sbr.abs _section_cstart, $3  }
0xc0: {  	[dreg:$0x1] =	wrdreg $0xFFFFFFFF  }
0xc1: {  	_ =	task.clear_ibuf [dreg:s7], $0x2FFFF;
	_ =	strace $0x9FFFFFFF  }
0xc2: {  	(tm) =	ssettm $0x7FFFFFFF  }
0xc3: {  	_ =	shalt  }
tec
execute0_lowered:
.L_overlay_start_1:
0x0: {  	(tag) =	ssettag $0x1  }
0x1: {  	vm12 =	vcmask $0x300  }
0x2: {  	v0 =	vimm.s32 $0x0;
	v1 =	vimm.s32 $0x25B8;
	v2 =	vimm.s32 $0x25B9  }
0x3: {  	vm14 =	vcmask $0x704;
	vm13 =	vcmask $0xB08;
	vm11 =	vcmask $0xF0C  }
0x4: {  	vm10 =	vcmask $0x1310;
	vm9 =	vcmask $0x1714;
	vm8 =	vcmask $0x1B18  }
0x5: {  	vm7 =	vcmask $0x1F1C;
	vm6 =	vcmask $0x2320;
	vm5 =	vcmask $0x2724  }
0x6: {  	vm4 =	vcmask $0x2B28;
	vm3 =	vcmask $0x2F2C;
	vm2 =	vcmask $0x3330  }
0x7: {  	vm1 =	vcmask $0x3734;
	vm0 =	vcmask $0x3B38;
	v3 =	vimm.s32 $0x25BA  }
0x8: {  	v4 =	vimm.s32 $0x25BB;
	v5 =	vimm.s32 $0x25BC;
	v6 =	vimm.s32 $0x25BD  }
0x9: {  	v7 =	vimm.s32 $0x25BE;
	v8 =	vimm.s32 $0x25BF;
	v1 =	vsel vm12, $0x0, v1  }
0xa: {  	v2 =	vsel vm12, $0x1, v2;
	v0 =	vsel vm12, $0x3, v0;
	v3 =	vsel vm12, $0x2, v3  }
0xb: {  	v4 =	vsel vm12, $0x3, v4;
	v5 =	vsel vm12, $0x4, v5;
	v6 =	vsel vm12, $0x5, v6  }
0xc: {  	v7 =	vsel vm12, $0x6, v7;
	v8 =	vsel vm12, $0x7, v8;
	v1 =	vsel vm14, $0x88, v1  }
0xd: {  	v2 =	vsel vm14, $0x89, v2;
	v3 =	vsel vm14, $0x8A, v3;
	v4 =	vsel vm14, $0x8B, v4  }
0xe: {  	v5 =	vsel vm14, $0x8C, v5;
	v6 =	vsel vm14, $0x8D, v6;
	v7 =	vsel vm14, $0x8E, v7  }
0xf: {  	v8 =	vsel vm14, $0x8F, v8;
	v1 =	vsel vm13, $0x110, v1;
	v2 =	vsel vm13, $0x111, v2  }
0x10: {  	v3 =	vsel vm13, $0x112, v3;
	v4 =	vsel vm13, $0x113, v4;
	v5 =	vsel vm13, $0x114, v5  }
0x11: {  	v6 =	vsel vm13, $0x115, v6;
	v7 =	vsel vm13, $0x116, v7;
	v8 =	vsel vm13, $0x117, v8  }
0x12: {  	v1 =	vsel vm11, $0x198, v1;
	v2 =	vsel vm11, $0x199, v2;
	v3 =	vsel vm11, $0x19A, v3  }
0x13: {  	v4 =	vsel vm11, $0x19B, v4;
	v5 =	vsel vm11, $0x19C, v5;
	v6 =	vsel vm11, $0x19D, v6  }
0x14: {  	v7 =	vsel vm11, $0x19E, v7;
	v8 =	vsel vm11, $0x19F, v8;
	v1 =	vsel vm10, $0x220, v1  }
0x15: {  	v2 =	vsel vm10, $0x221, v2;
	v3 =	vsel vm10, $0x222, v3;
	v4 =	vsel vm10, $0x223, v4  }
0x16: {  	v5 =	vsel vm10, $0x224, v5;
	v6 =	vsel vm10, $0x225, v6;
	v7 =	vsel vm10, $0x226, v7  }
0x17: {  	v8 =	vsel vm10, $0x227, v8;
	v1 =	vsel vm9, $0x2A8, v1;
	v2 =	vsel vm9, $0x2A9, v2  }
0x18: {  	v3 =	vsel vm9, $0x2AA, v3;
	v4 =	vsel vm9, $0x2AB, v4;
	v5 =	vsel vm9, $0x2AC, v5  }
0x19: {  	v6 =	vsel vm9, $0x2AD, v6;
	v7 =	vsel vm9, $0x2AE, v7;
	v8 =	vsel vm9, $0x2AF, v8  }
0x1a: {  	v1 =	vsel vm8, $0x330, v1;
	v2 =	vsel vm8, $0x331, v2;
	v3 =	vsel vm8, $0x332, v3  }
0x1b: {  	v4 =	vsel vm8, $0x333, v4;
	v5 =	vsel vm8, $0x334, v5;
	v6 =	vsel vm8, $0x335, v6  }
0x1c: {  	v7 =	vsel vm8, $0x336, v7;
	v8 =	vsel vm8, $0x337, v8;
	v1 =	vsel vm7, $0x3B8, v1  }
0x1d: {  	v2 =	vsel vm7, $0x3B9, v2;
	v3 =	vsel vm7, $0x3BA, v3;
	v4 =	vsel vm7, $0x3BB, v4  }
0x1e: {  	v5 =	vsel vm7, $0x3BC, v5;
	v6 =	vsel vm7, $0x3BD, v6;
	v7 =	vsel vm7, $0x3BE, v7  }
0x1f: {  	v8 =	vsel vm7, $0x3BF, v8;
	v1 =	vsel vm6, $0x2200, v1;
	v2 =	vsel vm6, $0x2201, v2  }
0x20: {  	v3 =	vsel vm6, $0x2202, v3;
	v4 =	vsel vm6, $0x2203, v4;
	v5 =	vsel vm6, $0x2204, v5  }
0x21: {  	v6 =	vsel vm6, $0x2205, v6;
	v7 =	vsel vm6, $0x2206, v7;
	v8 =	vsel vm6, $0x2207, v8  }
0x22: {  	v1 =	vsel vm5, $0x2288, v1;
	v2 =	vsel vm5, $0x2289, v2;
	v3 =	vsel vm5, $0x228A, v3  }
0x23: {  	v4 =	vsel vm5, $0x228B, v4;
	v5 =	vsel vm5, $0x228C, v5;
	v6 =	vsel vm5, $0x228D, v6  }
0x24: {  	v7 =	vsel vm5, $0x228E, v7;
	v8 =	vsel vm5, $0x228F, v8;
	v1 =	vsel vm4, $0x2310, v1  }
0x25: {  	s0 =	rddreg [dreg:$0x0];
	v2 =	vsel vm4, $0x2311, v2;
	v3 =	vsel vm4, $0x2312, v3;
	v4 =	vsel vm4, $0x2313, v4  }
0x26: {  	s1 =	rddreg [dreg:$0x1];
	v5 =	vsel vm4, $0x2314, v5;
	v6 =	vsel vm4, $0x2315, v6;
	v7 =	vsel vm4, $0x2316, v7  }
0x27: {  	s3 =	simm.s32 $0x0;
	s4 =	srdreg.scid;
	s2 =	stileid.u32;
	v8 =	vsel vm4, $0x2317, v8;
	v1 =	vsel vm3, $0x2398, v1;
	v2 =	vsel vm3, $0x2399, v2  }
0x28: {  	s15 =	simm.s32 $0x1;
	s17 =	simm.s32 $0x2;
	s18 =	simm.s32 $0x4400;
	v3 =	vsel vm3, $0x239A, v3;
	v4 =	vsel vm3, $0x239B, v4;
	v5 =	vsel vm3, $0x239C, v5  }
0x29: {  	[smem:$0x7FF] =	sst s3;
	s4 =	sand.u32 $0x1, s4;
	s5 =	sshll.u32 s2, $0x1;
	v6 =	vsel vm3, $0x239D, v6;
	v7 =	vsel vm3, $0x239E, v7;
	v8 =	vsel vm3, $0x239F, v8  }
0x2a: {  	s2 =	simm.s32 $0x0;
	_ =	strace $0x80000047;
	s6 =	ssub.s32 $0x2, s4;
	v1 =	vsel vm2, $0x2420, v1;
	v2 =	vsel vm2, $0x2421, v2;
	v3 =	vsel vm2, $0x2422, v3  }
0x2b: {  	s10 =	sor.u32 s4, s5;
	s4 =	sadd.s32 $0xC00, s1;
	s28 =	sshrl.u32 s6, $0x1;
	v4 =	vsel vm2, $0x2423, v4;
	v5 =	vsel vm2, $0x2424, v5;
	v6 =	vsel vm2, $0x2425, v6  }
0x2c: {  	s7 =	sshll.u32 s10, $0xA;
	s14 =	sshll.u32 s10, $0x3;
	s12 =	sshll.u32 s10, $0xB;
	v7 =	vsel vm2, $0x2426, v7;
	v8 =	vsel vm2, $0x2427, v8;
	v1 =	vsel vm1, $0x24A8, v1  }
.Ltmp0:
0x2d: {  	s1 =	ssub.s32 s6, s28;
	s5 =	sadd.s32 s0, s7;
	v2 =	vsel vm1, $0x24A9, v2;
	v3 =	vsel vm1, $0x24AA, v3;
	v4 =	vsel vm1, $0x24AB, v4;
	(pc) =	sbr.rel .LBB2_1-.Ltmp0, $4  }
0x2e: {  	s6 =	sadd.s32 $0xFDE80, s0;
	s29 =	sor.u32 $0x200, s14;
	s30 =	sor.u32 $0x300, s14;
	v5 =	vsel vm1, $0x24AC, v5;
	v6 =	vsel vm1, $0x24AD, v6;
	v7 =	vsel vm1, $0x24AE, v7  }
0x2f: {  	s12 =	sadd.s32 s4, s12;
	s14 =	sor.u32 $0x100, s14;
	[dreg:$0x3] =	wrdreg s29;
	v8 =	vsel vm1, $0x24AF, v8;
	v1 =	vsel vm0, $0x2530, v1;
	v2 =	vsel vm0, $0x2531, v2  }
0x30: {  	s7 =	sadd.s32 s7, s6;
	[dreg:$0x4] =	wrdreg s30;
	s31 =	smax.u32 s1, $0x1;
	v3 =	vsel vm0, $0x2532, v3;
	v4 =	vsel vm0, $0x2533, v4;
	v5 =	vsel vm0, $0x2534, v5  }
0x31: {  	s8 =	sadd.s32 $0x105E80, s5;
	s9 =	sadd.s32 $0x8000, s5;
	[dreg:$0x5] =	wrdreg s31;
	v6 =	vsel vm0, $0x2535, v6;
	v7 =	vsel vm0, $0x2536, v7;
	v8 =	vsel vm0, $0x2537, v8  }
.LBB2_27:
0x32: {  	s0 =	simm.s32 $0x3  }
0x33: {  	_ =	swait.ge [sflag:s0], $0x4000  }
0x34: {  	[sflag:s0] =	ssyncset.done $0x0  }
0x35: {  	s1 =	simm.s32 $0x4;
	[sflag:s0] =	ssyncadd.s32 $0xFFFFC000  }
0x36: {  	_ =	swait.ge [sflag:s1], $0x4000  }
0x37: {  	s2 =	rddreg [dreg:$0x6]  }
0x38: {  	s31 =	rddreg [dreg:$0x5];
	s2 =	sadd.s32 $0x1, s2  }
0x39: {  	p0 =	sne.s32 s2, s31  }
.Ltmp1:
0x3a: {  	_ = 	snop;
	(pc) =	sbr.rel @!p0 .LBB2_28-.Ltmp1, $3  }
0x3b: {  	_ =	sdelay $0x1  }
0x3c: {  	[sflag:s1] =	ssyncset.done $0x0  }
0x3d: {  	[sflag:s1] =	ssyncadd.s32 $0xFFFFC000  }
.LBB2_1:
0x3e: {  	[dreg:$0x6] =	wrdreg s2;
	s23 =	simm.s32 $0x10  }
0x3f: {  	s26 =	sadd.s32 $0x0, s5;
	s24 =	simm.s32 $0x88;
	s25 =	simm.s32 $0x0  }
.LBB2_2:
0x40: {  	[tilespmem:s25], [sflag:$0x1] =	stream.linear.gather [hbm4b:s26+s3], $0x80, $0x38;
	[tilespmem:$0x10800] =	vst v63  }
0x41: {  	s1 =	smov.u32 s23;
	s25 =	smov.u32 s24;
	p0 =	sne.s32 s23, $0x3F0  }
.Ltmp2:
0x42: {  	s23 =	sadd.s32 $0x10, s23;
	(pc) =	sbr.rel @p0 .LBB2_2-.Ltmp2, $2  }
0x43: {  	_ =	sdelay $0x2  }
0x44: {  	s24 =	sadd.s32 $0x88, s24;
	s26 =	sadd.s32 s1, s5  }
0x45: {  	[tilespmem:s25], [sflag:$0x1] =	stream.linear.gather [hbm4b:s26+s3], $0x80, $0x38;
	[tilespmem:$0x10800] =	vst v63  }
0x46: {  	s23 =	simm.s32 $0x2200  }
0x47: {  	s24 =	simm.s32 $0x10;
	s26 =	sadd.s32 $0x0, s7;
	s25 =	simm.s32 $0x2288  }
.LBB2_4:
0x48: {  	[tilespmem:s23], [sflag:$0x1] =	stream.linear.gather [hbm4b:s26+s3], $0x80, $0x38;
	[tilespmem:$0x10800] =	vst v63  }
0x49: {  	s1 =	smov.u32 s24;
	s23 =	smov.u32 s25;
	p0 =	sne.s32 s24, $0x3F0  }
.Ltmp3:
0x4a: {  	s24 =	sadd.s32 $0x10, s24;
	(pc) =	sbr.rel @p0 .LBB2_4-.Ltmp3, $2  }
0x4b: {  	_ =	sdelay $0x2  }
0x4c: {  	s25 =	sadd.s32 $0x88, s25;
	s26 =	sadd.s32 s1, s7  }
0x4d: {  	[tilespmem:s23], [sflag:$0x1] =	stream.linear.gather [hbm4b:s26+s3], $0x80, $0x38;
	[tilespmem:$0x10800] =	vst v63  }
0x4e: {  	s23 =	simm.s32 $0x4400  }
0x4f: {  	s24 =	simm.s32 $0x10;
	s26 =	sadd.s32 $0x0, s9;
	s25 =	simm.s32 $0x4488  }
.LBB2_6:
0x50: {  	[tilespmem:s23], [sflag:$0x2] =	stream.linear.gather [hbm4b:s26+s3], $0x80, $0x38;
	[tilespmem:$0x10800] =	vst v63  }
0x51: {  	s1 =	smov.u32 s24;
	s23 =	smov.u32 s25;
	p0 =	sne.s32 s24, $0x3F0  }
.Ltmp4:
0x52: {  	s24 =	sadd.s32 $0x10, s24;
	(pc) =	sbr.rel @p0 .LBB2_6-.Ltmp4, $2  }
0x53: {  	_ =	sdelay $0x2  }
0x54: {  	s25 =	sadd.s32 $0x88, s25;
	s26 =	sadd.s32 s1, s9  }
0x55: {  	[tilespmem:s23], [sflag:$0x2] =	stream.linear.gather [hbm4b:s26+s3], $0x80, $0x38;
	[tilespmem:$0x10800] =	vst v63  }
0x56: {  	s23 =	simm.s32 $0x0;
	s24 =	simm.s32 $0x6600  }
0x57: {  	s25 =	simm.s32 $0x10;
	s28 =	sadd.s32 $0x0, s8;
	s26 =	simm.s32 $0x6688  }
.LBB2_8:
0x58: {  	[tilespmem:s24], [sflag:$0x2] =	stream.linear.gather [hbm4b:s28+s23], $0x80, $0x38;
	[tilespmem:$0x10800] =	vst v63  }
0x59: {  	s1 =	smov.u32 s25;
	s24 =	smov.u32 s26;
	p0 =	sne.s32 s25, $0x3F0  }
.Ltmp5:
0x5a: {  	s25 =	sadd.s32 $0x10, s25;
	(pc) =	sbr.rel @p0 .LBB2_8-.Ltmp5, $2  }
0x5b: {  	_ =	sdelay $0x2  }
0x5c: {  	s26 =	sadd.s32 $0x88, s26;
	s28 =	sadd.s32 s1, s8  }
.Ltmp6:
0x5d: {  	(pc) =	sbr.rel .LBB2_10-.Ltmp6, $2  }
0x5e: {  	_ =	sdelay $0x2  }
0x5f: {  	[tilespmem:s24], [sflag:$0x2] =	stream.linear.gather [hbm4b:s28+s23], $0x80, $0x38;
	[tilespmem:$0x10800] =	vst v63  }
.LBB2_26:
0x60: {  	s23 =	sadd.s32 $0x1, s23  }
0x61: {  	p0 =	sne.s32 s23, $0x10  }
.Ltmp7:
0x62: {  	_ = 	snop;
	(pc) =	sbr.rel @!p0 .LBB2_27-.Ltmp7, $4  }
0x63: {  	_ = 	snop  }
0x64: {  	s0 =	sshll.u32 s26, $0x8  }
0x65: {  	s1 =	simm.s32 $0xC800;
	s0 =	sadd.s32 s4, s0  }
0x66: {  	[hbm4b:s0+s3] =	stream.linear.scatter [tilespmem:s1], [sflag:$0x4], $0x4000, $0x38;
	[tilespmem:$0x10800] =	vst v63  }
.LBB2_10:
0x67: {  	s1 =	simm.s32 $0x0;
	s24 =	simm.s32 $0x1;
	s25 =	simm.s32 $0x2  }
0x68: {  	s26 =	simm.s32 $0x3;
	s28 =	simm.s32 $0x4;
	s29 =	simm.s32 $0x5  }
0x69: {  	s30 =	simm.s32 $0x6;
	s31 =	simm.s32 $0x7;
	s2 =	simm.s32 $0x8  }
0x6a: {  	s13 =	simm.s32 $0x9;
	s20 =	simm.s32 $0xA;
	s21 =	simm.s32 $0xB  }
0x6b: {  	s0 =	simm.s32 $0xC;
	s22 =	simm.s32 $0xD;
	s1 =	sand.u32 $0x70, s1  }
0x6c: {  	s24 =	sand.u32 $0x71, s24;
	s25 =	sand.u32 $0x72, s25;
	s26 =	sand.u32 $0x73, s26;
	v9 =	vmov s1  }
0x6d: {  	s10 =	sand.u32 $0x74, s28;
	s11 =	sand.u32 $0x75, s29;
	s16 =	sand.u32 $0x76, s30;
	v10 =	vmov s24;
	v11 =	vmov s25;
	v12 =	vmov s26  }
0x6e: {  	s19 =	sand.u32 $0x77, s31;
	s2 =	sand.u32 $0x78, s2;
	s13 =	sand.u32 $0x79, s13;
	v13 =	vmov s10;
	v14 =	vmov s11;
	v15 =	vmov s16  }
0x6f: {  	s31 =	sand.u32 $0x7D, s22;
	v16 =	vmov s19;
	v17 =	vmov s2;
	s25 =	sand.u32 $0x7A, s20;
	v18 =	vmov s13;
	s26 =	sand.u32 $0x7B, s21  }
0x70: {  	s30 =	simm.s32 $0xE;
	s1 =	sand.u32 $0x7C, s0;
	v22 =	vmov s31;
	v19 =	vmov s25;
	v20 =	vmov s26  }
0x71: {  	s0 =	sand.u32 $0x7E, s30;
	v21 =	vmov s1;
	v9 =	vshrl.u32 v9, $0x3;
	v10 =	vshrl.u32 v10, $0x3  }
0x72: {  	v23 =	vmov s0;
	v11 =	vshrl.u32 v11, $0x3;
	v12 =	vshrl.u32 v12, $0x3  }
0x73: {  	v13 =	vshrl.u32 v13, $0x3;
	v14 =	vshrl.u32 v14, $0x3;
	v15 =	vshrl.u32 v15, $0x3  }
0x74: {  	v16 =	vshrl.u32 v16, $0x3;
	v17 =	vshrl.u32 v17, $0x3;
	v18 =	vshrl.u32 v18, $0x3  }
0x75: {  	v22 =	vshrl.u32 v22, $0x3;
	v19 =	vshrl.u32 v19, $0x3;
	v9 =	vshll.u32 v9, v0  }
0x76: {  	v10 =	vshll.u32 v10, v0;
	v20 =	vshrl.u32 v20, $0x3;
	v11 =	vshll.u32 v11, v0  }
0x77: {  	s22 =	simm.s32 $0x15;
	v12 =	vshll.u32 v12, v0;
	v21 =	vshrl.u32 v21, $0x3;
	v13 =	vshll.u32 v13, v0  }
0x78: {  	s2 =	simm.s32 $0x0;
	s10 =	simm.s32 $0xF;
	s13 =	simm.s32 $0x11;
	v14 =	vshll.u32 v14, v0;
	v15 =	vshll.u32 v15, v0;
	v16 =	vshll.u32 v16, v0  }
0x79: {  	s30 =	simm.s32 $0x1C;
	s1 =	sand.u32 $0x38, s2;
	s2 =	sand.u32 $0x7F, s10;
	v23 =	vshrl.u32 v23, $0x3;
	v17 =	vshll.u32 v17, v0;
	v18 =	vshll.u32 v18, v0  }
0x7a: {  	s16 =	sand.u32 $0x71, s13;
	s0 =	sand.u32 $0x75, s22;
	s22 =	sand.u32 $0x7C, s30;
	v24 =	vmov s1;
	v25 =	vmov s2;
	v22 =	vshll.u32 v22, v0  }
0x7b: {  	s20 =	simm.s32 $0x13;
	s24 =	simm.s32 $0x16;
	v26 =	vmov s16;
	v30 =	vmov s0;
	v37 =	vmov s22  }
0x7c: {  	s31 =	simm.s32 $0x1D;
	s10 =	simm.s32 $0x17;
	s25 =	simm.s32 $0x19;
	v19 =	vshll.u32 v19, v0;
	v20 =	vshll.u32 v20, v0;
	v24 =	vmul.u32 $0x88, v24  }
0x7d: {  	s16 =	sand.u32 $0x73, s20;
	s2 =	sand.u32 $0x76, s24;
	s10 =	sand.u32 $0x77, s10;
	v21 =	vshll.u32 v21, v0;
	v25 =	vshrl.u32 v25, $0x3;
	v23 =	vshll.u32 v23, v0  }
0x7e: {  	s28 =	simm.s32 $0x1A;
	s13 =	sand.u32 $0x79, s25;
	s24 =	sand.u32 $0x7D, s31;
	v28 =	vmov s16;
	v31 =	vmov s2;
	v32 =	vmov s10  }
0x7f: {  	s16 =	sand.u32 $0x7A, s28;
	v34 =	vmov s13;
	v38 =	vmov s24;
	v25 =	vshll.u32 v25, v0  }
0x80: {  	v35 =	vmov s16;
	v56 =	vshrl.u32 v31, $0x3;
	v57 =	vshrl.u32 v32, $0x3  }
0x81: {  	v58 =	vshrl.u32 v34, $0x3;
	v9 =	vadd.s32 v24, v9;
	v10 =	vadd.s32 v24, v10  }
0x82: {  	_ =	swait.ge [sflag:s15], $0x2000;
	v25 =	vadd.s32 v24, v25;
	v11 =	vadd.s32 v24, v11;
	v12 =	vadd.s32 v24, v12  }
0x83: {  	[sflag:s15] =	ssyncset.done $0x0;
	v13 =	vadd.s32 v24, v13;
	v14 =	vadd.s32 v24, v14;
	v15 =	vadd.s32 v24, v15  }
0x84: {  	[sflag:s15] =	ssyncadd.s32 $0xFFFFE000;
	v16 =	vadd.s32 v24, v16;
	v17 =	vadd.s32 v24, v17;
	v25 =	vbroadcast v25, $0x0  }
0x85: {  	_ =	swait.ge [sflag:s15], $0x2000;
	v18 =	vadd.s32 v24, v18;
	v19 =	vadd.s32 v24, v19;
	v9 =	vbroadcast v9, $0x0  }
0x86: {  	p0 =	seq.s32 s23, $0x0;
	[sflag:s15] =	ssyncset.done $0x0;
	v20 =	vadd.s32 v24, v20;
	v10 =	vbroadcast v10, $0x0;
	v25 =	vadd.s32 v8, v25  }
0x87: {  	s1 =	simm.s32 @!p0 $0x3;
	[sflag:s15] =	ssyncadd.s32 $0xFFFFE000;
	v21 =	vadd.s32 v24, v21;
	v11 =	vbroadcast v11, $0x0;
	v9 =	vadd.s32 v1, v9  }
0x88: {  	s26 =	simm.s32 $0x10;
	_ =	swait.ge @!p0 [sflag:s1], $0x4000;
	v22 =	vadd.s32 v24, v22;
	v12 =	vbroadcast v12, $0x0;
	v10 =	vadd.s32 v2, v10  }
0x89: {  	s11 =	sand.u32 $0x70, s26;
	v23 =	vadd.s32 v24, v23;
	[sflag:s1] =	ssyncset.done @!p0 $0x0;
	v13 =	vbroadcast v13, $0x0;
	v11 =	vadd.s32 v3, v11  }
0x8a: {  	v24 =	vmov s11;
	v14 =	vbroadcast v14, $0x0;
	[sflag:s1] =	ssyncadd.s32 @!p0 $0xFFFFC000;
	v12 =	vadd.s32 v4, v12  }
0x8b: {  	v59 =	vshrl.u32 v35, $0x3;
	v18 =	vbroadcast v18, $0x0;
	v13 =	vadd.s32 v5, v13;
	v25 =	vld.idx.msk [tilespmem:v25+s3+$0x0], $0xffff  }
0x8c: {  	v15 =	vbroadcast v15, $0x0;
	v19 =	vbroadcast v19, $0x0;
	v14 =	vadd.s32 v6, v14;
	v9 =	vld.idx.msk [tilespmem:v9+s3+$0x0], $0xffff  }
0x8d: {  	v16 =	vbroadcast v16, $0x0;
	v17 =	vbroadcast v17, $0x0;
	v18 =	vadd.s32 v2, v18;
	v10 =	vld.idx.msk [tilespmem:v10+s3+$0x0], $0xffff  }
0x8e: {  	s19 =	simm.s32 $0x12;
	v20 =	vbroadcast v20, $0x0;
	v21 =	vbroadcast v21, $0x0;
	v19 =	vadd.s32 v3, v19;
	v11 =	vld.idx.msk [tilespmem:v11+s3+$0x0], $0xffff  }
0x8f: {  	s21 =	simm.s32 $0x14;
	v22 =	vbroadcast v22, $0x0;
	v23 =	vbroadcast v23, $0x0;
	s1 =	sand.u32 $0x72, s19;
	v15 =	vadd.s32 v7, v15;
	v12 =	vld.idx.msk [tilespmem:v12+s3+$0x0], $0xffff  }
0x90: {  	s11 =	simm.s32 $0x18;
	s19 =	sand.u32 $0x74, s21;
	v24 =	vshrl.u32 v24, $0x3;
	v27 =	vmov s1;
	v16 =	vadd.s32 v8, v16;
	v13 =	vld.idx.msk [tilespmem:v13+s3+$0x0], $0xffff  }
0x91: {  	s29 =	simm.s32 $0x1B;
	s28 =	simm.s32 $0x8880;
	s11 =	sand.u32 $0x78, s11;
	v29 =	vmov s19;
	v24 =	vshll.u32 v24, v0;
	v17 =	vadd.s32 v1, v17;
	v14 =	vld.idx.msk [tilespmem:v14+s3+$0x0], $0xffff  }
0x92: {  	s21 =	sand.u32 $0x7B, s29;
	v33 =	vmov s11;
	v20 =	vadd.s32 v4, v20;
	v21 =	vadd.s32 v5, v21;
	v18 =	vld.idx.msk [tilespmem:v18+s3+$0x0], $0xffff;
	[tilespmem:s28+$0x70] =	vst v25  }
0x93: {  	s19 =	simm.s32 $0x1E;
	v36 =	vmov s21;
	v22 =	vadd.s32 v6, v22;
	v23 =	vadd.s32 v7, v23;
	v19 =	vld.idx.msk [tilespmem:v19+s3+$0x0], $0xffff;
	[tilespmem:s28+$0xFFFFFF80] =	vst v9  }
0x94: {  	s25 =	sand.u32 $0x7E, s19;
	v55 =	vshrl.u32 v29, $0x3;
	v60 =	vshrl.u32 v36, $0x3;
	v29 =	vshll.u32 v56, v0;
	v9 =	vld.idx.msk [tilespmem:v15+s3+$0x0], $0xffff;
	[tilespmem:s28+$0xFFFFFF90] =	vst v10  }
0x95: {  	v25 =	vshrl.u32 v26, $0x3;
	v26 =	vmov s25;
	v15 =	vshrl.u32 v27, $0x3;
	v10 =	vld.idx.msk [tilespmem:v16+s3+$0x0], $0xffff;
	[tilespmem:s28+$0xFFFFFFA0] =	vst v11  }
0x96: {  	v27 =	vshrl.u32 v28, $0x3;
	v16 =	vshrl.u32 v30, $0x3;
	v11 =	vld.idx.msk [tilespmem:v17+s3+$0x0], $0xffff;
	v17 =	vshrl.u32 v33, $0x3;
	[tilespmem:s28+$0xFFFFFFC0] =	vst v13  }
0x97: {  	v20 =	vld.idx.msk [tilespmem:v20+s3+$0x0], $0xffff;
	v13 =	vshrl.u32 v37, $0x3;
	[tilespmem:s28+$0xFFFFFFD0] =	vst v14;
	v28 =	vshll.u32 v55, v0;
	v14 =	vshrl.u32 v38, $0x3  }
0x98: {  	[tilespmem:s28+$0xFFFFFFB0] =	vst v12;
	v30 =	vshll.u32 v57, v0;
	v12 =	vshll.u32 v58, v0;
	v25 =	vshll.u32 v25, v0  }
0x99: {  	s30 =	simm.s32 $0x1F;
	s29 =	simm.s32 $0x1;
	[tilespmem:s28+$0x10] =	vst v18;
	v61 =	vshll.u32 v15, v0;
	v27 =	vshll.u32 v27, v0;
	v16 =	vshll.u32 v16, v0  }
0x9a: {  	s31 =	sand.u32 $0x38, s29;
	s1 =	sand.u32 $0x7F, s30;
	v21 =	vld.idx.msk [tilespmem:v21+s3+$0x0], $0xffff;
	v26 =	vshrl.u32 v26, $0x3;
	v62 =	vshll.u32 v17, v0;
	v15 =	vshll.u32 v60, v0;
	[tilespmem:s28+$0xFFFFFFE0] =	vst v9  }
0x9b: {  	v17 =	vld.idx.msk [tilespmem:v22+s3+$0x0], $0xffff;
	v13 =	vshll.u32 v13, v0;
	[tilespmem:s28+$0x0] =	vst v11;
	v9 =	vmov s31;
	v11 =	vmov s1  }
0x9c: {  	v63 =	vld.idx.msk [tilespmem:v23+s3+$0x0], $0xffff;
	[tilespmem:s28+$0x20] =	vst v19;
	v14 =	vshll.u32 v14, v0;
	v9 =	vmul.u32 $0x88, v9;
	v18 =	vshrl.u32 v11, $0x3  }
0x9d: {  	[tilespmem:s28+$0xFFFFFFF0] =	vst v10;
	v10 =	vshll.u32 v59, v0;
	v11 =	vshll.u32 v26, v0;
	v22 =	vshll.u32 v18, v0  }
0x9e: {  	[tilespmem:s28+$0x30] =	vst v20;
	v18 =	vadd.s32 v9, v24;
	v19 =	vadd.s32 v9, v25;
	v20 =	vadd.s32 v9, v22  }
0x9f: {  	[tilespmem:s28+$0x40] =	vst v21;
	v22 =	vadd.s32 v9, v61;
	v21 =	vadd.s32 v9, v27;
	v25 =	vbroadcast v20, $0x0  }
0xa0: {  	[tilespmem:s28+$0x50] =	vst v17;
	v24 =	vadd.s32 v9, v28;
	v23 =	vadd.s32 v9, v16;
	v17 =	vadd.s32 v9, v29  }
0xa1: {  	s24 =	sshll.u32 s23, $0x9;
	s25 =	sshll.u32 s23, $0x11;
	[tilespmem:s28+$0x60] =	vst v63;
	v16 =	vadd.s32 v9, v62;
	v20 =	vadd.s32 v9, v30;
	v25 =	vadd.s32 v8, v25  }
.LBB2_11:
0xa2: {  	v12 =	vadd.s32 v9, v12;
	v10 =	vadd.s32 v9, v10;
	v15 =	vadd.s32 v9, v15;
	s30 =	smov.u32 s26;
	s26 =	sadd.s32 $0x10, s26  }
0xa3: {  	v13 =	vadd.s32 v9, v13;
	v14 =	vadd.s32 v9, v14;
	v9 =	vadd.s32 v9, v11;
	s1 =	sand.u32 $0x70, s26;
	s2 =	sadd.s32 $0x11, s30;
	p1 =	slt.u32 s26, $0x3F0  }
0xa4: {  	v18 =	vbroadcast v18, $0x0;
	v19 =	vbroadcast v19, $0x0;
	v11 =	vmov s1;
	s1 =	sand.u32 $0x71, s2  }
0xa5: {  	v22 =	vbroadcast v22, $0x0;
	v21 =	vbroadcast v21, $0x0;
	v26 =	vmov s1  }
0xa6: {  	v24 =	vbroadcast v24, $0x0;
	v23 =	vbroadcast v23, $0x0;
	v18 =	vadd.s32 v1, v18;
	v25 =	vld.idx.msk [tilespmem:v25+s3+$0x0], $0xffff  }
0xa7: {  	v17 =	vbroadcast v17, $0x0;
	v20 =	vbroadcast v20, $0x0;
	v19 =	vadd.s32 v2, v19  }
0xa8: {  	v16 =	vbroadcast v16, $0x0;
	v12 =	vbroadcast v12, $0x0;
	v22 =	vadd.s32 v3, v22  }
0xa9: {  	v10 =	vbroadcast v10, $0x0;
	v15 =	vbroadcast v15, $0x0;
	s2 =	sadd.s32 $0x13, s30;
	v21 =	vadd.s32 v4, v21;
	s1 =	sadd.s32 $0x12, s30  }
0xaa: {  	s13 =	sadd.s32 $0x14, s30;
	s20 =	sadd.s32 $0x15, s30;
	s21 =	sadd.s32 $0x16, s30;
	v13 =	vbroadcast v13, $0x0;
	v14 =	vbroadcast v14, $0x0;
	v24 =	vadd.s32 v5, v24  }
0xab: {  	s28 =	sadd.s32 $0x100, s28;
	s22 =	sadd.s32 $0x17, s30;
	s31 =	sadd.s32 $0x18, s30;
	v9 =	vbroadcast v9, $0x0;
	v23 =	vadd.s32 v6, v23;
	v17 =	vadd.s32 v7, v17;
	v18 =	vld.idx.msk [tilespmem:v18+s3+$0x0], $0xffff  }
0xac: {  	s0 =	sadd.s32 $0x19, s30;
	s10 =	sadd.s32 $0x1A, s30;
	s11 =	sadd.s32 $0x1B, s30;
	v20 =	vadd.s32 v8, v20;
	v16 =	vadd.s32 v1, v16;
	v12 =	vadd.s32 v2, v12;
	[tilespmem:s28+$0x70] =	vst v25  }
0xad: {  	s16 =	sadd.s32 $0x1C, s30;
	s19 =	sadd.s32 $0x1D, s30;
	v10 =	vadd.s32 v3, v10;
	v15 =	vadd.s32 v4, v15;
	v13 =	vadd.s32 v5, v13;
	s1 =	sand.u32 $0x72, s1;
	v19 =	vld.idx.msk [tilespmem:v19+s3+$0x0], $0xffff  }
0xae: {  	v14 =	vadd.s32 v6, v14;
	v9 =	vadd.s32 v7, v9;
	v25 =	vmov s1;
	s1 =	sand.u32 $0x73, s2;
	s2 =	sand.u32 $0x74, s13;
	s13 =	sand.u32 $0x75, s20;
	v22 =	vld.idx.msk [tilespmem:v22+s3+$0x0], $0xffff  }
0xaf: {  	v27 =	vmov s1;
	v28 =	vmov s2;
	v29 =	vmov s13;
	s1 =	sand.u32 $0x76, s21;
	s2 =	sand.u32 $0x77, s22;
	s13 =	sand.u32 $0x78, s31;
	v21 =	vld.idx.msk [tilespmem:v21+s3+$0x0], $0xffff  }
0xb0: {  	s0 =	sand.u32 $0x79, s0;
	v30 =	vmov s1;
	v31 =	vmov s2;
	v32 =	vmov s13;
	s1 =	sand.u32 $0x7A, s10;
	s2 =	sadd.s32 $0x1E, s30;
	v24 =	vld.idx.msk [tilespmem:v24+s3+$0x0], $0xffff  }
0xb1: {  	v33 =	vmov s0;
	s0 =	sand.u32 $0x7B, s11;
	s10 =	sand.u32 $0x7D, s19;
	v34 =	vmov s1;
	s1 =	sand.u32 $0x7C, s16;
	[tilespmem:s28+$0xFFFFFF80] =	vst v18;
	v18 =	vld.idx.msk [tilespmem:v23+s3+$0x0], $0xffff  }
0xb2: {  	v36 =	vmov s10;
	v35 =	vmov s1;
	v23 =	vmov s0;
	s0 =	sand.u32 $0x7E, s2;
	v17 =	vld.idx.msk [tilespmem:v17+s3+$0x0], $0xffff  }
0xb3: {  	v11 =	vshrl.u32 v11, $0x3;
	v26 =	vshrl.u32 v26, $0x3;
	v37 =	vmov s0;
	[tilespmem:s28+$0xFFFFFF90] =	vst v19;
	v19 =	vld.idx.msk [tilespmem:v20+s3+$0x0], $0xffff  }
0xb4: {  	v20 =	vshrl.u32 v25, $0x3;
	v25 =	vshrl.u32 v27, $0x3;
	v27 =	vshrl.u32 v28, $0x3;
	[tilespmem:s28+$0xFFFFFFA0] =	vst v22;
	v16 =	vld.idx.msk [tilespmem:v16+s3+$0x0], $0xffff  }
0xb5: {  	v28 =	vshrl.u32 v30, $0x3;
	v22 =	vshrl.u32 v29, $0x3;
	v29 =	vshrl.u32 v31, $0x3;
	[tilespmem:s28+$0xFFFFFFB0] =	vst v21;
	v21 =	vld.idx.msk [tilespmem:v12+s3+$0x0], $0xffff  }
0xb6: {  	v30 =	vshrl.u32 v33, $0x3;
	v31 =	vshrl.u32 v34, $0x3;
	v12 =	vshrl.u32 v32, $0x3;
	[tilespmem:s28+$0xFFFFFFC0] =	vst v24;
	v24 =	vld.idx.msk [tilespmem:v10+s3+$0x0], $0xffff  }
0xb7: {  	v26 =	vshll.u32 v26, v0;
	v32 =	vshll.u32 v11, v0;
	v11 =	vshrl.u32 v23, $0x3;
	[tilespmem:s28+$0xFFFFFFD0] =	vst v18;
	v18 =	vld.idx.msk [tilespmem:v15+s3+$0x0], $0xffff  }
0xb8: {  	v20 =	vshll.u32 v20, v0;
	v23 =	vshll.u32 v25, v0;
	v25 =	vshrl.u32 v35, $0x3;
	[tilespmem:s28+$0xFFFFFFE0] =	vst v17;
	v17 =	vld.idx.msk [tilespmem:v13+s3+$0x0], $0xffff  }
0xb9: {  	v27 =	vshll.u32 v27, v0;
	v33 =	vshll.u32 v22, v0;
	v22 =	vshrl.u32 v36, $0x3;
	[tilespmem:s28+$0xFFFFFFF0] =	vst v19;
	v34 =	vld.idx.msk [tilespmem:v14+s3+$0x0], $0xffff  }
0xba: {  	s29 =	sadd.s32 $0x1, s29;
	s0 =	sadd.s32 $0x1F, s30;
	v28 =	vshll.u32 v28, v0;
	v29 =	vshll.u32 v29, v0;
	v19 =	vshrl.u32 v37, $0x3;
	[tilespmem:s28+$0x0] =	vst v16;
	v16 =	vld.idx.msk [tilespmem:v9+s3+$0x0], $0xffff  }
0xbb: {  	s1 =	sand.u32 $0x38, s29;
	s0 =	sand.u32 $0x7F, s0;
	v35 =	vshll.u32 v12, v0;
	v12 =	vshll.u32 v30, v0;
	v10 =	vshll.u32 v31, v0;
	[tilespmem:s28+$0x10] =	vst v21  }
0xbc: {  	v15 =	vshll.u32 v11, v0;
	v11 =	vmov s0;
	v9 =	vmov s1;
	[tilespmem:s28+$0x20] =	vst v24  }
0xbd: {  	v13 =	vshll.u32 v25, v0;
	v9 =	vmul.u32 $0x88, v9;
	v21 =	vshrl.u32 v11, $0x3;
	[tilespmem:s28+$0x30] =	vst v18  }
.Ltmp8:
0xbe: {  	v14 =	vshll.u32 v22, v0;
	v11 =	vshll.u32 v19, v0;
	v21 =	vshll.u32 v21, v0;
	[tilespmem:s28+$0x40] =	vst v17;
	(pc) =	sbr.rel @p1 .LBB2_11-.Ltmp8, $4  }
0xbf: {  	v18 =	vadd.s32 v9, v32;
	v19 =	vadd.s32 v9, v26;
	v17 =	vadd.s32 v9, v21;
	[tilespmem:s28+$0x50] =	vst v34  }
0xc0: {  	v22 =	vadd.s32 v9, v20;
	v21 =	vadd.s32 v9, v23;
	v25 =	vbroadcast v17, $0x0;
	[tilespmem:s28+$0x60] =	vst v16  }
0xc1: {  	v24 =	vadd.s32 v9, v27;
	v23 =	vadd.s32 v9, v33;
	v17 =	vadd.s32 v9, v28  }
0xc2: {  	v20 =	vadd.s32 v9, v29;
	v16 =	vadd.s32 v9, v35;
	v25 =	vadd.s32 v8, v25  }
0xc3: {  	v18 =	vbroadcast v18, $0x0  }
0xc4: {  	v19 =	vbroadcast v19, $0x0  }
0xc5: {  	v22 =	vbroadcast v22, $0x0;
	v18 =	vadd.s32 v1, v18  }
0xc6: {  	v21 =	vbroadcast v21, $0x0;
	v19 =	vadd.s32 v2, v19  }
0xc7: {  	v24 =	vbroadcast v24, $0x0;
	v22 =	vadd.s32 v3, v22  }
0xc8: {  	v23 =	vbroadcast v23, $0x0;
	v21 =	vadd.s32 v4, v21  }
0xc9: {  	v25 =	vld.idx.msk [tilespmem:v25+s3+$0x0], $0xffff;
	v17 =	vbroadcast v17, $0x0;
	v24 =	vadd.s32 v5, v24  }
0xca: {  	v20 =	vbroadcast v20, $0x0;
	v23 =	vadd.s32 v6, v23;
	v18 =	vld.idx.msk [tilespmem:v18+s3+$0x0], $0xffff  }
0xcb: {  	v12 =	vadd.s32 v9, v12;
	v16 =	vbroadcast v16, $0x0;
	v17 =	vadd.s32 v7, v17;
	v19 =	vld.idx.msk [tilespmem:v19+s3+$0x0], $0xffff  }
0xcc: {  	v10 =	vadd.s32 v9, v10;
	v12 =	vbroadcast v12, $0x0;
	v20 =	vadd.s32 v8, v20;
	v22 =	vld.idx.msk [tilespmem:v22+s3+$0x0], $0xffff  }
0xcd: {  	v15 =	vadd.s32 v9, v15;
	s0 =	sadd.s32 $0x100, s28;
	v10 =	vbroadcast v10, $0x0;
	v16 =	vadd.s32 v1, v16;
	v21 =	vld.idx.msk [tilespmem:v21+s3+$0x0], $0xffff  }
0xce: {  	v13 =	vadd.s32 v9, v13;
	v15 =	vbroadcast v15, $0x0;
	v12 =	vadd.s32 v2, v12;
	[tilespmem:s0+$0x70] =	vst v25;
	v24 =	vld.idx.msk [tilespmem:v24+s3+$0x0], $0xffff  }
0xcf: {  	v14 =	vadd.s32 v9, v14;
	v13 =	vbroadcast v13, $0x0;
	v10 =	vadd.s32 v3, v10;
	v60 =	vld.idx.msk [tilespmem:v23+s3+$0x0], $0xffff;
	[tilespmem:s0+$0xFFFFFF80] =	vst v18  }
0xd0: {  	v9 =	vadd.s32 v9, v11;
	v11 =	vbroadcast v14, $0x0;
	v61 =	vadd.s32 v4, v15;
	v62 =	vld.idx.msk [tilespmem:v17+s3+$0x0], $0xffff;
	[tilespmem:s0+$0xFFFFFF90] =	vst v19  }
0xd1: {  	v9 =	vbroadcast v9, $0x0;
	v13 =	vadd.s32 v5, v13;
	v63 =	vld.idx.msk [tilespmem:v20+s3+$0x0], $0xffff;
	[tilespmem:s0+$0xFFFFFFA0] =	vst v22  }
0xd2: {  	v11 =	vadd.s32 v6, v11;
	v16 =	vld.idx.msk [tilespmem:v16+s3+$0x0], $0xffff;
	[tilespmem:s0+$0xFFFFFFB0] =	vst v21  }
0xd3: {  	v9 =	vadd.s32 v7, v9;
	v12 =	vld.idx.msk [tilespmem:v12+s3+$0x0], $0xffff;
	[tilespmem:s0+$0xFFFFFFC0] =	vst v24  }
0xd4: {  	v10 =	vld.idx.msk [tilespmem:v10+s3+$0x0], $0xffff;
	[tilespmem:s0+$0xFFFFFFD0] =	vst v60  }
0xd5: {  	v14 =	vld.idx.msk [tilespmem:v61+s3+$0x0], $0xffff;
	[tilespmem:s0+$0xFFFFFFE0] =	vst v62  }
0xd6: {  	v13 =	vld.idx.msk [tilespmem:v13+s3+$0x0], $0xffff;
	[tilespmem:s0+$0xFFFFFFF0] =	vst v63  }
0xd7: {  	v11 =	vld.idx.msk [tilespmem:v11+s3+$0x0], $0xffff;
	[tilespmem:s0+$0x0] =	vst v16  }
0xd8: {  	p1 =	seq.s32 s23, $0xF;
	v9 =	vld.idx.msk [tilespmem:v9+s3+$0x0], $0xffff;
	[tilespmem:s0+$0x10] =	vst v12  }
.Ltmp9:
0xd9: {  	[tilespmem:s0+$0x20] =	vst v10;
	(pc) =	sbr.rel @p1 .LBB2_18-.Ltmp9, $4  }
0xda: {  	[tilespmem:s0+$0x30] =	vst v14  }
0xdb: {  	[tilespmem:s0+$0x40] =	vst v13  }
0xdc: {  	[tilespmem:s0+$0x50] =	vst v11  }
0xdd: {  	[tilespmem:s0+$0x60] =	vst v9  }
0xde: {  	s0 =	rddreg [dreg:$0x3]  }
0xdf: {  	s0 =	sadd.s32 s0, s24  }
0xe0: {  	s0 =	smin.u32 s0, $0x1FB5  }
0xe1: {  	s22 =	rddreg [dreg:$0x0];
	s26 =	sshll.u32 s0, $0x7  }
0xe2: {  	s29 =	simm.s32 $0x0;
	s28 =	sadd.s32 s22, s26  }
0xe3: {  	s30 =	simm.s32 $0x10;
	s31 =	simm.s32 $0x88;
	s1 =	sadd.s32 $0x0, s28  }
.LBB2_14:
0xe4: {  	[tilespmem:s29], [sflag:$0x1] =	stream.linear.gather [hbm4b:s1+s3], $0x80, $0x38;
	[tilespmem:$0x10800] =	vst v63  }
0xe5: {  	s0 =	smov.u32 s30;
	s29 =	smov.u32 s31;
	p2 =	sne.s32 s30, $0x3F0  }
.Ltmp10:
0xe6: {  	s30 =	sadd.s32 $0x10, s30;
	(pc) =	sbr.rel @p2 .LBB2_14-.Ltmp10, $2  }
0xe7: {  	_ =	sdelay $0x2  }
0xe8: {  	s31 =	sadd.s32 $0x88, s31;
	s1 =	sadd.s32 s0, s28  }
0xe9: {  	[tilespmem:s29], [sflag:$0x1] =	stream.linear.gather [hbm4b:s1+s3], $0x80, $0x38;
	[tilespmem:$0x10800] =	vst v63  }
0xea: {  	s26 =	sadd.s32 s26, s6;
	s28 =	simm.s32 $0x2200  }
0xeb: {  	s29 =	simm.s32 $0x10;
	s30 =	simm.s32 $0x2288;
	s1 =	sadd.s32 $0x0, s26  }
.LBB2_16:
0xec: {  	[tilespmem:s28], [sflag:$0x1] =	stream.linear.gather [hbm4b:s1+s3], $0x80, $0x38;
	[tilespmem:$0x10800] =	vst v63  }
0xed: {  	s0 =	smov.u32 s29;
	s28 =	smov.u32 s30;
	p2 =	sne.s32 s29, $0x3F0  }
.Ltmp11:
0xee: {  	s29 =	sadd.s32 $0x10, s29;
	(pc) =	sbr.rel @p2 .LBB2_16-.Ltmp11, $2  }
0xef: {  	_ =	sdelay $0x2  }
0xf0: {  	s30 =	sadd.s32 $0x88, s30;
	s1 =	sadd.s32 s0, s26  }
0xf1: {  	[tilespmem:s28], [sflag:$0x1] =	stream.linear.gather [hbm4b:s1+s3], $0x80, $0x38;
	[tilespmem:$0x10800] =	vst v63  }
.LBB2_18:
0xf2: {  	s0 =	simm.s32 $0x0;
	s1 =	simm.s32 $0x1  }
0xf3: {  	s2 =	simm.s32 $0x2;
	s10 =	simm.s32 $0x3;
	s11 =	simm.s32 $0x4  }
0xf4: {  	s13 =	simm.s32 $0x5;
	s16 =	simm.s32 $0x6;
	s19 =	simm.s32 $0x7  }
0xf5: {  	s20 =	simm.s32 $0x8;
	s21 =	simm.s32 $0x9;
	s22 =	simm.s32 $0xA  }
0xf6: {  	s26 =	simm.s32 $0xB;
	s28 =	simm.s32 $0xD;
	s0 =	sand.u32 $0x70, s0  }
0xf7: {  	s1 =	sand.u32 $0x71, s1;
	s2 =	sand.u32 $0x72, s2;
	s10 =	sand.u32 $0x73, s10;
	v9 =	vmov s0  }
0xf8: {  	s11 =	sand.u32 $0x74, s11;
	s13 =	sand.u32 $0x75, s13;
	s16 =	sand.u32 $0x76, s16;
	v10 =	vmov s1;
	v11 =	vmov s2;
	v12 =	vmov s10  }
0xf9: {  	s19 =	sand.u32 $0x77, s19;
	s30 =	sand.u32 $0x78, s20;
	s31 =	sand.u32 $0x79, s21;
	v13 =	vmov s11;
	v14 =	vmov s13;
	v15 =	vmov s16  }
0xfa: {  	v16 =	vmov s19;
	v17 =	vmov s30;
	s11 =	sand.u32 $0x7A, s22;
	v18 =	vmov s31;
	s13 =	sand.u32 $0x7B, s26;
	s19 =	sand.u32 $0x7D, s28  }
0xfb: {  	v19 =	vmov s11;
	v20 =	vmov s13;
	v22 =	vmov s19  }
0xfc: {  	v9 =	vshrl.u32 v9, $0x3;
	v10 =	vshrl.u32 v10, $0x3;
	v11 =	vshrl.u32 v11, $0x3  }
0xfd: {  	s0 =	simm.s32 $0xC;
	s16 =	simm.s32 $0xE;
	v12 =	vshrl.u32 v12, $0x3;
	v13 =	vshrl.u32 v13, $0x3;
	v14 =	vshrl.u32 v14, $0x3  }
0xfe: {  	s0 =	sand.u32 $0x7C, s0;
	s20 =	sand.u32 $0x7E, s16;
	v15 =	vshrl.u32 v15, $0x3;
	v16 =	vshrl.u32 v16, $0x3;
	v17 =	vshrl.u32 v17, $0x3  }
0xff: {  	v18 =	vshrl.u32 v18, $0x3;
	v21 =	vmov s0;
	v23 =	vmov s20  }
0x100: {  	v19 =	vshrl.u32 v19, $0x3;
	v9 =	vshll.u32 v9, v0;
	v10 =	vshll.u32 v10, v0  }
0x101: {  	v20 =	vshrl.u32 v20, $0x3;
	v11 =	vshll.u32 v11, v0;
	v12 =	vshll.u32 v12, v0  }
0x102: {  	s22 =	simm.s32 $0xF;
	v13 =	vshll.u32 v13, v0;
	v14 =	vshll.u32 v14, v0;
	v22 =	vshrl.u32 v22, $0x3  }
0x103: {  	s21 =	simm.s32 $0x0;
	s1 =	sand.u32 $0x7F, s22;
	v15 =	vshll.u32 v15, v0;
	v16 =	vshll.u32 v16, v0;
	v17 =	vshll.u32 v17, v0  }
0x104: {  	s0 =	sand.u32 $0x38, s21;
	v18 =	vshll.u32 v18, v0;
	v25 =	vmov s1;
	v21 =	vshrl.u32 v21, $0x3  }
0x105: {  	s31 =	simm.s32 $0x11;
	s10 =	simm.s32 $0x13;
	v23 =	vshrl.u32 v23, $0x3;
	v19 =	vshll.u32 v19, v0;
	v24 =	vmov s0  }
0x106: {  	s13 =	simm.s32 $0x15;
	s22 =	simm.s32 $0x1C;
	s1 =	sand.u32 $0x71, s31;
	v20 =	vshll.u32 v20, v0;
	v25 =	vshrl.u32 v25, $0x3;
	v22 =	vshll.u32 v22, v0  }
0x107: {  	s31 =	simm.s32 $0x18;
	s20 =	simm.s32 $0x1A;
	v26 =	vmov s1;
	s1 =	sand.u32 $0x73, s10;
	v24 =	vmul.u32 $0x88, v24;
	v21 =	vshll.u32 v21, v0  }
0x108: {  	s10 =	sand.u32 $0x75, s13;
	s31 =	sand.u32 $0x78, s31;
	s13 =	sand.u32 $0x7A, s20;
	v23 =	vshll.u32 v23, v0;
	v25 =	vshll.u32 v25, v0;
	v28 =	vmov s1  }
0x109: {  	s20 =	sand.u32 $0x7C, s22;
	v30 =	vmov s10;
	v33 =	vmov s31;
	v35 =	vmov s13  }
0x10a: {  	v37 =	vmov s20;
	v59 =	vshrl.u32 v35, $0x3;
	v9 =	vadd.s32 v24, v9  }
0x10b: {  	s25 =	sadd.s32 s25, s12;
	s26 =	simm.s32 $0x8800;
	v10 =	vadd.s32 v24, v10;
	v25 =	vadd.s32 v24, v25;
	v11 =	vadd.s32 v24, v11  }
0x10c: {  	[hbm4b:s25+s3] =	stream.linear.scatter [tilespmem:s26], [sflag:$0x3], $0x4000, $0x38;
	v12 =	vadd.s32 v24, v12;
	v13 =	vadd.s32 v24, v13;
	v14 =	vadd.s32 v24, v14;
	[tilespmem:$0x10800] =	vst v63  }
0x10d: {  	_ =	swait.ge [sflag:s17], $0x2000;
	v15 =	vadd.s32 v24, v15;
	v16 =	vadd.s32 v24, v16;
	v17 =	vadd.s32 v24, v17  }
0x10e: {  	s25 =	simm.s32 $0x10;
	[sflag:s17] =	ssyncset.done $0x0;
	v18 =	vadd.s32 v24, v18;
	v19 =	vadd.s32 v24, v19;
	v20 =	vadd.s32 v24, v20  }
0x10f: {  	s30 =	sand.u32 $0x70, s25;
	[sflag:s17] =	ssyncadd.s32 $0xFFFFE000;
	v21 =	vadd.s32 v24, v21;
	v22 =	vadd.s32 v24, v22;
	v25 =	vbroadcast v25, $0x0  }
0x110: {  	_ =	swait.ge [sflag:s17], $0x2000;
	v23 =	vadd.s32 v24, v23;
	v24 =	vmov s30;
	v9 =	vbroadcast v9, $0x0  }
0x111: {  	[sflag:s17] =	ssyncset.done $0x0;
	v10 =	vbroadcast v10, $0x0;
	v11 =	vbroadcast v11, $0x0;
	v25 =	vadd.s32 v8, v25  }
0x112: {  	s0 =	simm.s32 @!p0 $0x4;
	[sflag:s17] =	ssyncadd.s32 $0xFFFFE000;
	v12 =	vbroadcast v12, $0x0;
	v13 =	vbroadcast v13, $0x0;
	v9 =	vadd.s32 v1, v9  }
0x113: {  	v14 =	vbroadcast v14, $0x0;
	v15 =	vbroadcast v15, $0x0;
	_ =	swait.ge @!p0 [sflag:s0], $0x4000;
	v10 =	vadd.s32 v2, v10  }
0x114: {  	v16 =	vbroadcast v16, $0x0;
	v17 =	vbroadcast v17, $0x0;
	[sflag:s0] =	ssyncset.done @!p0 $0x0;
	v11 =	vadd.s32 v3, v11  }
0x115: {  	v18 =	vbroadcast v18, $0x0;
	v19 =	vbroadcast v19, $0x0;
	v12 =	vadd.s32 v4, v12;
	[sflag:s0] =	ssyncadd.s32 @!p0 $0xFFFFC000  }
0x116: {  	s30 =	simm.s32 $0x17;
	v20 =	vbroadcast v20, $0x0;
	v21 =	vbroadcast v21, $0x0;
	v13 =	vadd.s32 v5, v13;
	v25 =	vld.idx.msk [tilespmem:v25+s18+$0x0], $0xffff  }
0x117: {  	v22 =	vbroadcast v22, $0x0;
	v23 =	vbroadcast v23, $0x0;
	s30 =	sand.u32 $0x77, s30;
	v14 =	vadd.s32 v6, v14;
	v9 =	vld.idx.msk [tilespmem:v9+s18+$0x0], $0xffff  }
0x118: {  	v24 =	vshrl.u32 v24, $0x3;
	v32 =	vmov s30;
	v18 =	vadd.s32 v2, v18;
	v10 =	vld.idx.msk [tilespmem:v10+s18+$0x0], $0xffff  }
0x119: {  	s2 =	simm.s32 $0x12;
	s28 =	simm.s32 $0xC8F0;
	s11 =	simm.s32 $0x14;
	v24 =	vshll.u32 v24, v0;
	v15 =	vadd.s32 v7, v15;
	v19 =	vadd.s32 v3, v19;
	v11 =	vld.idx.msk [tilespmem:v11+s18+$0x0], $0xffff  }
0x11a: {  	s16 =	simm.s32 $0x16;
	s19 =	simm.s32 $0x19;
	s21 =	simm.s32 $0x1B;
	v16 =	vadd.s32 v8, v16;
	v17 =	vadd.s32 v1, v17;
	v20 =	vadd.s32 v4, v20;
	v12 =	vld.idx.msk [tilespmem:v12+s18+$0x0], $0xffff  }
0x11b: {  	v21 =	vadd.s32 v5, v21;
	v22 =	vadd.s32 v6, v22;
	v23 =	vadd.s32 v7, v23;
	s0 =	sand.u32 $0x72, s2;
	s2 =	sand.u32 $0x74, s11;
	s11 =	sand.u32 $0x76, s16;
	v13 =	vld.idx.msk [tilespmem:v13+s18+$0x0], $0xffff  }
0x11c: {  	s26 =	simm.s32 $0x1D;
	v27 =	vmov s0;
	v29 =	vmov s2;
	v31 =	vmov s11;
	s11 =	sand.u32 $0x79, s19;
	s19 =	sand.u32 $0x7B, s21;
	v14 =	vld.idx.msk [tilespmem:v14+s18+$0x0], $0xffff  }
0x11d: {  	v57 =	vshrl.u32 v32, $0x3;
	s21 =	sand.u32 $0x7D, s26;
	v34 =	vmov s11;
	v36 =	vmov s19;
	v18 =	vld.idx.msk [tilespmem:v18+s18+$0x0], $0xffff;
	[tilespmem:s28+$0x0] =	vst v25  }
0x11e: {  	s16 =	simm.s32 $0x1E;
	v38 =	vmov s21;
	v55 =	vshrl.u32 v29, $0x3;
	v56 =	vshrl.u32 v31, $0x3;
	v19 =	vld.idx.msk [tilespmem:v19+s18+$0x0], $0xffff;
	[tilespmem:s28+$0xFFFFFF10] =	vst v9  }
0x11f: {  	s22 =	sand.u32 $0x7E, s16;
	v58 =	vshrl.u32 v34, $0x3;
	v60 =	vshrl.u32 v36, $0x3;
	v29 =	vshll.u32 v56, v0;
	v9 =	vld.idx.msk [tilespmem:v15+s18+$0x0], $0xffff;
	[tilespmem:s28+$0xFFFFFF20] =	vst v10  }
0x120: {  	v25 =	vshrl.u32 v26, $0x3;
	v26 =	vmov s22;
	v15 =	vshrl.u32 v27, $0x3;
	v10 =	vld.idx.msk [tilespmem:v16+s18+$0x0], $0xffff;
	[tilespmem:s28+$0xFFFFFF30] =	vst v11  }
0x121: {  	v27 =	vshrl.u32 v28, $0x3;
	v16 =	vshrl.u32 v30, $0x3;
	v11 =	vld.idx.msk [tilespmem:v17+s18+$0x0], $0xffff;
	v17 =	vshrl.u32 v33, $0x3;
	[tilespmem:s28+$0xFFFFFF50] =	vst v13  }
0x122: {  	v20 =	vld.idx.msk [tilespmem:v20+s18+$0x0], $0xffff;
	v13 =	vshrl.u32 v37, $0x3;
	[tilespmem:s28+$0xFFFFFF60] =	vst v14;
	v28 =	vshll.u32 v55, v0;
	v14 =	vshrl.u32 v38, $0x3  }
0x123: {  	[tilespmem:s28+$0xFFFFFF40] =	vst v12;
	v30 =	vshll.u32 v57, v0;
	v12 =	vshll.u32 v58, v0;
	v25 =	vshll.u32 v25, v0  }
0x124: {  	s29 =	simm.s32 $0x1;
	s26 =	simm.s32 $0x1F;
	[tilespmem:s28+$0xFFFFFFA0] =	vst v18;
	v61 =	vshll.u32 v15, v0;
	v27 =	vshll.u32 v27, v0;
	v16 =	vshll.u32 v16, v0  }
0x125: {  	s30 =	sand.u32 $0x38, s29;
	s0 =	sand.u32 $0x7F, s26;
	v21 =	vld.idx.msk [tilespmem:v21+s18+$0x0], $0xffff;
	v26 =	vshrl.u32 v26, $0x3;
	v62 =	vshll.u32 v17, v0;
	v15 =	vshll.u32 v60, v0;
	[tilespmem:s28+$0xFFFFFF70] =	vst v9  }
0x126: {  	v17 =	vld.idx.msk [tilespmem:v22+s18+$0x0], $0xffff;
	v13 =	vshll.u32 v13, v0;
	[tilespmem:s28+$0xFFFFFF90] =	vst v11;
	v9 =	vmov s30;
	v11 =	vmov s0  }
0x127: {  	v63 =	vld.idx.msk [tilespmem:v23+s18+$0x0], $0xffff;
	[tilespmem:s28+$0xFFFFFFB0] =	vst v19;
	v14 =	vshll.u32 v14, v0;
	v9 =	vmul.u32 $0x88, v9;
	v18 =	vshrl.u32 v11, $0x3  }
0x128: {  	[tilespmem:s28+$0xFFFFFF80] =	vst v10;
	v10 =	vshll.u32 v59, v0;
	v11 =	vshll.u32 v26, v0;
	v22 =	vshll.u32 v18, v0  }
0x129: {  	[tilespmem:s28+$0xFFFFFFC0] =	vst v20;
	v18 =	vadd.s32 v9, v24;
	v19 =	vadd.s32 v9, v25;
	v20 =	vadd.s32 v9, v22  }
0x12a: {  	[tilespmem:s28+$0xFFFFFFD0] =	vst v21;
	v22 =	vadd.s32 v9, v61;
	v21 =	vadd.s32 v9, v27;
	v25 =	vbroadcast v20, $0x0  }
0x12b: {  	s31 =	sor.u32 s14, s24;
	[tilespmem:s28+$0xFFFFFFE0] =	vst v17;
	v24 =	vadd.s32 v9, v28;
	v23 =	vadd.s32 v9, v16;
	v17 =	vadd.s32 v9, v29  }
0x12c: {  	s26 =	smin.u32 s31, $0x1FB5;
	[tilespmem:s28+$0xFFFFFFF0] =	vst v63;
	v16 =	vadd.s32 v9, v62;
	v20 =	vadd.s32 v9, v30;
	v25 =	vadd.s32 v8, v25  }
.LBB2_19:
0x12d: {  	v12 =	vadd.s32 v9, v12;
	v10 =	vadd.s32 v9, v10;
	v15 =	vadd.s32 v9, v15;
	s30 =	smov.u32 s25;
	s25 =	sadd.s32 $0x10, s25  }
0x12e: {  	v13 =	vadd.s32 v9, v13;
	v14 =	vadd.s32 v9, v14;
	v9 =	vadd.s32 v9, v11;
	s0 =	sand.u32 $0x70, s25;
	s1 =	sadd.s32 $0x11, s30;
	p0 =	slt.u32 s25, $0x3F0  }
0x12f: {  	v18 =	vbroadcast v18, $0x0;
	v19 =	vbroadcast v19, $0x0;
	v11 =	vmov s0;
	s0 =	sand.u32 $0x71, s1  }
0x130: {  	v22 =	vbroadcast v22, $0x0;
	v21 =	vbroadcast v21, $0x0;
	v26 =	vmov s0  }
0x131: {  	v24 =	vbroadcast v24, $0x0;
	v23 =	vbroadcast v23, $0x0;
	v18 =	vadd.s32 v1, v18;
	v25 =	vld.idx.msk [tilespmem:v25+s18+$0x0], $0xffff  }
0x132: {  	v17 =	vbroadcast v17, $0x0;
	v20 =	vbroadcast v20, $0x0;
	v19 =	vadd.s32 v2, v19  }
0x133: {  	v16 =	vbroadcast v16, $0x0;
	v12 =	vbroadcast v12, $0x0;
	v22 =	vadd.s32 v3, v22  }
0x134: {  	v10 =	vbroadcast v10, $0x0;
	v15 =	vbroadcast v15, $0x0;
	s1 =	sadd.s32 $0x13, s30;
	v21 =	vadd.s32 v4, v21;
	s0 =	sadd.s32 $0x12, s30  }
0x135: {  	s2 =	sadd.s32 $0x14, s30;
	s10 =	sadd.s32 $0x15, s30;
	s11 =	sadd.s32 $0x16, s30;
	v13 =	vbroadcast v13, $0x0;
	v14 =	vbroadcast v14, $0x0;
	v24 =	vadd.s32 v5, v24  }
0x136: {  	s28 =	sadd.s32 $0x100, s28;
	s13 =	sadd.s32 $0x17, s30;
	s16 =	sadd.s32 $0x18, s30;
	v9 =	vbroadcast v9, $0x0;
	v23 =	vadd.s32 v6, v23;
	v17 =	vadd.s32 v7, v17;
	v18 =	vld.idx.msk [tilespmem:v18+s18+$0x0], $0xffff  }
0x137: {  	s19 =	sadd.s32 $0x19, s30;
	s20 =	sadd.s32 $0x1A, s30;
	s21 =	sadd.s32 $0x1B, s30;
	v20 =	vadd.s32 v8, v20;
	v16 =	vadd.s32 v1, v16;
	v12 =	vadd.s32 v2, v12;
	[tilespmem:s28+$0x0] =	vst v25  }
0x138: {  	s22 =	sadd.s32 $0x1C, s30;
	s31 =	sadd.s32 $0x1D, s30;
	v10 =	vadd.s32 v3, v10;
	v15 =	vadd.s32 v4, v15;
	v13 =	vadd.s32 v5, v13;
	s0 =	sand.u32 $0x72, s0;
	v19 =	vld.idx.msk [tilespmem:v19+s18+$0x0], $0xffff  }
0x139: {  	v14 =	vadd.s32 v6, v14;
	v9 =	vadd.s32 v7, v9;
	v25 =	vmov s0;
	s0 =	sand.u32 $0x73, s1;
	s1 =	sand.u32 $0x74, s2;
	s2 =	sand.u32 $0x75, s10;
	v22 =	vld.idx.msk [tilespmem:v22+s18+$0x0], $0xffff  }
0x13a: {  	v27 =	vmov s0;
	v28 =	vmov s1;
	v29 =	vmov s2;
	s0 =	sand.u32 $0x76, s11;
	s1 =	sand.u32 $0x77, s13;
	s2 =	sand.u32 $0x78, s16;
	v21 =	vld.idx.msk [tilespmem:v21+s18+$0x0], $0xffff  }
0x13b: {  	v30 =	vmov s0;
	v31 =	vmov s1;
	v32 =	vmov s2;
	s0 =	sand.u32 $0x79, s19;
	s1 =	sand.u32 $0x7A, s20;
	s2 =	sadd.s32 $0x1E, s30;
	v24 =	vld.idx.msk [tilespmem:v24+s18+$0x0], $0xffff  }
0x13c: {  	s10 =	sand.u32 $0x7D, s31;
	v33 =	vmov s0;
	v34 =	vmov s1;
	s0 =	sand.u32 $0x7B, s21;
	s1 =	sand.u32 $0x7C, s22;
	[tilespmem:s28+$0xFFFFFF10] =	vst v18;
	v18 =	vld.idx.msk [tilespmem:v23+s18+$0x0], $0xffff  }
0x13d: {  	v36 =	vmov s10;
	v35 =	vmov s1;
	v23 =	vmov s0;
	s0 =	sand.u32 $0x7E, s2;
	v17 =	vld.idx.msk [tilespmem:v17+s18+$0x0], $0xffff  }
0x13e: {  	v11 =	vshrl.u32 v11, $0x3;
	v26 =	vshrl.u32 v26, $0x3;
	v37 =	vmov s0;
	[tilespmem:s28+$0xFFFFFF20] =	vst v19;
	v19 =	vld.idx.msk [tilespmem:v20+s18+$0x0], $0xffff  }
0x13f: {  	v20 =	vshrl.u32 v25, $0x3;
	v25 =	vshrl.u32 v27, $0x3;
	v27 =	vshrl.u32 v28, $0x3;
	[tilespmem:s28+$0xFFFFFF30] =	vst v22;
	v16 =	vld.idx.msk [tilespmem:v16+s18+$0x0], $0xffff  }
0x140: {  	v28 =	vshrl.u32 v30, $0x3;
	v22 =	vshrl.u32 v29, $0x3;
	v29 =	vshrl.u32 v31, $0x3;
	[tilespmem:s28+$0xFFFFFF40] =	vst v21;
	v21 =	vld.idx.msk [tilespmem:v12+s18+$0x0], $0xffff  }
0x141: {  	v30 =	vshrl.u32 v33, $0x3;
	v31 =	vshrl.u32 v34, $0x3;
	v12 =	vshrl.u32 v32, $0x3;
	[tilespmem:s28+$0xFFFFFF50] =	vst v24;
	v24 =	vld.idx.msk [tilespmem:v10+s18+$0x0], $0xffff  }
0x142: {  	v26 =	vshll.u32 v26, v0;
	v32 =	vshll.u32 v11, v0;
	v11 =	vshrl.u32 v23, $0x3;
	[tilespmem:s28+$0xFFFFFF60] =	vst v18;
	v18 =	vld.idx.msk [tilespmem:v15+s18+$0x0], $0xffff  }
0x143: {  	v20 =	vshll.u32 v20, v0;
	v23 =	vshll.u32 v25, v0;
	v25 =	vshrl.u32 v35, $0x3;
	[tilespmem:s28+$0xFFFFFF70] =	vst v17;
	v17 =	vld.idx.msk [tilespmem:v13+s18+$0x0], $0xffff  }
0x144: {  	v27 =	vshll.u32 v27, v0;
	v33 =	vshll.u32 v22, v0;
	v22 =	vshrl.u32 v36, $0x3;
	[tilespmem:s28+$0xFFFFFF80] =	vst v19;
	v34 =	vld.idx.msk [tilespmem:v14+s18+$0x0], $0xffff  }
0x145: {  	s29 =	sadd.s32 $0x1, s29;
	s0 =	sadd.s32 $0x1F, s30;
	v28 =	vshll.u32 v28, v0;
	v29 =	vshll.u32 v29, v0;
	v19 =	vshrl.u32 v37, $0x3;
	[tilespmem:s28+$0xFFFFFF90] =	vst v16;
	v16 =	vld.idx.msk [tilespmem:v9+s18+$0x0], $0xffff  }
0x146: {  	s1 =	sand.u32 $0x38, s29;
	s0 =	sand.u32 $0x7F, s0;
	v35 =	vshll.u32 v12, v0;
	v12 =	vshll.u32 v30, v0;
	v10 =	vshll.u32 v31, v0;
	[tilespmem:s28+$0xFFFFFFA0] =	vst v21  }
0x147: {  	v15 =	vshll.u32 v11, v0;
	v11 =	vmov s0;
	v9 =	vmov s1;
	[tilespmem:s28+$0xFFFFFFB0] =	vst v24  }
0x148: {  	v13 =	vshll.u32 v25, v0;
	v9 =	vmul.u32 $0x88, v9;
	v21 =	vshrl.u32 v11, $0x3;
	[tilespmem:s28+$0xFFFFFFC0] =	vst v18  }
.Ltmp12:
0x149: {  	v14 =	vshll.u32 v22, v0;
	v11 =	vshll.u32 v19, v0;
	v21 =	vshll.u32 v21, v0;
	[tilespmem:s28+$0xFFFFFFD0] =	vst v17;
	(pc) =	sbr.rel @p0 .LBB2_19-.Ltmp12, $4  }
0x14a: {  	v18 =	vadd.s32 v9, v32;
	v19 =	vadd.s32 v9, v26;
	v17 =	vadd.s32 v9, v21;
	[tilespmem:s28+$0xFFFFFFE0] =	vst v34  }
0x14b: {  	v22 =	vadd.s32 v9, v20;
	v21 =	vadd.s32 v9, v23;
	v25 =	vbroadcast v17, $0x0;
	[tilespmem:s28+$0xFFFFFFF0] =	vst v16  }
0x14c: {  	v24 =	vadd.s32 v9, v27;
	v23 =	vadd.s32 v9, v33;
	v17 =	vadd.s32 v9, v28  }
0x14d: {  	v20 =	vadd.s32 v9, v29;
	v16 =	vadd.s32 v9, v35;
	v25 =	vadd.s32 v8, v25  }
0x14e: {  	v18 =	vbroadcast v18, $0x0  }
0x14f: {  	v19 =	vbroadcast v19, $0x0  }
0x150: {  	v22 =	vbroadcast v22, $0x0;
	v18 =	vadd.s32 v1, v18  }
0x151: {  	v21 =	vbroadcast v21, $0x0;
	v19 =	vadd.s32 v2, v19  }
0x152: {  	v24 =	vbroadcast v24, $0x0;
	v22 =	vadd.s32 v3, v22  }
0x153: {  	v23 =	vbroadcast v23, $0x0;
	v21 =	vadd.s32 v4, v21  }
0x154: {  	v25 =	vld.idx.msk [tilespmem:v25+s18+$0x0], $0xffff;
	v17 =	vbroadcast v17, $0x0;
	v24 =	vadd.s32 v5, v24  }
0x155: {  	v20 =	vbroadcast v20, $0x0;
	v23 =	vadd.s32 v6, v23;
	v18 =	vld.idx.msk [tilespmem:v18+s18+$0x0], $0xffff  }
0x156: {  	v12 =	vadd.s32 v9, v12;
	v16 =	vbroadcast v16, $0x0;
	v17 =	vadd.s32 v7, v17;
	v19 =	vld.idx.msk [tilespmem:v19+s18+$0x0], $0xffff  }
0x157: {  	v10 =	vadd.s32 v9, v10;
	v12 =	vbroadcast v12, $0x0;
	v20 =	vadd.s32 v8, v20;
	v22 =	vld.idx.msk [tilespmem:v22+s18+$0x0], $0xffff  }
0x158: {  	v15 =	vadd.s32 v9, v15;
	s0 =	sadd.s32 $0x100, s28;
	v10 =	vbroadcast v10, $0x0;
	v16 =	vadd.s32 v1, v16;
	v21 =	vld.idx.msk [tilespmem:v21+s18+$0x0], $0xffff  }
0x159: {  	v13 =	vadd.s32 v9, v13;
	v15 =	vbroadcast v15, $0x0;
	v12 =	vadd.s32 v2, v12;
	[tilespmem:s0+$0x0] =	vst v25;
	v24 =	vld.idx.msk [tilespmem:v24+s18+$0x0], $0xffff  }
0x15a: {  	v14 =	vadd.s32 v9, v14;
	v13 =	vbroadcast v13, $0x0;
	v10 =	vadd.s32 v3, v10;
	v60 =	vld.idx.msk [tilespmem:v23+s18+$0x0], $0xffff;
	[tilespmem:s0+$0xFFFFFF10] =	vst v18  }
0x15b: {  	v9 =	vadd.s32 v9, v11;
	v11 =	vbroadcast v14, $0x0;
	v61 =	vadd.s32 v4, v15;
	v62 =	vld.idx.msk [tilespmem:v17+s18+$0x0], $0xffff;
	[tilespmem:s0+$0xFFFFFF20] =	vst v19  }
0x15c: {  	v9 =	vbroadcast v9, $0x0;
	v13 =	vadd.s32 v5, v13;
	v63 =	vld.idx.msk [tilespmem:v20+s18+$0x0], $0xffff;
	[tilespmem:s0+$0xFFFFFF30] =	vst v22  }
0x15d: {  	v11 =	vadd.s32 v6, v11;
	v16 =	vld.idx.msk [tilespmem:v16+s18+$0x0], $0xffff;
	[tilespmem:s0+$0xFFFFFF40] =	vst v21  }
0x15e: {  	v9 =	vadd.s32 v7, v9;
	v12 =	vld.idx.msk [tilespmem:v12+s18+$0x0], $0xffff;
	[tilespmem:s0+$0xFFFFFF50] =	vst v24  }
0x15f: {  	v10 =	vld.idx.msk [tilespmem:v10+s18+$0x0], $0xffff;
	[tilespmem:s0+$0xFFFFFF60] =	vst v60  }
0x160: {  	v14 =	vld.idx.msk [tilespmem:v61+s18+$0x0], $0xffff;
	[tilespmem:s0+$0xFFFFFF70] =	vst v62  }
0x161: {  	v13 =	vld.idx.msk [tilespmem:v13+s18+$0x0], $0xffff;
	[tilespmem:s0+$0xFFFFFF80] =	vst v63  }
0x162: {  	v11 =	vld.idx.msk [tilespmem:v11+s18+$0x0], $0xffff;
	[tilespmem:s0+$0xFFFFFF90] =	vst v16  }
0x163: {  	v9 =	vld.idx.msk [tilespmem:v9+s18+$0x0], $0xffff;
	[tilespmem:s0+$0xFFFFFFA0] =	vst v12  }
.Ltmp13:
0x164: {  	[tilespmem:s0+$0xFFFFFFB0] =	vst v10;
	(pc) =	sbr.rel @p1 .LBB2_26-.Ltmp13, $4  }
0x165: {  	[tilespmem:s0+$0xFFFFFFC0] =	vst v14  }
0x166: {  	[tilespmem:s0+$0xFFFFFFD0] =	vst v13  }
0x167: {  	[tilespmem:s0+$0xFFFFFFE0] =	vst v11  }
0x168: {  	[tilespmem:s0+$0xFFFFFFF0] =	vst v9  }
0x169: {  	s0 =	rddreg [dreg:$0x4]  }
0x16a: {  	s0 =	sadd.s32 s0, s24  }
0x16b: {  	s0 =	smin.u32 s0, $0x1FB5  }
0x16c: {  	s31 =	rddreg [dreg:$0x0];
	s24 =	sshll.u32 s0, $0x7  }
0x16d: {  	s28 =	simm.s32 $0x4400;
	s25 =	sadd.s32 s31, s24  }
0x16e: {  	s29 =	simm.s32 $0x10;
	s30 =	simm.s32 $0x4488;
	s1 =	sadd.s32 $0x0, s25  }
.LBB2_22:
0x16f: {  	[tilespmem:s28], [sflag:$0x2] =	stream.linear.gather [hbm4b:s1+s3], $0x80, $0x38;
	[tilespmem:$0x10800] =	vst v63  }
0x170: {  	s0 =	smov.u32 s29;
	s28 =	smov.u32 s30;
	p0 =	sne.s32 s29, $0x3F0  }
.Ltmp14:
0x171: {  	s29 =	sadd.s32 $0x10, s29;
	(pc) =	sbr.rel @p0 .LBB2_22-.Ltmp14, $2  }
0x172: {  	_ =	sdelay $0x2  }
0x173: {  	s30 =	sadd.s32 $0x88, s30;
	s1 =	sadd.s32 s0, s25  }
0x174: {  	[tilespmem:s28], [sflag:$0x2] =	stream.linear.gather [hbm4b:s1+s3], $0x80, $0x38;
	[tilespmem:$0x10800] =	vst v63  }
0x175: {  	s24 =	sadd.s32 s24, s6;
	s25 =	simm.s32 $0x6600  }
0x176: {  	s28 =	simm.s32 $0x10;
	s29 =	simm.s32 $0x6688;
	s1 =	sadd.s32 $0x0, s24  }
.LBB2_24:
0x177: {  	[tilespmem:s25], [sflag:$0x2] =	stream.linear.gather [hbm4b:s1+s3], $0x80, $0x38;
	[tilespmem:$0x10800] =	vst v63  }
0x178: {  	s0 =	smov.u32 s28;
	s25 =	smov.u32 s29;
	p0 =	sne.s32 s28, $0x3F0  }
.Ltmp15:
0x179: {  	s28 =	sadd.s32 $0x10, s28;
	(pc) =	sbr.rel @p0 .LBB2_24-.Ltmp15, $2  }
0x17a: {  	_ =	sdelay $0x2  }
0x17b: {  	s29 =	sadd.s32 $0x88, s29;
	s1 =	sadd.s32 s0, s24  }
.Ltmp16:
0x17c: {  	(pc) =	sbr.rel .LBB2_26-.Ltmp16, $2  }
0x17d: {  	_ =	sdelay $0x2  }
0x17e: {  	[tilespmem:s25], [sflag:$0x2] =	stream.linear.gather [hbm4b:s1+s3], $0x80, $0x38;
	[tilespmem:$0x10800] =	vst v63  }
.LBB2_28:
0x17f: {  	_ =	sfence.sel $0x180000  }
0x180: {  	[bflag:$0x0] =	sbarrier.arrive $0xFFFF  }
0x181: {  	_ =	strace $0x90000047  }
0x182: {  	s0 =	stileid.u32;
	[bflag:$0x2] =	sbarrier.arrive $0xFFFF  }
0x183: {  	p0 =	sne.s32 s0, $0x0;
	s0 =	rddreg [dreg:$0x2]  }
0x184: {  	s0 =	sadd.s32 @!p0 $0x100000, s0  }
0x185: {  	[sflag:s0] =	ssyncadd.tile.s32 @!p0 $0x1;
	_ =	shalt  }
.Lfunc_end2:
_tile_overlayer_lowered:
.L_overlay_start_2:
0x186: {  	(tag) =	ssettag $0x2  }
0x187: {  	s0 =	rddreg [dreg:$0x0];
	s2 =	stileid.u32  }
0x188: {  	s1 =	rddreg [dreg:$0x1];
	p0 =	sne.s32 s2, $0x0  }
0x189: {  	s3 =	rddreg [dreg:$0x2];
	[bflag:$0x3] =	sbarrier.arrive $0xFFFF;
	s2 =	simm.s32 @!p0 $0x1C05  }
0x18a: {  	[timem:s3], [sflag:s2] =	dma.local @!p0 [hbm:s0], s1  }
0x18b: {  	s0 =	simm.s32 @!p0 $0x5  }
0x18c: {  	_ =	swait.ge @!p0 [sflag:s0], s1  }
0x18d: {  	s1 =	ssub.s32 @!p0 $0x0, s1;
	[sflag:s0] =	ssyncset.done @!p0 $0x0  }
0x18e: {  	[sflag:s0] =	ssyncadd.s32 @!p0 s1  }
0x18f: {  	[bflag:$0x3] =	sbarrier.arrive $0xFFFF  }
0x190: {  	_ =	shalt  }

// kernel: kernel.7.cloned.1.call-start
scs
__scs_entry_jumppad:
0x0: {  	(pc) =	sbr.rel $0x88, $3  }
0x1: {  	(tag) =	ssettag $0x0;
	lr =	simm.s32 $0x1  }
0x2: {  	[smem:$0x3F9E] =	sst lr;
	_ =	strace $0xD0000000  }
0x3: {  	_ = 	snop  }
0x4: {  	_ = 	snop  }
0x5: {  	_ = 	snop  }
0x6: {  	_ = 	snop  }
0x7: {  	_ = 	snop  }
__scs_overlays_trampoline_lowered:
0x8: {  	[smem:$0x3FAD] =	sst s0  }
0x9: {  	[smem:$0x3FAE] =	sst s1  }
0xa: {  	[smem:$0x3FAF] =	sst s2  }
0xb: {  	[smem:$0x3FB0] =	sst s3  }
0xc: {  	[smem:$0x3FB1] =	sst s4  }
0xd: {  	[smem:$0x3FB2] =	sst s5  }
0xe: {  	[smem:$0x3FB3] =	sst s6  }
0xf: {  	[smem:$0x3FB4] =	sst s7  }
0x10: {  	[smem:$0x3FB5] =	sst s8  }
0x11: {  	[smem:$0x3FB6] =	sst s9;
	s0 =	simm.s32 @!p0 $0x0  }
0x12: {  	s1 =	sld [smem:$0x3F9C];
	s0 =	simm.s32 @p0 $0x1  }
0x13: {  	[smem:$0x3FB7] =	sst s0;
	s0 =	simm.s32 @!p1 $0x0  }
0x14: {  	s2 =	sld [smem:$0x3F9B];
	s0 =	simm.s32 @p1 $0x1  }
0x15: {  	[smem:$0x3FB8] =	sst s0;
	s0 =	simm.s32 @!p2 $0x0  }
0x16: {  	s3 =	sld [smem:$0x3FDB];
	s0 =	simm.s32 @p2 $0x1  }
0x17: {  	s4 =	simm.s32 $0x1BF5;
	[smem:$0x3FBA] =	sst s0  }
0x18: {  	s0 =	sld [smem:$0x3F9D];
	_ =	swait.ge [sflag:s4], $0x0  }
0x19: {  	s7 =	sld [smem:$0x3F9E]  }
0x1a: {  	s8 =	sadd.s32 $0xFFFFE003, lr  }
0x1b: {  	s9 =	sadd.s32 $0xFFFFFEF7, lr;
	s5 =	simm.s32 $0xFFFFFFFF;
	p2 =	slt.u32 s8, $0xFFFFF086  }
0x1c: {  	p1 =	slt.u32 s9, $0xF7A;
	s5 =	simm.s32 @!p2 $0x0  }
0x1d: {  	s5 =	simm.s32 @p1 $0x1;
	p0 =	seq.s32 s7, s2  }
0x1e: {  	s7 =	smul.u32 @!p0 $0xF7A, s2;
	p2 =	seq.s32 @!p0 s5, $0x0  }
0x1f: {  	s9 =	smul.u32 $0xF7A, s1;
	s8 =	simm.s32 @!p0 $0x1BF5;
	p2 =	por !p2, p0  }
0x20: {  	[sflag:s8] =	ssyncset.s32 @!p0 $0xFFFFF086;
	s6 =	sadd.s32 @!p0 s3, s7;
	s7 =	simm.s32 @!p0 $0x108  }
0x21: {  	s3 =	sadd.s32 s3, s9;
	s6 =	sadd.s32 @!p0 $0x88, s6;
	s7 =	simm.s32 @p2 $0x1082  }
0x22: {  	[simem:s7], [sflag:s8] =	dma.local @!p0 [hbm:s6], $0xF7A  }
0x23: {  	s9 =	sor.u32 $0xD0000000, s2;
	s6 =	simm.s32 $0x108;
	_ =	swait.ge @!p0 [sflag:s8], $0x0  }
0x24: {  	s3 =	sadd.s32 $0x88, s3;
	s6 =	simm.s32 @!p1 $0x1082;
	[sflag:s4] =	ssyncset.s32 $0xFFFFF086  }
0x25: {  	[simem:s6], [sflag:s4] =	dma.local [hbm:s3], $0xF7A  }
0x26: {  	[smem:$0x3F9E] =	sst s1;
	(tag) =	ssettag s2;
	_ =	strace s9  }
0x27: {  	s1 =	sld [smem:$0x3FAE]  }
0x28: {  	s2 =	sld [smem:$0x3FAF]  }
0x29: {  	s4 =	sld [smem:$0x3FB1]  }
0x2a: {  	p0 =	seq.s32 s5, $0x0;
	s5 =	sld [smem:$0x3FB2]  }
0x2b: {  	s6 =	sld [smem:$0x3FB3]  }
0x2c: {  	s7 =	sld [smem:$0x3FB4]  }
0x2d: {  	s3 =	simm.s32 $0x108;
	s8 =	sld [smem:$0x3FB5]  }
0x2e: {  	s3 =	simm.s32 @!p0 $0x1082;
	s9 =	sld [smem:$0x3FB6]  }
0x2f: {  	lr =	sadd.s32 s0, s3;
	s0 =	sld [smem:$0x3FAD]  }
0x30: {  	s3 =	sld [smem:$0x3FB0]  }
0x31: {  	[smem:$0x3FB9] =	sst s10  }
0x32: {  	s10 =	sld [smem:$0x3FB7];
	_ =	sdelay $0x3  }
0x33: {  	p0 =	seq.s32 s10, $0x1;
	s10 =	sld [smem:$0x3FB9];
	_ =	sdelay $0x3  }
0x34: {  	[smem:$0x3FB9] =	sst s10  }
0x35: {  	s10 =	sld [smem:$0x3FB8];
	_ =	sdelay $0x3  }
0x36: {  	p1 =	seq.s32 s10, $0x1;
	s10 =	sld [smem:$0x3FB9];
	_ =	sdelay $0x3  }
0x37: {  	[smem:$0x3FB9] =	sst s10  }
0x38: {  	s10 =	sld [smem:$0x3FBA]  }
0x39: {  	_ = 	snop;
	(pc) =	sbr.ind lr, $3  }
0x3a: {  	_ = 	snop  }
0x3b: {  	_ = 	snop  }
0x3c: {  	p2 =	seq.s32 s10, $0x1;
	s10 =	sld [smem:$0x3FB9]  }
0x3d: {  	_ =	shalt  }
0x3e: {  	_ =	shalt  }
0x3f: {  	_ =	shalt  }
0x40: {  	_ =	shalt  }
0x41: {  	_ =	shalt  }
0x42: {  	_ =	shalt  }
0x43: {  	_ =	shalt  }
0x44: {  	_ =	shalt  }
0x45: {  	_ =	shalt  }
0x46: {  	_ =	shalt  }
0x47: {  	_ =	shalt  }
0x48: {  	_ =	shalt  }
0x49: {  	_ =	shalt  }
0x4a: {  	_ =	shalt  }
0x4b: {  	_ =	shalt  }
0x4c: {  	_ =	shalt  }
0x4d: {  	_ =	shalt  }
0x4e: {  	_ =	shalt  }
0x4f: {  	_ =	shalt  }
0x50: {  	_ =	shalt  }
0x51: {  	_ =	shalt  }
0x52: {  	_ =	shalt  }
0x53: {  	_ =	shalt  }
0x54: {  	_ =	shalt  }
0x55: {  	_ =	shalt  }
0x56: {  	_ =	shalt  }
0x57: {  	_ =	shalt  }
0x58: {  	_ =	shalt  }
0x59: {  	_ =	shalt  }
0x5a: {  	_ =	shalt  }
0x5b: {  	_ =	shalt  }
0x5c: {  	_ =	shalt  }
0x5d: {  	_ =	shalt  }
0x5e: {  	_ =	shalt  }
0x5f: {  	_ =	shalt  }
0x60: {  	_ =	shalt  }
0x61: {  	_ =	shalt  }
0x62: {  	_ =	shalt  }
0x63: {  	_ =	shalt  }
0x64: {  	_ =	shalt  }
0x65: {  	_ =	shalt  }
0x66: {  	_ =	shalt  }
0x67: {  	_ =	shalt  }
0x68: {  	_ =	shalt  }
0x69: {  	_ =	shalt  }
0x6a: {  	_ =	shalt  }
0x6b: {  	_ =	shalt  }
0x6c: {  	_ =	shalt  }
0x6d: {  	_ =	shalt  }
0x6e: {  	_ =	shalt  }
0x6f: {  	_ =	shalt  }
0x70: {  	_ =	shalt  }
0x71: {  	_ =	shalt  }
0x72: {  	_ =	shalt  }
0x73: {  	_ =	shalt  }
0x74: {  	_ =	shalt  }
0x75: {  	_ =	shalt  }
0x76: {  	_ =	shalt  }
0x77: {  	_ =	shalt  }
0x78: {  	_ =	shalt  }
0x79: {  	_ =	shalt  }
0x7a: {  	_ =	shalt  }
0x7b: {  	_ =	shalt  }
0x7c: {  	_ =	shalt  }
0x7d: {  	_ =	shalt  }
0x7e: {  	_ =	shalt  }
0x7f: {  	_ =	shalt  }
0x80: {  	_ =	shalt  }
0x81: {  	_ =	shalt  }
0x82: {  	_ =	shalt  }
0x83: {  	_ =	shalt  }
0x84: {  	_ =	shalt  }
0x85: {  	_ =	shalt  }
0x86: {  	_ =	shalt  }
0x87: {  	_ =	shalt  }
.Lfunc_end0:
.L_simem_size_0:
called_computation.1_lowered:
.L_overlay_start_0:
0x88: {  	s2 =	sld [smem:$0x3FD9]  }
0x89: {  	s3 =	sld [smem:$0x3FFE];
	_ =	sdelay $0x1  }
0x8a: {  	s1 =	srdreg.scid  }
0x8b: {  	s0 =	sand.u32 $0x1, s1  }
0x8c: {  	s17 =	sshll.u32 s0, $0xA;
	s2 =	sadd.s32 s3, s2  }
0x8d: {  	s2 =	sadd.s32 s2, s17  }
0x8e: {  	[smem:$0x3FC5] =	sst s2  }
0x8f: {  	_ = 	snop  }
0x90: {  	s2 =	sld [smem:$0x3FD0];
	(tm) =	ssettm $0x1  }
0x91: {  	s18 =	sld [smem:$0x3FFB];
	_ =	sdelay $0x3  }
0x92: {  	_ =	strace s18  }
0x93: {  	s3 =	sld [smem:$0x3FFC];
	_ =	sdelay $0x3  }
0x94: {  	_ =	strace s3  }
0x95: {  	s3 =	sld [smem:$0x3FFD];
	_ =	sdelay $0x3  }
0x96: {  	_ =	strace s3  }
0x97: {  	_ =	strace $0x8FFFFFFF  }
0x98: {  	s19 =	sld [smem:$0x3FDB];
	_ =	sdelay $0x1  }
0x99: {  	s4 =	simm.s32 $_scs_section_size  }
0x9a: {  	s5 =	simm.s32 $_size__tile_overlayer_lowered;
	s6 =	simm.s32 $_tile_overlayer_lowered  }
0x9b: {  	s22 =	simm.s32 $0x1BFF;
	s21 =	sshll.u32 s6, $0x1;
	s3 =	sadd.s32 s4, s19  }
0x9c: {  	s7 =	simm.s32 $0x0;
	s20 =	sshll.u32 s5, $0x1;
	s5 =	sadd.s32 s21, s3  }
0x9d: {  	[timem:s7], [sflag:s22] =	dma.local [hbm:s5], s20  }
0x9e: {  	_ =	swait.ge [sflag:s22], s20  }
0x9f: {  	s4 =	ssub.s32 $0x0, s20;
	[sflag:s22] =	ssyncset.done $0x0  }
0xa0: {  	[sflag:s22] =	ssyncadd.s32 s4;
	_ =	sdelay $0x1  }
0xa1: {  	s23 =	simm.s32 $0x1B8B  }
0xa2: {  	_ =	swait.ge [sflag:s23], $0x1  }
0xa3: {  	[sflag:s23] =	ssyncset.done $0x0  }
0xa4: {  	s25 =	simm.s32 $0x1B8E;
	s24 =	sld [smem:$0x3FFE];
	[sflag:s23] =	ssyncadd.s32 $0xFFFFFFFF  }
0xa5: {  	s26 =	simm.s32 $execute0_lowered;
	[smem:$0x3FD2] =	sst s25  }
0xa6: {  	s5 =	sshll.u32 s26, $0x1;
	_ =	strace $0x80000049;
	[dreg:$0x1] =	wrdreg $0xFFFFFFFF  }
0xa7: {  	s28 =	simm.s32 $_size_execute0_lowered;
	s3 =	sadd.s32 s3, s5;
	[dreg:$0x0] =	wrdreg $0x0  }
0xa8: {  	s5 =	sshll.u32 s28, $0x1;
	[dreg:$0x2] =	wrdreg s3  }
0xa9: {  	[dreg:$0x3] =	wrdreg s5  }
0xaa: {  	[dreg:$0x4] =	wrdreg $0xC0  }
0xab: {  	_ =	task [dreg:s7], $0x5FFFF  }
0xac: {  	[dreg:$0x1] =	wrdreg $0xFFFFFFFF  }
0xad: {  	[dreg:$0x0] =	wrdreg $0x60  }
0xae: {  	[dreg:$0x2] =	wrdreg s24  }
0xaf: {  	[dreg:$0x3] =	wrdreg s2  }
0xb0: {  	[dreg:$0x4] =	wrdreg $0x9  }
0xb1: {  	_ =	task.clear_ibuf [dreg:s7], $0x5FFFF;
	_ =	strace $0x90000049  }
0xb2: {  	s29 =	simm.s32 $0x9;
	_ =	strace $0x8000004B  }
0xb3: {  	_ =	swait.ge [sflag:s29], $0x1  }
0xb4: {  	[sflag:s29] =	ssyncadd.s32 $0xFFFFFFFF  }
0xb5: {  	_ =	strace $0x9000004B  }
0xb6: {  	_ =	sfence  }
0xb7: {  	s30 =	sld [smem:$0x0];
	_ =	sdelay $0x2  }
0xb8: {  	s31 =	sshll.u32 s1, $0xD;
	s1 =	sshrl.u32 s1, $0x2  }
0xb9: {  	s3 =	sand.u32 $0x4000, s31;
	s1 =	sadd.s32 s1, s30  }
0xba: {  	s0 =	sor.u32 s3, s0;
	s1 =	sshll.u32 s1, $0x11  }
0xbb: {  	s0 =	sor.u32 s1, s0  }
0xbc: {  	s0 =	sadd.s32 $0x8F2B, s0  }
0xbd: {  	[sflag:s0] =	ssyncadd.remote.s32 $0x1  }
0xbe: {  	_ =	sfence.sel $0xFFFF  }
0xbf: {  	[dreg:$0x0] =	wrdreg $0xFFFFFFFF;
	(pc) =	sbr.abs _section_cstart, $3  }
0xc0: {  	[dreg:$0x1] =	wrdreg $0xFFFFFFFF  }
0xc1: {  	_ =	task.clear_ibuf [dreg:s7], $0x2FFFF;
	_ =	strace $0x9FFFFFFF  }
0xc2: {  	(tm) =	ssettm $0x7FFFFFFF  }
0xc3: {  	_ =	shalt  }
tec
execute0_lowered:
.L_overlay_start_1:
0x0: {  	(tag) =	ssettag $0x1  }
0x1: {  	s0 =	rddreg [dreg:$0x0]  }
0x2: {  	s2 =	rddreg [dreg:$0x1]  }
0x3: {  	s1 =	srdreg.scid;
	s4 =	stileid.u32  }
0x4: {  	s3 =	simm.s32 $0x0;
	s14 =	simm.s32 $0x5;
	s15 =	simm.s32 $0x80  }
0x5: {  	s22 =	simm.s32 $0x200;
	s31 =	simm.s32 $0x1;
	s13 =	simm.s32 $0x8400  }
0x6: {  	s16 =	simm.s32 $0x2;
	s17 =	simm.s32 $0x9400;
	s18 =	simm.s32 $0xA400  }
0x7: {  	v0 =	vlaneseq.u32;
	s12 =	simm.s32 $0x0;
	s1 =	sand.u32 $0x1, s1;
	[smem:$0x7FF] =	sst s3  }
0x8: {  	s4 =	sshll.u32 s4, $0x1;
	s5 =	sadd.s32 $0x1FCC00, s0;
	s6 =	sadd.s32 $0x1FCA00, s0;
	v0 =	vmul.u32 $0x18, v0  }
0x9: {  	s7 =	sadd.s32 $0xC00, s0;
	s4 =	sor.u32 s1, s4;
	s1 =	ssub.s32 $0x2, s1  }
0xa: {  	s10 =	sadd.s32 $0x4000, s2;
	s4 =	smul.u32 $0x3400, s4;
	s28 =	sshrl.u32 s1, $0x1;
	v1 =	vor.u32 $0x1, v0;
	v2 =	vor.u32 $0x2, v0;
	v3 =	vor.u32 $0x3, v0  }
0xb: {  	_ =	strace $0x8000004A;
	[dreg:$0x3] =	wrdreg s6;
	v4 =	vor.u32 $0x4, v0;
	v5 =	vor.u32 $0x5, v0;
	v6 =	vor.u32 $0x6, v0;
	s0 =	ssub.s32 s1, s28  }
0xc: {  	v7 =	vor.u32 $0x7, v0;
	v8 =	vadd.s32 $0x8, v0;
	v9 =	vadd.s32 $0x9, v0;
	s1 =	simm.s32 $0x7400;
	s29 =	sshrl.u32 s4, $0x3;
	s0 =	smax.u32 s0, $0x1  }
0xd: {  	v10 =	vadd.s32 $0xA, v0;
	v11 =	vadd.s32 $0xB, v0;
	v12 =	vadd.s32 $0xC, v0;
	s9 =	sor.u32 $0x200, s4;
	s30 =	sadd.s32 s5, s29;
	[dreg:$0x5] =	wrdreg s0  }
0xe: {  	v13 =	vadd.s32 $0xD, v0;
	v14 =	vadd.s32 $0xE, v0;
	v15 =	vadd.s32 $0xF, v0;
	s11 =	sadd.s32 $0x400, s4;
	s0 =	simm.s32 $0x4400;
	[dreg:$0x4] =	wrdreg s30  }
.LBB2_1:
0xf: {  	[dreg:$0x6] =	wrdreg s12  }
0x10: {  	s6 =	rddreg [dreg:$0x3];
	s8 =	simm.s32 $0xB400  }
0x11: {  	[tilespmem:s8], [sflag:$0x5] =	stream.linear.gather [hbm4b:s6+s3], $0x1A0, $0x38;
	[tilespmem:$0xB5A0] =	vst v63  }
0x12: {  	_ =	swait.ge [sflag:s14], $0x1A0  }
0x13: {  	[sflag:s14] =	ssyncset.done $0x0  }
0x14: {  	s23 =	rddreg [dreg:$0x4];
	[sflag:s14] =	ssyncadd.s32 $0xFFFFFE60  }
0x15: {  	[tilespmem:s3], [sflag:$0x5] =	stream.linear.gather [hbm4b:s23+s3], $0x200, $0x38;
	[tilespmem:$0xB5A0] =	vst v63  }
0x16: {  	_ =	swait.ge [sflag:s14], $0x200  }
0x17: {  	[sflag:s14] =	ssyncset.done $0x0  }
0x18: {  	s24 =	simm.s32 $0x400;
	[sflag:s14] =	ssyncadd.s32 $0xFFFFFE00  }
0x19: {  	[tilespmem:s24], [sflag:$0x1] =	stream.indirect.gather [hbm4b:s7+s15], $0x10, s3, s15, $0xb8;
	[tilespmem:$0xB5A0] =	vst v63  }
0x1a: {  	s25 =	simm.s32 $0xC00  }
0x1b: {  	[tilespmem:s25], [sflag:$0x1] =	stream.indirect.gather [hbm4b:s7+s15], $0x10, s15, s15, $0xb8;
	[tilespmem:$0xB5A0] =	vst v63  }
0x1c: {  	s26 =	simm.s32 $0x100;
	s28 =	simm.s32 $0x1400  }
0x1d: {  	[tilespmem:s28], [sflag:$0x1] =	stream.indirect.gather [hbm4b:s7+s15], $0x10, s26, s15, $0xb8;
	[tilespmem:$0xB5A0] =	vst v63  }
0x1e: {  	s29 =	simm.s32 $0x180;
	s30 =	simm.s32 $0x1C00;
	s6 =	simm.s32 $0x0  }
0x1f: {  	[tilespmem:s30], [sflag:$0x1] =	stream.indirect.gather [hbm4b:s7+s15], $0x10, s29, s15, $0xb8;
	[tilespmem:$0xB5A0] =	vst v63  }
.LBB2_2:
0x20: {  	s12 =	sshll.u32 s6, $0xA  }
0x21: {  	s8 =	sadd.s32 s12, s9  }
0x22: {  	s19 =	sshrl.u32 s8, $0x3  }
0x23: {  	s19 =	sadd.s32 s5, s19  }
0x24: {  	[tilespmem:s22], [sflag:$0x5] =	stream.linear.gather [hbm4b:s19+s3], $0x200, $0x38;
	[tilespmem:$0xB5A0] =	vst v63  }
0x25: {  	_ =	swait.ge [sflag:s14], $0x200  }
0x26: {  	[sflag:s14] =	ssyncset.done $0x0  }
0x27: {  	s23 =	simm.s32 $0x2400;
	[sflag:s14] =	ssyncadd.s32 $0xFFFFFE00  }
0x28: {  	[tilespmem:s23], [sflag:$0x2] =	stream.indirect.gather [hbm4b:s7+s15], $0x10, s22, s15, $0xb8;
	[tilespmem:$0xB5A0] =	vst v63  }
0x29: {  	s24 =	simm.s32 $0x280;
	s20 =	simm.s32 $0x2C00  }
0x2a: {  	[tilespmem:s20], [sflag:$0x2] =	stream.indirect.gather [hbm4b:s7+s15], $0x10, s24, s15, $0xb8;
	[tilespmem:$0xB5A0] =	vst v63  }
0x2b: {  	s25 =	simm.s32 $0x300;
	s26 =	simm.s32 $0x3400  }
0x2c: {  	[tilespmem:s26], [sflag:$0x2] =	stream.indirect.gather [hbm4b:s7+s15], $0x10, s25, s15, $0xb8;
	[tilespmem:$0xB5A0] =	vst v63  }
0x2d: {  	s28 =	simm.s32 $0x380;
	s29 =	simm.s32 $0x3C00  }
0x2e: {  	[tilespmem:s29], [sflag:$0x2] =	stream.indirect.gather [hbm4b:s7+s15], $0x10, s28, s15, $0xb8;
	[tilespmem:$0xB5A0] =	vst v63  }
0x2f: {  	_ =	swait.ge [sflag:s31], $0x800  }
0x30: {  	[sflag:s31] =	ssyncset.done $0x0  }
0x31: {  	[sflag:s31] =	ssyncadd.s32 $0xFFFFF800  }
0x32: {  	_ =	swait.ge [sflag:s31], $0x800  }
0x33: {  	[sflag:s31] =	ssyncset.done $0x0  }
0x34: {  	[sflag:s31] =	ssyncadd.s32 $0xFFFFF800  }
0x35: {  	_ =	swait.ge [sflag:s31], $0x800  }
0x36: {  	[sflag:s31] =	ssyncset.done $0x0  }
0x37: {  	[sflag:s31] =	ssyncadd.s32 $0xFFFFF800  }
0x38: {  	_ =	swait.ge [sflag:s31], $0x800  }
0x39: {  	p0 =	seq.s32 s6, $0x0;
	[sflag:s31] =	ssyncset.done $0x0  }
0x3a: {  	s21 =	simm.s32 @!p0 $0x3;
	[sflag:s31] =	ssyncadd.s32 $0xFFFFF800  }
0x3b: {  	_ =	swait.ge @!p0 [sflag:s21], $0x1000  }
0x3c: {  	[sflag:s21] =	ssyncset.done @!p0 $0x0  }
0x3d: {  	[sflag:s21] =	ssyncadd.s32 @!p0 $0xFFFFF000  }
0x3e: {  	s19 =	sadd.s32 s4, s12;
	_ =	swait.ge @!p0 [sflag:s21], $0x1000  }
0x3f: {  	s20 =	sshrl.u32 s19, $0xE;
	[sflag:s21] =	ssyncset.done @!p0 $0x0  }
0x40: {  	s30 =	sshll.u32 s20, $0x4;
	[sflag:s21] =	ssyncadd.s32 @!p0 $0xFFFFF000  }
0x41: {  	s24 =	simm.s32 $0x480;
	v16 =	vld [tilespmem:s30+$0xB400]  }
0x42: {  	v17 =	vld [tilespmem:s24+$0x70]  }
0x43: {  	v18 =	vld [tilespmem:s24+$0xFFFFFF90]  }
0x44: {  	v19 =	vld [tilespmem:s24+$0xFFFFFFA0]  }
0x45: {  	v20 =	vld [tilespmem:s24+$0xFFFFFFB0]  }
0x46: {  	s21 =	simm.s32 $0x44C0;
	v21 =	vld [tilespmem:s24+$0xFFFFFFC0]  }
0x47: {  	v22 =	vld [tilespmem:s24+$0xFFFFFFD0];
	[tilespmem:s21+$0xA8] =	vst v17  }
0x48: {  	v23 =	vld [tilespmem:s24+$0x0];
	[tilespmem:s21+$0xFFFFFF58] =	vst v18  }
0x49: {  	v24 =	vld [tilespmem:s24+$0x20];
	[tilespmem:s21+$0xFFFFFF70] =	vst v19  }
0x4a: {  	v17 =	vld [tilespmem:s24+$0xFFFFFFE0];
	[tilespmem:s21+$0xFFFFFF88] =	vst v20  }
0x4b: {  	v19 =	vld [tilespmem:s24+$0xFFFFFFF0];
	[tilespmem:s21+$0xFFFFFFA0] =	vst v21  }
0x4c: {  	v21 =	vld [tilespmem:s24+$0x10];
	[tilespmem:s21+$0xFFFFFFB8] =	vst v22  }
0x4d: {  	v18 =	vld [tilespmem:s24+$0x30];
	[tilespmem:s21+$0x0] =	vst v23  }
0x4e: {  	v20 =	vld [tilespmem:s24+$0x40];
	[tilespmem:s21+$0x30] =	vst v24  }
0x4f: {  	v22 =	vld [tilespmem:s24+$0x50];
	[tilespmem:s21+$0xFFFFFFD0] =	vst v17  }
0x50: {  	[tilespmem:s21+$0xFFFFFFE8] =	vst v19;
	v19 =	vld [tilespmem:s24+$0x60]  }
0x51: {  	s23 =	simm.s32 $0x0;
	v23 =	vld [tilespmem:s24+$0xFFFFFF80];
	[tilespmem:s21+$0x18] =	vst v21;
	s24 =	simm.s32 $0x580  }
.LBB2_3:
0x52: {  	v17 =	vld [tilespmem:s24+$0x70];
	s23 =	sadd.s32 $0x10, s23;
	[tilespmem:s21+$0x48] =	vst v18  }
0x53: {  	v18 =	vld [tilespmem:s24+$0xFFFFFF90];
	p1 =	slt.u32 s23, $0x1F0;
	[tilespmem:s21+$0x60] =	vst v20  }
0x54: {  	v20 =	vld [tilespmem:s24+$0xFFFFFFA0];
	[tilespmem:s21+$0x78] =	vst v22  }
0x55: {  	v21 =	vld [tilespmem:s24+$0xFFFFFFB0];
	[tilespmem:s21+$0x90] =	vst v19  }
0x56: {  	v19 =	vld [tilespmem:s24+$0xFFFFFFC0];
	[tilespmem:s21+$0xFFFFFF40] =	vst v23;
	s21 =	sadd.s32 $0x180, s21  }
0x57: {  	v22 =	vld [tilespmem:s24+$0xFFFFFFD0];
	[tilespmem:s21+$0xA8] =	vst v17  }
0x58: {  	[tilespmem:s21+$0xFFFFFF58] =	vst v18;
	v17 =	vld [tilespmem:s24+$0xFFFFFFE0]  }
0x59: {  	[tilespmem:s21+$0xFFFFFF70] =	vst v20;
	v20 =	vld [tilespmem:s24+$0xFFFFFFF0]  }
0x5a: {  	[tilespmem:s21+$0xFFFFFF88] =	vst v21;
	v21 =	vld [tilespmem:s24+$0x0]  }
0x5b: {  	[tilespmem:s21+$0xFFFFFFA0] =	vst v19;
	v19 =	vld [tilespmem:s24+$0x10]  }
0x5c: {  	[tilespmem:s21+$0xFFFFFFB8] =	vst v22;
	v24 =	vld [tilespmem:s24+$0x20]  }
.Ltmp0:
0x5d: {  	[tilespmem:s21+$0xFFFFFFD0] =	vst v17;
	v18 =	vld [tilespmem:s24+$0x30];
	(pc) =	sbr.rel @p1 .LBB2_3-.Ltmp0, $4  }
0x5e: {  	[tilespmem:s21+$0xFFFFFFE8] =	vst v20;
	v20 =	vld [tilespmem:s24+$0x40]  }
0x5f: {  	[tilespmem:s21+$0x0] =	vst v21;
	v22 =	vld [tilespmem:s24+$0x50]  }
0x60: {  	[tilespmem:s21+$0x18] =	vst v19;
	v19 =	vld [tilespmem:s24+$0x60]  }
0x61: {  	v23 =	vld [tilespmem:s24+$0xFFFFFF80];
	[tilespmem:s21+$0x30] =	vst v24;
	s24 =	sadd.s32 $0x100, s24  }
0x62: {  	v16 =	vmul.f32 v16, v16;
	_ =	sdelay $0x1  }
0x63: {  	s23 =	simm.s32 $0x20;
	v17 =	vadd.f32 $1.000000050e-03, v16  }
0x64: {  	s24 =	simm.s32 $0x30;
	v21 =	vmov s23  }
0x65: {  	s30 =	simm.s32 $0x60;
	s25 =	simm.s32 $0x40;
	v21 =	vmul.u32 $0x18, v21;
	(erf) = vrcp.f32 v17;
	v17 =	vmov s24  }
0x66: {  	s26 =	simm.s32 $0x50;
	v24 =	vmov s30;
	v26 =	vmov s25;
	v25 =	vmul.u32 $0x18, v17  }
0x67: {  	s28 =	simm.s32 $0x10;
	v27 =	vmov s26;
	v26 =	vmul.u32 $0x18, v26;
	v17 =	vbroadcast v21, $0x0  }
0x68: {  	v28 =	vmov s28;
	v21 =	vbroadcast v25, $0x0;
	v25 =	vmul.u32 $0x18, v27  }
0x69: {  	[tilespmem:s21+$0x48] =	vst v18;
	v24 =	vmul.u32 $0x18, v24;
	v18 =	vbroadcast v26, $0x0;
	v27 =	vadd.s32 v0, v17  }
0x6a: {  	[tilespmem:s21+$0x60] =	vst v20;
	v26 =	vmul.u32 $0x18, v28;
	v28 =	vadd.s32 v0, v21;
	v20 =	vbroadcast v25, $0x0  }
0x6b: {  	[tilespmem:s21+$0x78] =	vst v22;
	v22 =	vbroadcast v24, $0x0;
	v24 =	vor.u32 v0, v18  }
0x6c: {  	[tilespmem:s21+$0x90] =	vst v19;
	v19 =	vbroadcast v26, $0x0;
	v25 =	vadd.s32 v0, v20  }
0x6d: {  	[tilespmem:s21+$0xFFFFFF40] =	vst v23;
	v23 =	vadd.s32 v0, v22  }
0x6e: {  	v26 =	vld.idx.msk [tilespmem:v27+s0+$0x0], $0xffff;
	v27 =	vadd.s32 v0, v19  }
0x6f: {  	v28 =	vld.idx.msk [tilespmem:v28+s0+$0x0], $0xffff  }
0x70: {  	v24 =	vld.idx.msk [tilespmem:v24+s0+$0x0], $0xffff;
	v29 =	vpop (erf)  }
0x71: {  	v16 =	vmul.f32 v29, v16;
	v29 =	vadd.s32 v1, v17;
	v25 =	vld.idx.msk [tilespmem:v25+s0+$0x0], $0xffff  }
0x72: {  	s29 =	simm.s32 $0x0;
	v31 =	vadd.s32 v1, v21;
	v30 =	vld.idx.msk [tilespmem:v23+s0+$0x0], $0xffff  }
0x73: {  	v32 =	vor.u32 v1, v18;
	v23 =	vmov s29;
	v27 =	vld.idx.msk [tilespmem:v27+s0+$0x0], $0xffff;
	v26 =	vmul.f32 v26, v16  }
0x74: {  	s21 =	simm.s32 $0x8400;
	v33 =	vadd.s32 v1, v20;
	v23 =	vmul.u32 $0x18, v23;
	v28 =	vmul.f32 v28, v16  }
0x75: {  	v24 =	vmul.f32 v24, v16;
	[tilespmem:s21+$0xFFFFF020] =	vst v26;
	v26 =	vadd.s32 v1, v22  }
0x76: {  	v23 =	vbroadcast v23, $0x0;
	v29 =	vld.idx.msk [tilespmem:v29+s0+$0x0], $0xffff;
	[tilespmem:s21+$0xFFFFF030] =	vst v28;
	v25 =	vmul.f32 v25, v16;
	v28 =	vadd.s32 v1, v19  }
0x77: {  	[tilespmem:s21+$0xFFFFF040] =	vst v24;
	v24 =	vmul.f32 v30, v16;
	v31 =	vld.idx.msk [tilespmem:v31+s0+$0x0], $0xffff  }
0x78: {  	v30 =	vld.idx.msk [tilespmem:v32+s0+$0x0], $0xffff;
	v27 =	vmul.f32 v27, v16;
	[tilespmem:s21+$0xFFFFF050] =	vst v25;
	v25 =	vor.u32 v0, v23  }
0x79: {  	[tilespmem:s21+$0xFFFFF060] =	vst v24;
	v24 =	vadd.s32 v2, v17;
	v50 =	vld.idx.msk [tilespmem:v33+s0+$0x0], $0xffff  }
0x7a: {  	v26 =	vld.idx.msk [tilespmem:v26+s0+$0x0], $0xffff;
	[tilespmem:s21+$0xFFFFF010] =	vst v27;
	v27 =	vadd.s32 v2, v21  }
0x7b: {  	v51 =	vor.u32 v2, v18;
	v29 =	vmul.f32 v29, v16;
	v28 =	vld.idx.msk [tilespmem:v28+s0+$0x0], $0xffff  }
0x7c: {  	v34 =	vadd.s32 v2, v20;
	v31 =	vmul.f32 v31, v16  }
0x7d: {  	[tilespmem:s21+$0xFFFFF0A0] =	vst v29;
	v29 =	vmul.f32 v30, v16;
	v30 =	vadd.s32 v2, v22;
	v25 =	vld.idx.msk [tilespmem:v25+s0+$0x0], $0xffff  }
0x7e: {  	v52 =	vadd.s32 v2, v19;
	v24 =	vld.idx.msk [tilespmem:v24+s0+$0x0], $0xffff;
	[tilespmem:s21+$0xFFFFF0B0] =	vst v31;
	v31 =	vmul.f32 v50, v16  }
0x7f: {  	[tilespmem:s21+$0xFFFFF0C0] =	vst v29;
	v26 =	vmul.f32 v26, v16;
	v27 =	vld.idx.msk [tilespmem:v27+s0+$0x0], $0xffff  }
0x80: {  	v29 =	vld.idx.msk [tilespmem:v51+s0+$0x0], $0xffff;
	[tilespmem:s21+$0xFFFFF0D0] =	vst v31;
	v31 =	vor.u32 v1, v23;
	v28 =	vmul.f32 v28, v16  }
0x81: {  	s30 =	simm.s32 $0x70;
	[tilespmem:s21+$0xFFFFF0E0] =	vst v26;
	v26 =	vadd.s32 v3, v17;
	v53 =	vld.idx.msk [tilespmem:v34+s0+$0x0], $0xffff  }
0x82: {  	v54 =	vmov s30;
	v30 =	vld.idx.msk [tilespmem:v30+s0+$0x0], $0xffff;
	v25 =	vmul.f32 v25, v16;
	[tilespmem:s21+$0xFFFFF090] =	vst v28;
	v28 =	vadd.s32 v3, v21  }
0x83: {  	v36 =	vor.u32 v3, v18;
	v34 =	vmul.u32 $0x18, v54;
	v35 =	vmul.f32 v24, v16;
	v32 =	vld.idx.msk [tilespmem:v52+s0+$0x0], $0xffff  }
0x84: {  	[tilespmem:s21+$0xFFFFF000] =	vst v25;
	v25 =	vmul.f32 v27, v16;
	v27 =	vadd.s32 v3, v20  }
0x85: {  	v55 =	vadd.s32 v3, v22;
	v24 =	vbroadcast v34, $0x0;
	[tilespmem:s21+$0xFFFFF120] =	vst v35;
	v29 =	vmul.f32 v29, v16;
	v31 =	vld.idx.msk [tilespmem:v31+s0+$0x0], $0xffff  }
0x86: {  	v56 =	vadd.s32 v3, v19;
	v26 =	vld.idx.msk [tilespmem:v26+s0+$0x0], $0xffff;
	[tilespmem:s21+$0xFFFFF130] =	vst v25;
	v25 =	vmul.f32 v53, v16  }
0x87: {  	v57 =	vadd.s32 v0, v24;
	[tilespmem:s21+$0xFFFFF140] =	vst v29;
	v29 =	vmul.f32 v30, v16;
	v28 =	vld.idx.msk [tilespmem:v28+s0+$0x0], $0xffff  }
0x88: {  	v30 =	vld.idx.msk [tilespmem:v36+s0+$0x0], $0xffff;
	[tilespmem:s21+$0xFFFFF150] =	vst v25;
	v25 =	vor.u32 v2, v23;
	v32 =	vmul.f32 v32, v16  }
0x89: {  	[tilespmem:s21+$0xFFFFF160] =	vst v29;
	v29 =	vadd.s32 v4, v17;
	v27 =	vld.idx.msk [tilespmem:v27+s0+$0x0], $0xffff  }
0x8a: {  	v58 =	vadd.s32 v4, v21;
	v34 =	vld.idx.msk [tilespmem:v55+s0+$0x0], $0xffff;
	v31 =	vmul.f32 v31, v16;
	[tilespmem:s21+$0xFFFFF110] =	vst v32  }
0x8b: {  	v59 =	vor.u32 v4, v18;
	v26 =	vmul.f32 v26, v16;
	v33 =	vld.idx.msk [tilespmem:v56+s0+$0x0], $0xffff  }
0x8c: {  	v35 =	vld.idx.msk [tilespmem:v57+s0+$0x0], $0xffff;
	[tilespmem:s21+$0xFFFFF080] =	vst v31;
	v28 =	vmul.f32 v28, v16;
	v31 =	vadd.s32 v4, v20  }
0x8d: {  	[tilespmem:s21+$0xFFFFF1A0] =	vst v26;
	v26 =	vmul.f32 v30, v16;
	v30 =	vadd.s32 v4, v22;
	v25 =	vld.idx.msk [tilespmem:v25+s0+$0x0], $0xffff  }
0x8e: {  	v29 =	vld.idx.msk [tilespmem:v29+s0+$0x0], $0xffff;
	[tilespmem:s21+$0xFFFFF1B0] =	vst v28;
	v27 =	vmul.f32 v27, v16;
	v28 =	vadd.s32 v4, v19  }
0x8f: {  	v37 =	vadd.s32 v1, v24;
	[tilespmem:s21+$0xFFFFF1C0] =	vst v26;
	v26 =	vmul.f32 v34, v16;
	v32 =	vld.idx.msk [tilespmem:v58+s0+$0x0], $0xffff  }
0x90: {  	v60 =	vld.idx.msk [tilespmem:v59+s0+$0x0], $0xffff;
	[tilespmem:s21+$0xFFFFF1D0] =	vst v27;
	v27 =	vor.u32 v3, v23;
	v33 =	vmul.f32 v33, v16  }
0x91: {  	v35 =	vmul.f32 v35, v16;
	[tilespmem:s21+$0xFFFFF1E0] =	vst v26;
	v26 =	vadd.s32 v5, v17;
	v31 =	vld.idx.msk [tilespmem:v31+s0+$0x0], $0xffff  }
0x92: {  	v61 =	vadd.s32 v5, v21;
	v30 =	vld.idx.msk [tilespmem:v30+s0+$0x0], $0xffff;
	v25 =	vmul.f32 v25, v16;
	[tilespmem:s21+$0xFFFFF190] =	vst v33  }
0x93: {  	v62 =	vor.u32 v5, v18;
	[tilespmem:s21+$0xFFFFF070] =	vst v35;
	v29 =	vmul.f32 v29, v16;
	v28 =	vld.idx.msk [tilespmem:v28+s0+$0x0], $0xffff  }
0x94: {  	v40 =	vadd.s32 v5, v20;
	v63 =	vld.idx.msk [tilespmem:v37+s0+$0x0], $0xffff;
	[tilespmem:s21+$0xFFFFF100] =	vst v25;
	v25 =	vmul.f32 v32, v16  }
0x95: {  	v41 =	vadd.s32 v5, v22;
	[tilespmem:s21+$0xFFFFF220] =	vst v29;
	v29 =	vmul.f32 v60, v16;
	v27 =	vld.idx.msk [tilespmem:v27+s0+$0x0], $0xffff  }
0x96: {  	v26 =	vld.idx.msk [tilespmem:v26+s0+$0x0], $0xffff;
	[tilespmem:s21+$0xFFFFF230] =	vst v25;
	v25 =	vmul.f32 v31, v16;
	v31 =	vadd.s32 v5, v19  }
0x97: {  	v42 =	vadd.s32 v2, v24;
	[tilespmem:s21+$0xFFFFF240] =	vst v29;
	v29 =	vmul.f32 v30, v16;
	v33 =	vld.idx.msk [tilespmem:v61+s0+$0x0], $0xffff  }
0x98: {  	v30 =	vld.idx.msk [tilespmem:v62+s0+$0x0], $0xffff;
	[tilespmem:s21+$0xFFFFF250] =	vst v25;
	v25 =	vor.u32 v4, v23;
	v28 =	vmul.f32 v28, v16  }
0x99: {  	v43 =	vmul.f32 v63, v16;
	[tilespmem:s21+$0xFFFFF260] =	vst v29;
	v29 =	vadd.s32 v6, v17;
	v32 =	vld.idx.msk [tilespmem:v40+s0+$0x0], $0xffff  }
0x9a: {  	v34 =	vld.idx.msk [tilespmem:v41+s0+$0x0], $0xffff;
	v27 =	vmul.f32 v27, v16;
	[tilespmem:s21+$0xFFFFF210] =	vst v28;
	v28 =	vadd.s32 v6, v21  }
0x9b: {  	v44 =	vor.u32 v6, v18;
	[tilespmem:s21+$0xFFFFF0F0] =	vst v43;
	v26 =	vmul.f32 v26, v16;
	v31 =	vld.idx.msk [tilespmem:v31+s0+$0x0], $0xffff  }
0x9c: {  	v46 =	vadd.s32 v6, v20;
	v45 =	vld.idx.msk [tilespmem:v42+s0+$0x0], $0xffff;
	[tilespmem:s21+$0xFFFFF180] =	vst v27;
	v27 =	vmul.f32 v33, v16  }
0x9d: {  	[tilespmem:s21+$0xFFFFF2A0] =	vst v26;
	v26 =	vmul.f32 v30, v16;
	v30 =	vadd.s32 v6, v22;
	v25 =	vld.idx.msk [tilespmem:v25+s0+$0x0], $0xffff  }
0x9e: {  	v47 =	vadd.s32 v6, v19;
	v29 =	vld.idx.msk [tilespmem:v29+s0+$0x0], $0xffff;
	[tilespmem:s21+$0xFFFFF2B0] =	vst v27;
	v27 =	vmul.f32 v32, v16  }
0x9f: {  	v48 =	vadd.s32 v3, v24;
	[tilespmem:s21+$0xFFFFF2C0] =	vst v26;
	v26 =	vmul.f32 v34, v16;
	v28 =	vld.idx.msk [tilespmem:v28+s0+$0x0], $0xffff  }
0xa0: {  	v49 =	vld.idx.msk [tilespmem:v44+s0+$0x0], $0xffff;
	[tilespmem:s21+$0xFFFFF2D0] =	vst v27;
	v27 =	vor.u32 v5, v23;
	v31 =	vmul.f32 v31, v16  }
0xa1: {  	v50 =	vmul.f32 v45, v16;
	[tilespmem:s21+$0xFFFFF2E0] =	vst v26;
	v26 =	vadd.s32 v7, v17;
	v33 =	vld.idx.msk [tilespmem:v46+s0+$0x0], $0xffff  }
0xa2: {  	v30 =	vld.idx.msk [tilespmem:v30+s0+$0x0], $0xffff;
	v25 =	vmul.f32 v25, v16;
	[tilespmem:s21+$0xFFFFF290] =	vst v31;
	v31 =	vadd.s32 v7, v21  }
0xa3: {  	v51 =	vor.u32 v7, v18;
	[tilespmem:s21+$0xFFFFF170] =	vst v50;
	v29 =	vmul.f32 v29, v16;
	v32 =	vld.idx.msk [tilespmem:v47+s0+$0x0], $0xffff  }
0xa4: {  	v52 =	vld.idx.msk [tilespmem:v48+s0+$0x0], $0xffff;
	[tilespmem:s21+$0xFFFFF200] =	vst v25;
	v25 =	vmul.f32 v28, v16;
	v28 =	vadd.s32 v7, v20  }
0xa5: {  	v53 =	vadd.s32 v7, v22;
	[tilespmem:s21+$0xFFFFF320] =	vst v29;
	v29 =	vmul.f32 v49, v16;
	v27 =	vld.idx.msk [tilespmem:v27+s0+$0x0], $0xffff  }
0xa6: {  	v54 =	vadd.s32 v7, v19;
	v26 =	vld.idx.msk [tilespmem:v26+s0+$0x0], $0xffff;
	[tilespmem:s21+$0xFFFFF330] =	vst v25;
	v25 =	vmul.f32 v33, v16  }
0xa7: {  	v55 =	vadd.s32 v4, v24;
	[tilespmem:s21+$0xFFFFF340] =	vst v29;
	v29 =	vmul.f32 v30, v16;
	v31 =	vld.idx.msk [tilespmem:v31+s0+$0x0], $0xffff  }
0xa8: {  	v30 =	vld.idx.msk [tilespmem:v51+s0+$0x0], $0xffff;
	[tilespmem:s21+$0xFFFFF350] =	vst v25;
	v25 =	vor.u32 v6, v23;
	v32 =	vmul.f32 v32, v16  }
0xa9: {  	v56 =	vmul.f32 v52, v16;
	[tilespmem:s21+$0xFFFFF360] =	vst v29;
	v29 =	vadd.s32 v8, v17;
	v28 =	vld.idx.msk [tilespmem:v28+s0+$0x0], $0xffff  }
0xaa: {  	v57 =	vadd.s32 v8, v21;
	v34 =	vld.idx.msk [tilespmem:v53+s0+$0x0], $0xffff;
	v27 =	vmul.f32 v27, v16;
	[tilespmem:s21+$0xFFFFF310] =	vst v32  }
0xab: {  	v58 =	vor.u32 v8, v18;
	[tilespmem:s21+$0xFFFFF1F0] =	vst v56;
	v26 =	vmul.f32 v26, v16;
	v33 =	vld.idx.msk [tilespmem:v54+s0+$0x0], $0xffff  }
0xac: {  	v59 =	vld.idx.msk [tilespmem:v55+s0+$0x0], $0xffff;
	[tilespmem:s21+$0xFFFFF280] =	vst v27;
	v27 =	vmul.f32 v31, v16;
	v31 =	vadd.s32 v8, v20  }
0xad: {  	[tilespmem:s21+$0xFFFFF3A0] =	vst v26;
	v26 =	vmul.f32 v30, v16;
	v30 =	vadd.s32 v8, v22;
	v25 =	vld.idx.msk [tilespmem:v25+s0+$0x0], $0xffff  }
0xae: {  	v29 =	vld.idx.msk [tilespmem:v29+s0+$0x0], $0xffff;
	[tilespmem:s21+$0xFFFFF3B0] =	vst v27;
	v27 =	vmul.f32 v28, v16;
	v28 =	vadd.s32 v8, v19  }
0xaf: {  	v60 =	vadd.s32 v5, v24;
	[tilespmem:s21+$0xFFFFF3C0] =	vst v26;
	v26 =	vmul.f32 v34, v16;
	v32 =	vld.idx.msk [tilespmem:v57+s0+$0x0], $0xffff  }
0xb0: {  	v61 =	vld.idx.msk [tilespmem:v58+s0+$0x0], $0xffff;
	[tilespmem:s21+$0xFFFFF3D0] =	vst v27;
	v27 =	vor.u32 v7, v23;
	v33 =	vmul.f32 v33, v16  }
0xb1: {  	v62 =	vmul.f32 v59, v16;
	[tilespmem:s21+$0xFFFFF3E0] =	vst v26;
	v26 =	vadd.s32 v9, v17;
	v31 =	vld.idx.msk [tilespmem:v31+s0+$0x0], $0xffff  }
0xb2: {  	v63 =	vadd.s32 v9, v21;
	v30 =	vld.idx.msk [tilespmem:v30+s0+$0x0], $0xffff;
	v25 =	vmul.f32 v25, v16;
	[tilespmem:s21+$0xFFFFF390] =	vst v33  }
0xb3: {  	v40 =	vor.u32 v9, v18;
	[tilespmem:s21+$0xFFFFF270] =	vst v62;
	v29 =	vmul.f32 v29, v16;
	v28 =	vld.idx.msk [tilespmem:v28+s0+$0x0], $0xffff  }
0xb4: {  	v42 =	vadd.s32 v9, v20;
	v41 =	vld.idx.msk [tilespmem:v60+s0+$0x0], $0xffff;
	[tilespmem:s21+$0xFFFFF300] =	vst v25;
	v25 =	vmul.f32 v32, v16  }
0xb5: {  	v43 =	vadd.s32 v9, v22;
	[tilespmem:s21+$0x20] =	vst v29;
	v29 =	vmul.f32 v61, v16;
	v27 =	vld.idx.msk [tilespmem:v27+s0+$0x0], $0xffff  }
0xb6: {  	v26 =	vld.idx.msk [tilespmem:v26+s0+$0x0], $0xffff;
	[tilespmem:s21+$0x30] =	vst v25;
	v25 =	vmul.f32 v31, v16;
	v31 =	vadd.s32 v9, v19  }
0xb7: {  	v44 =	vadd.s32 v6, v24;
	[tilespmem:s21+$0x40] =	vst v29;
	v29 =	vmul.f32 v30, v16;
	v33 =	vld.idx.msk [tilespmem:v63+s0+$0x0], $0xffff  }
0xb8: {  	v30 =	vld.idx.msk [tilespmem:v40+s0+$0x0], $0xffff;
	[tilespmem:s21+$0x50] =	vst v25;
	v25 =	vor.u32 v8, v23;
	v28 =	vmul.f32 v28, v16  }
0xb9: {  	v45 =	vmul.f32 v41, v16;
	[tilespmem:s21+$0x60] =	vst v29;
	v29 =	vadd.s32 v10, v17;
	v32 =	vld.idx.msk [tilespmem:v42+s0+$0x0], $0xffff  }
0xba: {  	v34 =	vld.idx.msk [tilespmem:v43+s0+$0x0], $0xffff;
	v27 =	vmul.f32 v27, v16;
	[tilespmem:s21+$0x10] =	vst v28;
	v28 =	vadd.s32 v10, v21  }
0xbb: {  	v46 =	vor.u32 v10, v18;
	[tilespmem:s21+$0xFFFFF2F0] =	vst v45;
	v26 =	vmul.f32 v26, v16;
	v31 =	vld.idx.msk [tilespmem:v31+s0+$0x0], $0xffff  }
0xbc: {  	v48 =	vadd.s32 v10, v20;
	v47 =	vld.idx.msk [tilespmem:v44+s0+$0x0], $0xffff;
	[tilespmem:s21+$0xFFFFF380] =	vst v27;
	v27 =	vmul.f32 v33, v16  }
0xbd: {  	[tilespmem:s21+$0xA0] =	vst v26;
	v26 =	vadd.s32 v10, v22;
	v49 =	vld.idx.msk [tilespmem:v25+s0+$0x0], $0xffff;
	v25 =	vmul.f32 v30, v16  }
0xbe: {  	v29 =	vld.idx.msk [tilespmem:v29+s0+$0x0], $0xffff;
	[tilespmem:s21+$0xB0] =	vst v27;
	v27 =	vmul.f32 v32, v16  }
0xbf: {  	v30 =	vadd.s32 v10, v19;
	v28 =	vld.idx.msk [tilespmem:v28+s0+$0x0], $0xffff;
	[tilespmem:s21+$0xC0] =	vst v25;
	v25 =	vmul.f32 v34, v16  }
0xc0: {  	v50 =	vadd.s32 v7, v24;
	v51 =	vld.idx.msk [tilespmem:v46+s0+$0x0], $0xffff;
	[tilespmem:s21+$0xD0] =	vst v27;
	v27 =	vmul.f32 v31, v16  }
0xc1: {  	v52 =	vadd.s32 v11, v17;
	v31 =	vmul.f32 v47, v16;
	v33 =	vld.idx.msk [tilespmem:v48+s0+$0x0], $0xffff;
	[tilespmem:s21+$0xE0] =	vst v25  }
0xc2: {  	v38 =	vadd.s32 v11, v20;
	v26 =	vld.idx.msk [tilespmem:v26+s0+$0x0], $0xffff;
	[tilespmem:s21+$0x90] =	vst v27;
	v27 =	vadd.s32 v11, v21  }
0xc3: {  	v39 =	vor.u32 v9, v23;
	v53 =	vor.u32 v11, v18;
	[tilespmem:s21+$0xFFFFF370] =	vst v31;
	v31 =	vmul.f32 v29, v16  }
0xc4: {  	v56 =	vadd.s32 v8, v24;
	v55 =	vadd.s32 v11, v19;
	v30 =	vld.idx.msk [tilespmem:v30+s0+$0x0], $0xffff;
	v28 =	vmul.f32 v28, v16  }
0xc5: {  	v54 =	vadd.s32 v11, v22;
	v32 =	vld.idx.msk [tilespmem:v50+s0+$0x0], $0xffff;
	[tilespmem:s21+$0x120] =	vst v31;
	v31 =	vmul.f32 v51, v16  }
0xc6: {  	v57 =	vadd.s32 v12, v21;
	v35 =	vld.idx.msk [tilespmem:v52+s0+$0x0], $0xffff;
	[tilespmem:s21+$0x130] =	vst v28;
	v28 =	vmul.f32 v33, v16  }
0xc7: {  	v58 =	vor.u32 v12, v18;
	v27 =	vld.idx.msk [tilespmem:v27+s0+$0x0], $0xffff;
	[tilespmem:s21+$0x140] =	vst v31;
	v26 =	vmul.f32 v26, v16  }
0xc8: {  	v59 =	vadd.s32 v12, v20;
	v31 =	vmul.f32 v49, v16;
	v36 =	vld.idx.msk [tilespmem:v53+s0+$0x0], $0xffff;
	[tilespmem:s21+$0x150] =	vst v28  }
0xc9: {  	v30 =	vmul.f32 v30, v16;
	v38 =	vld.idx.msk [tilespmem:v38+s0+$0x0], $0xffff;
	[tilespmem:s21+$0x160] =	vst v26;
	v26 =	vadd.s32 v12, v17  }
0xca: {  	v60 =	vadd.s32 v12, v22;
	v32 =	vmul.f32 v32, v16;
	[tilespmem:s21+$0x0] =	vst v31;
	v31 =	vld.idx.msk [tilespmem:v54+s0+$0x0], $0xffff  }
0xcb: {  	v61 =	vadd.s32 v9, v24;
	v39 =	vld.idx.msk [tilespmem:v39+s0+$0x0], $0xffff;
	[tilespmem:s21+$0x110] =	vst v30;
	v30 =	vmul.f32 v35, v16  }
0xcc: {  	v40 =	vor.u32 v10, v23;
	[tilespmem:s21+$0xFFFFF3F0] =	vst v32;
	v33 =	vld.idx.msk [tilespmem:v55+s0+$0x0], $0xffff;
	v27 =	vmul.f32 v27, v16  }
0xcd: {  	v44 =	vadd.s32 v13, v17;
	v37 =	vld.idx.msk [tilespmem:v56+s0+$0x0], $0xffff;
	[tilespmem:s21+$0x1A0] =	vst v30;
	v30 =	vmul.f32 v36, v16  }
0xce: {  	v46 =	vadd.s32 v13, v21;
	v41 =	vld.idx.msk [tilespmem:v26+s0+$0x0], $0xffff;
	[tilespmem:s21+$0x1B0] =	vst v27;
	v26 =	vmul.f32 v38, v16  }
0xcf: {  	v27 =	vadd.s32 v12, v19;
	v42 =	vld.idx.msk [tilespmem:v57+s0+$0x0], $0xffff;
	[tilespmem:s21+$0x1C0] =	vst v30;
	v30 =	vmul.f32 v31, v16  }
0xd0: {  	v25 =	vor.u32 v11, v23;
	v31 =	vmul.f32 v39, v16;
	v35 =	vld.idx.msk [tilespmem:v58+s0+$0x0], $0xffff;
	[tilespmem:s21+$0x1D0] =	vst v26  }
0xd1: {  	v29 =	vadd.s32 v14, v22;
	v33 =	vmul.f32 v33, v16;
	v43 =	vld.idx.msk [tilespmem:v59+s0+$0x0], $0xffff;
	[tilespmem:s21+$0x1E0] =	vst v30  }
0xd2: {  	v28 =	vadd.s32 v14, v20;
	[tilespmem:s21+$0x80] =	vst v31;
	v31 =	vmul.f32 v37, v16;
	v45 =	vld.idx.msk [tilespmem:v60+s0+$0x0], $0xffff  }
0xd3: {  	v36 =	vadd.s32 v13, v22;
	v38 =	vld.idx.msk [tilespmem:v40+s0+$0x0], $0xffff;
	[tilespmem:s21+$0x190] =	vst v33;
	v62 =	vmul.f32 v41, v16  }
0xd4: {  	v26 =	vor.u32 v13, v18;
	v34 =	vld.idx.msk [tilespmem:v27+s0+$0x0], $0xffff;
	[tilespmem:s21+$0x70] =	vst v31;
	v63 =	vmul.f32 v42, v16  }
0xd5: {  	v30 =	vadd.s32 v14, v21;
	v37 =	vadd.s32 v13, v20;
	v39 =	vld.idx.msk [tilespmem:v61+s0+$0x0], $0xffff;
	[tilespmem:s21+$0x220] =	vst v62  }
0xd6: {  	v27 =	vadd.s32 v14, v17;
	v31 =	vld.idx.msk [tilespmem:v44+s0+$0x0], $0xffff;
	[tilespmem:s21+$0x230] =	vst v63;
	v40 =	vmul.f32 v43, v16  }
0xd7: {  	s25 =	simm.s32 $0xF0;
	s23 =	simm.s32 $0x8400;
	s24 =	simm.s32 $0x0;
	v32 =	vmul.f32 v35, v16;
	v35 =	vadd.s32 v13, v19;
	v33 =	vld.idx.msk [tilespmem:v46+s0+$0x0], $0xffff;
	v41 =	vmul.f32 v45, v16  }
.LBB2_5:
0xd8: {  	s26 =	sadd.s32 $0xFFFFFF90, s25;
	s28 =	sadd.s32 $0xFFFFFFC0, s25;
	s29 =	sadd.s32 $0xFFFFFFF0, s25;
	v42 =	vmov s25;
	v38 =	vmul.f32 v38, v16;
	[tilespmem:s21+$0x250] =	vst v40;
	v40 =	vadd.s32 v10, v24  }
0xd9: {  	s30 =	sadd.s32 $0xFFFFFFA0, s25;
	s24 =	sadd.s32 $0x8, s24;
	v34 =	vmul.f32 v34, v16;
	v43 =	vmov s28;
	v44 =	vmov s29;
	[tilespmem:s21+$0x260] =	vst v41  }
0xda: {  	v41 =	vmov s26;
	v45 =	vmov s30;
	s26 =	sadd.s32 $0xFFFFFFB0, s25;
	p1 =	slt.u32 s24, $0x18;
	v43 =	vmul.u32 $0x18, v43;
	[tilespmem:s21+$0x100] =	vst v38;
	v36 =	vld.idx.msk [tilespmem:v36+s0+$0x0], $0xffff  }
0xdb: {  	v38 =	vmov s26;
	v44 =	vmul.u32 $0x18, v44;
	[tilespmem:s21+$0x210] =	vst v34;
	v34 =	vld.idx.msk [tilespmem:v37+s0+$0x0], $0xffff;
	v37 =	vmul.f32 v39, v16  }
0xdc: {  	s26 =	sadd.s32 $0xFFFFFFD0, s25;
	v39 =	vmul.u32 $0x18, v45;
	v38 =	vmul.u32 $0x18, v38;
	v31 =	vmul.f32 v31, v16;
	v35 =	vld.idx.msk [tilespmem:v35+s0+$0x0], $0xffff;
	[tilespmem:s21+$0x240] =	vst v32  }
0xdd: {  	v32 =	vmov s26;
	s26 =	sadd.s32 $0xFFFFFFE0, s25;
	v44 =	vbroadcast v44, $0x0;
	v33 =	vmul.f32 v33, v16;
	v25 =	vld.idx.msk [tilespmem:v25+s0+$0x0], $0xffff;
	[tilespmem:s21+$0xF0] =	vst v37  }
0xde: {  	v37 =	vbroadcast v38, $0x0;
	v32 =	vmul.u32 $0x18, v32;
	v38 =	vmov s26;
	[tilespmem:s21+$0x2A0] =	vst v31;
	v31 =	vld.idx.msk [tilespmem:v40+s0+$0x0], $0xffff  }
0xdf: {  	v39 =	vbroadcast v39, $0x0;
	v40 =	vbroadcast v43, $0x0;
	v38 =	vmul.u32 $0x18, v38;
	v43 =	vld.idx.msk [tilespmem:v27+s0+$0x0], $0xffff;
	[tilespmem:s21+$0x2B0] =	vst v33  }
0xe0: {  	v33 =	vadd.s32 v0, v37;
	v32 =	vbroadcast v32, $0x0;
	v36 =	vmul.f32 v36, v16;
	v30 =	vld.idx.msk [tilespmem:v30+s0+$0x0], $0xffff  }
0xe1: {  	v45 =	vadd.s32 v0, v40;
	v38 =	vbroadcast v38, $0x0;
	v27 =	vld.idx.msk [tilespmem:v26+s0+$0x0], $0xffff;
	v26 =	vmul.f32 v34, v16  }
0xe2: {  	v34 =	vmul.u32 $0x18, v41;
	v41 =	vor.u32 v0, v32;
	v35 =	vmul.f32 v35, v16;
	[tilespmem:s21+$0x2E0] =	vst v36  }
0xe3: {  	v42 =	vmul.u32 $0x18, v42;
	v36 =	vadd.s32 v0, v38;
	v25 =	vmul.f32 v25, v16;
	[tilespmem:s21+$0x2D0] =	vst v26;
	v46 =	vld.idx.msk [tilespmem:v29+s0+$0x0], $0xffff  }
0xe4: {  	v47 =	vadd.s32 v0, v44;
	v26 =	vmul.f32 v31, v16;
	[tilespmem:s21+$0x290] =	vst v35;
	v35 =	vld.idx.msk [tilespmem:v28+s0+$0x0], $0xffff  }
0xe5: {  	v29 =	vbroadcast v42, $0x0;
	v31 =	vld.idx.msk [tilespmem:v33+s0+$0x0], $0xffff;
	[tilespmem:s21+$0x180] =	vst v25;
	v25 =	vmul.f32 v43, v16;
	v33 =	vadd.s32 v15, v21  }
0xe6: {  	v42 =	vadd.s32 v0, v39;
	v28 =	vmul.f32 v30, v16;
	v21 =	vmov v40;
	v43 =	vld.idx.msk [tilespmem:v45+s0+$0x0], $0xffff;
	[tilespmem:s21+$0x170] =	vst v26  }
0xe7: {  	v30 =	vld.idx.msk [tilespmem:v41+s0+$0x0], $0xffff;
	[tilespmem:s21+$0x320] =	vst v25;
	v25 =	vadd.s32 v15, v22;
	v22 =	vmov v44  }
0xe8: {  	v40 =	vadd.s32 v15, v20;
	v20 =	vmov v38;
	v26 =	vor.u32 v15, v18;
	v36 =	vld.idx.msk [tilespmem:v36+s0+$0x0], $0xffff;
	[tilespmem:s21+$0x330] =	vst v28  }
0xe9: {  	v38 =	vadd.s32 v1, v37;
	v28 =	vor.u32 v14, v18;
	s21 =	sadd.s32 $0x400, s21;
	v41 =	vld.idx.msk [tilespmem:v47+s0+$0x0], $0xffff;
	v47 =	vmul.f32 v46, v16  }
0xea: {  	v45 =	vadd.s32 v15, v19;
	v44 =	vadd.s32 v1, v21;
	v35 =	vmul.f32 v35, v16;
	v33 =	vld.idx.msk [tilespmem:v33+s0+$0x0], $0xffff  }
0xeb: {  	v18 =	vmov v32;
	v46 =	vor.u32 v1, v32;
	v31 =	vmul.f32 v31, v16;
	v42 =	vld.idx.msk [tilespmem:v42+s0+$0x0], $0xffff;
	[tilespmem:s23+$0x360] =	vst v47  }
0xec: {  	v32 =	vmul.f32 v43, v16;
	v43 =	vadd.s32 v1, v20;
	[tilespmem:s23+$0x350] =	vst v35;
	v25 =	vld.idx.msk [tilespmem:v25+s0+$0x0], $0xffff  }
0xed: {  	v35 =	vadd.s32 v1, v22;
	[tilespmem:s21+$0xFFFFF020] =	vst v31;
	v31 =	vmul.f32 v30, v16;
	v40 =	vld.idx.msk [tilespmem:v40+s0+$0x0], $0xffff  }
0xee: {  	v38 =	vld.idx.msk [tilespmem:v38+s0+$0x0], $0xffff;
	[tilespmem:s21+$0xFFFFF030] =	vst v32;
	v32 =	vmul.f32 v36, v16;
	v36 =	vadd.s32 v14, v19;
	v19 =	vmov v39  }
0xef: {  	v30 =	vbroadcast v34, $0x0;
	v34 =	vadd.s32 v1, v19;
	v39 =	vld.idx.msk [tilespmem:v44+s0+$0x0], $0xffff;
	[tilespmem:s21+$0xFFFFF040] =	vst v31;
	v31 =	vmul.f32 v41, v16  }
0xf0: {  	v33 =	vmul.f32 v33, v16;
	v41 =	vld.idx.msk [tilespmem:v46+s0+$0x0], $0xffff;
	[tilespmem:s21+$0xFFFFF050] =	vst v32;
	v32 =	vadd.s32 v15, v17;
	v17 =	vmov v37  }
0xf1: {  	v37 =	vor.u32 v0, v30;
	v42 =	vmul.f32 v42, v16;
	v43 =	vld.idx.msk [tilespmem:v43+s0+$0x0], $0xffff;
	[tilespmem:s21+$0xFFFFF060] =	vst v31  }
0xf2: {  	v31 =	vadd.s32 v2, v17;
	v25 =	vmul.f32 v25, v16;
	v35 =	vld.idx.msk [tilespmem:v35+s0+$0x0], $0xffff;
	[tilespmem:s23+$0x3B0] =	vst v33  }
0xf3: {  	v33 =	vadd.s32 v2, v21;
	v40 =	vmul.f32 v40, v16;
	[tilespmem:s21+$0xFFFFF010] =	vst v42;
	v36 =	vld.idx.msk [tilespmem:v36+s0+$0x0], $0xffff  }
0xf4: {  	v38 =	vmul.f32 v38, v16;
	v42 =	vor.u32 v2, v18;
	v34 =	vld.idx.msk [tilespmem:v34+s0+$0x0], $0xffff;
	[tilespmem:s23+$0x3E0] =	vst v25  }
0xf5: {  	v44 =	vadd.s32 v2, v20;
	v39 =	vmul.f32 v39, v16;
	v32 =	vld.idx.msk [tilespmem:v32+s0+$0x0], $0xffff;
	[tilespmem:s23+$0x3D0] =	vst v40  }
0xf6: {  	v40 =	vadd.s32 v2, v22;
	v37 =	vld.idx.msk [tilespmem:v37+s0+$0x0], $0xffff;
	[tilespmem:s21+$0xFFFFF0A0] =	vst v38;
	v38 =	vmul.f32 v41, v16  }
0xf7: {  	v25 =	vor.u32 v11, v30;
	v31 =	vld.idx.msk [tilespmem:v31+s0+$0x0], $0xffff;
	[tilespmem:s21+$0xFFFFF0B0] =	vst v39;
	v39 =	vmul.f32 v43, v16  }
0xf8: {  	v41 =	vadd.s32 v2, v19;
	v35 =	vmul.f32 v35, v16;
	v33 =	vld.idx.msk [tilespmem:v33+s0+$0x0], $0xffff;
	[tilespmem:s21+$0xFFFFF0C0] =	vst v38  }
0xf9: {  	v36 =	vmul.f32 v36, v16;
	v38 =	vld.idx.msk [tilespmem:v42+s0+$0x0], $0xffff;
	[tilespmem:s21+$0xFFFFF0D0] =	vst v39;
	v39 =	vor.u32 v12, v23  }
0xfa: {  	v42 =	vor.u32 v1, v30;
	v34 =	vmul.f32 v34, v16;
	v43 =	vld.idx.msk [tilespmem:v44+s0+$0x0], $0xffff;
	[tilespmem:s21+$0xFFFFF0E0] =	vst v35  }
0xfb: {  	v35 =	vadd.s32 v3, v17;
	v32 =	vmul.f32 v32, v16;
	v40 =	vld.idx.msk [tilespmem:v40+s0+$0x0], $0xffff;
	[tilespmem:s23+$0x310] =	vst v36  }
0xfc: {  	v36 =	vmul.f32 v37, v16;
	[tilespmem:s21+$0xFFFFF090] =	vst v34;
	v34 =	vadd.s32 v3, v21;
	v37 =	vld.idx.msk [tilespmem:v45+s0+$0x0], $0xffff  }
0xfd: {  	v44 =	vor.u32 v3, v18;
	v31 =	vmul.f32 v31, v16;
	v41 =	vld.idx.msk [tilespmem:v41+s0+$0x0], $0xffff;
	[tilespmem:s23+$0x3A0] =	vst v32  }
0xfe: {  	v32 =	vmul.f32 v33, v16;
	v33 =	vadd.s32 v3, v20;
	[tilespmem:s21+$0xFFFFF000] =	vst v36;
	v36 =	vld.idx.msk [tilespmem:v39+s0+$0x0], $0xffff  }
0xff: {  	v39 =	vld.idx.msk [tilespmem:v42+s0+$0x0], $0xffff;
	[tilespmem:s21+$0xFFFFF120] =	vst v31;
	v31 =	vmul.f32 v38, v16;
	v38 =	vadd.s32 v3, v22  }
0x100: {  	v42 =	vadd.s32 v0, v29;
	v35 =	vld.idx.msk [tilespmem:v35+s0+$0x0], $0xffff;
	[tilespmem:s21+$0xFFFFF130] =	vst v32;
	v32 =	vmul.f32 v43, v16  }
0x101: {  	v43 =	vadd.s32 v3, v19;
	v34 =	vld.idx.msk [tilespmem:v34+s0+$0x0], $0xffff;
	[tilespmem:s21+$0xFFFFF140] =	vst v31;
	v31 =	vmul.f32 v40, v16  }
0x102: {  	v37 =	vmul.f32 v37, v16;
	v40 =	vld.idx.msk [tilespmem:v44+s0+$0x0], $0xffff;
	[tilespmem:s21+$0xFFFFF150] =	vst v32;
	v32 =	vor.u32 v13, v23  }
0x103: {  	v44 =	vor.u32 v2, v30;
	v41 =	vmul.f32 v41, v16;
	v33 =	vld.idx.msk [tilespmem:v33+s0+$0x0], $0xffff;
	[tilespmem:s21+$0xFFFFF160] =	vst v31  }
0x104: {  	v31 =	vadd.s32 v4, v17;
	v36 =	vmul.f32 v36, v16;
	v38 =	vld.idx.msk [tilespmem:v38+s0+$0x0], $0xffff;
	[tilespmem:s23+$0x390] =	vst v37  }
0x105: {  	v37 =	vmul.f32 v39, v16;
	v39 =	vadd.s32 v4, v21;
	[tilespmem:s21+$0xFFFFF110] =	vst v41;
	v41 =	vld.idx.msk [tilespmem:v42+s0+$0x0], $0xffff  }
0x106: {  	v35 =	vmul.f32 v35, v16;
	v42 =	vld.idx.msk [tilespmem:v43+s0+$0x0], $0xffff;
	v43 =	vor.u32 v4, v18;
	[tilespmem:s23+$0x200] =	vst v36  }
0x107: {  	v34 =	vmul.f32 v34, v16;
	v36 =	vadd.s32 v4, v20;
	[tilespmem:s21+$0xFFFFF080] =	vst v37;
	v32 =	vld.idx.msk [tilespmem:v32+s0+$0x0], $0xffff  }
0x108: {  	v37 =	vld.idx.msk [tilespmem:v44+s0+$0x0], $0xffff;
	[tilespmem:s21+$0xFFFFF1A0] =	vst v35;
	v35 =	vmul.f32 v40, v16;
	v40 =	vadd.s32 v4, v22  }
0x109: {  	v33 =	vmul.f32 v33, v16;
	v31 =	vld.idx.msk [tilespmem:v31+s0+$0x0], $0xffff;
	[tilespmem:s21+$0xFFFFF1B0] =	vst v34;
	v34 =	vadd.s32 v1, v29  }
0x10a: {  	v44 =	vadd.s32 v4, v19;
	v39 =	vld.idx.msk [tilespmem:v39+s0+$0x0], $0xffff;
	[tilespmem:s21+$0xFFFFF1C0] =	vst v35;
	v35 =	vmul.f32 v38, v16  }
0x10b: {  	v38 =	vld.idx.msk [tilespmem:v43+s0+$0x0], $0xffff;
	[tilespmem:s21+$0xFFFFF1D0] =	vst v33;
	v33 =	vmul.f32 v41, v16;
	v41 =	vor.u32 v14, v23  }
0x10c: {  	v43 =	vor.u32 v3, v30;
	v42 =	vmul.f32 v42, v16;
	v36 =	vld.idx.msk [tilespmem:v36+s0+$0x0], $0xffff;
	[tilespmem:s21+$0xFFFFF1E0] =	vst v35  }
0x10d: {  	v35 =	vadd.s32 v5, v17;
	v32 =	vmul.f32 v32, v16;
	v40 =	vld.idx.msk [tilespmem:v40+s0+$0x0], $0xffff;
	[tilespmem:s21+$0xFFFFF070] =	vst v33  }
0x10e: {  	v33 =	vmul.f32 v37, v16;
	v37 =	vadd.s32 v5, v21;
	[tilespmem:s21+$0xFFFFF190] =	vst v42;
	v34 =	vld.idx.msk [tilespmem:v34+s0+$0x0], $0xffff  }
0x10f: {  	v31 =	vmul.f32 v31, v16;
	v42 =	vld.idx.msk [tilespmem:v44+s0+$0x0], $0xffff;
	v44 =	vor.u32 v5, v18;
	[tilespmem:s23+$0x280] =	vst v32  }
0x110: {  	v32 =	vmul.f32 v39, v16;
	[tilespmem:s21+$0xFFFFF100] =	vst v33;
	v33 =	vadd.s32 v5, v20;
	v39 =	vld.idx.msk [tilespmem:v41+s0+$0x0], $0xffff  }
0x111: {  	v41 =	vld.idx.msk [tilespmem:v43+s0+$0x0], $0xffff;
	[tilespmem:s21+$0xFFFFF220] =	vst v31;
	v31 =	vmul.f32 v38, v16;
	v38 =	vadd.s32 v5, v22  }
0x112: {  	v35 =	vld.idx.msk [tilespmem:v35+s0+$0x0], $0xffff;
	[tilespmem:s21+$0xFFFFF230] =	vst v32;
	v32 =	vmul.f32 v36, v16;
	v36 =	vadd.s32 v2, v29  }
0x113: {  	v43 =	vadd.s32 v5, v19;
	v37 =	vld.idx.msk [tilespmem:v37+s0+$0x0], $0xffff;
	[tilespmem:s21+$0xFFFFF240] =	vst v31;
	v31 =	vmul.f32 v40, v16  }
0x114: {  	v40 =	vld.idx.msk [tilespmem:v44+s0+$0x0], $0xffff;
	[tilespmem:s21+$0xFFFFF250] =	vst v32;
	v32 =	vmul.f32 v34, v16;
	v34 =	vor.u32 v15, v23;
	v23 =	vmov v30  }
0x115: {  	v42 =	vmul.f32 v42, v16;
	v30 =	vor.u32 v4, v23;
	v33 =	vld.idx.msk [tilespmem:v33+s0+$0x0], $0xffff;
	[tilespmem:s21+$0xFFFFF260] =	vst v31  }
0x116: {  	v31 =	vadd.s32 v6, v17;
	v38 =	vld.idx.msk [tilespmem:v38+s0+$0x0], $0xffff;
	[tilespmem:s21+$0xFFFFF0F0] =	vst v32;
	v32 =	vmul.f32 v39, v16  }
0x117: {  	v39 =	vmul.f32 v41, v16;
	v41 =	vadd.s32 v6, v21;
	[tilespmem:s21+$0xFFFFF210] =	vst v42;
	v36 =	vld.idx.msk [tilespmem:v36+s0+$0x0], $0xffff  }
0x118: {  	v35 =	vmul.f32 v35, v16;
	v42 =	vld.idx.msk [tilespmem:v43+s0+$0x0], $0xffff;
	v43 =	vor.u32 v6, v18;
	[tilespmem:s23+$0x300] =	vst v32  }
0x119: {  	v32 =	vmul.f32 v37, v16;
	v37 =	vadd.s32 v6, v20;
	[tilespmem:s21+$0xFFFFF180] =	vst v39;
	v34 =	vld.idx.msk [tilespmem:v34+s0+$0x0], $0xffff  }
0x11a: {  	v39 =	vadd.s32 v6, v22;
	v30 =	vld.idx.msk [tilespmem:v30+s0+$0x0], $0xffff;
	[tilespmem:s21+$0xFFFFF2A0] =	vst v35;
	v35 =	vmul.f32 v40, v16  }
0x11b: {  	v31 =	vld.idx.msk [tilespmem:v31+s0+$0x0], $0xffff;
	[tilespmem:s21+$0xFFFFF2B0] =	vst v32;
	v32 =	vmul.f32 v33, v16;
	v33 =	vadd.s32 v3, v29  }
0x11c: {  	v40 =	vadd.s32 v6, v19;
	v41 =	vld.idx.msk [tilespmem:v41+s0+$0x0], $0xffff;
	[tilespmem:s21+$0xFFFFF2C0] =	vst v35;
	v35 =	vmul.f32 v38, v16  }
0x11d: {  	v38 =	vld.idx.msk [tilespmem:v43+s0+$0x0], $0xffff;
	[tilespmem:s21+$0xFFFFF2D0] =	vst v32;
	v32 =	vmul.f32 v36, v16;
	v36 =	vadd.s32 v11, v24  }
0x11e: {  	v43 =	vor.u32 v5, v23;
	v42 =	vmul.f32 v42, v16;
	v37 =	vld.idx.msk [tilespmem:v37+s0+$0x0], $0xffff;
	[tilespmem:s21+$0xFFFFF2E0] =	vst v35  }
0x11f: {  	v35 =	vadd.s32 v7, v17;
	v39 =	vld.idx.msk [tilespmem:v39+s0+$0x0], $0xffff;
	[tilespmem:s21+$0xFFFFF170] =	vst v32;
	v32 =	vmul.f32 v34, v16  }
0x120: {  	v30 =	vmul.f32 v30, v16;
	v34 =	vadd.s32 v7, v21;
	[tilespmem:s21+$0xFFFFF290] =	vst v42;
	v33 =	vld.idx.msk [tilespmem:v33+s0+$0x0], $0xffff  }
0x121: {  	v31 =	vmul.f32 v31, v16;
	v42 =	vor.u32 v7, v18;
	v40 =	vld.idx.msk [tilespmem:v40+s0+$0x0], $0xffff;
	[tilespmem:s23+$0x380] =	vst v32  }
0x122: {  	v32 =	vadd.s32 v7, v20;
	[tilespmem:s21+$0xFFFFF200] =	vst v30;
	v30 =	vmul.f32 v41, v16;
	v36 =	vld.idx.msk [tilespmem:v36+s0+$0x0], $0xffff  }
0x123: {  	v41 =	vld.idx.msk [tilespmem:v43+s0+$0x0], $0xffff;
	[tilespmem:s21+$0xFFFFF320] =	vst v31;
	v31 =	vmul.f32 v38, v16;
	v38 =	vadd.s32 v7, v22  }
0x124: {  	v35 =	vld.idx.msk [tilespmem:v35+s0+$0x0], $0xffff;
	[tilespmem:s21+$0xFFFFF330] =	vst v30;
	v30 =	vmul.f32 v37, v16;
	v37 =	vadd.s32 v4, v29  }
0x125: {  	v43 =	vadd.s32 v7, v19;
	v34 =	vld.idx.msk [tilespmem:v34+s0+$0x0], $0xffff;
	[tilespmem:s21+$0xFFFFF340] =	vst v31;
	v31 =	vmul.f32 v39, v16  }
0x126: {  	v39 =	vld.idx.msk [tilespmem:v42+s0+$0x0], $0xffff;
	[tilespmem:s21+$0xFFFFF350] =	vst v30;
	v30 =	vmul.f32 v33, v16;
	v33 =	vadd.s32 v12, v24  }
0x127: {  	v42 =	vor.u32 v6, v23;
	v40 =	vmul.f32 v40, v16;
	v32 =	vld.idx.msk [tilespmem:v32+s0+$0x0], $0xffff;
	[tilespmem:s21+$0xFFFFF360] =	vst v31  }
0x128: {  	v31 =	vadd.s32 v8, v17;
	v38 =	vld.idx.msk [tilespmem:v38+s0+$0x0], $0xffff;
	[tilespmem:s21+$0xFFFFF1F0] =	vst v30;
	v30 =	vmul.f32 v36, v16  }
0x129: {  	v36 =	vmul.f32 v41, v16;
	[tilespmem:s21+$0xFFFFF310] =	vst v40;
	v40 =	vadd.s32 v8, v21;
	v37 =	vld.idx.msk [tilespmem:v37+s0+$0x0], $0xffff  }
0x12a: {  	v35 =	vmul.f32 v35, v16;
	v41 =	vld.idx.msk [tilespmem:v43+s0+$0x0], $0xffff;
	v43 =	vor.u32 v8, v18;
	[tilespmem:s23+$0x1F0] =	vst v30  }
0x12b: {  	v30 =	vmul.f32 v34, v16;
	v34 =	vadd.s32 v8, v20;
	[tilespmem:s21+$0xFFFFF280] =	vst v36;
	v33 =	vld.idx.msk [tilespmem:v33+s0+$0x0], $0xffff  }
0x12c: {  	v36 =	vld.idx.msk [tilespmem:v42+s0+$0x0], $0xffff;
	[tilespmem:s21+$0xFFFFF3A0] =	vst v35;
	v35 =	vmul.f32 v39, v16;
	v39 =	vadd.s32 v8, v22  }
0x12d: {  	v31 =	vld.idx.msk [tilespmem:v31+s0+$0x0], $0xffff;
	[tilespmem:s21+$0xFFFFF3B0] =	vst v30;
	v30 =	vmul.f32 v32, v16;
	v32 =	vadd.s32 v5, v29  }
0x12e: {  	v42 =	vadd.s32 v8, v19;
	v40 =	vld.idx.msk [tilespmem:v40+s0+$0x0], $0xffff;
	[tilespmem:s21+$0xFFFFF3C0] =	vst v35;
	v35 =	vmul.f32 v38, v16  }
0x12f: {  	v38 =	vld.idx.msk [tilespmem:v43+s0+$0x0], $0xffff;
	[tilespmem:s21+$0xFFFFF3D0] =	vst v30;
	v30 =	vmul.f32 v37, v16;
	v37 =	vadd.s32 v13, v24  }
0x130: {  	v43 =	vor.u32 v7, v23;
	v41 =	vmul.f32 v41, v16;
	v34 =	vld.idx.msk [tilespmem:v34+s0+$0x0], $0xffff;
	[tilespmem:s21+$0xFFFFF3E0] =	vst v35  }
0x131: {  	v35 =	vadd.s32 v9, v17;
	v39 =	vld.idx.msk [tilespmem:v39+s0+$0x0], $0xffff;
	[tilespmem:s21+$0xFFFFF270] =	vst v30;
	v30 =	vmul.f32 v33, v16  }
0x132: {  	v33 =	vmul.f32 v36, v16;
	v36 =	vadd.s32 v9, v21;
	[tilespmem:s21+$0xFFFFF390] =	vst v41;
	v32 =	vld.idx.msk [tilespmem:v32+s0+$0x0], $0xffff  }
0x133: {  	v31 =	vmul.f32 v31, v16;
	v41 =	vld.idx.msk [tilespmem:v42+s0+$0x0], $0xffff;
	v42 =	vor.u32 v9, v18;
	[tilespmem:s23+$0x270] =	vst v30  }
0x134: {  	v30 =	vmul.f32 v40, v16;
	[tilespmem:s21+$0xFFFFF300] =	vst v33;
	v33 =	vadd.s32 v9, v20;
	v37 =	vld.idx.msk [tilespmem:v37+s0+$0x0], $0xffff  }
0x135: {  	v40 =	vld.idx.msk [tilespmem:v43+s0+$0x0], $0xffff;
	[tilespmem:s21+$0x20] =	vst v31;
	v31 =	vmul.f32 v38, v16;
	v38 =	vadd.s32 v9, v22  }
0x136: {  	v35 =	vld.idx.msk [tilespmem:v35+s0+$0x0], $0xffff;
	[tilespmem:s21+$0x30] =	vst v30;
	v30 =	vmul.f32 v34, v16;
	v34 =	vadd.s32 v6, v29  }
0x137: {  	v43 =	vadd.s32 v9, v19;
	v36 =	vld.idx.msk [tilespmem:v36+s0+$0x0], $0xffff;
	[tilespmem:s21+$0x40] =	vst v31;
	v31 =	vmul.f32 v39, v16  }
0x138: {  	v39 =	vld.idx.msk [tilespmem:v42+s0+$0x0], $0xffff;
	[tilespmem:s21+$0x50] =	vst v30;
	v30 =	vmul.f32 v32, v16;
	v32 =	vadd.s32 v14, v24  }
0x139: {  	v42 =	vor.u32 v8, v23;
	v41 =	vmul.f32 v41, v16;
	v33 =	vld.idx.msk [tilespmem:v33+s0+$0x0], $0xffff;
	[tilespmem:s21+$0x60] =	vst v31  }
0x13a: {  	v31 =	vadd.s32 v10, v17;
	v38 =	vld.idx.msk [tilespmem:v38+s0+$0x0], $0xffff;
	[tilespmem:s21+$0xFFFFF2F0] =	vst v30;
	v30 =	vmul.f32 v37, v16  }
0x13b: {  	v37 =	vmul.f32 v40, v16;
	v40 =	vadd.s32 v10, v21;
	[tilespmem:s21+$0x10] =	vst v41;
	v34 =	vld.idx.msk [tilespmem:v34+s0+$0x0], $0xffff  }
0x13c: {  	v35 =	vmul.f32 v35, v16;
	v41 =	vld.idx.msk [tilespmem:v43+s0+$0x0], $0xffff;
	v43 =	vor.u32 v10, v18;
	[tilespmem:s23+$0x2F0] =	vst v30  }
0x13d: {  	v30 =	vmul.f32 v36, v16;
	v36 =	vadd.s32 v10, v20;
	[tilespmem:s21+$0xFFFFF380] =	vst v37;
	v32 =	vld.idx.msk [tilespmem:v32+s0+$0x0], $0xffff  }
0x13e: {  	v37 =	vld.idx.msk [tilespmem:v42+s0+$0x0], $0xffff;
	[tilespmem:s21+$0xA0] =	vst v35;
	v35 =	vmul.f32 v39, v16;
	v39 =	vadd.s32 v10, v22  }
0x13f: {  	v31 =	vld.idx.msk [tilespmem:v31+s0+$0x0], $0xffff;
	[tilespmem:s21+$0xB0] =	vst v30;
	v30 =	vmul.f32 v33, v16;
	v33 =	vadd.s32 v7, v29  }
0x140: {  	v42 =	vadd.s32 v10, v19;
	v40 =	vld.idx.msk [tilespmem:v40+s0+$0x0], $0xffff;
	[tilespmem:s21+$0xC0] =	vst v35;
	v35 =	vmul.f32 v38, v16  }
0x141: {  	v38 =	vld.idx.msk [tilespmem:v43+s0+$0x0], $0xffff;
	[tilespmem:s21+$0xD0] =	vst v30;
	v30 =	vmul.f32 v34, v16;
	v34 =	vadd.s32 v15, v24;
	v24 =	vmov v29  }
0x142: {  	v41 =	vmul.f32 v41, v16;
	v29 =	vadd.s32 v14, v22;
	v36 =	vld.idx.msk [tilespmem:v36+s0+$0x0], $0xffff;
	[tilespmem:s21+$0xE0] =	vst v35  }
0x143: {  	v35 =	vadd.s32 v11, v17;
	v39 =	vld.idx.msk [tilespmem:v39+s0+$0x0], $0xffff;
	[tilespmem:s21+$0xFFFFF370] =	vst v30;
	v30 =	vmul.f32 v32, v16  }
0x144: {  	v27 =	vmul.f32 v27, v16;
	v32 =	vadd.s32 v11, v21;
	[tilespmem:s21+$0x90] =	vst v41;
	v33 =	vld.idx.msk [tilespmem:v33+s0+$0x0], $0xffff  }
0x145: {  	v31 =	vmul.f32 v31, v16;
	v41 =	vld.idx.msk [tilespmem:v42+s0+$0x0], $0xffff;
	v42 =	vor.u32 v11, v18;
	[tilespmem:s23+$0x370] =	vst v30  }
0x146: {  	v30 =	vmul.f32 v40, v16;
	v40 =	vadd.s32 v11, v20;
	[tilespmem:s23+$0x2C0] =	vst v27;
	v43 =	vld.idx.msk [tilespmem:v34+s0+$0x0], $0xffff  }
0x147: {  	v27 =	vmul.f32 v38, v16;
	[tilespmem:s21+$0x120] =	vst v31;
	v31 =	vadd.s32 v11, v22;
	v34 =	vld.idx.msk [tilespmem:v28+s0+$0x0], $0xffff  }
0x148: {  	v38 =	vor.u32 v9, v23;
	v28 =	vmul.f32 v36, v16;
	v35 =	vld.idx.msk [tilespmem:v35+s0+$0x0], $0xffff;
	[tilespmem:s21+$0x130] =	vst v30  }
0x149: {  	v30 =	vadd.s32 v11, v19;
	v32 =	vld.idx.msk [tilespmem:v32+s0+$0x0], $0xffff;
	[tilespmem:s21+$0x140] =	vst v27;
	v27 =	vmul.f32 v39, v16  }
0x14a: {  	v36 =	vmul.f32 v37, v16;
	v39 =	vadd.s32 v8, v24;
	v37 =	vld.idx.msk [tilespmem:v42+s0+$0x0], $0xffff;
	[tilespmem:s21+$0x150] =	vst v28  }
0x14b: {  	v41 =	vmul.f32 v41, v16;
	v28 =	vadd.s32 v14, v20;
	v40 =	vld.idx.msk [tilespmem:v40+s0+$0x0], $0xffff;
	[tilespmem:s21+$0x160] =	vst v27  }
0x14c: {  	v33 =	vmul.f32 v33, v16;
	v27 =	vadd.s32 v12, v17;
	[tilespmem:s21+$0x0] =	vst v36;
	v31 =	vld.idx.msk [tilespmem:v31+s0+$0x0], $0xffff  }
0x14d: {  	v34 =	vmul.f32 v34, v16;
	v36 =	vld.idx.msk [tilespmem:v38+s0+$0x0], $0xffff;
	[tilespmem:s21+$0x110] =	vst v41;
	v38 =	vadd.s32 v12, v21  }
0x14e: {  	v35 =	vmul.f32 v35, v16;
	v41 =	vor.u32 v12, v18;
	v30 =	vld.idx.msk [tilespmem:v30+s0+$0x0], $0xffff;
	[tilespmem:s21+$0xFFFFF3F0] =	vst v33  }
0x14f: {  	v32 =	vmul.f32 v32, v16;
	v33 =	vadd.s32 v12, v20;
	v39 =	vld.idx.msk [tilespmem:v39+s0+$0x0], $0xffff;
	[tilespmem:s23+$0x340] =	vst v34  }
0x150: {  	v34 =	vmul.f32 v37, v16;
	[tilespmem:s21+$0x1A0] =	vst v35;
	v35 =	vadd.s32 v12, v22;
	v37 =	vld.idx.msk [tilespmem:v26+s0+$0x0], $0xffff  }
0x151: {  	v42 =	vor.u32 v10, v23;
	v26 =	vmul.f32 v40, v16;
	v27 =	vld.idx.msk [tilespmem:v27+s0+$0x0], $0xffff;
	[tilespmem:s21+$0x1B0] =	vst v32  }
0x152: {  	v32 =	vadd.s32 v12, v19;
	v31 =	vmul.f32 v31, v16;
	v40 =	vld.idx.msk [tilespmem:v38+s0+$0x0], $0xffff;
	[tilespmem:s21+$0x1C0] =	vst v34  }
0x153: {  	v34 =	vmul.f32 v36, v16;
	v36 =	vld.idx.msk [tilespmem:v41+s0+$0x0], $0xffff;
	[tilespmem:s21+$0x1D0] =	vst v26;
	v41 =	vadd.s32 v9, v24  }
0x154: {  	v30 =	vmul.f32 v30, v16;
	v26 =	vor.u32 v13, v18;
	v33 =	vld.idx.msk [tilespmem:v33+s0+$0x0], $0xffff;
	[tilespmem:s21+$0x1E0] =	vst v31  }
0x155: {  	v31 =	vadd.s32 v13, v17;
	[tilespmem:s21+$0x80] =	vst v34;
	v44 =	vld.idx.msk [tilespmem:v35+s0+$0x0], $0xffff;
	v35 =	vmul.f32 v39, v16  }
0x156: {  	v37 =	vmul.f32 v37, v16;
	v38 =	vld.idx.msk [tilespmem:v42+s0+$0x0], $0xffff;
	[tilespmem:s21+$0x190] =	vst v30;
	v42 =	vadd.s32 v13, v21  }
.Ltmp1:
0x157: {  	v30 =	vadd.s32 v14, v21;
	v34 =	vld.idx.msk [tilespmem:v32+s0+$0x0], $0xffff;
	v32 =	vmul.f32 v27, v16;
	[tilespmem:s21+$0x70] =	vst v35;
	(pc) =	sbr.rel @p1 .LBB2_5-.Ltmp1, $4  }
0x158: {  	v27 =	vadd.s32 v14, v17;
	v35 =	vmul.f32 v40, v16;
	v39 =	vld.idx.msk [tilespmem:v41+s0+$0x0], $0xffff;
	[tilespmem:s23+$0x3C0] =	vst v37  }
0x159: {  	v43 =	vmul.f32 v43, v16;
	[tilespmem:s21+$0x220] =	vst v32;
	v32 =	vmul.f32 v36, v16;
	v36 =	vadd.s32 v13, v22  }
0x15a: {  	v37 =	vadd.s32 v13, v20;
	v40 =	vmul.f32 v33, v16;
	v31 =	vld.idx.msk [tilespmem:v31+s0+$0x0], $0xffff;
	[tilespmem:s21+$0x230] =	vst v35  }
0x15b: {  	s25 =	sadd.s32 $0x80, s25;
	v35 =	vadd.s32 v13, v19;
	v41 =	vmul.f32 v44, v16;
	v33 =	vld.idx.msk [tilespmem:v42+s0+$0x0], $0xffff;
	[tilespmem:s23+$0x3F0] =	vst v43;
	s23 =	smov.u32 s21  }
0x15c: {  	v42 =	vadd.s32 v10, v24;
	_ =	sdelay $0x1  }
0x15d: {  	v39 =	vmul.f32 v39, v16;
	_ =	sdelay $0x1  }
0x15e: {  	[tilespmem:s21+$0xF0] =	vst v39  }
0x15f: {  	v39 =	vld.idx.msk [tilespmem:v42+s0+$0x0], $0xffff;
	_ =	sdelay $0x2  }
0x160: {  	v56 =	vadd.s32 v11, v24  }
0x161: {  	v38 =	vmul.f32 v38, v16  }
0x162: {  	v57 =	vmul.f32 v39, v16  }
0x163: {  	[tilespmem:s21+$0x100] =	vst v38  }
0x164: {  	v25 =	vld.idx.msk [tilespmem:v25+s0+$0x0], $0xffff;
	[tilespmem:s21+$0x170] =	vst v57  }
0x165: {  	v38 =	vld.idx.msk [tilespmem:v56+s0+$0x0], $0xffff;
	_ =	sdelay $0x1  }
0x166: {  	v58 =	vor.u32 v12, v23  }
0x167: {  	v59 =	vadd.s32 v12, v24  }
0x168: {  	v25 =	vmul.f32 v25, v16  }
0x169: {  	v60 =	vmul.f32 v38, v16  }
0x16a: {  	[tilespmem:s21+$0x180] =	vst v25  }
0x16b: {  	v61 =	vld.idx.msk [tilespmem:v58+s0+$0x0], $0xffff;
	[tilespmem:s23+$0x1F0] =	vst v60  }
0x16c: {  	v25 =	vld.idx.msk [tilespmem:v59+s0+$0x0], $0xffff  }
0x16d: {  	v34 =	vmul.f32 v34, v16  }
0x16e: {  	v62 =	vor.u32 v13, v23;
	[tilespmem:s21+$0x250] =	vst v40  }
0x16f: {  	v63 =	vadd.s32 v13, v24;
	v37 =	vld.idx.msk [tilespmem:v37+s0+$0x0], $0xffff;
	[tilespmem:s21+$0x210] =	vst v34  }
0x170: {  	[tilespmem:s21+$0x240] =	vst v32;
	v34 =	vld.idx.msk [tilespmem:v35+s0+$0x0], $0xffff;
	v38 =	vmul.f32 v61, v16  }
0x171: {  	[tilespmem:s21+$0x260] =	vst v41;
	v26 =	vld.idx.msk [tilespmem:v26+s0+$0x0], $0xffff;
	v25 =	vmul.f32 v25, v16  }
0x172: {  	v36 =	vld.idx.msk [tilespmem:v36+s0+$0x0], $0xffff;
	v44 =	vmul.f32 v33, v16;
	[tilespmem:s23+$0x200] =	vst v38  }
0x173: {  	v48 =	vadd.s32 v14, v19;
	v31 =	vmul.f32 v31, v16;
	v45 =	vld.idx.msk [tilespmem:v62+s0+$0x0], $0xffff;
	[tilespmem:s23+$0x270] =	vst v25  }
0x174: {  	v52 =	vor.u32 v14, v18;
	[tilespmem:s21+$0x2B0] =	vst v44;
	v47 =	vmul.f32 v37, v16;
	v49 =	vld.idx.msk [tilespmem:v63+s0+$0x0], $0xffff  }
0x175: {  	[tilespmem:s21+$0x2A0] =	vst v31;
	v30 =	vld.idx.msk [tilespmem:v30+s0+$0x0], $0xffff;
	v34 =	vmul.f32 v34, v16  }
0x176: {  	v50 =	vor.u32 v14, v23;
	v27 =	vld.idx.msk [tilespmem:v27+s0+$0x0], $0xffff;
	v26 =	vmul.f32 v26, v16;
	[tilespmem:s21+$0x2D0] =	vst v47  }
0x177: {  	v54 =	vadd.s32 v14, v24;
	v46 =	vmul.f32 v36, v16;
	v28 =	vld.idx.msk [tilespmem:v28+s0+$0x0], $0xffff;
	[tilespmem:s21+$0x290] =	vst v34  }
0x178: {  	v21 =	vadd.s32 v15, v21;
	[tilespmem:s23+$0x2C0] =	vst v26;
	v32 =	vld.idx.msk [tilespmem:v48+s0+$0x0], $0xffff;
	v53 =	vmul.f32 v45, v16  }
0x179: {  	v17 =	vadd.s32 v15, v17;
	[tilespmem:s21+$0x2E0] =	vst v46;
	v26 =	vld.idx.msk [tilespmem:v52+s0+$0x0], $0xffff;
	v55 =	vmul.f32 v49, v16  }
0x17a: {  	v20 =	vadd.s32 v15, v20;
	v51 =	vld.idx.msk [tilespmem:v29+s0+$0x0], $0xffff;
	v30 =	vmul.f32 v30, v16;
	[tilespmem:s23+$0x280] =	vst v53  }
0x17b: {  	v19 =	vadd.s32 v15, v19;
	v27 =	vmul.f32 v27, v16;
	v56 =	vld.idx.msk [tilespmem:v50+s0+$0x0], $0xffff;
	[tilespmem:s23+$0x2F0] =	vst v55  }
0x17c: {  	v18 =	vor.u32 v15, v18;
	[tilespmem:s21+$0x330] =	vst v30;
	v28 =	vmul.f32 v28, v16;
	v57 =	vld.idx.msk [tilespmem:v54+s0+$0x0], $0xffff  }
0x17d: {  	v22 =	vadd.s32 v15, v22;
	[tilespmem:s21+$0x320] =	vst v27;
	v21 =	vld.idx.msk [tilespmem:v21+s0+$0x0], $0xffff;
	v58 =	vmul.f32 v32, v16  }
0x17e: {  	v23 =	vor.u32 v15, v23;
	v17 =	vld.idx.msk [tilespmem:v17+s0+$0x0], $0xffff;
	[tilespmem:s23+$0x350] =	vst v28;
	v61 =	vmul.f32 v26, v16  }
0x17f: {  	v20 =	vld.idx.msk [tilespmem:v20+s0+$0x0], $0xffff;
	[tilespmem:s23+$0x310] =	vst v58;
	v60 =	vadd.s32 v15, v24;
	v25 =	vmul.f32 v51, v16  }
0x180: {  	v19 =	vld.idx.msk [tilespmem:v19+s0+$0x0], $0xffff;
	[tilespmem:s23+$0x340] =	vst v61;
	v59 =	vmul.f32 v56, v16  }
0x181: {  	v18 =	vld.idx.msk [tilespmem:v18+s0+$0x0], $0xffff;
	[tilespmem:s23+$0x360] =	vst v25;
	v62 =	vmul.f32 v57, v16  }
0x182: {  	v21 =	vmul.f32 v21, v16;
	v22 =	vld.idx.msk [tilespmem:v22+s0+$0x0], $0xffff;
	[tilespmem:s23+$0x300] =	vst v59  }
0x183: {  	v17 =	vmul.f32 v17, v16;
	v23 =	vld.idx.msk [tilespmem:v23+s0+$0x0], $0xffff;
	[tilespmem:s23+$0x370] =	vst v62  }
0x184: {  	[tilespmem:s23+$0x3B0] =	vst v21;
	v20 =	vmul.f32 v20, v16;
	v21 =	vld.idx.msk [tilespmem:v60+s0+$0x0], $0xffff  }
0x185: {  	[tilespmem:s23+$0x3A0] =	vst v17;
	v19 =	vmul.f32 v19, v16  }
0x186: {  	[tilespmem:s23+$0x3D0] =	vst v20;
	v18 =	vmul.f32 v18, v16  }
0x187: {  	[tilespmem:s23+$0x390] =	vst v19;
	v22 =	vmul.f32 v22, v16  }
0x188: {  	s20 =	sshll.u32 s20, $0xF;
	[tilespmem:s23+$0x3C0] =	vst v18;
	v17 =	vmul.f32 v23, v16  }
0x189: {  	s19 =	sand.u32 $0x3C00, s19;
	s20 =	sand.u32 $0x1FFF8000, s20;
	[tilespmem:s23+$0x3E0] =	vst v22;
	v16 =	vmul.f32 v21, v16  }
0x18a: {  	p1 =	seq.s32 s6, $0xC;
	s19 =	sor.u32 s19, s20;
	[tilespmem:s23+$0x380] =	vst v17  }
0x18b: {  	s12 =	sadd.s32 @!p1 s12, s11;
	s20 =	sadd.s32 s2, s19;
	[tilespmem:s23+$0x3F0] =	vst v16  }
0x18c: {  	[hbm4b:s20+s3] =	stream.linear.scatter [tilespmem:s1], [sflag:$0x3], $0x1000, $0x38;
	[tilespmem:$0xB5A0] =	vst v63  }
0x18d: {  	s12 =	sshrl.u32 @!p1 s12, $0x3;
	s19 =	sadd.s32 s19, s10  }
0x18e: {  	[hbm4b:s19+s3] =	stream.linear.scatter [tilespmem:s13], [sflag:$0x3], $0x1000, $0x38;
	[tilespmem:$0xB5A0] =	vst v63  }
0x18f: {  	s12 =	sadd.s32 @!p1 s5, s12;
	s19 =	simm.s32 @!p1 $0x0  }
0x190: {  	[tilespmem:s19], [sflag:$0x5] =	stream.linear.gather @!p1 [hbm4b:s12+s19], $0x200, $0x38;
	[tilespmem:$0xB5A0] =	vst v63  }
0x191: {  	s12 =	simm.s32 @!p1 $0x5  }
0x192: {  	_ =	swait.ge @!p1 [sflag:s12], $0x200  }
0x193: {  	[sflag:s12] =	ssyncset.done @!p1 $0x0  }
0x194: {  	s20 =	simm.s32 @!p1 $0x400;
	[sflag:s12] =	ssyncadd.s32 @!p1 $0xFFFFFE00;
	s12 =	simm.s32 @!p1 $0x80  }
0x195: {  	[tilespmem:s20], [sflag:$0x1] =	stream.indirect.gather @!p1 [hbm4b:s7+s12], $0x10, s19, s12, $0xb8;
	[tilespmem:$0xB5A0] =	vst v63  }
0x196: {  	s19 =	simm.s32 @!p1 $0xC00  }
0x197: {  	[tilespmem:s19], [sflag:$0x1] =	stream.indirect.gather @!p1 [hbm4b:s7+s12], $0x10, s12, s12, $0xb8;
	[tilespmem:$0xB5A0] =	vst v63  }
0x198: {  	s20 =	simm.s32 @!p1 $0x1400;
	s19 =	simm.s32 @!p1 $0x100  }
0x199: {  	[tilespmem:s20], [sflag:$0x1] =	stream.indirect.gather @!p1 [hbm4b:s7+s12], $0x10, s19, s12, $0xb8;
	[tilespmem:$0xB5A0] =	vst v63  }
0x19a: {  	s19 =	simm.s32 @!p1 $0x180;
	s20 =	simm.s32 @!p1 $0x1C00  }
0x19b: {  	[tilespmem:s20], [sflag:$0x1] =	stream.indirect.gather @!p1 [hbm4b:s7+s12], $0x10, s19, s12, $0xb8;
	[tilespmem:$0xB5A0] =	vst v63  }
0x19c: {  	_ =	swait.ge [sflag:s16], $0x800  }
0x19d: {  	[sflag:s16] =	ssyncset.done $0x0  }
0x19e: {  	[sflag:s16] =	ssyncadd.s32 $0xFFFFF800  }
0x19f: {  	_ =	swait.ge [sflag:s16], $0x800  }
0x1a0: {  	[sflag:s16] =	ssyncset.done $0x0  }
0x1a1: {  	[sflag:s16] =	ssyncadd.s32 $0xFFFFF800  }
0x1a2: {  	_ =	swait.ge [sflag:s16], $0x800  }
0x1a3: {  	[sflag:s16] =	ssyncset.done $0x0  }
0x1a4: {  	[sflag:s16] =	ssyncadd.s32 $0xFFFFF800  }
0x1a5: {  	_ =	swait.ge [sflag:s16], $0x800  }
0x1a6: {  	[sflag:s16] =	ssyncset.done $0x0  }
0x1a7: {  	s19 =	simm.s32 @!p0 $0x4;
	[sflag:s16] =	ssyncadd.s32 $0xFFFFF800  }
0x1a8: {  	_ =	swait.ge @!p0 [sflag:s19], $0x1000  }
0x1a9: {  	[sflag:s19] =	ssyncset.done @!p0 $0x0  }
0x1aa: {  	[sflag:s19] =	ssyncadd.s32 @!p0 $0xFFFFF000  }
0x1ab: {  	_ =	swait.ge @!p0 [sflag:s19], $0x1000  }
0x1ac: {  	s12 =	sshrl.u32 s8, $0xE;
	[sflag:s19] =	ssyncset.done @!p0 $0x0  }
0x1ad: {  	s29 =	sshll.u32 s12, $0x4;
	[sflag:s19] =	ssyncadd.s32 @!p0 $0xFFFFF000  }
0x1ae: {  	s30 =	simm.s32 $0x24F0;
	v16 =	vld [tilespmem:s29+$0xB400]  }
0x1af: {  	v17 =	vld [tilespmem:s30+$0x0]  }
0x1b0: {  	v18 =	vld [tilespmem:s30+$0xFFFFFF20]  }
0x1b1: {  	v19 =	vld [tilespmem:s30+$0xFFFFFF30]  }
0x1b2: {  	v20 =	vld [tilespmem:s30+$0xFFFFFF40]  }
0x1b3: {  	s19 =	simm.s32 $0x44C0;
	v21 =	vld [tilespmem:s30+$0xFFFFFF50]  }
0x1b4: {  	v22 =	vld [tilespmem:s30+$0xFFFFFF60];
	[tilespmem:s19+$0xA8] =	vst v17  }
0x1b5: {  	v23 =	vld [tilespmem:s30+$0xFFFFFF90];
	[tilespmem:s19+$0xFFFFFF58] =	vst v18  }
0x1b6: {  	v63 =	vld [tilespmem:s30+$0xFFFFFFB0];
	[tilespmem:s19+$0xFFFFFF70] =	vst v19  }
0x1b7: {  	v17 =	vld [tilespmem:s30+$0xFFFFFF70];
	[tilespmem:s19+$0xFFFFFF88] =	vst v20  }
0x1b8: {  	v19 =	vld [tilespmem:s30+$0xFFFFFF80];
	[tilespmem:s19+$0xFFFFFFA0] =	vst v21  }
0x1b9: {  	v21 =	vld [tilespmem:s30+$0xFFFFFFA0];
	[tilespmem:s19+$0xFFFFFFB8] =	vst v22  }
0x1ba: {  	v18 =	vld [tilespmem:s30+$0xFFFFFFC0];
	[tilespmem:s19+$0x0] =	vst v23  }
0x1bb: {  	v20 =	vld [tilespmem:s30+$0xFFFFFFD0];
	[tilespmem:s19+$0x30] =	vst v63  }
0x1bc: {  	v22 =	vld [tilespmem:s30+$0xFFFFFFE0];
	[tilespmem:s19+$0xFFFFFFD0] =	vst v17  }
0x1bd: {  	[tilespmem:s19+$0xFFFFFFE8] =	vst v19;
	v19 =	vld [tilespmem:s30+$0xFFFFFFF0]  }
0x1be: {  	s21 =	simm.s32 $0x25F0;
	s20 =	simm.s32 $0x0;
	v23 =	vld [tilespmem:s30+$0xFFFFFF10];
	[tilespmem:s19+$0x18] =	vst v21  }
.LBB2_7:
0x1bf: {  	v17 =	vld [tilespmem:s21+$0x0];
	s20 =	sadd.s32 $0x10, s20;
	[tilespmem:s19+$0x48] =	vst v18  }
0x1c0: {  	v18 =	vld [tilespmem:s21+$0xFFFFFF20];
	p0 =	slt.u32 s20, $0x1F0;
	[tilespmem:s19+$0x60] =	vst v20  }
0x1c1: {  	v20 =	vld [tilespmem:s21+$0xFFFFFF30];
	[tilespmem:s19+$0x78] =	vst v22  }
0x1c2: {  	v21 =	vld [tilespmem:s21+$0xFFFFFF40];
	[tilespmem:s19+$0x90] =	vst v19  }
0x1c3: {  	v19 =	vld [tilespmem:s21+$0xFFFFFF50];
	[tilespmem:s19+$0xFFFFFF40] =	vst v23;
	s19 =	sadd.s32 $0x180, s19  }
0x1c4: {  	v22 =	vld [tilespmem:s21+$0xFFFFFF60];
	[tilespmem:s19+$0xA8] =	vst v17  }
0x1c5: {  	[tilespmem:s19+$0xFFFFFF58] =	vst v18;
	v17 =	vld [tilespmem:s21+$0xFFFFFF70]  }
0x1c6: {  	[tilespmem:s19+$0xFFFFFF70] =	vst v20;
	v20 =	vld [tilespmem:s21+$0xFFFFFF80]  }
0x1c7: {  	[tilespmem:s19+$0xFFFFFF88] =	vst v21;
	v21 =	vld [tilespmem:s21+$0xFFFFFF90]  }
0x1c8: {  	[tilespmem:s19+$0xFFFFFFA0] =	vst v19;
	v19 =	vld [tilespmem:s21+$0xFFFFFFA0]  }
0x1c9: {  	[tilespmem:s19+$0xFFFFFFB8] =	vst v22;
	v24 =	vld [tilespmem:s21+$0xFFFFFFB0]  }
.Ltmp2:
0x1ca: {  	[tilespmem:s19+$0xFFFFFFD0] =	vst v17;
	v18 =	vld [tilespmem:s21+$0xFFFFFFC0];
	(pc) =	sbr.rel @p0 .LBB2_7-.Ltmp2, $4  }
0x1cb: {  	[tilespmem:s19+$0xFFFFFFE8] =	vst v20;
	v20 =	vld [tilespmem:s21+$0xFFFFFFD0]  }
0x1cc: {  	[tilespmem:s19+$0x0] =	vst v21;
	v22 =	vld [tilespmem:s21+$0xFFFFFFE0]  }
0x1cd: {  	[tilespmem:s19+$0x18] =	vst v19;
	v19 =	vld [tilespmem:s21+$0xFFFFFFF0]  }
0x1ce: {  	v23 =	vld [tilespmem:s21+$0xFFFFFF10];
	[tilespmem:s19+$0x30] =	vst v24;
	s21 =	sadd.s32 $0x100, s21  }
0x1cf: {  	v16 =	vmul.f32 v16, v16;
	_ =	sdelay $0x1  }
0x1d0: {  	s20 =	simm.s32 $0x20;
	v17 =	vadd.f32 $1.000000050e-03, v16  }
0x1d1: {  	s21 =	simm.s32 $0x30;
	v21 =	vmov s20  }
0x1d2: {  	s24 =	simm.s32 $0x60;
	s25 =	simm.s32 $0x40;
	v21 =	vmul.u32 $0x18, v21;
	(erf) = vrcp.f32 v17;
	v17 =	vmov s21  }
0x1d3: {  	s26 =	simm.s32 $0x50;
	v24 =	vmov s24;
	v26 =	vmov s25;
	v25 =	vmul.u32 $0x18, v17  }
0x1d4: {  	s28 =	simm.s32 $0x10;
	v27 =	vmov s26;
	v26 =	vmul.u32 $0x18, v26;
	v17 =	vbroadcast v21, $0x0  }
0x1d5: {  	v28 =	vmov s28;
	v21 =	vbroadcast v25, $0x0;
	v25 =	vmul.u32 $0x18, v27  }
0x1d6: {  	[tilespmem:s19+$0x48] =	vst v18;
	v24 =	vmul.u32 $0x18, v24;
	v18 =	vbroadcast v26, $0x0;
	v27 =	vadd.s32 v0, v17  }
0x1d7: {  	[tilespmem:s19+$0x60] =	vst v20;
	v26 =	vmul.u32 $0x18, v28;
	v28 =	vadd.s32 v0, v21;
	v20 =	vbroadcast v25, $0x0  }
0x1d8: {  	[tilespmem:s19+$0x78] =	vst v22;
	v22 =	vbroadcast v24, $0x0;
	v24 =	vor.u32 v0, v18  }
0x1d9: {  	[tilespmem:s19+$0x90] =	vst v19;
	v19 =	vbroadcast v26, $0x0;
	v25 =	vadd.s32 v0, v20  }
0x1da: {  	[tilespmem:s19+$0xFFFFFF40] =	vst v23;
	v23 =	vadd.s32 v0, v22  }
0x1db: {  	v26 =	vld.idx.msk [tilespmem:v27+s0+$0x0], $0xffff;
	v27 =	vadd.s32 v0, v19  }
0x1dc: {  	v28 =	vld.idx.msk [tilespmem:v28+s0+$0x0], $0xffff  }
0x1dd: {  	v24 =	vld.idx.msk [tilespmem:v24+s0+$0x0], $0xffff;
	v29 =	vpop (erf)  }
0x1de: {  	v16 =	vmul.f32 v29, v16;
	v29 =	vadd.s32 v1, v17;
	v25 =	vld.idx.msk [tilespmem:v25+s0+$0x0], $0xffff  }
0x1df: {  	s29 =	simm.s32 $0x0;
	v31 =	vadd.s32 v1, v21;
	v30 =	vld.idx.msk [tilespmem:v23+s0+$0x0], $0xffff  }
0x1e0: {  	v32 =	vor.u32 v1, v18;
	v23 =	vmov s29;
	v27 =	vld.idx.msk [tilespmem:v27+s0+$0x0], $0xffff;
	v26 =	vmul.f32 v26, v16  }
0x1e1: {  	s19 =	simm.s32 $0xA7F0;
	v33 =	vadd.s32 v1, v20;
	v23 =	vmul.u32 $0x18, v23;
	v28 =	vmul.f32 v28, v16  }
0x1e2: {  	v24 =	vmul.f32 v24, v16;
	[tilespmem:s19+$0xFFFFEC30] =	vst v26;
	v26 =	vadd.s32 v1, v22  }
0x1e3: {  	v23 =	vbroadcast v23, $0x0;
	v29 =	vld.idx.msk [tilespmem:v29+s0+$0x0], $0xffff;
	[tilespmem:s19+$0xFFFFEC40] =	vst v28;
	v25 =	vmul.f32 v25, v16;
	v28 =	vadd.s32 v1, v19  }
0x1e4: {  	[tilespmem:s19+$0xFFFFEC50] =	vst v24;
	v24 =	vmul.f32 v30, v16;
	v31 =	vld.idx.msk [tilespmem:v31+s0+$0x0], $0xffff  }
0x1e5: {  	v30 =	vld.idx.msk [tilespmem:v32+s0+$0x0], $0xffff;
	v27 =	vmul.f32 v27, v16;
	[tilespmem:s19+$0xFFFFEC60] =	vst v25;
	v25 =	vor.u32 v0, v23  }
0x1e6: {  	[tilespmem:s19+$0xFFFFEC70] =	vst v24;
	v24 =	vadd.s32 v2, v17;
	v50 =	vld.idx.msk [tilespmem:v33+s0+$0x0], $0xffff  }
0x1e7: {  	v26 =	vld.idx.msk [tilespmem:v26+s0+$0x0], $0xffff;
	[tilespmem:s19+$0xFFFFEC20] =	vst v27;
	v27 =	vadd.s32 v2, v21  }
0x1e8: {  	v51 =	vor.u32 v2, v18;
	v29 =	vmul.f32 v29, v16;
	v28 =	vld.idx.msk [tilespmem:v28+s0+$0x0], $0xffff  }
0x1e9: {  	v34 =	vadd.s32 v2, v20;
	v31 =	vmul.f32 v31, v16  }
0x1ea: {  	[tilespmem:s19+$0xFFFFECB0] =	vst v29;
	v29 =	vmul.f32 v30, v16;
	v30 =	vadd.s32 v2, v22;
	v25 =	vld.idx.msk [tilespmem:v25+s0+$0x0], $0xffff  }
0x1eb: {  	v52 =	vadd.s32 v2, v19;
	v24 =	vld.idx.msk [tilespmem:v24+s0+$0x0], $0xffff;
	[tilespmem:s19+$0xFFFFECC0] =	vst v31;
	v31 =	vmul.f32 v50, v16  }
0x1ec: {  	[tilespmem:s19+$0xFFFFECD0] =	vst v29;
	v26 =	vmul.f32 v26, v16;
	v27 =	vld.idx.msk [tilespmem:v27+s0+$0x0], $0xffff  }
0x1ed: {  	v29 =	vld.idx.msk [tilespmem:v51+s0+$0x0], $0xffff;
	[tilespmem:s19+$0xFFFFECE0] =	vst v31;
	v31 =	vor.u32 v1, v23;
	v28 =	vmul.f32 v28, v16  }
0x1ee: {  	s30 =	simm.s32 $0x70;
	[tilespmem:s19+$0xFFFFECF0] =	vst v26;
	v26 =	vadd.s32 v3, v17;
	v53 =	vld.idx.msk [tilespmem:v34+s0+$0x0], $0xffff  }
0x1ef: {  	v54 =	vmov s30;
	v30 =	vld.idx.msk [tilespmem:v30+s0+$0x0], $0xffff;
	v25 =	vmul.f32 v25, v16;
	[tilespmem:s19+$0xFFFFECA0] =	vst v28;
	v28 =	vadd.s32 v3, v21  }
0x1f0: {  	v36 =	vor.u32 v3, v18;
	v34 =	vmul.u32 $0x18, v54;
	v35 =	vmul.f32 v24, v16;
	v32 =	vld.idx.msk [tilespmem:v52+s0+$0x0], $0xffff  }
0x1f1: {  	[tilespmem:s19+$0xFFFFEC10] =	vst v25;
	v25 =	vmul.f32 v27, v16;
	v27 =	vadd.s32 v3, v20  }
0x1f2: {  	v55 =	vadd.s32 v3, v22;
	v24 =	vbroadcast v34, $0x0;
	[tilespmem:s19+$0xFFFFED30] =	vst v35;
	v29 =	vmul.f32 v29, v16;
	v31 =	vld.idx.msk [tilespmem:v31+s0+$0x0], $0xffff  }
0x1f3: {  	v56 =	vadd.s32 v3, v19;
	v26 =	vld.idx.msk [tilespmem:v26+s0+$0x0], $0xffff;
	[tilespmem:s19+$0xFFFFED40] =	vst v25;
	v25 =	vmul.f32 v53, v16  }
0x1f4: {  	v57 =	vadd.s32 v0, v24;
	[tilespmem:s19+$0xFFFFED50] =	vst v29;
	v29 =	vmul.f32 v30, v16;
	v28 =	vld.idx.msk [tilespmem:v28+s0+$0x0], $0xffff  }
0x1f5: {  	v30 =	vld.idx.msk [tilespmem:v36+s0+$0x0], $0xffff;
	[tilespmem:s19+$0xFFFFED60] =	vst v25;
	v25 =	vor.u32 v2, v23;
	v32 =	vmul.f32 v32, v16  }
0x1f6: {  	[tilespmem:s19+$0xFFFFED70] =	vst v29;
	v29 =	vadd.s32 v4, v17;
	v27 =	vld.idx.msk [tilespmem:v27+s0+$0x0], $0xffff  }
0x1f7: {  	v58 =	vadd.s32 v4, v21;
	v34 =	vld.idx.msk [tilespmem:v55+s0+$0x0], $0xffff;
	v31 =	vmul.f32 v31, v16;
	[tilespmem:s19+$0xFFFFED20] =	vst v32  }
0x1f8: {  	v59 =	vor.u32 v4, v18;
	v26 =	vmul.f32 v26, v16;
	v33 =	vld.idx.msk [tilespmem:v56+s0+$0x0], $0xffff  }
0x1f9: {  	v35 =	vld.idx.msk [tilespmem:v57+s0+$0x0], $0xffff;
	[tilespmem:s19+$0xFFFFEC90] =	vst v31;
	v28 =	vmul.f32 v28, v16;
	v31 =	vadd.s32 v4, v20  }
0x1fa: {  	[tilespmem:s19+$0xFFFFEDB0] =	vst v26;
	v26 =	vmul.f32 v30, v16;
	v30 =	vadd.s32 v4, v22;
	v25 =	vld.idx.msk [tilespmem:v25+s0+$0x0], $0xffff  }
0x1fb: {  	v29 =	vld.idx.msk [tilespmem:v29+s0+$0x0], $0xffff;
	[tilespmem:s19+$0xFFFFEDC0] =	vst v28;
	v27 =	vmul.f32 v27, v16;
	v28 =	vadd.s32 v4, v19  }
0x1fc: {  	v37 =	vadd.s32 v1, v24;
	[tilespmem:s19+$0xFFFFEDD0] =	vst v26;
	v26 =	vmul.f32 v34, v16;
	v32 =	vld.idx.msk [tilespmem:v58+s0+$0x0], $0xffff  }
0x1fd: {  	v60 =	vld.idx.msk [tilespmem:v59+s0+$0x0], $0xffff;
	[tilespmem:s19+$0xFFFFEDE0] =	vst v27;
	v27 =	vor.u32 v3, v23;
	v33 =	vmul.f32 v33, v16  }
0x1fe: {  	v35 =	vmul.f32 v35, v16;
	[tilespmem:s19+$0xFFFFEDF0] =	vst v26;
	v26 =	vadd.s32 v5, v17;
	v31 =	vld.idx.msk [tilespmem:v31+s0+$0x0], $0xffff  }
0x1ff: {  	v61 =	vadd.s32 v5, v21;
	v30 =	vld.idx.msk [tilespmem:v30+s0+$0x0], $0xffff;
	v25 =	vmul.f32 v25, v16;
	[tilespmem:s19+$0xFFFFEDA0] =	vst v33  }
0x200: {  	v62 =	vor.u32 v5, v18;
	[tilespmem:s19+$0xFFFFEC80] =	vst v35;
	v29 =	vmul.f32 v29, v16;
	v28 =	vld.idx.msk [tilespmem:v28+s0+$0x0], $0xffff  }
0x201: {  	v40 =	vadd.s32 v5, v20;
	v63 =	vld.idx.msk [tilespmem:v37+s0+$0x0], $0xffff;
	[tilespmem:s19+$0xFFFFED10] =	vst v25;
	v25 =	vmul.f32 v32, v16  }
0x202: {  	v41 =	vadd.s32 v5, v22;
	[tilespmem:s19+$0xFFFFEE30] =	vst v29;
	v29 =	vmul.f32 v60, v16;
	v27 =	vld.idx.msk [tilespmem:v27+s0+$0x0], $0xffff  }
0x203: {  	v26 =	vld.idx.msk [tilespmem:v26+s0+$0x0], $0xffff;
	[tilespmem:s19+$0xFFFFEE40] =	vst v25;
	v25 =	vmul.f32 v31, v16;
	v31 =	vadd.s32 v5, v19  }
0x204: {  	v42 =	vadd.s32 v2, v24;
	[tilespmem:s19+$0xFFFFEE50] =	vst v29;
	v29 =	vmul.f32 v30, v16;
	v33 =	vld.idx.msk [tilespmem:v61+s0+$0x0], $0xffff  }
0x205: {  	v30 =	vld.idx.msk [tilespmem:v62+s0+$0x0], $0xffff;
	[tilespmem:s19+$0xFFFFEE60] =	vst v25;
	v25 =	vor.u32 v4, v23;
	v28 =	vmul.f32 v28, v16  }
0x206: {  	v43 =	vmul.f32 v63, v16;
	[tilespmem:s19+$0xFFFFEE70] =	vst v29;
	v29 =	vadd.s32 v6, v17;
	v32 =	vld.idx.msk [tilespmem:v40+s0+$0x0], $0xffff  }
0x207: {  	v34 =	vld.idx.msk [tilespmem:v41+s0+$0x0], $0xffff;
	v27 =	vmul.f32 v27, v16;
	[tilespmem:s19+$0xFFFFEE20] =	vst v28;
	v28 =	vadd.s32 v6, v21  }
0x208: {  	v44 =	vor.u32 v6, v18;
	[tilespmem:s19+$0xFFFFED00] =	vst v43;
	v26 =	vmul.f32 v26, v16;
	v31 =	vld.idx.msk [tilespmem:v31+s0+$0x0], $0xffff  }
0x209: {  	v46 =	vadd.s32 v6, v20;
	v45 =	vld.idx.msk [tilespmem:v42+s0+$0x0], $0xffff;
	[tilespmem:s19+$0xFFFFED90] =	vst v27;
	v27 =	vmul.f32 v33, v16  }
0x20a: {  	[tilespmem:s19+$0xFFFFEEB0] =	vst v26;
	v26 =	vmul.f32 v30, v16;
	v30 =	vadd.s32 v6, v22;
	v25 =	vld.idx.msk [tilespmem:v25+s0+$0x0], $0xffff  }
0x20b: {  	v47 =	vadd.s32 v6, v19;
	v29 =	vld.idx.msk [tilespmem:v29+s0+$0x0], $0xffff;
	[tilespmem:s19+$0xFFFFEEC0] =	vst v27;
	v27 =	vmul.f32 v32, v16  }
0x20c: {  	v48 =	vadd.s32 v3, v24;
	[tilespmem:s19+$0xFFFFEED0] =	vst v26;
	v26 =	vmul.f32 v34, v16;
	v28 =	vld.idx.msk [tilespmem:v28+s0+$0x0], $0xffff  }
0x20d: {  	v49 =	vld.idx.msk [tilespmem:v44+s0+$0x0], $0xffff;
	[tilespmem:s19+$0xFFFFEEE0] =	vst v27;
	v27 =	vor.u32 v5, v23;
	v31 =	vmul.f32 v31, v16  }
0x20e: {  	v50 =	vmul.f32 v45, v16;
	[tilespmem:s19+$0xFFFFEEF0] =	vst v26;
	v26 =	vadd.s32 v7, v17;
	v33 =	vld.idx.msk [tilespmem:v46+s0+$0x0], $0xffff  }
0x20f: {  	v30 =	vld.idx.msk [tilespmem:v30+s0+$0x0], $0xffff;
	v25 =	vmul.f32 v25, v16;
	[tilespmem:s19+$0xFFFFEEA0] =	vst v31;
	v31 =	vadd.s32 v7, v21  }
0x210: {  	v51 =	vor.u32 v7, v18;
	[tilespmem:s19+$0xFFFFED80] =	vst v50;
	v29 =	vmul.f32 v29, v16;
	v32 =	vld.idx.msk [tilespmem:v47+s0+$0x0], $0xffff  }
0x211: {  	v52 =	vld.idx.msk [tilespmem:v48+s0+$0x0], $0xffff;
	[tilespmem:s19+$0xFFFFEE10] =	vst v25;
	v25 =	vmul.f32 v28, v16;
	v28 =	vadd.s32 v7, v20  }
0x212: {  	v53 =	vadd.s32 v7, v22;
	[tilespmem:s19+$0xFFFFEF30] =	vst v29;
	v29 =	vmul.f32 v49, v16;
	v27 =	vld.idx.msk [tilespmem:v27+s0+$0x0], $0xffff  }
0x213: {  	v54 =	vadd.s32 v7, v19;
	v26 =	vld.idx.msk [tilespmem:v26+s0+$0x0], $0xffff;
	[tilespmem:s19+$0xFFFFEF40] =	vst v25;
	v25 =	vmul.f32 v33, v16  }
0x214: {  	v55 =	vadd.s32 v4, v24;
	[tilespmem:s19+$0xFFFFEF50] =	vst v29;
	v29 =	vmul.f32 v30, v16;
	v31 =	vld.idx.msk [tilespmem:v31+s0+$0x0], $0xffff  }
0x215: {  	v30 =	vld.idx.msk [tilespmem:v51+s0+$0x0], $0xffff;
	[tilespmem:s19+$0xFFFFEF60] =	vst v25;
	v25 =	vor.u32 v6, v23;
	v32 =	vmul.f32 v32, v16  }
0x216: {  	v56 =	vmul.f32 v52, v16;
	[tilespmem:s19+$0xFFFFEF70] =	vst v29;
	v29 =	vadd.s32 v8, v17;
	v28 =	vld.idx.msk [tilespmem:v28+s0+$0x0], $0xffff  }
0x217: {  	v57 =	vadd.s32 v8, v21;
	v34 =	vld.idx.msk [tilespmem:v53+s0+$0x0], $0xffff;
	v27 =	vmul.f32 v27, v16;
	[tilespmem:s19+$0xFFFFEF20] =	vst v32  }
0x218: {  	v58 =	vor.u32 v8, v18;
	[tilespmem:s19+$0xFFFFEE00] =	vst v56;
	v26 =	vmul.f32 v26, v16;
	v33 =	vld.idx.msk [tilespmem:v54+s0+$0x0], $0xffff  }
0x219: {  	v59 =	vld.idx.msk [tilespmem:v55+s0+$0x0], $0xffff;
	[tilespmem:s19+$0xFFFFEE90] =	vst v27;
	v27 =	vmul.f32 v31, v16;
	v31 =	vadd.s32 v8, v20  }
0x21a: {  	[tilespmem:s19+$0xFFFFEFB0] =	vst v26;
	v26 =	vmul.f32 v30, v16;
	v30 =	vadd.s32 v8, v22;
	v25 =	vld.idx.msk [tilespmem:v25+s0+$0x0], $0xffff  }
0x21b: {  	v29 =	vld.idx.msk [tilespmem:v29+s0+$0x0], $0xffff;
	[tilespmem:s19+$0xFFFFEFC0] =	vst v27;
	v27 =	vmul.f32 v28, v16;
	v28 =	vadd.s32 v8, v19  }
0x21c: {  	v60 =	vadd.s32 v5, v24;
	[tilespmem:s19+$0xFFFFEFD0] =	vst v26;
	v26 =	vmul.f32 v34, v16;
	v32 =	vld.idx.msk [tilespmem:v57+s0+$0x0], $0xffff  }
0x21d: {  	v61 =	vld.idx.msk [tilespmem:v58+s0+$0x0], $0xffff;
	[tilespmem:s19+$0xFFFFEFE0] =	vst v27;
	v27 =	vor.u32 v7, v23;
	v33 =	vmul.f32 v33, v16  }
0x21e: {  	v62 =	vmul.f32 v59, v16;
	[tilespmem:s19+$0xFFFFEFF0] =	vst v26;
	v26 =	vadd.s32 v9, v17;
	v31 =	vld.idx.msk [tilespmem:v31+s0+$0x0], $0xffff  }
0x21f: {  	v63 =	vadd.s32 v9, v21;
	v30 =	vld.idx.msk [tilespmem:v30+s0+$0x0], $0xffff;
	v25 =	vmul.f32 v25, v16;
	[tilespmem:s19+$0xFFFFEFA0] =	vst v33  }
0x220: {  	v40 =	vor.u32 v9, v18;
	[tilespmem:s19+$0xFFFFEE80] =	vst v62;
	v29 =	vmul.f32 v29, v16;
	v28 =	vld.idx.msk [tilespmem:v28+s0+$0x0], $0xffff  }
0x221: {  	v42 =	vadd.s32 v9, v20;
	v41 =	vld.idx.msk [tilespmem:v60+s0+$0x0], $0xffff;
	[tilespmem:s19+$0xFFFFEF10] =	vst v25;
	v25 =	vmul.f32 v32, v16  }
0x222: {  	v43 =	vadd.s32 v9, v22;
	[tilespmem:s19+$0xFFFFFC30] =	vst v29;
	v29 =	vmul.f32 v61, v16;
	v27 =	vld.idx.msk [tilespmem:v27+s0+$0x0], $0xffff  }
0x223: {  	v26 =	vld.idx.msk [tilespmem:v26+s0+$0x0], $0xffff;
	[tilespmem:s19+$0xFFFFFC40] =	vst v25;
	v25 =	vmul.f32 v31, v16;
	v31 =	vadd.s32 v9, v19  }
0x224: {  	v44 =	vadd.s32 v6, v24;
	[tilespmem:s19+$0xFFFFFC50] =	vst v29;
	v29 =	vmul.f32 v30, v16;
	v33 =	vld.idx.msk [tilespmem:v63+s0+$0x0], $0xffff  }
0x225: {  	v30 =	vld.idx.msk [tilespmem:v40+s0+$0x0], $0xffff;
	[tilespmem:s19+$0xFFFFFC60] =	vst v25;
	v25 =	vor.u32 v8, v23;
	v28 =	vmul.f32 v28, v16  }
0x226: {  	v45 =	vmul.f32 v41, v16;
	[tilespmem:s19+$0xFFFFFC70] =	vst v29;
	v29 =	vadd.s32 v10, v17;
	v32 =	vld.idx.msk [tilespmem:v42+s0+$0x0], $0xffff  }
0x227: {  	v34 =	vld.idx.msk [tilespmem:v43+s0+$0x0], $0xffff;
	v27 =	vmul.f32 v27, v16;
	[tilespmem:s19+$0xFFFFFC20] =	vst v28;
	v28 =	vadd.s32 v10, v21  }
0x228: {  	v46 =	vor.u32 v10, v18;
	[tilespmem:s19+$0xFFFFEF00] =	vst v45;
	v26 =	vmul.f32 v26, v16;
	v31 =	vld.idx.msk [tilespmem:v31+s0+$0x0], $0xffff  }
0x229: {  	v48 =	vadd.s32 v10, v20;
	v47 =	vld.idx.msk [tilespmem:v44+s0+$0x0], $0xffff;
	[tilespmem:s19+$0xFFFFEF90] =	vst v27;
	v27 =	vmul.f32 v33, v16  }
0x22a: {  	[tilespmem:s19+$0xFFFFFCB0] =	vst v26;
	v26 =	vadd.s32 v10, v22;
	v49 =	vld.idx.msk [tilespmem:v25+s0+$0x0], $0xffff;
	v25 =	vmul.f32 v30, v16  }
0x22b: {  	v29 =	vld.idx.msk [tilespmem:v29+s0+$0x0], $0xffff;
	[tilespmem:s19+$0xFFFFFCC0] =	vst v27;
	v27 =	vmul.f32 v32, v16  }
0x22c: {  	v30 =	vadd.s32 v10, v19;
	v28 =	vld.idx.msk [tilespmem:v28+s0+$0x0], $0xffff;
	[tilespmem:s19+$0xFFFFFCD0] =	vst v25;
	v25 =	vmul.f32 v34, v16  }
0x22d: {  	v50 =	vadd.s32 v7, v24;
	v51 =	vld.idx.msk [tilespmem:v46+s0+$0x0], $0xffff;
	[tilespmem:s19+$0xFFFFFCE0] =	vst v27;
	v27 =	vmul.f32 v31, v16  }
0x22e: {  	v52 =	vadd.s32 v11, v17;
	v31 =	vmul.f32 v47, v16;
	v33 =	vld.idx.msk [tilespmem:v48+s0+$0x0], $0xffff;
	[tilespmem:s19+$0xFFFFFCF0] =	vst v25  }
0x22f: {  	v38 =	vadd.s32 v11, v20;
	v26 =	vld.idx.msk [tilespmem:v26+s0+$0x0], $0xffff;
	[tilespmem:s19+$0xFFFFFCA0] =	vst v27;
	v27 =	vadd.s32 v11, v21  }
0x230: {  	v39 =	vor.u32 v9, v23;
	v53 =	vor.u32 v11, v18;
	[tilespmem:s19+$0xFFFFEF80] =	vst v31;
	v31 =	vmul.f32 v29, v16  }
0x231: {  	v56 =	vadd.s32 v8, v24;
	v55 =	vadd.s32 v11, v19;
	v30 =	vld.idx.msk [tilespmem:v30+s0+$0x0], $0xffff;
	v28 =	vmul.f32 v28, v16  }
0x232: {  	v54 =	vadd.s32 v11, v22;
	v32 =	vld.idx.msk [tilespmem:v50+s0+$0x0], $0xffff;
	[tilespmem:s19+$0xFFFFFD30] =	vst v31;
	v31 =	vmul.f32 v51, v16  }
0x233: {  	v57 =	vadd.s32 v12, v21;
	v35 =	vld.idx.msk [tilespmem:v52+s0+$0x0], $0xffff;
	[tilespmem:s19+$0xFFFFFD40] =	vst v28;
	v28 =	vmul.f32 v33, v16  }
0x234: {  	v58 =	vor.u32 v12, v18;
	v27 =	vld.idx.msk [tilespmem:v27+s0+$0x0], $0xffff;
	[tilespmem:s19+$0xFFFFFD50] =	vst v31;
	v26 =	vmul.f32 v26, v16  }
0x235: {  	v59 =	vadd.s32 v12, v20;
	v31 =	vmul.f32 v49, v16;
	v36 =	vld.idx.msk [tilespmem:v53+s0+$0x0], $0xffff;
	[tilespmem:s19+$0xFFFFFD60] =	vst v28  }
0x236: {  	v30 =	vmul.f32 v30, v16;
	v38 =	vld.idx.msk [tilespmem:v38+s0+$0x0], $0xffff;
	[tilespmem:s19+$0xFFFFFD70] =	vst v26;
	v26 =	vadd.s32 v12, v17  }
0x237: {  	v60 =	vadd.s32 v12, v22;
	v32 =	vmul.f32 v32, v16;
	[tilespmem:s19+$0xFFFFFC10] =	vst v31;
	v31 =	vld.idx.msk [tilespmem:v54+s0+$0x0], $0xffff  }
0x238: {  	v61 =	vadd.s32 v9, v24;
	v39 =	vld.idx.msk [tilespmem:v39+s0+$0x0], $0xffff;
	[tilespmem:s19+$0xFFFFFD20] =	vst v30;
	v30 =	vmul.f32 v35, v16  }
0x239: {  	v40 =	vor.u32 v10, v23;
	[tilespmem:s19+$0xFFFFF000] =	vst v32;
	v33 =	vld.idx.msk [tilespmem:v55+s0+$0x0], $0xffff;
	v27 =	vmul.f32 v27, v16  }
0x23a: {  	v44 =	vadd.s32 v13, v17;
	v37 =	vld.idx.msk [tilespmem:v56+s0+$0x0], $0xffff;
	[tilespmem:s19+$0xFFFFFDB0] =	vst v30;
	v30 =	vmul.f32 v36, v16  }
0x23b: {  	v46 =	vadd.s32 v13, v21;
	v41 =	vld.idx.msk [tilespmem:v26+s0+$0x0], $0xffff;
	[tilespmem:s19+$0xFFFFFDC0] =	vst v27;
	v26 =	vmul.f32 v38, v16  }
0x23c: {  	v27 =	vadd.s32 v12, v19;
	v42 =	vld.idx.msk [tilespmem:v57+s0+$0x0], $0xffff;
	[tilespmem:s19+$0xFFFFFDD0] =	vst v30;
	v30 =	vmul.f32 v31, v16  }
0x23d: {  	v25 =	vor.u32 v11, v23;
	v31 =	vmul.f32 v39, v16;
	v35 =	vld.idx.msk [tilespmem:v58+s0+$0x0], $0xffff;
	[tilespmem:s19+$0xFFFFFDE0] =	vst v26  }
0x23e: {  	v29 =	vadd.s32 v14, v22;
	v33 =	vmul.f32 v33, v16;
	v43 =	vld.idx.msk [tilespmem:v59+s0+$0x0], $0xffff;
	[tilespmem:s19+$0xFFFFFDF0] =	vst v30  }
0x23f: {  	v28 =	vadd.s32 v14, v20;
	[tilespmem:s19+$0xFFFFFC90] =	vst v31;
	v31 =	vmul.f32 v37, v16;
	v45 =	vld.idx.msk [tilespmem:v60+s0+$0x0], $0xffff  }
0x240: {  	v36 =	vadd.s32 v13, v22;
	v38 =	vld.idx.msk [tilespmem:v40+s0+$0x0], $0xffff;
	[tilespmem:s19+$0xFFFFFDA0] =	vst v33;
	v62 =	vmul.f32 v41, v16  }
0x241: {  	v26 =	vor.u32 v13, v18;
	v34 =	vld.idx.msk [tilespmem:v27+s0+$0x0], $0xffff;
	[tilespmem:s19+$0xFFFFFC80] =	vst v31;
	v63 =	vmul.f32 v42, v16  }
0x242: {  	v30 =	vadd.s32 v14, v21;
	v37 =	vadd.s32 v13, v20;
	v39 =	vld.idx.msk [tilespmem:v61+s0+$0x0], $0xffff;
	[tilespmem:s19+$0xFFFFFE30] =	vst v62  }
0x243: {  	v27 =	vadd.s32 v14, v17;
	v31 =	vld.idx.msk [tilespmem:v44+s0+$0x0], $0xffff;
	[tilespmem:s19+$0xFFFFFE40] =	vst v63;
	v40 =	vmul.f32 v43, v16  }
0x244: {  	s23 =	simm.s32 $0xF0;
	s20 =	simm.s32 $0xA7F0;
	s21 =	simm.s32 $0x0;
	v32 =	vmul.f32 v35, v16;
	v35 =	vadd.s32 v13, v19;
	v33 =	vld.idx.msk [tilespmem:v46+s0+$0x0], $0xffff;
	v41 =	vmul.f32 v45, v16  }
.LBB2_9:
0x245: {  	s24 =	sadd.s32 $0xFFFFFF90, s23;
	s25 =	sadd.s32 $0xFFFFFFC0, s23;
	s26 =	sadd.s32 $0xFFFFFFF0, s23;
	v42 =	vmov s23;
	v38 =	vmul.f32 v38, v16;
	[tilespmem:s19+$0xFFFFFE60] =	vst v40;
	v40 =	vadd.s32 v10, v24  }
0x246: {  	s28 =	sadd.s32 $0xFFFFFFA0, s23;
	s21 =	sadd.s32 $0x8, s21;
	v34 =	vmul.f32 v34, v16;
	v43 =	vmov s25;
	v44 =	vmov s26;
	[tilespmem:s19+$0xFFFFFE70] =	vst v41  }
0x247: {  	v41 =	vmov s24;
	v45 =	vmov s28;
	s24 =	sadd.s32 $0xFFFFFFB0, s23;
	p0 =	slt.u32 s21, $0x18;
	v43 =	vmul.u32 $0x18, v43;
	[tilespmem:s19+$0xFFFFFD10] =	vst v38;
	v36 =	vld.idx.msk [tilespmem:v36+s0+$0x0], $0xffff  }
0x248: {  	v38 =	vmov s24;
	v44 =	vmul.u32 $0x18, v44;
	[tilespmem:s19+$0xFFFFFE20] =	vst v34;
	v34 =	vld.idx.msk [tilespmem:v37+s0+$0x0], $0xffff;
	v37 =	vmul.f32 v39, v16  }
0x249: {  	s24 =	sadd.s32 $0xFFFFFFD0, s23;
	v39 =	vmul.u32 $0x18, v45;
	v38 =	vmul.u32 $0x18, v38;
	v31 =	vmul.f32 v31, v16;
	v35 =	vld.idx.msk [tilespmem:v35+s0+$0x0], $0xffff;
	[tilespmem:s19+$0xFFFFFE50] =	vst v32  }
0x24a: {  	v32 =	vmov s24;
	s24 =	sadd.s32 $0xFFFFFFE0, s23;
	v44 =	vbroadcast v44, $0x0;
	v33 =	vmul.f32 v33, v16;
	v25 =	vld.idx.msk [tilespmem:v25+s0+$0x0], $0xffff;
	[tilespmem:s19+$0xFFFFFD00] =	vst v37  }
0x24b: {  	v37 =	vbroadcast v38, $0x0;
	v32 =	vmul.u32 $0x18, v32;
	v38 =	vmov s24;
	[tilespmem:s19+$0xFFFFFEB0] =	vst v31;
	v31 =	vld.idx.msk [tilespmem:v40+s0+$0x0], $0xffff  }
0x24c: {  	v39 =	vbroadcast v39, $0x0;
	v40 =	vbroadcast v43, $0x0;
	v38 =	vmul.u32 $0x18, v38;
	v43 =	vld.idx.msk [tilespmem:v27+s0+$0x0], $0xffff;
	[tilespmem:s19+$0xFFFFFEC0] =	vst v33  }
0x24d: {  	v33 =	vadd.s32 v0, v37;
	v32 =	vbroadcast v32, $0x0;
	v36 =	vmul.f32 v36, v16;
	v30 =	vld.idx.msk [tilespmem:v30+s0+$0x0], $0xffff  }
0x24e: {  	v45 =	vadd.s32 v0, v40;
	v38 =	vbroadcast v38, $0x0;
	v27 =	vld.idx.msk [tilespmem:v26+s0+$0x0], $0xffff;
	v26 =	vmul.f32 v34, v16  }
0x24f: {  	v34 =	vmul.u32 $0x18, v41;
	v41 =	vor.u32 v0, v32;
	v35 =	vmul.f32 v35, v16;
	[tilespmem:s19+$0xFFFFFEF0] =	vst v36  }
0x250: {  	v42 =	vmul.u32 $0x18, v42;
	v36 =	vadd.s32 v0, v38;
	v25 =	vmul.f32 v25, v16;
	[tilespmem:s19+$0xFFFFFEE0] =	vst v26;
	v46 =	vld.idx.msk [tilespmem:v29+s0+$0x0], $0xffff  }
0x251: {  	v47 =	vadd.s32 v0, v44;
	v26 =	vmul.f32 v31, v16;
	[tilespmem:s19+$0xFFFFFEA0] =	vst v35;
	v35 =	vld.idx.msk [tilespmem:v28+s0+$0x0], $0xffff  }
0x252: {  	v29 =	vbroadcast v42, $0x0;
	v31 =	vld.idx.msk [tilespmem:v33+s0+$0x0], $0xffff;
	[tilespmem:s19+$0xFFFFFD90] =	vst v25;
	v25 =	vmul.f32 v43, v16;
	v33 =	vadd.s32 v15, v21  }
0x253: {  	v42 =	vadd.s32 v0, v39;
	v28 =	vmul.f32 v30, v16;
	v21 =	vmov v40;
	v43 =	vld.idx.msk [tilespmem:v45+s0+$0x0], $0xffff;
	[tilespmem:s19+$0xFFFFFD80] =	vst v26  }
0x254: {  	v30 =	vld.idx.msk [tilespmem:v41+s0+$0x0], $0xffff;
	[tilespmem:s19+$0xFFFFFF30] =	vst v25;
	v25 =	vadd.s32 v15, v22;
	v22 =	vmov v44  }
0x255: {  	v40 =	vadd.s32 v15, v20;
	v20 =	vmov v38;
	v26 =	vor.u32 v15, v18;
	v36 =	vld.idx.msk [tilespmem:v36+s0+$0x0], $0xffff;
	[tilespmem:s19+$0xFFFFFF40] =	vst v28  }
0x256: {  	v38 =	vadd.s32 v1, v37;
	v28 =	vor.u32 v14, v18;
	s19 =	sadd.s32 $0x400, s19;
	v41 =	vld.idx.msk [tilespmem:v47+s0+$0x0], $0xffff;
	v47 =	vmul.f32 v46, v16  }
0x257: {  	v45 =	vadd.s32 v15, v19;
	v44 =	vadd.s32 v1, v21;
	v35 =	vmul.f32 v35, v16;
	v33 =	vld.idx.msk [tilespmem:v33+s0+$0x0], $0xffff  }
0x258: {  	v18 =	vmov v32;
	v46 =	vor.u32 v1, v32;
	v31 =	vmul.f32 v31, v16;
	v42 =	vld.idx.msk [tilespmem:v42+s0+$0x0], $0xffff;
	[tilespmem:s20+$0xFFFFFF70] =	vst v47  }
0x259: {  	v32 =	vmul.f32 v43, v16;
	v43 =	vadd.s32 v1, v20;
	[tilespmem:s20+$0xFFFFFF60] =	vst v35;
	v25 =	vld.idx.msk [tilespmem:v25+s0+$0x0], $0xffff  }
0x25a: {  	v35 =	vadd.s32 v1, v22;
	[tilespmem:s19+$0xFFFFEC30] =	vst v31;
	v31 =	vmul.f32 v30, v16;
	v40 =	vld.idx.msk [tilespmem:v40+s0+$0x0], $0xffff  }
0x25b: {  	v38 =	vld.idx.msk [tilespmem:v38+s0+$0x0], $0xffff;
	[tilespmem:s19+$0xFFFFEC40] =	vst v32;
	v32 =	vmul.f32 v36, v16;
	v36 =	vadd.s32 v14, v19;
	v19 =	vmov v39  }
0x25c: {  	v30 =	vbroadcast v34, $0x0;
	v34 =	vadd.s32 v1, v19;
	v39 =	vld.idx.msk [tilespmem:v44+s0+$0x0], $0xffff;
	[tilespmem:s19+$0xFFFFEC50] =	vst v31;
	v31 =	vmul.f32 v41, v16  }
0x25d: {  	v33 =	vmul.f32 v33, v16;
	v41 =	vld.idx.msk [tilespmem:v46+s0+$0x0], $0xffff;
	[tilespmem:s19+$0xFFFFEC60] =	vst v32;
	v32 =	vadd.s32 v15, v17;
	v17 =	vmov v37  }
0x25e: {  	v37 =	vor.u32 v0, v30;
	v42 =	vmul.f32 v42, v16;
	v43 =	vld.idx.msk [tilespmem:v43+s0+$0x0], $0xffff;
	[tilespmem:s19+$0xFFFFEC70] =	vst v31  }
0x25f: {  	v31 =	vadd.s32 v2, v17;
	v25 =	vmul.f32 v25, v16;
	v35 =	vld.idx.msk [tilespmem:v35+s0+$0x0], $0xffff;
	[tilespmem:s20+$0xFFFFFFC0] =	vst v33  }
0x260: {  	v33 =	vadd.s32 v2, v21;
	v40 =	vmul.f32 v40, v16;
	[tilespmem:s19+$0xFFFFEC20] =	vst v42;
	v36 =	vld.idx.msk [tilespmem:v36+s0+$0x0], $0xffff  }
0x261: {  	v38 =	vmul.f32 v38, v16;
	v42 =	vor.u32 v2, v18;
	v34 =	vld.idx.msk [tilespmem:v34+s0+$0x0], $0xffff;
	[tilespmem:s20+$0xFFFFFFF0] =	vst v25  }
0x262: {  	v44 =	vadd.s32 v2, v20;
	v39 =	vmul.f32 v39, v16;
	v32 =	vld.idx.msk [tilespmem:v32+s0+$0x0], $0xffff;
	[tilespmem:s20+$0xFFFFFFE0] =	vst v40  }
0x263: {  	v40 =	vadd.s32 v2, v22;
	v37 =	vld.idx.msk [tilespmem:v37+s0+$0x0], $0xffff;
	[tilespmem:s19+$0xFFFFECB0] =	vst v38;
	v38 =	vmul.f32 v41, v16  }
0x264: {  	v25 =	vor.u32 v11, v30;
	v31 =	vld.idx.msk [tilespmem:v31+s0+$0x0], $0xffff;
	[tilespmem:s19+$0xFFFFECC0] =	vst v39;
	v39 =	vmul.f32 v43, v16  }
0x265: {  	v41 =	vadd.s32 v2, v19;
	v35 =	vmul.f32 v35, v16;
	v33 =	vld.idx.msk [tilespmem:v33+s0+$0x0], $0xffff;
	[tilespmem:s19+$0xFFFFECD0] =	vst v38  }
0x266: {  	v36 =	vmul.f32 v36, v16;
	v38 =	vld.idx.msk [tilespmem:v42+s0+$0x0], $0xffff;
	[tilespmem:s19+$0xFFFFECE0] =	vst v39;
	v39 =	vor.u32 v12, v23  }
0x267: {  	v42 =	vor.u32 v1, v30;
	v34 =	vmul.f32 v34, v16;
	v43 =	vld.idx.msk [tilespmem:v44+s0+$0x0], $0xffff;
	[tilespmem:s19+$0xFFFFECF0] =	vst v35  }
0x268: {  	v35 =	vadd.s32 v3, v17;
	v32 =	vmul.f32 v32, v16;
	v40 =	vld.idx.msk [tilespmem:v40+s0+$0x0], $0xffff;
	[tilespmem:s20+$0xFFFFFF20] =	vst v36  }
0x269: {  	v36 =	vmul.f32 v37, v16;
	[tilespmem:s19+$0xFFFFECA0] =	vst v34;
	v34 =	vadd.s32 v3, v21;
	v37 =	vld.idx.msk [tilespmem:v45+s0+$0x0], $0xffff  }
0x26a: {  	v44 =	vor.u32 v3, v18;
	v31 =	vmul.f32 v31, v16;
	v41 =	vld.idx.msk [tilespmem:v41+s0+$0x0], $0xffff;
	[tilespmem:s20+$0xFFFFFFB0] =	vst v32  }
0x26b: {  	v32 =	vmul.f32 v33, v16;
	v33 =	vadd.s32 v3, v20;
	[tilespmem:s19+$0xFFFFEC10] =	vst v36;
	v36 =	vld.idx.msk [tilespmem:v39+s0+$0x0], $0xffff  }
0x26c: {  	v39 =	vld.idx.msk [tilespmem:v42+s0+$0x0], $0xffff;
	[tilespmem:s19+$0xFFFFED30] =	vst v31;
	v31 =	vmul.f32 v38, v16;
	v38 =	vadd.s32 v3, v22  }
0x26d: {  	v42 =	vadd.s32 v0, v29;
	v35 =	vld.idx.msk [tilespmem:v35+s0+$0x0], $0xffff;
	[tilespmem:s19+$0xFFFFED40] =	vst v32;
	v32 =	vmul.f32 v43, v16  }
0x26e: {  	v43 =	vadd.s32 v3, v19;
	v34 =	vld.idx.msk [tilespmem:v34+s0+$0x0], $0xffff;
	[tilespmem:s19+$0xFFFFED50] =	vst v31;
	v31 =	vmul.f32 v40, v16  }
0x26f: {  	v37 =	vmul.f32 v37, v16;
	v40 =	vld.idx.msk [tilespmem:v44+s0+$0x0], $0xffff;
	[tilespmem:s19+$0xFFFFED60] =	vst v32;
	v32 =	vor.u32 v13, v23  }
0x270: {  	v44 =	vor.u32 v2, v30;
	v41 =	vmul.f32 v41, v16;
	v33 =	vld.idx.msk [tilespmem:v33+s0+$0x0], $0xffff;
	[tilespmem:s19+$0xFFFFED70] =	vst v31  }
0x271: {  	v31 =	vadd.s32 v4, v17;
	v36 =	vmul.f32 v36, v16;
	v38 =	vld.idx.msk [tilespmem:v38+s0+$0x0], $0xffff;
	[tilespmem:s20+$0xFFFFFFA0] =	vst v37  }
0x272: {  	v37 =	vmul.f32 v39, v16;
	v39 =	vadd.s32 v4, v21;
	[tilespmem:s19+$0xFFFFED20] =	vst v41;
	v41 =	vld.idx.msk [tilespmem:v42+s0+$0x0], $0xffff  }
0x273: {  	v35 =	vmul.f32 v35, v16;
	v42 =	vld.idx.msk [tilespmem:v43+s0+$0x0], $0xffff;
	v43 =	vor.u32 v4, v18;
	[tilespmem:s20+$0xFFFFFE10] =	vst v36  }
0x274: {  	v34 =	vmul.f32 v34, v16;
	v36 =	vadd.s32 v4, v20;
	[tilespmem:s19+$0xFFFFEC90] =	vst v37;
	v32 =	vld.idx.msk [tilespmem:v32+s0+$0x0], $0xffff  }
0x275: {  	v37 =	vld.idx.msk [tilespmem:v44+s0+$0x0], $0xffff;
	[tilespmem:s19+$0xFFFFEDB0] =	vst v35;
	v35 =	vmul.f32 v40, v16;
	v40 =	vadd.s32 v4, v22  }
0x276: {  	v33 =	vmul.f32 v33, v16;
	v31 =	vld.idx.msk [tilespmem:v31+s0+$0x0], $0xffff;
	[tilespmem:s19+$0xFFFFEDC0] =	vst v34;
	v34 =	vadd.s32 v1, v29  }
0x277: {  	v44 =	vadd.s32 v4, v19;
	v39 =	vld.idx.msk [tilespmem:v39+s0+$0x0], $0xffff;
	[tilespmem:s19+$0xFFFFEDD0] =	vst v35;
	v35 =	vmul.f32 v38, v16  }
0x278: {  	v38 =	vld.idx.msk [tilespmem:v43+s0+$0x0], $0xffff;
	[tilespmem:s19+$0xFFFFEDE0] =	vst v33;
	v33 =	vmul.f32 v41, v16;
	v41 =	vor.u32 v14, v23  }
0x279: {  	v43 =	vor.u32 v3, v30;
	v42 =	vmul.f32 v42, v16;
	v36 =	vld.idx.msk [tilespmem:v36+s0+$0x0], $0xffff;
	[tilespmem:s19+$0xFFFFEDF0] =	vst v35  }
0x27a: {  	v35 =	vadd.s32 v5, v17;
	v32 =	vmul.f32 v32, v16;
	v40 =	vld.idx.msk [tilespmem:v40+s0+$0x0], $0xffff;
	[tilespmem:s19+$0xFFFFEC80] =	vst v33  }
0x27b: {  	v33 =	vmul.f32 v37, v16;
	v37 =	vadd.s32 v5, v21;
	[tilespmem:s19+$0xFFFFEDA0] =	vst v42;
	v34 =	vld.idx.msk [tilespmem:v34+s0+$0x0], $0xffff  }
0x27c: {  	v31 =	vmul.f32 v31, v16;
	v42 =	vld.idx.msk [tilespmem:v44+s0+$0x0], $0xffff;
	v44 =	vor.u32 v5, v18;
	[tilespmem:s20+$0xFFFFFE90] =	vst v32  }
0x27d: {  	v32 =	vmul.f32 v39, v16;
	[tilespmem:s19+$0xFFFFED10] =	vst v33;
	v33 =	vadd.s32 v5, v20;
	v39 =	vld.idx.msk [tilespmem:v41+s0+$0x0], $0xffff  }
0x27e: {  	v41 =	vld.idx.msk [tilespmem:v43+s0+$0x0], $0xffff;
	[tilespmem:s19+$0xFFFFEE30] =	vst v31;
	v31 =	vmul.f32 v38, v16;
	v38 =	vadd.s32 v5, v22  }
0x27f: {  	v35 =	vld.idx.msk [tilespmem:v35+s0+$0x0], $0xffff;
	[tilespmem:s19+$0xFFFFEE40] =	vst v32;
	v32 =	vmul.f32 v36, v16;
	v36 =	vadd.s32 v2, v29  }
0x280: {  	v43 =	vadd.s32 v5, v19;
	v37 =	vld.idx.msk [tilespmem:v37+s0+$0x0], $0xffff;
	[tilespmem:s19+$0xFFFFEE50] =	vst v31;
	v31 =	vmul.f32 v40, v16  }
0x281: {  	v40 =	vld.idx.msk [tilespmem:v44+s0+$0x0], $0xffff;
	[tilespmem:s19+$0xFFFFEE60] =	vst v32;
	v32 =	vmul.f32 v34, v16;
	v34 =	vor.u32 v15, v23;
	v23 =	vmov v30  }
0x282: {  	v42 =	vmul.f32 v42, v16;
	v30 =	vor.u32 v4, v23;
	v33 =	vld.idx.msk [tilespmem:v33+s0+$0x0], $0xffff;
	[tilespmem:s19+$0xFFFFEE70] =	vst v31  }
0x283: {  	v31 =	vadd.s32 v6, v17;
	v38 =	vld.idx.msk [tilespmem:v38+s0+$0x0], $0xffff;
	[tilespmem:s19+$0xFFFFED00] =	vst v32;
	v32 =	vmul.f32 v39, v16  }
0x284: {  	v39 =	vmul.f32 v41, v16;
	v41 =	vadd.s32 v6, v21;
	[tilespmem:s19+$0xFFFFEE20] =	vst v42;
	v36 =	vld.idx.msk [tilespmem:v36+s0+$0x0], $0xffff  }
0x285: {  	v35 =	vmul.f32 v35, v16;
	v42 =	vld.idx.msk [tilespmem:v43+s0+$0x0], $0xffff;
	v43 =	vor.u32 v6, v18;
	[tilespmem:s20+$0xFFFFFF10] =	vst v32  }
0x286: {  	v32 =	vmul.f32 v37, v16;
	v37 =	vadd.s32 v6, v20;
	[tilespmem:s19+$0xFFFFED90] =	vst v39;
	v34 =	vld.idx.msk [tilespmem:v34+s0+$0x0], $0xffff  }
0x287: {  	v39 =	vadd.s32 v6, v22;
	v30 =	vld.idx.msk [tilespmem:v30+s0+$0x0], $0xffff;
	[tilespmem:s19+$0xFFFFEEB0] =	vst v35;
	v35 =	vmul.f32 v40, v16  }
0x288: {  	v31 =	vld.idx.msk [tilespmem:v31+s0+$0x0], $0xffff;
	[tilespmem:s19+$0xFFFFEEC0] =	vst v32;
	v32 =	vmul.f32 v33, v16;
	v33 =	vadd.s32 v3, v29  }
0x289: {  	v40 =	vadd.s32 v6, v19;
	v41 =	vld.idx.msk [tilespmem:v41+s0+$0x0], $0xffff;
	[tilespmem:s19+$0xFFFFEED0] =	vst v35;
	v35 =	vmul.f32 v38, v16  }
0x28a: {  	v38 =	vld.idx.msk [tilespmem:v43+s0+$0x0], $0xffff;
	[tilespmem:s19+$0xFFFFEEE0] =	vst v32;
	v32 =	vmul.f32 v36, v16;
	v36 =	vadd.s32 v11, v24  }
0x28b: {  	v43 =	vor.u32 v5, v23;
	v42 =	vmul.f32 v42, v16;
	v37 =	vld.idx.msk [tilespmem:v37+s0+$0x0], $0xffff;
	[tilespmem:s19+$0xFFFFEEF0] =	vst v35  }
0x28c: {  	v35 =	vadd.s32 v7, v17;
	v39 =	vld.idx.msk [tilespmem:v39+s0+$0x0], $0xffff;
	[tilespmem:s19+$0xFFFFED80] =	vst v32;
	v32 =	vmul.f32 v34, v16  }
0x28d: {  	v30 =	vmul.f32 v30, v16;
	v34 =	vadd.s32 v7, v21;
	[tilespmem:s19+$0xFFFFEEA0] =	vst v42;
	v33 =	vld.idx.msk [tilespmem:v33+s0+$0x0], $0xffff  }
0x28e: {  	v31 =	vmul.f32 v31, v16;
	v42 =	vor.u32 v7, v18;
	v40 =	vld.idx.msk [tilespmem:v40+s0+$0x0], $0xffff;
	[tilespmem:s20+$0xFFFFFF90] =	vst v32  }
0x28f: {  	v32 =	vadd.s32 v7, v20;
	[tilespmem:s19+$0xFFFFEE10] =	vst v30;
	v30 =	vmul.f32 v41, v16;
	v36 =	vld.idx.msk [tilespmem:v36+s0+$0x0], $0xffff  }
0x290: {  	v41 =	vld.idx.msk [tilespmem:v43+s0+$0x0], $0xffff;
	[tilespmem:s19+$0xFFFFEF30] =	vst v31;
	v31 =	vmul.f32 v38, v16;
	v38 =	vadd.s32 v7, v22  }
0x291: {  	v35 =	vld.idx.msk [tilespmem:v35+s0+$0x0], $0xffff;
	[tilespmem:s19+$0xFFFFEF40] =	vst v30;
	v30 =	vmul.f32 v37, v16;
	v37 =	vadd.s32 v4, v29  }
0x292: {  	v43 =	vadd.s32 v7, v19;
	v34 =	vld.idx.msk [tilespmem:v34+s0+$0x0], $0xffff;
	[tilespmem:s19+$0xFFFFEF50] =	vst v31;
	v31 =	vmul.f32 v39, v16  }
0x293: {  	v39 =	vld.idx.msk [tilespmem:v42+s0+$0x0], $0xffff;
	[tilespmem:s19+$0xFFFFEF60] =	vst v30;
	v30 =	vmul.f32 v33, v16;
	v33 =	vadd.s32 v12, v24  }
0x294: {  	v42 =	vor.u32 v6, v23;
	v40 =	vmul.f32 v40, v16;
	v32 =	vld.idx.msk [tilespmem:v32+s0+$0x0], $0xffff;
	[tilespmem:s19+$0xFFFFEF70] =	vst v31  }
0x295: {  	v31 =	vadd.s32 v8, v17;
	v38 =	vld.idx.msk [tilespmem:v38+s0+$0x0], $0xffff;
	[tilespmem:s19+$0xFFFFEE00] =	vst v30;
	v30 =	vmul.f32 v36, v16  }
0x296: {  	v36 =	vmul.f32 v41, v16;
	[tilespmem:s19+$0xFFFFEF20] =	vst v40;
	v40 =	vadd.s32 v8, v21;
	v37 =	vld.idx.msk [tilespmem:v37+s0+$0x0], $0xffff  }
0x297: {  	v35 =	vmul.f32 v35, v16;
	v41 =	vld.idx.msk [tilespmem:v43+s0+$0x0], $0xffff;
	v43 =	vor.u32 v8, v18;
	[tilespmem:s20+$0xFFFFFE00] =	vst v30  }
0x298: {  	v30 =	vmul.f32 v34, v16;
	v34 =	vadd.s32 v8, v20;
	[tilespmem:s19+$0xFFFFEE90] =	vst v36;
	v33 =	vld.idx.msk [tilespmem:v33+s0+$0x0], $0xffff  }
0x299: {  	v36 =	vld.idx.msk [tilespmem:v42+s0+$0x0], $0xffff;
	[tilespmem:s19+$0xFFFFEFB0] =	vst v35;
	v35 =	vmul.f32 v39, v16;
	v39 =	vadd.s32 v8, v22  }
0x29a: {  	v31 =	vld.idx.msk [tilespmem:v31+s0+$0x0], $0xffff;
	[tilespmem:s19+$0xFFFFEFC0] =	vst v30;
	v30 =	vmul.f32 v32, v16;
	v32 =	vadd.s32 v5, v29  }
0x29b: {  	v42 =	vadd.s32 v8, v19;
	v40 =	vld.idx.msk [tilespmem:v40+s0+$0x0], $0xffff;
	[tilespmem:s19+$0xFFFFEFD0] =	vst v35;
	v35 =	vmul.f32 v38, v16  }
0x29c: {  	v38 =	vld.idx.msk [tilespmem:v43+s0+$0x0], $0xffff;
	[tilespmem:s19+$0xFFFFEFE0] =	vst v30;
	v30 =	vmul.f32 v37, v16;
	v37 =	vadd.s32 v13, v24  }
0x29d: {  	v43 =	vor.u32 v7, v23;
	v41 =	vmul.f32 v41, v16;
	v34 =	vld.idx.msk [tilespmem:v34+s0+$0x0], $0xffff;
	[tilespmem:s19+$0xFFFFEFF0] =	vst v35  }
0x29e: {  	v35 =	vadd.s32 v9, v17;
	v39 =	vld.idx.msk [tilespmem:v39+s0+$0x0], $0xffff;
	[tilespmem:s19+$0xFFFFEE80] =	vst v30;
	v30 =	vmul.f32 v33, v16  }
0x29f: {  	v33 =	vmul.f32 v36, v16;
	v36 =	vadd.s32 v9, v21;
	[tilespmem:s19+$0xFFFFEFA0] =	vst v41;
	v32 =	vld.idx.msk [tilespmem:v32+s0+$0x0], $0xffff  }
0x2a0: {  	v31 =	vmul.f32 v31, v16;
	v41 =	vld.idx.msk [tilespmem:v42+s0+$0x0], $0xffff;
	v42 =	vor.u32 v9, v18;
	[tilespmem:s20+$0xFFFFFE80] =	vst v30  }
0x2a1: {  	v30 =	vmul.f32 v40, v16;
	[tilespmem:s19+$0xFFFFEF10] =	vst v33;
	v33 =	vadd.s32 v9, v20;
	v37 =	vld.idx.msk [tilespmem:v37+s0+$0x0], $0xffff  }
0x2a2: {  	v40 =	vld.idx.msk [tilespmem:v43+s0+$0x0], $0xffff;
	[tilespmem:s19+$0xFFFFFC30] =	vst v31;
	v31 =	vmul.f32 v38, v16;
	v38 =	vadd.s32 v9, v22  }
0x2a3: {  	v35 =	vld.idx.msk [tilespmem:v35+s0+$0x0], $0xffff;
	[tilespmem:s19+$0xFFFFFC40] =	vst v30;
	v30 =	vmul.f32 v34, v16;
	v34 =	vadd.s32 v6, v29  }
0x2a4: {  	v43 =	vadd.s32 v9, v19;
	v36 =	vld.idx.msk [tilespmem:v36+s0+$0x0], $0xffff;
	[tilespmem:s19+$0xFFFFFC50] =	vst v31;
	v31 =	vmul.f32 v39, v16  }
0x2a5: {  	v39 =	vld.idx.msk [tilespmem:v42+s0+$0x0], $0xffff;
	[tilespmem:s19+$0xFFFFFC60] =	vst v30;
	v30 =	vmul.f32 v32, v16;
	v32 =	vadd.s32 v14, v24  }
0x2a6: {  	v42 =	vor.u32 v8, v23;
	v41 =	vmul.f32 v41, v16;
	v33 =	vld.idx.msk [tilespmem:v33+s0+$0x0], $0xffff;
	[tilespmem:s19+$0xFFFFFC70] =	vst v31  }
0x2a7: {  	v31 =	vadd.s32 v10, v17;
	v38 =	vld.idx.msk [tilespmem:v38+s0+$0x0], $0xffff;
	[tilespmem:s19+$0xFFFFEF00] =	vst v30;
	v30 =	vmul.f32 v37, v16  }
0x2a8: {  	v37 =	vmul.f32 v40, v16;
	v40 =	vadd.s32 v10, v21;
	[tilespmem:s19+$0xFFFFFC20] =	vst v41;
	v34 =	vld.idx.msk [tilespmem:v34+s0+$0x0], $0xffff  }
0x2a9: {  	v35 =	vmul.f32 v35, v16;
	v41 =	vld.idx.msk [tilespmem:v43+s0+$0x0], $0xffff;
	v43 =	vor.u32 v10, v18;
	[tilespmem:s20+$0xFFFFFF00] =	vst v30  }
0x2aa: {  	v30 =	vmul.f32 v36, v16;
	v36 =	vadd.s32 v10, v20;
	[tilespmem:s19+$0xFFFFEF90] =	vst v37;
	v32 =	vld.idx.msk [tilespmem:v32+s0+$0x0], $0xffff  }
0x2ab: {  	v37 =	vld.idx.msk [tilespmem:v42+s0+$0x0], $0xffff;
	[tilespmem:s19+$0xFFFFFCB0] =	vst v35;
	v35 =	vmul.f32 v39, v16;
	v39 =	vadd.s32 v10, v22  }
0x2ac: {  	v31 =	vld.idx.msk [tilespmem:v31+s0+$0x0], $0xffff;
	[tilespmem:s19+$0xFFFFFCC0] =	vst v30;
	v30 =	vmul.f32 v33, v16;
	v33 =	vadd.s32 v7, v29  }
0x2ad: {  	v42 =	vadd.s32 v10, v19;
	v40 =	vld.idx.msk [tilespmem:v40+s0+$0x0], $0xffff;
	[tilespmem:s19+$0xFFFFFCD0] =	vst v35;
	v35 =	vmul.f32 v38, v16  }
0x2ae: {  	v38 =	vld.idx.msk [tilespmem:v43+s0+$0x0], $0xffff;
	[tilespmem:s19+$0xFFFFFCE0] =	vst v30;
	v30 =	vmul.f32 v34, v16;
	v34 =	vadd.s32 v15, v24;
	v24 =	vmov v29  }
0x2af: {  	v41 =	vmul.f32 v41, v16;
	v29 =	vadd.s32 v14, v22;
	v36 =	vld.idx.msk [tilespmem:v36+s0+$0x0], $0xffff;
	[tilespmem:s19+$0xFFFFFCF0] =	vst v35  }
0x2b0: {  	v35 =	vadd.s32 v11, v17;
	v39 =	vld.idx.msk [tilespmem:v39+s0+$0x0], $0xffff;
	[tilespmem:s19+$0xFFFFEF80] =	vst v30;
	v30 =	vmul.f32 v32, v16  }
0x2b1: {  	v27 =	vmul.f32 v27, v16;
	v32 =	vadd.s32 v11, v21;
	[tilespmem:s19+$0xFFFFFCA0] =	vst v41;
	v33 =	vld.idx.msk [tilespmem:v33+s0+$0x0], $0xffff  }
0x2b2: {  	v31 =	vmul.f32 v31, v16;
	v41 =	vld.idx.msk [tilespmem:v42+s0+$0x0], $0xffff;
	v42 =	vor.u32 v11, v18;
	[tilespmem:s20+$0xFFFFFF80] =	vst v30  }
0x2b3: {  	v30 =	vmul.f32 v40, v16;
	v40 =	vadd.s32 v11, v20;
	[tilespmem:s20+$0xFFFFFED0] =	vst v27;
	v43 =	vld.idx.msk [tilespmem:v34+s0+$0x0], $0xffff  }
0x2b4: {  	v27 =	vmul.f32 v38, v16;
	[tilespmem:s19+$0xFFFFFD30] =	vst v31;
	v31 =	vadd.s32 v11, v22;
	v34 =	vld.idx.msk [tilespmem:v28+s0+$0x0], $0xffff  }
0x2b5: {  	v38 =	vor.u32 v9, v23;
	v28 =	vmul.f32 v36, v16;
	v35 =	vld.idx.msk [tilespmem:v35+s0+$0x0], $0xffff;
	[tilespmem:s19+$0xFFFFFD40] =	vst v30  }
0x2b6: {  	v30 =	vadd.s32 v11, v19;
	v32 =	vld.idx.msk [tilespmem:v32+s0+$0x0], $0xffff;
	[tilespmem:s19+$0xFFFFFD50] =	vst v27;
	v27 =	vmul.f32 v39, v16  }
0x2b7: {  	v36 =	vmul.f32 v37, v16;
	v39 =	vadd.s32 v8, v24;
	v37 =	vld.idx.msk [tilespmem:v42+s0+$0x0], $0xffff;
	[tilespmem:s19+$0xFFFFFD60] =	vst v28  }
0x2b8: {  	v41 =	vmul.f32 v41, v16;
	v28 =	vadd.s32 v14, v20;
	v40 =	vld.idx.msk [tilespmem:v40+s0+$0x0], $0xffff;
	[tilespmem:s19+$0xFFFFFD70] =	vst v27  }
0x2b9: {  	v33 =	vmul.f32 v33, v16;
	v27 =	vadd.s32 v12, v17;
	[tilespmem:s19+$0xFFFFFC10] =	vst v36;
	v31 =	vld.idx.msk [tilespmem:v31+s0+$0x0], $0xffff  }
0x2ba: {  	v34 =	vmul.f32 v34, v16;
	v36 =	vld.idx.msk [tilespmem:v38+s0+$0x0], $0xffff;
	[tilespmem:s19+$0xFFFFFD20] =	vst v41;
	v38 =	vadd.s32 v12, v21  }
0x2bb: {  	v35 =	vmul.f32 v35, v16;
	v41 =	vor.u32 v12, v18;
	v30 =	vld.idx.msk [tilespmem:v30+s0+$0x0], $0xffff;
	[tilespmem:s19+$0xFFFFF000] =	vst v33  }
0x2bc: {  	v32 =	vmul.f32 v32, v16;
	v33 =	vadd.s32 v12, v20;
	v39 =	vld.idx.msk [tilespmem:v39+s0+$0x0], $0xffff;
	[tilespmem:s20+$0xFFFFFF50] =	vst v34  }
0x2bd: {  	v34 =	vmul.f32 v37, v16;
	[tilespmem:s19+$0xFFFFFDB0] =	vst v35;
	v35 =	vadd.s32 v12, v22;
	v37 =	vld.idx.msk [tilespmem:v26+s0+$0x0], $0xffff  }
0x2be: {  	v42 =	vor.u32 v10, v23;
	v26 =	vmul.f32 v40, v16;
	v27 =	vld.idx.msk [tilespmem:v27+s0+$0x0], $0xffff;
	[tilespmem:s19+$0xFFFFFDC0] =	vst v32  }
0x2bf: {  	v32 =	vadd.s32 v12, v19;
	v31 =	vmul.f32 v31, v16;
	v40 =	vld.idx.msk [tilespmem:v38+s0+$0x0], $0xffff;
	[tilespmem:s19+$0xFFFFFDD0] =	vst v34  }
0x2c0: {  	v34 =	vmul.f32 v36, v16;
	v36 =	vld.idx.msk [tilespmem:v41+s0+$0x0], $0xffff;
	[tilespmem:s19+$0xFFFFFDE0] =	vst v26;
	v41 =	vadd.s32 v9, v24  }
0x2c1: {  	v30 =	vmul.f32 v30, v16;
	v26 =	vor.u32 v13, v18;
	v33 =	vld.idx.msk [tilespmem:v33+s0+$0x0], $0xffff;
	[tilespmem:s19+$0xFFFFFDF0] =	vst v31  }
0x2c2: {  	v31 =	vadd.s32 v13, v17;
	[tilespmem:s19+$0xFFFFFC90] =	vst v34;
	v44 =	vld.idx.msk [tilespmem:v35+s0+$0x0], $0xffff;
	v35 =	vmul.f32 v39, v16  }
0x2c3: {  	v37 =	vmul.f32 v37, v16;
	v38 =	vld.idx.msk [tilespmem:v42+s0+$0x0], $0xffff;
	[tilespmem:s19+$0xFFFFFDA0] =	vst v30;
	v42 =	vadd.s32 v13, v21  }
.Ltmp3:
0x2c4: {  	v30 =	vadd.s32 v14, v21;
	v34 =	vld.idx.msk [tilespmem:v32+s0+$0x0], $0xffff;
	v32 =	vmul.f32 v27, v16;
	[tilespmem:s19+$0xFFFFFC80] =	vst v35;
	(pc) =	sbr.rel @p0 .LBB2_9-.Ltmp3, $4  }
0x2c5: {  	v27 =	vadd.s32 v14, v17;
	v35 =	vmul.f32 v40, v16;
	v39 =	vld.idx.msk [tilespmem:v41+s0+$0x0], $0xffff;
	[tilespmem:s20+$0xFFFFFFD0] =	vst v37  }
0x2c6: {  	v43 =	vmul.f32 v43, v16;
	[tilespmem:s19+$0xFFFFFE30] =	vst v32;
	v32 =	vmul.f32 v36, v16;
	v36 =	vadd.s32 v13, v22  }
0x2c7: {  	v37 =	vadd.s32 v13, v20;
	v40 =	vmul.f32 v33, v16;
	v31 =	vld.idx.msk [tilespmem:v31+s0+$0x0], $0xffff;
	[tilespmem:s19+$0xFFFFFE40] =	vst v35  }
0x2c8: {  	s23 =	sadd.s32 $0x80, s23;
	v35 =	vadd.s32 v13, v19;
	v41 =	vmul.f32 v44, v16;
	v33 =	vld.idx.msk [tilespmem:v42+s0+$0x0], $0xffff;
	[tilespmem:s20+$0x0] =	vst v43;
	s20 =	smov.u32 s19  }
0x2c9: {  	v42 =	vadd.s32 v10, v24;
	_ =	sdelay $0x1  }
0x2ca: {  	v39 =	vmul.f32 v39, v16;
	_ =	sdelay $0x1  }
0x2cb: {  	[tilespmem:s19+$0xFFFFFD00] =	vst v39  }
0x2cc: {  	v39 =	vld.idx.msk [tilespmem:v42+s0+$0x0], $0xffff;
	_ =	sdelay $0x2  }
0x2cd: {  	v56 =	vadd.s32 v11, v24  }
0x2ce: {  	v38 =	vmul.f32 v38, v16  }
0x2cf: {  	v57 =	vmul.f32 v39, v16  }
0x2d0: {  	[tilespmem:s19+$0xFFFFFD10] =	vst v38  }
0x2d1: {  	v25 =	vld.idx.msk [tilespmem:v25+s0+$0x0], $0xffff;
	[tilespmem:s19+$0xFFFFFD80] =	vst v57  }
0x2d2: {  	v38 =	vld.idx.msk [tilespmem:v56+s0+$0x0], $0xffff;
	_ =	sdelay $0x1  }
0x2d3: {  	v58 =	vor.u32 v12, v23  }
0x2d4: {  	v59 =	vadd.s32 v12, v24  }
0x2d5: {  	v25 =	vmul.f32 v25, v16  }
0x2d6: {  	v60 =	vmul.f32 v38, v16  }
0x2d7: {  	[tilespmem:s19+$0xFFFFFD90] =	vst v25  }
0x2d8: {  	v61 =	vld.idx.msk [tilespmem:v58+s0+$0x0], $0xffff;
	[tilespmem:s20+$0xFFFFFE00] =	vst v60  }
0x2d9: {  	v25 =	vld.idx.msk [tilespmem:v59+s0+$0x0], $0xffff  }
0x2da: {  	v34 =	vmul.f32 v34, v16  }
0x2db: {  	v62 =	vor.u32 v13, v23;
	[tilespmem:s19+$0xFFFFFE60] =	vst v40  }
0x2dc: {  	v63 =	vadd.s32 v13, v24;
	v37 =	vld.idx.msk [tilespmem:v37+s0+$0x0], $0xffff;
	[tilespmem:s19+$0xFFFFFE20] =	vst v34  }
0x2dd: {  	[tilespmem:s19+$0xFFFFFE50] =	vst v32;
	v34 =	vld.idx.msk [tilespmem:v35+s0+$0x0], $0xffff;
	v38 =	vmul.f32 v61, v16  }
0x2de: {  	[tilespmem:s19+$0xFFFFFE70] =	vst v41;
	v26 =	vld.idx.msk [tilespmem:v26+s0+$0x0], $0xffff;
	v25 =	vmul.f32 v25, v16  }
0x2df: {  	v36 =	vld.idx.msk [tilespmem:v36+s0+$0x0], $0xffff;
	v31 =	vmul.f32 v31, v16;
	[tilespmem:s20+$0xFFFFFE10] =	vst v38  }
0x2e0: {  	v45 =	vadd.s32 v14, v19;
	v41 =	vmul.f32 v33, v16;
	v42 =	vld.idx.msk [tilespmem:v62+s0+$0x0], $0xffff;
	[tilespmem:s20+$0xFFFFFE80] =	vst v25  }
0x2e1: {  	v49 =	vor.u32 v14, v18;
	[tilespmem:s19+$0xFFFFFEB0] =	vst v31;
	v44 =	vmul.f32 v37, v16;
	v46 =	vld.idx.msk [tilespmem:v63+s0+$0x0], $0xffff  }
0x2e2: {  	[tilespmem:s19+$0xFFFFFEC0] =	vst v41;
	v27 =	vld.idx.msk [tilespmem:v27+s0+$0x0], $0xffff;
	v34 =	vmul.f32 v34, v16  }
0x2e3: {  	v47 =	vor.u32 v14, v23;
	v26 =	vmul.f32 v26, v16;
	v30 =	vld.idx.msk [tilespmem:v30+s0+$0x0], $0xffff;
	[tilespmem:s19+$0xFFFFFEE0] =	vst v44  }
0x2e4: {  	v51 =	vadd.s32 v14, v24;
	v43 =	vmul.f32 v36, v16;
	v28 =	vld.idx.msk [tilespmem:v28+s0+$0x0], $0xffff;
	[tilespmem:s19+$0xFFFFFEA0] =	vst v34  }
0x2e5: {  	v17 =	vadd.s32 v15, v17;
	[tilespmem:s20+$0xFFFFFED0] =	vst v26;
	v32 =	vld.idx.msk [tilespmem:v45+s0+$0x0], $0xffff;
	v50 =	vmul.f32 v42, v16  }
0x2e6: {  	v21 =	vadd.s32 v15, v21;
	[tilespmem:s19+$0xFFFFFEF0] =	vst v43;
	v26 =	vld.idx.msk [tilespmem:v49+s0+$0x0], $0xffff;
	v52 =	vmul.f32 v46, v16  }
0x2e7: {  	v20 =	vadd.s32 v15, v20;
	v48 =	vld.idx.msk [tilespmem:v29+s0+$0x0], $0xffff;
	v27 =	vmul.f32 v27, v16;
	[tilespmem:s20+$0xFFFFFE90] =	vst v50  }
0x2e8: {  	v54 =	vadd.s32 v15, v19;
	v30 =	vmul.f32 v30, v16;
	v53 =	vld.idx.msk [tilespmem:v47+s0+$0x0], $0xffff;
	[tilespmem:s20+$0xFFFFFF00] =	vst v52  }
0x2e9: {  	v57 =	vor.u32 v15, v18;
	[tilespmem:s19+$0xFFFFFF30] =	vst v27;
	v28 =	vmul.f32 v28, v16;
	v55 =	vld.idx.msk [tilespmem:v51+s0+$0x0], $0xffff  }
0x2ea: {  	v22 =	vadd.s32 v15, v22;
	[tilespmem:s19+$0xFFFFFF40] =	vst v30;
	v17 =	vld.idx.msk [tilespmem:v17+s0+$0x0], $0xffff;
	v58 =	vmul.f32 v32, v16  }
0x2eb: {  	v56 =	vor.u32 v15, v23;
	v21 =	vld.idx.msk [tilespmem:v21+s0+$0x0], $0xffff;
	[tilespmem:s20+$0xFFFFFF60] =	vst v28;
	v61 =	vmul.f32 v26, v16  }
0x2ec: {  	v20 =	vld.idx.msk [tilespmem:v20+s0+$0x0], $0xffff;
	[tilespmem:s20+$0xFFFFFF20] =	vst v58;
	v60 =	vadd.s32 v15, v24;
	v25 =	vmul.f32 v48, v16  }
0x2ed: {  	v19 =	vld.idx.msk [tilespmem:v54+s0+$0x0], $0xffff;
	[tilespmem:s20+$0xFFFFFF50] =	vst v61;
	v59 =	vmul.f32 v53, v16  }
0x2ee: {  	v18 =	vld.idx.msk [tilespmem:v57+s0+$0x0], $0xffff;
	[tilespmem:s20+$0xFFFFFF70] =	vst v25;
	v62 =	vmul.f32 v55, v16  }
0x2ef: {  	v17 =	vmul.f32 v17, v16;
	v22 =	vld.idx.msk [tilespmem:v22+s0+$0x0], $0xffff;
	[tilespmem:s20+$0xFFFFFF10] =	vst v59  }
0x2f0: {  	v21 =	vmul.f32 v21, v16;
	v23 =	vld.idx.msk [tilespmem:v56+s0+$0x0], $0xffff;
	[tilespmem:s20+$0xFFFFFF80] =	vst v62  }
0x2f1: {  	[tilespmem:s20+$0xFFFFFFB0] =	vst v17;
	v20 =	vmul.f32 v20, v16;
	v63 =	vld.idx.msk [tilespmem:v60+s0+$0x0], $0xffff  }
0x2f2: {  	[tilespmem:s20+$0xFFFFFFC0] =	vst v21;
	v19 =	vmul.f32 v19, v16  }
0x2f3: {  	[tilespmem:s20+$0xFFFFFFE0] =	vst v20;
	v18 =	vmul.f32 v18, v16  }
0x2f4: {  	[tilespmem:s20+$0xFFFFFFA0] =	vst v19;
	v22 =	vmul.f32 v22, v16  }
0x2f5: {  	s12 =	sshll.u32 s12, $0xF;
	s6 =	sadd.s32 $0x1, s6;
	[tilespmem:s20+$0xFFFFFFD0] =	vst v18;
	v17 =	vmul.f32 v23, v16  }
0x2f6: {  	s8 =	sand.u32 $0x3E00, s8;
	s12 =	sand.u32 $0x1FFF8000, s12;
	p0 =	sne.s32 s6, $0xD;
	[tilespmem:s20+$0xFFFFFFF0] =	vst v22;
	v16 =	vmul.f32 v63, v16  }
.Ltmp4:
0x2f7: {  	s8 =	sor.u32 s8, s12;
	[tilespmem:s20+$0xFFFFFF90] =	vst v17;
	(pc) =	sbr.rel @p0 .LBB2_2-.Ltmp4, $4  }
0x2f8: {  	s12 =	sadd.s32 s2, s8;
	[tilespmem:s20+$0x0] =	vst v16  }
0x2f9: {  	[hbm4b:s12+s3] =	stream.linear.scatter [tilespmem:s17], [sflag:$0x4], $0x1000, $0x38;
	[tilespmem:$0xB5A0] =	vst v63  }
0x2fa: {  	s8 =	sadd.s32 s8, s10  }
0x2fb: {  	[hbm4b:s8+s3] =	stream.linear.scatter [tilespmem:s18], [sflag:$0x4], $0x1000, $0x38;
	[tilespmem:$0xB5A0] =	vst v63  }
0x2fc: {  	s6 =	simm.s32 $0x3  }
0x2fd: {  	_ =	swait.ge [sflag:s6], $0x1000  }
0x2fe: {  	[sflag:s6] =	ssyncset.done $0x0  }
0x2ff: {  	[sflag:s6] =	ssyncadd.s32 $0xFFFFF000  }
0x300: {  	_ =	swait.ge [sflag:s6], $0x1000  }
0x301: {  	[sflag:s6] =	ssyncset.done $0x0  }
0x302: {  	s8 =	simm.s32 $0x4;
	[sflag:s6] =	ssyncadd.s32 $0xFFFFF000  }
0x303: {  	_ =	swait.ge [sflag:s8], $0x1000  }
0x304: {  	[sflag:s8] =	ssyncset.done $0x0  }
0x305: {  	[sflag:s8] =	ssyncadd.s32 $0xFFFFF000  }
0x306: {  	_ =	swait.ge [sflag:s8], $0x1000  }
0x307: {  	s12 =	rddreg [dreg:$0x6]  }
0x308: {  	s30 =	rddreg [dreg:$0x5];
	s12 =	sadd.s32 $0x1, s12  }
0x309: {  	p0 =	sne.s32 s12, s30  }
.Ltmp5:
0x30a: {  	_ = 	snop;
	(pc) =	sbr.rel @p0 .LBB2_1-.Ltmp5, $3  }
0x30b: {  	_ =	sdelay $0x1  }
0x30c: {  	[sflag:s8] =	ssyncset.done $0x0  }
0x30d: {  	[sflag:s8] =	ssyncadd.s32 $0xFFFFF000  }
0x30e: {  	_ =	sfence.sel $0x180000  }
0x30f: {  	[bflag:$0x0] =	sbarrier.arrive $0xFFFF  }
0x310: {  	_ =	strace $0x9000004A  }
0x311: {  	s0 =	stileid.u32;
	[bflag:$0x2] =	sbarrier.arrive $0xFFFF  }
0x312: {  	p0 =	sne.s32 s0, $0x0;
	s0 =	rddreg [dreg:$0x2]  }
0x313: {  	s0 =	sadd.s32 @!p0 $0x100000, s0  }
0x314: {  	[sflag:s0] =	ssyncadd.tile.s32 @!p0 $0x1;
	_ =	shalt  }
.Lfunc_end2:
_tile_overlayer_lowered:
.L_overlay_start_2:
0x315: {  	(tag) =	ssettag $0x2  }
0x316: {  	s0 =	rddreg [dreg:$0x0];
	s2 =	stileid.u32  }
0x317: {  	s1 =	rddreg [dreg:$0x1];
	p0 =	sne.s32 s2, $0x0  }
0x318: {  	s3 =	rddreg [dreg:$0x2];
	[bflag:$0x3] =	sbarrier.arrive $0xFFFF;
	s2 =	simm.s32 @!p0 $0x1C05  }
0x319: {  	[timem:s3], [sflag:s2] =	dma.local @!p0 [hbm:s0], s1  }
0x31a: {  	s0 =	simm.s32 @!p0 $0x5  }
0x31b: {  	_ =	swait.ge @!p0 [sflag:s0], s1  }
0x31c: {  	s1 =	ssub.s32 @!p0 $0x0, s1;
	[sflag:s0] =	ssyncset.done @!p0 $0x0  }
0x31d: {  	[sflag:s0] =	ssyncadd.s32 @!p0 s1  }
0x31e: {  	[bflag:$0x3] =	sbarrier.arrive $0xFFFF  }
0x31f: {  	_ =	shalt  }

</sc_bundles>
